<compile_context>
chip_gen: v7x
topology: tpu7x:2x2x1
jax: 0.10.2.dev20260603
libtpu: 0.0.44.dev20260713+nightly
codegen_flags: <defaults>
</compile_context>

<pallas_src>
import functools

import jax
import jax.numpy as jnp
import numpy as np
from jax import lax
from jax.experimental import pallas as pl
from jax.experimental.pallas import tpu as pltpu
from jax.experimental.pallas import tpu_sc as plsc

N = 10000
D = 128
G = 64
NC, NS = 2, 16
NW = NC * NS
CHUNK = 128
N_PAD = 10112


@functools.lru_cache(maxsize=None)
def _make_agg(cpw: int):
    mesh = plsc.VectorSubcoreMesh(core_axis_name="c", subcore_axis_name="s",
                                  num_cores=NC, num_subcores=NS)

    @functools.partial(
        pl.kernel,
        out_type=jax.ShapeDtypeStruct((NC, N_PAD, D), jnp.float32),
        mesh=mesh,
        scratch_types=[
            pltpu.VMEM((cpw // 2, CHUNK), jnp.int32),
            pltpu.VMEM((cpw // 2, CHUNK), jnp.int32),
            pltpu.VMEM((CHUNK, D), jnp.float32),
            pltpu.VMEM((CHUNK, D), jnp.float32),
            pltpu.VMEM_SHARED((N_PAD, D), jnp.float32),
            pltpu.SemaphoreType.DMA,
            pltpu.SemaphoreType.DMA,
        ],
    )
    def agg_kernel(h_hbm, src_hbm, dst_hbm, out_hbm,
                   src_v, dst_v, rows0, rows1, acc_sh, sem0, sem1):
        c = lax.axis_index("c")
        s = lax.axis_index("s")
        wid = s * NC + c

        rz = N_PAD // NS
        nfull = (N // rz) * rz

        def _init_acc():
            def _zero_rows(j, carry):
                for kk in range(D // 16):
                    rows1[j, pl.ds(kk * 16, 16)] = jnp.zeros((16,),
                                                             jnp.float32)
                return carry

            lax.fori_loop(0, CHUNK, _zero_rows, 0)

            @pl.when(c == 0)
            def _():
                @pl.when(s * rz + rz <= nfull)
                def _():
                    pltpu.sync_copy(h_hbm.at[pl.ds(s * rz, rz)],
                                    acc_sh.at[pl.ds(s * rz, rz)])

                @pl.when(s * rz + rz > nfull)
                def _():
                    pltpu.sync_copy(h_hbm.at[pl.ds(nfull, N - nfull)],
                                    acc_sh.at[pl.ds(nfull, N - nfull)])
                    pltpu.sync_copy(rows1.at[pl.ds(0, N_PAD - N)],
                                    acc_sh.at[pl.ds(N, N_PAD - N)])

            @pl.when(c == 1)
            def _():
                for t in range(rz // CHUNK):
                    pltpu.sync_copy(
                        rows1, acc_sh.at[pl.ds(s * rz + t * CHUNK, CHUNK)])
                pltpu.sync_copy(
                    rows1.at[pl.ds(0, rz - (rz // CHUNK) * CHUNK)],
                    acc_sh.at[pl.ds(s * rz + (rz // CHUNK) * CHUNK,
                                    rz - (rz // CHUNK) * CHUNK)])

        half = cpw // 2
        for seg in range(2):
            pltpu.sync_copy(src_hbm.at[wid, pl.ds(seg * half, half)], src_v)
            pltpu.sync_copy(dst_hbm.at[wid, pl.ds(seg * half, half)], dst_v)

            pltpu.async_copy(h_hbm.at[src_v.at[0]], rows0, sem0)
            if seg == 0:
                _init_acc()
                plsc.subcore_barrier()

            def body(i, carry):
                g = 2 * i
                pltpu.async_copy(h_hbm.at[src_v.at[g + 1]], rows1, sem1)
                pltpu.make_async_copy(h_hbm.at[src_v.at[g]], rows0, sem0).wait()
                pltpu.sync_copy(rows0, acc_sh.at[dst_v.at[g]], add=True)

                @pl.when(g + 2 < half)
                def _():
                    pltpu.async_copy(h_hbm.at[src_v.at[g + 2]], rows0, sem0)

                pltpu.make_async_copy(h_hbm.at[src_v.at[g + 1]], rows1,
                                      sem1).wait()
                pltpu.sync_copy(rows1, acc_sh.at[dst_v.at[g + 1]], add=True)
                return carry

            lax.fori_loop(0, half // 2, body, 0)

        plsc.subcore_barrier()

        @pl.when(s * rz + rz <= nfull)
        def _():
            pltpu.sync_copy(acc_sh.at[pl.ds(s * rz, rz)],
                            out_hbm.at[c, pl.ds(s * rz, rz)])

        @pl.when(s * rz + rz > nfull)
        def _():
            pltpu.sync_copy(acc_sh.at[pl.ds(nfull, N - nfull)],
                            out_hbm.at[c, pl.ds(nfull, N - nfull)])

    return agg_kernel


def _bn(r, g, b):
    mu = jnp.mean(r, axis=0, keepdims=True)
    var = jnp.mean((r - mu) ** 2, axis=0, keepdims=True)
    return (r - mu) * lax.rsqrt(var + 1e-5) * g + b


def _gin_body(agg_ref, w1_ref, b1_ref, w2_ref, b2_ref, g_ref, be_ref,
              out_ref):
    m = agg_ref[0, :N] + agg_ref[1, :N]
    z = jnp.maximum(
        jnp.dot(m, w1_ref[...], preferred_element_type=jnp.float32)
        + b1_ref[...], 0.0)
    z = jnp.dot(z, w2_ref[...], preferred_element_type=jnp.float32) + b2_ref[...]
    r = jnp.maximum(z, 0.0)
    out_ref[...] = _bn(r, g_ref[...], be_ref[...])


def _gin_dense(agg, lp):
    return pl.pallas_call(
        _gin_body,
        out_shape=jax.ShapeDtypeStruct((N, D), jnp.float32),
    )(agg, lp['W1'], lp['b1'].reshape(1, D), lp['W2'],
      lp['b2'].reshape(1, D), lp['bn_g'].reshape(1, D),
      lp['bn_b'].reshape(1, D))


def _seg_sum(oh, x):
    return lax.dot_general(oh, x, (((0,), (0,)), ((), ())),
                           preferred_element_type=jnp.float32)


def _summary_body(h_ref, b_ref, wq_ref, wk_ref, wv_ref,
                  wiz_ref, whz_ref, wir_ref, whr_ref, win_ref, whn_ref,
                  bz_ref, br_ref, bn_ref, sr_ref, slots_ref):
    h = h_ref[...]
    bcol = b_ref[...]
    mask = bcol == lax.broadcasted_iota(jnp.int32, (1, G), 1)
    oh = mask.astype(jnp.float32)
    ones_d = jnp.ones((D, 1), jnp.float32)
    counts = jnp.sum(oh, axis=0, keepdims=True)
    slots = _seg_sum(oh, h) / jnp.maximum(counts, 1.0).T
    k = jnp.dot(h, wk_ref[...], preferred_element_type=jnp.float32)
    v = jnp.dot(h, wv_ref[...], preferred_element_type=jnp.float32)
    scale = 1.0 / np.sqrt(D).astype(np.float32)
    attn = None
    for _ in range(2):
        q = jnp.dot(slots, wq_ref[...], preferred_element_type=jnp.float32)
        qb = jnp.dot(oh, q, preferred_element_type=jnp.float32)
        logits = jnp.dot(k * qb, ones_d,
                         preferred_element_type=jnp.float32) * scale
        lmask = jnp.where(mask, logits, -1e30)
        smax = jnp.max(lmask, axis=0, keepdims=True)
        smax_b = jnp.dot(oh, smax.T,
                         preferred_element_type=jnp.float32)
        e = jnp.exp(logits - smax_b)
        denom = _seg_sum(oh, e)
        denom_b = jnp.dot(oh, denom,
                          preferred_element_type=jnp.float32)
        attn = e / (denom_b + 1e-8)
        upd = _seg_sum(oh, attn * v)
        zg = jax.nn.sigmoid(
            jnp.dot(upd, wiz_ref[...], preferred_element_type=jnp.float32)
            + jnp.dot(slots, whz_ref[...], preferred_element_type=jnp.float32)
            + bz_ref[...])
        rg = jax.nn.sigmoid(
            jnp.dot(upd, wir_ref[...], preferred_element_type=jnp.float32)
            + jnp.dot(slots, whr_ref[...], preferred_element_type=jnp.float32)
            + br_ref[...])
        ng = jnp.tanh(
            jnp.dot(upd, win_ref[...], preferred_element_type=jnp.float32)
            + rg * jnp.dot(slots, whn_ref[...],
                           preferred_element_type=jnp.float32)
            + bn_ref[...])
        slots = (1.0 - zg) * ng + zg * slots
    sr_ref[...] = attn * v
    slots_ref[...] = slots


def _summary(h, batch, sp):
    gru = sp['gru']
    return pl.pallas_call(
        _summary_body,
        out_shape=(jax.ShapeDtypeStruct((N, D), jnp.float32),
                   jax.ShapeDtypeStruct((G, D), jnp.float32)),
    )(h, batch.reshape(N, 1), sp['Wq'], sp['Wk'], sp['Wv'],
      gru['Wiz'], gru['Whz'], gru['Wir'], gru['Whr'], gru['Win'], gru['Whn'],
      gru['bz'].reshape(1, D), gru['br'].reshape(1, D),
      gru['bn'].reshape(1, D))


def _node_heads_body(z_ref, n_ref, wa_ref, ba_ref, ga_ref, bea_ref,
                     wb_ref, bb_ref, gb_ref, beb_ref, oa_ref, ob_ref):
    z = z_ref[...] + n_ref[...]
    ra = jnp.maximum(
        jnp.dot(z, wa_ref[...], preferred_element_type=jnp.float32)
        + ba_ref[...], 0.0)
    oa_ref[...] = _bn(ra, ga_ref[...], bea_ref[...])
    rb = jnp.maximum(
        jnp.dot(z, wb_ref[...], preferred_element_type=jnp.float32)
        + bb_ref[...], 0.0)
    ob_ref[...] = _bn(rb, gb_ref[...], beb_ref[...])


def _node_heads(z, noise, pa, pb):
    n = z.shape[0]
    return pl.pallas_call(
        _node_heads_body,
        out_shape=(jax.ShapeDtypeStruct((n, D), jnp.float32),
                   jax.ShapeDtypeStruct((n, D), jnp.float32)),
    )(z, noise, pa['W'], pa['b'].reshape(1, D), pa['g'].reshape(1, D),
      pa['be'].reshape(1, D), pb['W'], pb['b'].reshape(1, D),
      pb['g'].reshape(1, D), pb['be'].reshape(1, D))


def _heads_body(z_ref, wa_ref, ba_ref, ga_ref, bea_ref,
                wb_ref, bb_ref, gb_ref, beb_ref, oa_ref, ob_ref):
    z = z_ref[...]
    ra = jnp.maximum(
        jnp.dot(z, wa_ref[...], preferred_element_type=jnp.float32)
        + ba_ref[...], 0.0)
    oa_ref[...] = _bn(ra, ga_ref[...], bea_ref[...])
    rb = jnp.maximum(
        jnp.dot(z, wb_ref[...], preferred_element_type=jnp.float32)
        + bb_ref[...], 0.0)
    ob_ref[...] = _bn(rb, gb_ref[...], beb_ref[...])


def _heads(z, pa, pb):
    n = z.shape[0]
    return pl.pallas_call(
        _heads_body,
        out_shape=(jax.ShapeDtypeStruct((n, D), jnp.float32),
                   jax.ShapeDtypeStruct((n, D), jnp.float32)),
    )(z, pa['W'], pa['b'].reshape(1, D), pa['g'].reshape(1, D),
      pa['be'].reshape(1, D), pb['W'], pb['b'].reshape(1, D),
      pb['g'].reshape(1, D), pb['be'].reshape(1, D))




def _precompute_noise():
    try:
        cpu = jax.devices("cpu")[0]
        with jax.default_device(cpu):
            val = 0.1 * jax.random.normal(jax.random.key(42), (N, D),
                                          dtype=jnp.float32)
            return np.asarray(val)
    except Exception:
        return None


_NOISE = _precompute_noise()


def kernel(x, edge_index, batch, params):
    E = edge_index.shape[1]
    epad = -(-E // (4 * NW * CHUNK)) * (4 * NW * CHUNK)
    cpw = epad // (NW * CHUNK)
    src, dst = edge_index[0], edge_index[1]
    pad = epad - E
    if pad:
        fill = jnp.arange(pad, dtype=jnp.int32)
        src = jnp.concatenate([src, fill])
        dst = jnp.concatenate([dst, N + (fill & 63)])
    src3 = src.reshape(NW, cpw, CHUNK)
    dst3 = dst.reshape(NW, cpw, CHUNK)
    agg_fn = _make_agg(cpw)

    h = x
    for lp in params['gin']:
        agg = agg_fn(h, src3, dst3)
        h = _gin_dense(agg, lp)

    sr, slots = _summary(h, batch, params['summary'])
    if _NOISE is not None:
        noise = jnp.asarray(_NOISE)
    else:
        noise = 0.1 * jax.random.normal(jax.random.key(42), (N, D),
                                        dtype=jnp.float32)
    node_mu, node_lv = _node_heads(sr, noise, params['node_mu'],
                                   params['node_lv'])
    graph_mu, graph_lv = _heads(slots, params['graph_mu'], params['graph_lv'])
    return node_mu, node_lv, graph_mu, graph_lv

# --- scband reference (transcript-rebuilt; emitter-appended) ---
"""Pipeline reference for scband-encoder-18305150616327 (READ-ONLY COPY).

The authoritative reference and input builder live on the scoring server;
editing this copy changes nothing except your own understanding.
"""

import jax, jax.numpy as jnp
import numpy as np

N = 10000
E = 320000
D = 128
L = 3
G = 64
ITERS = 2

def _lin(key, fan_in, fan_out):
    s = 1.0 / np.sqrt(fan_in)
    return jax.random.uniform(key, (fan_in, fan_out), minval=-s, maxval=s).astype(jnp.float32)

def setup_inputs(seed: int = 0):
    key = jax.random.key(seed)
    ks = jax.random.split(key, 40)
    x = jax.random.normal(ks[0], (N, D), dtype=jnp.float32)
    edge_index = jax.random.randint(ks[1], (2, E), 0, N, dtype=jnp.int32)
    batch = jnp.sort(jax.random.randint(ks[2], (N,), 0, G, dtype=jnp.int32))
    gin = []
    i = 3
    for l in range(L):
        gin.append({'W1': _lin(ks[i], D, D), 'b1': jnp.zeros((D,), jnp.float32),
                    'W2': _lin(ks[i + 1], D, D), 'b2': jnp.zeros((D,), jnp.float32),
                    'bn_g': jnp.ones((D,), jnp.float32), 'bn_b': jnp.zeros((D,), jnp.float32)})
        i += 2
    gru = {n: _lin(ks[i + j], D, D) for j, n in enumerate(['Wiz', 'Whz', 'Wir', 'Whr', 'Win', 'Whn'])}
    i += 6
    gru.update({'bz': jnp.zeros((D,), jnp.float32), 'br': jnp.zeros((D,), jnp.float32), 'bn': jnp.zeros((D,), jnp.float32)})
    summary = {'Wq': _lin(ks[i], D, D), 'Wk': _lin(ks[i + 1], D, D), 'Wv': _lin(ks[i + 2], D, D), 'gru': gru}
    i += 3
    params = {'gin': gin, 'summary': summary}
    for name in ['node_mu', 'node_lv', 'graph_mu', 'graph_lv']:
        params[name] = {'W': _lin(ks[i], D, D), 'b': jnp.zeros((D,), jnp.float32),
                        'g': jnp.ones((D,), jnp.float32), 'be': jnp.zeros((D,), jnp.float32)}
        i += 1
    return {'x': x, 'edge_index': edge_index, 'batch': batch, 'params': params}

def _bn(x, g, b):
    mu = x.mean(0)
    var = x.var(0)
    return (x - mu) / jnp.sqrt(var + 1e-5) * g + b

def _gru(inp, h, p):
    z = jax.nn.sigmoid(inp @ p['Wiz'] + h @ p['Whz'] + p['bz'])
    r = jax.nn.sigmoid(inp @ p['Wir'] + h @ p['Whr'] + p['br'])
    n = jnp.tanh(inp @ p['Win'] + r * (h @ p['Whn']) + p['bn'])
    return (1.0 - z) * n + z * h

def _forward(x, params, edge_index, batch):
    src, dst = edge_index[0], edge_index[1]
    h = x
    for lp in params['gin']:
        agg = jnp.zeros_like(h).at[dst].add(h[src])
        m = h + agg  # GINConv with eps=0: (1+eps)*x_i + sum_j x_j
        m = jax.nn.relu(m @ lp['W1'] + lp['b1']) @ lp['W2'] + lp['b2']
        h = _bn(jax.nn.relu(m), lp['bn_g'], lp['bn_b'])
    sp = params['summary']
    counts = jax.ops.segment_sum(jnp.ones((h.shape[0],), h.dtype), batch, num_segments=G)
    slots = jax.ops.segment_sum(h, batch, num_segments=G) / jnp.clip(counts, 1.0)[:, None]
    k = h @ sp['Wk']
    v = h @ sp['Wv']
    attn = jnp.zeros((h.shape[0],), h.dtype)
    for _ in range(ITERS):
        q = slots @ sp['Wq']
        logits = (k * q[batch]).sum(-1) / np.sqrt(D)
        smax = jax.ops.segment_max(logits, batch, num_segments=G)
        e = jnp.exp(logits - smax[batch])
        denom = jax.ops.segment_sum(e, batch, num_segments=G)
        attn = e / (denom[batch] + 1e-8)
        upd = jax.ops.segment_sum(attn[:, None] * v, batch, num_segments=G)
        slots = _gru(upd, slots, sp['gru'])
    summary_related = attn[:, None] * v
    noise = 0.1 * jax.random.normal(jax.random.key(42), summary_related.shape, dtype=summary_related.dtype)
    noisy = summary_related + noise
    def head(z, p):
        return _bn(jax.nn.relu(z @ p['W'] + p['b']), p['g'], p['be'])
    return (head(noisy, params['node_mu']), head(noisy, params['node_lv']),
            head(slots, params['graph_mu']), head(slots, params['graph_lv']))

def reference(x, edge_index, batch, params):
    return _forward(x, params, edge_index, batch)

if __name__ == "__main__":
    import jax
    _d = setup_inputs()
    print(jax.jit(kernel)(*tuple(_d.values())))

</pallas_src>

<mosaic_0001>
#map = affine_map<(d0, d1) -> (0, 0)>
#map1 = affine_map<(d0, d1) -> (0, 0, 0)>
module attributes {stable_mosaic.version = 14 : i64} {
  func.func @agg_kernel(%arg0: i32, %arg1: i32, %arg2: memref<10000x128xf32, #tpu.memory_space<hbm>>, %arg3: memref<32x80x128xi32, #tpu.memory_space<hbm>>, %arg4: memref<32x80x128xi32, #tpu.memory_space<hbm>>, %arg5: memref<2x10112x128xf32, #tpu.memory_space<hbm>>, %arg6: memref<40x128xi32, #tpu.memory_space<vmem>>, %arg7: memref<40x128xi32, #tpu.memory_space<vmem>>, %arg8: memref<128x128xf32, #tpu.memory_space<vmem>>, %arg9: memref<128x128xf32, #tpu.memory_space<vmem>>, %arg10: memref<10112x128xf32, #tpu.memory_space<vmem_shared>>, %arg11: memref<!tpu.dma_semaphore, #tpu.memory_space<semaphore_mem>>, %arg12: memref<!tpu.dma_semaphore, #tpu.memory_space<semaphore_mem>>) attributes {dimension_semantics = [#tpu.dimension_semantics<core_parallel>, #tpu.dimension_semantics<subcore_parallel>], iteration_bounds = array<i64: 2, 16>, scalar_prefetch = 0 : i64, scratch_operands = 7 : i64, tpu.core_type = #tpu.core_type<sc_vector_subcore>, window_params = [{transform_indices = #map}, {transform_indices = #map1}, {transform_indices = #map1}, {transform_indices = #map1}]} {
    %mul3A = arith.constant 2 : i32
    %mul3A_0 = arith.muli %arg1, %mul3A : i32
    %add3A = arith.addi %mul3A_0, %arg0 : i32
    "tpu.region"() ({
      %run_scoped3A = tpu.sem_alloc : memref<!tpu.dma_semaphore, #tpu.memory_space<semaphore_mem>>
      %dma_start3A_55 = arith.constant 0 : i32
      %dma_start3A_56 = arith.constant 0 : i32
      %dma_start3A_57 = tpu.memref_slice %arg3[%add3A, %dma_start3A_55, %dma_start3A_56] : memref<32x80x128xi32, #tpu.memory_space<hbm>> -> memref<1x40x128xi32, #tpu.memory_space<hbm>>
      %dma_start3A_58 = tpu.memref_squeeze %dma_start3A_57 : memref<1x40x128xi32, #tpu.memory_space<hbm>> -> memref<40x128xi32, #tpu.memory_space<hbm>>
      %dma_start3A_59 = arith.constant 0 : i32
      %dma_start3A_60 = arith.constant 0 : i32
      %dma_start3A_61 = tpu.memref_slice %arg3[%add3A, %dma_start3A_59, %dma_start3A_60] : memref<32x80x128xi32, #tpu.memory_space<hbm>> -> memref<1x40x128xi32, #tpu.memory_space<hbm>>
      %dma_start3A_62 = tpu.memref_squeeze %dma_start3A_61 : memref<1x40x128xi32, #tpu.memory_space<hbm>> -> memref<40x128xi32, #tpu.memory_space<hbm>>
      tpu.enqueue_dma source(%dma_start3A_62 : memref<40x128xi32, #tpu.memory_space<hbm>>) target(%arg6 : memref<40x128xi32, #tpu.memory_space<vmem>>) target_semaphore(%run_scoped3A : memref<!tpu.dma_semaphore, #tpu.memory_space<semaphore_mem>>)
      %dma_wait3A = arith.constant 0 : i32
      %dma_wait3A_63 = arith.constant 0 : i32
      %dma_wait3A_64 = tpu.memref_slice %arg3[%add3A, %dma_wait3A, %dma_wait3A_63] : memref<32x80x128xi32, #tpu.memory_space<hbm>> -> memref<1x40x128xi32, #tpu.memory_space<hbm>>
      %dma_wait3A_65 = tpu.memref_squeeze %dma_wait3A_64 : memref<1x40x128xi32, #tpu.memory_space<hbm>> -> memref<40x128xi32, #tpu.memory_space<hbm>>
      %dma_wait3A_66 = arith.constant 0 : i32
      %dma_wait3A_67 = arith.constant 0 : i32
      %dma_wait3A_68 = tpu.memref_slice %arg3[%add3A, %dma_wait3A_66, %dma_wait3A_67] : memref<32x80x128xi32, #tpu.memory_space<hbm>> -> memref<1x40x128xi32, #tpu.memory_space<hbm>>
      %dma_wait3A_69 = tpu.memref_squeeze %dma_wait3A_68 : memref<1x40x128xi32, #tpu.memory_space<hbm>> -> memref<40x128xi32, #tpu.memory_space<hbm>>
      tpu.wait_dma2 semaphore(%run_scoped3A : memref<!tpu.dma_semaphore, #tpu.memory_space<semaphore_mem>>) src(%dma_wait3A_69 : memref<40x128xi32, #tpu.memory_space<hbm>>) dst(%arg6 : memref<40x128xi32, #tpu.memory_space<vmem>>)
      tpu.yield
    }) : () -> ()
    "tpu.region"() ({
      %run_scoped3A = tpu.sem_alloc : memref<!tpu.dma_semaphore, #tpu.memory_space<semaphore_mem>>
      %dma_start3A_55 = arith.constant 0 : i32
      %dma_start3A_56 = arith.constant 0 : i32
      %dma_start3A_57 = tpu.memref_slice %arg4[%add3A, %dma_start3A_55, %dma_start3A_56] : memref<32x80x128xi32, #tpu.memory_space<hbm>> -> memref<1x40x128xi32, #tpu.memory_space<hbm>>
      %dma_start3A_58 = tpu.memref_squeeze %dma_start3A_57 : memref<1x40x128xi32, #tpu.memory_space<hbm>> -> memref<40x128xi32, #tpu.memory_space<hbm>>
      %dma_start3A_59 = arith.constant 0 : i32
      %dma_start3A_60 = arith.constant 0 : i32
      %dma_start3A_61 = tpu.memref_slice %arg4[%add3A, %dma_start3A_59, %dma_start3A_60] : memref<32x80x128xi32, #tpu.memory_space<hbm>> -> memref<1x40x128xi32, #tpu.memory_space<hbm>>
      %dma_start3A_62 = tpu.memref_squeeze %dma_start3A_61 : memref<1x40x128xi32, #tpu.memory_space<hbm>> -> memref<40x128xi32, #tpu.memory_space<hbm>>
      tpu.enqueue_dma source(%dma_start3A_62 : memref<40x128xi32, #tpu.memory_space<hbm>>) target(%arg7 : memref<40x128xi32, #tpu.memory_space<vmem>>) target_semaphore(%run_scoped3A : memref<!tpu.dma_semaphore, #tpu.memory_space<semaphore_mem>>)
      %dma_wait3A = arith.constant 0 : i32
      %dma_wait3A_63 = arith.constant 0 : i32
      %dma_wait3A_64 = tpu.memref_slice %arg4[%add3A, %dma_wait3A, %dma_wait3A_63] : memref<32x80x128xi32, #tpu.memory_space<hbm>> -> memref<1x40x128xi32, #tpu.memory_space<hbm>>
      %dma_wait3A_65 = tpu.memref_squeeze %dma_wait3A_64 : memref<1x40x128xi32, #tpu.memory_space<hbm>> -> memref<40x128xi32, #tpu.memory_space<hbm>>
      %dma_wait3A_66 = arith.constant 0 : i32
      %dma_wait3A_67 = arith.constant 0 : i32
      %dma_wait3A_68 = tpu.memref_slice %arg4[%add3A, %dma_wait3A_66, %dma_wait3A_67] : memref<32x80x128xi32, #tpu.memory_space<hbm>> -> memref<1x40x128xi32, #tpu.memory_space<hbm>>
      %dma_wait3A_69 = tpu.memref_squeeze %dma_wait3A_68 : memref<1x40x128xi32, #tpu.memory_space<hbm>> -> memref<40x128xi32, #tpu.memory_space<hbm>>
      tpu.wait_dma2 semaphore(%run_scoped3A : memref<!tpu.dma_semaphore, #tpu.memory_space<semaphore_mem>>) src(%dma_wait3A_69 : memref<40x128xi32, #tpu.memory_space<hbm>>) dst(%arg7 : memref<40x128xi32, #tpu.memory_space<vmem>>)
      tpu.yield
    }) : () -> ()
    %dma_start3A = arith.constant 0 : i32
    %dma_start3A_1 = arith.constant 0 : i32
    %dma_start3A_2 = tpu.memref_slice %arg6[%dma_start3A, %dma_start3A_1] : memref<40x128xi32, #tpu.memory_space<vmem>> -> memref<1x128xi32, #tpu.memory_space<vmem>>
    %dma_start3A_3 = tpu.memref_squeeze %dma_start3A_2 : memref<1x128xi32, #tpu.memory_space<vmem>> -> memref<128xi32, #tpu.memory_space<vmem>>
    %dma_start3A_4 = arith.constant 0 : i32
    %dma_start3A_5 = arith.constant 0 : i32
    %dma_start3A_6 = tpu.memref_slice %arg2[%dma_start3A_4, %dma_start3A_5] : memref<10000x128xf32, #tpu.memory_space<hbm>> -> memref<10000x128xf32, #tpu.memory_space<hbm>>
    tpu.enqueue_indirect_dma source(%dma_start3A_6 : memref<10000x128xf32, #tpu.memory_space<hbm>>) target(%arg8 : memref<128x128xf32, #tpu.memory_space<vmem>>) offsets(%dma_start3A_3 : memref<128xi32, #tpu.memory_space<vmem>>) semaphore(%arg11 : memref<!tpu.dma_semaphore, #tpu.memory_space<semaphore_mem>>)
    %scan3A = arith.constant 0 : i32
    %scan3A_7 = arith.constant 0 : i32
    %scan3A_8 = arith.constant 128 : i32
    %scan3A_9 = arith.addi %scan3A_7, %scan3A_8 : i32
    %scan3A_10 = arith.constant 1 : i32
    scf.for %scan3A_55 = %scan3A_7 to %scan3A_9 step %scan3A_10  : i32 {
      %broadcast_in_dim3A = arith.constant 0.000000e+00 : f32
      %broadcast_in_dim3A_56 = vector.broadcast %broadcast_in_dim3A : f32 to vector<16xf32>
      %swap3A = arith.index_cast %scan3A_55 : i32 to index
      %swap3A_57 = arith.constant 0 : index
      %swap3A_58 = tpu.vector_load %arg9[%swap3A, %swap3A_57] {strides = array<i32>} : memref<128x128xf32, #tpu.memory_space<vmem>>, vector<1x16xf32>,
      %swap3A_59 = vector.shape_cast %swap3A_58 : vector<1x16xf32> to vector<16xf32>
      %swap3A_60 = vector.shape_cast %broadcast_in_dim3A_56 : vector<16xf32> to vector<1x16xf32>
      tpu.vector_store %arg9[%swap3A, %swap3A_57], %swap3A_60 {strides = array<i32>} : memref<128x128xf32, #tpu.memory_space<vmem>>, vector<1x16xf32>,
      %broadcast_in_dim3A_61 = arith.constant 0.000000e+00 : f32
      %broadcast_in_dim3A_62 = vector.broadcast %broadcast_in_dim3A_61 : f32 to vector<16xf32>
      %swap3A_63 = arith.index_cast %scan3A_55 : i32 to index
      %swap3A_64 = arith.constant 16 : index
      %swap3A_65 = tpu.vector_load %arg9[%swap3A_63, %swap3A_64] {strides = array<i32>} : memref<128x128xf32, #tpu.memory_space<vmem>>, vector<1x16xf32>,
      %swap3A_66 = vector.shape_cast %swap3A_65 : vector<1x16xf32> to vector<16xf32>
      %swap3A_67 = vector.shape_cast %broadcast_in_dim3A_62 : vector<16xf32> to vector<1x16xf32>
      tpu.vector_store %arg9[%swap3A_63, %swap3A_64], %swap3A_67 {strides = array<i32>} : memref<128x128xf32, #tpu.memory_space<vmem>>, vector<1x16xf32>,
      %broadcast_in_dim3A_68 = arith.constant 0.000000e+00 : f32
      %broadcast_in_dim3A_69 = vector.broadcast %broadcast_in_dim3A_68 : f32 to vector<16xf32>
      %swap3A_70 = arith.index_cast %scan3A_55 : i32 to index
      %swap3A_71 = arith.constant 32 : index
      %swap3A_72 = tpu.vector_load %arg9[%swap3A_70, %swap3A_71] {strides = array<i32>} : memref<128x128xf32, #tpu.memory_space<vmem>>, vector<1x16xf32>,
      %swap3A_73 = vector.shape_cast %swap3A_72 : vector<1x16xf32> to vector<16xf32>
      %swap3A_74 = vector.shape_cast %broadcast_in_dim3A_69 : vector<16xf32> to vector<1x16xf32>
      tpu.vector_store %arg9[%swap3A_70, %swap3A_71], %swap3A_74 {strides = array<i32>} : memref<128x128xf32, #tpu.memory_space<vmem>>, vector<1x16xf32>,
      %broadcast_in_dim3A_75 = arith.constant 0.000000e+00 : f32
      %broadcast_in_dim3A_76 = vector.broadcast %broadcast_in_dim3A_75 : f32 to vector<16xf32>
      %swap3A_77 = arith.index_cast %scan3A_55 : i32 to index
      %swap3A_78 = arith.constant 48 : index
      %swap3A_79 = tpu.vector_load %arg9[%swap3A_77, %swap3A_78] {strides = array<i32>} : memref<128x128xf32, #tpu.memory_space<vmem>>, vector<1x16xf32>,
      %swap3A_80 = vector.shape_cast %swap3A_79 : vector<1x16xf32> to vector<16xf32>
      %swap3A_81 = vector.shape_cast %broadcast_in_dim3A_76 : vector<16xf32> to vector<1x16xf32>
      tpu.vector_store %arg9[%swap3A_77, %swap3A_78], %swap3A_81 {strides = array<i32>} : memref<128x128xf32, #tpu.memory_space<vmem>>, vector<1x16xf32>,
      %broadcast_in_dim3A_82 = arith.constant 0.000000e+00 : f32
      %broadcast_in_dim3A_83 = vector.broadcast %broadcast_in_dim3A_82 : f32 to vector<16xf32>
      %swap3A_84 = arith.index_cast %scan3A_55 : i32 to index
      %swap3A_85 = arith.constant 64 : index
      %swap3A_86 = tpu.vector_load %arg9[%swap3A_84, %swap3A_85] {strides = array<i32>} : memref<128x128xf32, #tpu.memory_space<vmem>>, vector<1x16xf32>,
      %swap3A_87 = vector.shape_cast %swap3A_86 : vector<1x16xf32> to vector<16xf32>
      %swap3A_88 = vector.shape_cast %broadcast_in_dim3A_83 : vector<16xf32> to vector<1x16xf32>
      tpu.vector_store %arg9[%swap3A_84, %swap3A_85], %swap3A_88 {strides = array<i32>} : memref<128x128xf32, #tpu.memory_space<vmem>>, vector<1x16xf32>,
      %broadcast_in_dim3A_89 = arith.constant 0.000000e+00 : f32
      %broadcast_in_dim3A_90 = vector.broadcast %broadcast_in_dim3A_89 : f32 to vector<16xf32>
      %swap3A_91 = arith.index_cast %scan3A_55 : i32 to index
      %swap3A_92 = arith.constant 80 : index
      %swap3A_93 = tpu.vector_load %arg9[%swap3A_91, %swap3A_92] {strides = array<i32>} : memref<128x128xf32, #tpu.memory_space<vmem>>, vector<1x16xf32>,
      %swap3A_94 = vector.shape_cast %swap3A_93 : vector<1x16xf32> to vector<16xf32>
      %swap3A_95 = vector.shape_cast %broadcast_in_dim3A_90 : vector<16xf32> to vector<1x16xf32>
      tpu.vector_store %arg9[%swap3A_91, %swap3A_92], %swap3A_95 {strides = array<i32>} : memref<128x128xf32, #tpu.memory_space<vmem>>, vector<1x16xf32>,
      %broadcast_in_dim3A_96 = arith.constant 0.000000e+00 : f32
      %broadcast_in_dim3A_97 = vector.broadcast %broadcast_in_dim3A_96 : f32 to vector<16xf32>
      %swap3A_98 = arith.index_cast %scan3A_55 : i32 to index
      %swap3A_99 = arith.constant 96 : index
      %swap3A_100 = tpu.vector_load %arg9[%swap3A_98, %swap3A_99] {strides = array<i32>} : memref<128x128xf32, #tpu.memory_space<vmem>>, vector<1x16xf32>,
      %swap3A_101 = vector.shape_cast %swap3A_100 : vector<1x16xf32> to vector<16xf32>
      %swap3A_102 = vector.shape_cast %broadcast_in_dim3A_97 : vector<16xf32> to vector<1x16xf32>
      tpu.vector_store %arg9[%swap3A_98, %swap3A_99], %swap3A_102 {strides = array<i32>} : memref<128x128xf32, #tpu.memory_space<vmem>>, vector<1x16xf32>,
      %broadcast_in_dim3A_103 = arith.constant 0.000000e+00 : f32
      %broadcast_in_dim3A_104 = vector.broadcast %broadcast_in_dim3A_103 : f32 to vector<16xf32>
      %swap3A_105 = arith.index_cast %scan3A_55 : i32 to index
      %swap3A_106 = arith.constant 112 : index
      %swap3A_107 = tpu.vector_load %arg9[%swap3A_105, %swap3A_106] {strides = array<i32>} : memref<128x128xf32, #tpu.memory_space<vmem>>, vector<1x16xf32>,
      %swap3A_108 = vector.shape_cast %swap3A_107 : vector<1x16xf32> to vector<16xf32>
      %swap3A_109 = vector.shape_cast %broadcast_in_dim3A_104 : vector<16xf32> to vector<1x16xf32>
      tpu.vector_store %arg9[%swap3A_105, %swap3A_106], %swap3A_109 {strides = array<i32>} : memref<128x128xf32, #tpu.memory_space<vmem>>, vector<1x16xf32>,
    }
    %scan3A_11 = arith.constant 128 : i32
    %eq3A = arith.constant 0 : i32
    %eq3A_12 = arith.cmpi eq, %arg0, %eq3A : i32
    %convert_element_type3A = arith.extui %eq3A_12 : i1 to i32
    %cond3A = arith.constant 0 : i32
    %cond3A_13 = arith.cmpi ne, %convert_element_type3A, %cond3A : i32
    scf.if %cond3A_13 {
      %mul3A_55 = arith.constant 632 : i32
      %mul3A_56 = arith.muli %arg1, %mul3A_55 : i32
      %add3A_57 = arith.constant 632 : i32
      %add3A_58 = arith.addi %mul3A_56, %add3A_57 : i32
      %le3A_59 = arith.constant 9480 : i32
      %le3A_60 = arith.cmpi sle, %add3A_58, %le3A_59 : i32
      %convert_element_type3A_61 = arith.extui %le3A_60 : i1 to i32
      %cond3A_62 = arith.constant 0 : i32
      %cond3A_63 = arith.cmpi ne, %convert_element_type3A_61, %cond3A_62 : i32
      scf.if %cond3A_63 {
        %mul3A_73 = arith.constant 632 : i32
        %mul3A_74 = arith.muli %arg1, %mul3A_73 : i32
        %mul3A_75 = arith.constant 632 : i32
        %mul3A_76 = arith.muli %arg1, %mul3A_75 : i32
        "tpu.region"() ({
          %run_scoped3A = tpu.sem_alloc : memref<!tpu.dma_semaphore, #tpu.memory_space<semaphore_mem>>
          %dma_start3A_77 = arith.constant 0 : i32
          %dma_start3A_78 = tpu.memref_slice %arg10[%mul3A_76, %dma_start3A_77] : memref<10112x128xf32, #tpu.memory_space<vmem_shared>> -> memref<632x128xf32, #tpu.memory_space<vmem_shared>>
          %dma_start3A_79 = arith.constant 0 : i32
          %dma_start3A_80 = tpu.memref_slice %arg2[%mul3A_74, %dma_start3A_79] : memref<10000x128xf32, #tpu.memory_space<hbm>> -> memref<632x128xf32, #tpu.memory_space<hbm>>
          tpu.enqueue_dma source(%dma_start3A_80 : memref<632x128xf32, #tpu.memory_space<hbm>>) target(%dma_start3A_78 : memref<632x128xf32, #tpu.memory_space<vmem_shared>>) target_semaphore(%run_scoped3A : memref<!tpu.dma_semaphore, #tpu.memory_space<semaphore_mem>>)
          %dma_wait3A = arith.constant 0 : i32
          %dma_wait3A_81 = tpu.memref_slice %arg10[%mul3A_76, %dma_wait3A] : memref<10112x128xf32, #tpu.memory_space<vmem_shared>> -> memref<632x128xf32, #tpu.memory_space<vmem_shared>>
          %dma_wait3A_82 = arith.constant 0 : i32
          %dma_wait3A_83 = tpu.memref_slice %arg2[%mul3A_74, %dma_wait3A_82] : memref<10000x128xf32, #tpu.memory_space<hbm>> -> memref<632x128xf32, #tpu.memory_space<hbm>>
          tpu.wait_dma2 semaphore(%run_scoped3A : memref<!tpu.dma_semaphore, #tpu.memory_space<semaphore_mem>>) src(%dma_wait3A_83 : memref<632x128xf32, #tpu.memory_space<hbm>>) dst(%dma_wait3A_81 : memref<632x128xf32, #tpu.memory_space<vmem_shared>>)
          tpu.yield
        }) : () -> ()
      } else {
      }
      %mul3A_64 = arith.constant 632 : i32
      %mul3A_65 = arith.muli %arg1, %mul3A_64 : i32
      %add3A_66 = arith.constant 632 : i32
      %add3A_67 = arith.addi %mul3A_65, %add3A_66 : i32
      %gt3A_68 = arith.constant 9480 : i32
      %gt3A_69 = arith.cmpi sgt, %add3A_67, %gt3A_68 : i32
      %convert_element_type3A_70 = arith.extui %gt3A_69 : i1 to i32
      %cond3A_71 = arith.constant 0 : i32
      %cond3A_72 = arith.cmpi ne, %convert_element_type3A_70, %cond3A_71 : i32
      scf.if %cond3A_72 {
        "tpu.region"() ({
          %run_scoped3A = tpu.sem_alloc : memref<!tpu.dma_semaphore, #tpu.memory_space<semaphore_mem>>
          %dma_start3A_73 = arith.constant 9480 : i32
          %dma_start3A_74 = arith.constant 0 : i32
          %dma_start3A_75 = tpu.memref_slice %arg10[%dma_start3A_73, %dma_start3A_74] : memref<10112x128xf32, #tpu.memory_space<vmem_shared>> -> memref<520x128xf32, #tpu.memory_space<vmem_shared>>
          %dma_start3A_76 = arith.constant 9480 : i32
          %dma_start3A_77 = arith.constant 0 : i32
          %dma_start3A_78 = tpu.memref_slice %arg2[%dma_start3A_76, %dma_start3A_77] : memref<10000x128xf32, #tpu.memory_space<hbm>> -> memref<520x128xf32, #tpu.memory_space<hbm>>
          tpu.enqueue_dma source(%dma_start3A_78 : memref<520x128xf32, #tpu.memory_space<hbm>>) target(%dma_start3A_75 : memref<520x128xf32, #tpu.memory_space<vmem_shared>>) target_semaphore(%run_scoped3A : memref<!tpu.dma_semaphore, #tpu.memory_space<semaphore_mem>>)
          %dma_wait3A = arith.constant 9480 : i32
          %dma_wait3A_79 = arith.constant 0 : i32
          %dma_wait3A_80 = tpu.memref_slice %arg10[%dma_wait3A, %dma_wait3A_79] : memref<10112x128xf32, #tpu.memory_space<vmem_shared>> -> memref<520x128xf32, #tpu.memory_space<vmem_shared>>
          %dma_wait3A_81 = arith.constant 9480 : i32
          %dma_wait3A_82 = arith.constant 0 : i32
          %dma_wait3A_83 = tpu.memref_slice %arg2[%dma_wait3A_81, %dma_wait3A_82] : memref<10000x128xf32, #tpu.memory_space<hbm>> -> memref<520x128xf32, #tpu.memory_space<hbm>>
          tpu.wait_dma2 semaphore(%run_scoped3A : memref<!tpu.dma_semaphore, #tpu.memory_space<semaphore_mem>>) src(%dma_wait3A_83 : memref<520x128xf32, #tpu.memory_space<hbm>>) dst(%dma_wait3A_80 : memref<520x128xf32, #tpu.memory_space<vmem_shared>>)
          tpu.yield
        }) : () -> ()
        "tpu.region"() ({
          %run_scoped3A = tpu.sem_alloc : memref<!tpu.dma_semaphore, #tpu.memory_space<semaphore_mem>>
          %dma_start3A_73 = arith.constant 0 : i32
          %dma_start3A_74 = arith.constant 0 : i32
          %dma_start3A_75 = tpu.memref_slice %arg9[%dma_start3A_73, %dma_start3A_74] : memref<128x128xf32, #tpu.memory_space<vmem>> -> memref<112x128xf32, #tpu.memory_space<vmem>>
          %dma_start3A_76 = arith.constant 10000 : i32
          %dma_start3A_77 = arith.constant 0 : i32
          %dma_start3A_78 = tpu.memref_slice %arg10[%dma_start3A_76, %dma_start3A_77] : memref<10112x128xf32, #tpu.memory_space<vmem_shared>> -> memref<112x128xf32, #tpu.memory_space<vmem_shared>>
          %dma_start3A_79 = arith.constant 10000 : i32
          %dma_start3A_80 = arith.constant 0 : i32
          %dma_start3A_81 = tpu.memref_slice %arg10[%dma_start3A_79, %dma_start3A_80] : memref<10112x128xf32, #tpu.memory_space<vmem_shared>> -> memref<112x128xf32, #tpu.memory_space<vmem_shared>>
          %dma_start3A_82 = arith.constant 0 : i32
          %dma_start3A_83 = arith.constant 0 : i32
          %dma_start3A_84 = tpu.memref_slice %arg9[%dma_start3A_82, %dma_start3A_83] : memref<128x128xf32, #tpu.memory_space<vmem>> -> memref<112x128xf32, #tpu.memory_space<vmem>>
          tpu.enqueue_dma source(%dma_start3A_84 : memref<112x128xf32, #tpu.memory_space<vmem>>) target(%dma_start3A_81 : memref<112x128xf32, #tpu.memory_space<vmem_shared>>) target_semaphore(%run_scoped3A : memref<!tpu.dma_semaphore, #tpu.memory_space<semaphore_mem>>)
          %dma_wait3A = arith.constant 0 : i32
          %dma_wait3A_85 = arith.constant 0 : i32
          %dma_wait3A_86 = tpu.memref_slice %arg9[%dma_wait3A, %dma_wait3A_85] : memref<128x128xf32, #tpu.memory_space<vmem>> -> memref<112x128xf32, #tpu.memory_space<vmem>>
          %dma_wait3A_87 = arith.constant 10000 : i32
          %dma_wait3A_88 = arith.constant 0 : i32
          %dma_wait3A_89 = tpu.memref_slice %arg10[%dma_wait3A_87, %dma_wait3A_88] : memref<10112x128xf32, #tpu.memory_space<vmem_shared>> -> memref<112x128xf32, #tpu.memory_space<vmem_shared>>
          %dma_wait3A_90 = arith.constant 10000 : i32
          %dma_wait3A_91 = arith.constant 0 : i32
          %dma_wait3A_92 = tpu.memref_slice %arg10[%dma_wait3A_90, %dma_wait3A_91] : memref<10112x128xf32, #tpu.memory_space<vmem_shared>> -> memref<112x128xf32, #tpu.memory_space<vmem_shared>>
          %dma_wait3A_93 = arith.constant 0 : i32
          %dma_wait3A_94 = arith.constant 0 : i32
          %dma_wait3A_95 = tpu.memref_slice %arg9[%dma_wait3A_93, %dma_wait3A_94] : memref<128x128xf32, #tpu.memory_space<vmem>> -> memref<112x128xf32, #tpu.memory_space<vmem>>
          tpu.wait_dma2 semaphore(%run_scoped3A : memref<!tpu.dma_semaphore, #tpu.memory_space<semaphore_mem>>) src(%dma_wait3A_95 : memref<112x128xf32, #tpu.memory_space<vmem>>) dst(%dma_wait3A_92 : memref<112x128xf32, #tpu.memory_space<vmem_shared>>)
          tpu.yield
        }) : () -> ()
      } else {
      }
    } else {
    }
    %eq3A_14 = arith.constant 1 : i32
    %eq3A_15 = arith.cmpi eq, %arg0, %eq3A_14 : i32
    %convert_element_type3A_16 = arith.extui %eq3A_15 : i1 to i32
    %cond3A_17 = arith.constant 0 : i32
    %cond3A_18 = arith.cmpi ne, %convert_element_type3A_16, %cond3A_17 : i32
    scf.if %cond3A_18 {
      %mul3A_55 = arith.constant 632 : i32
      %mul3A_56 = arith.muli %arg1, %mul3A_55 : i32
      %add3A_57 = arith.constant 0 : i32
      %add3A_58 = arith.addi %mul3A_56, %add3A_57 : i32
      "tpu.region"() ({
        %run_scoped3A = tpu.sem_alloc : memref<!tpu.dma_semaphore, #tpu.memory_space<semaphore_mem>>
        %dma_start3A_75 = arith.constant 0 : i32
        %dma_start3A_76 = tpu.memref_slice %arg10[%add3A_58, %dma_start3A_75] : memref<10112x128xf32, #tpu.memory_space<vmem_shared>> -> memref<128x128xf32, #tpu.memory_space<vmem_shared>>
        %dma_start3A_77 = arith.constant 0 : i32
        %dma_start3A_78 = tpu.memref_slice %arg10[%add3A_58, %dma_start3A_77] : memref<10112x128xf32, #tpu.memory_space<vmem_shared>> -> memref<128x128xf32, #tpu.memory_space<vmem_shared>>
        tpu.enqueue_dma source(%arg9 : memref<128x128xf32, #tpu.memory_space<vmem>>) target(%dma_start3A_78 : memref<128x128xf32, #tpu.memory_space<vmem_shared>>) target_semaphore(%run_scoped3A : memref<!tpu.dma_semaphore, #tpu.memory_space<semaphore_mem>>)
        %dma_wait3A = arith.constant 0 : i32
        %dma_wait3A_79 = tpu.memref_slice %arg10[%add3A_58, %dma_wait3A] : memref<10112x128xf32, #tpu.memory_space<vmem_shared>> -> memref<128x128xf32, #tpu.memory_space<vmem_shared>>
        %dma_wait3A_80 = arith.constant 0 : i32
        %dma_wait3A_81 = tpu.memref_slice %arg10[%add3A_58, %dma_wait3A_80] : memref<10112x128xf32, #tpu.memory_space<vmem_shared>> -> memref<128x128xf32, #tpu.memory_space<vmem_shared>>
        tpu.wait_dma2 semaphore(%run_scoped3A : memref<!tpu.dma_semaphore, #tpu.memory_space<semaphore_mem>>) src(%arg9 : memref<128x128xf32, #tpu.memory_space<vmem>>) dst(%dma_wait3A_81 : memref<128x128xf32, #tpu.memory_space<vmem_shared>>)
        tpu.yield
      }) : () -> ()
      %mul3A_59 = arith.constant 632 : i32
      %mul3A_60 = arith.muli %arg1, %mul3A_59 : i32
      %add3A_61 = arith.constant 128 : i32
      %add3A_62 = arith.addi %mul3A_60, %add3A_61 : i32
      "tpu.region"() ({
        %run_scoped3A = tpu.sem_alloc : memref<!tpu.dma_semaphore, #tpu.memory_space<semaphore_mem>>
        %dma_start3A_75 = arith.constant 0 : i32
        %dma_start3A_76 = tpu.memref_slice %arg10[%add3A_62, %dma_start3A_75] : memref<10112x128xf32, #tpu.memory_space<vmem_shared>> -> memref<128x128xf32, #tpu.memory_space<vmem_shared>>
        %dma_start3A_77 = arith.constant 0 : i32
        %dma_start3A_78 = tpu.memref_slice %arg10[%add3A_62, %dma_start3A_77] : memref<10112x128xf32, #tpu.memory_space<vmem_shared>> -> memref<128x128xf32, #tpu.memory_space<vmem_shared>>
        tpu.enqueue_dma source(%arg9 : memref<128x128xf32, #tpu.memory_space<vmem>>) target(%dma_start3A_78 : memref<128x128xf32, #tpu.memory_space<vmem_shared>>) target_semaphore(%run_scoped3A : memref<!tpu.dma_semaphore, #tpu.memory_space<semaphore_mem>>)
        %dma_wait3A = arith.constant 0 : i32
        %dma_wait3A_79 = tpu.memref_slice %arg10[%add3A_62, %dma_wait3A] : memref<10112x128xf32, #tpu.memory_space<vmem_shared>> -> memref<128x128xf32, #tpu.memory_space<vmem_shared>>
        %dma_wait3A_80 = arith.constant 0 : i32
        %dma_wait3A_81 = tpu.memref_slice %arg10[%add3A_62, %dma_wait3A_80] : memref<10112x128xf32, #tpu.memory_space<vmem_shared>> -> memref<128x128xf32, #tpu.memory_space<vmem_shared>>
        tpu.wait_dma2 semaphore(%run_scoped3A : memref<!tpu.dma_semaphore, #tpu.memory_space<semaphore_mem>>) src(%arg9 : memref<128x128xf32, #tpu.memory_space<vmem>>) dst(%dma_wait3A_81 : memref<128x128xf32, #tpu.memory_space<vmem_shared>>)
        tpu.yield
      }) : () -> ()
      %mul3A_63 = arith.constant 632 : i32
      %mul3A_64 = arith.muli %arg1, %mul3A_63 : i32
      %add3A_65 = arith.constant 256 : i32
      %add3A_66 = arith.addi %mul3A_64, %add3A_65 : i32
      "tpu.region"() ({
        %run_scoped3A = tpu.sem_alloc : memref<!tpu.dma_semaphore, #tpu.memory_space<semaphore_mem>>
        %dma_start3A_75 = arith.constant 0 : i32
        %dma_start3A_76 = tpu.memref_slice %arg10[%add3A_66, %dma_start3A_75] : memref<10112x128xf32, #tpu.memory_space<vmem_shared>> -> memref<128x128xf32, #tpu.memory_space<vmem_shared>>
        %dma_start3A_77 = arith.constant 0 : i32
        %dma_start3A_78 = tpu.memref_slice %arg10[%add3A_66, %dma_start3A_77] : memref<10112x128xf32, #tpu.memory_space<vmem_shared>> -> memref<128x128xf32, #tpu.memory_space<vmem_shared>>
        tpu.enqueue_dma source(%arg9 : memref<128x128xf32, #tpu.memory_space<vmem>>) target(%dma_start3A_78 : memref<128x128xf32, #tpu.memory_space<vmem_shared>>) target_semaphore(%run_scoped3A : memref<!tpu.dma_semaphore, #tpu.memory_space<semaphore_mem>>)
        %dma_wait3A = arith.constant 0 : i32
        %dma_wait3A_79 = tpu.memref_slice %arg10[%add3A_66, %dma_wait3A] : memref<10112x128xf32, #tpu.memory_space<vmem_shared>> -> memref<128x128xf32, #tpu.memory_space<vmem_shared>>
        %dma_wait3A_80 = arith.constant 0 : i32
        %dma_wait3A_81 = tpu.memref_slice %arg10[%add3A_66, %dma_wait3A_80] : memref<10112x128xf32, #tpu.memory_space<vmem_shared>> -> memref<128x128xf32, #tpu.memory_space<vmem_shared>>
        tpu.wait_dma2 semaphore(%run_scoped3A : memref<!tpu.dma_semaphore, #tpu.memory_space<semaphore_mem>>) src(%arg9 : memref<128x128xf32, #tpu.memory_space<vmem>>) dst(%dma_wait3A_81 : memref<128x128xf32, #tpu.memory_space<vmem_shared>>)
        tpu.yield
      }) : () -> ()
      %mul3A_67 = arith.constant 632 : i32
      %mul3A_68 = arith.muli %arg1, %mul3A_67 : i32
      %add3A_69 = arith.constant 384 : i32
      %add3A_70 = arith.addi %mul3A_68, %add3A_69 : i32
      "tpu.region"() ({
        %run_scoped3A = tpu.sem_alloc : memref<!tpu.dma_semaphore, #tpu.memory_space<semaphore_mem>>
        %dma_start3A_75 = arith.constant 0 : i32
        %dma_start3A_76 = tpu.memref_slice %arg10[%add3A_70, %dma_start3A_75] : memref<10112x128xf32, #tpu.memory_space<vmem_shared>> -> memref<128x128xf32, #tpu.memory_space<vmem_shared>>
        %dma_start3A_77 = arith.constant 0 : i32
        %dma_start3A_78 = tpu.memref_slice %arg10[%add3A_70, %dma_start3A_77] : memref<10112x128xf32, #tpu.memory_space<vmem_shared>> -> memref<128x128xf32, #tpu.memory_space<vmem_shared>>
        tpu.enqueue_dma source(%arg9 : memref<128x128xf32, #tpu.memory_space<vmem>>) target(%dma_start3A_78 : memref<128x128xf32, #tpu.memory_space<vmem_shared>>) target_semaphore(%run_scoped3A : memref<!tpu.dma_semaphore, #tpu.memory_space<semaphore_mem>>)
        %dma_wait3A = arith.constant 0 : i32
        %dma_wait3A_79 = tpu.memref_slice %arg10[%add3A_70, %dma_wait3A] : memref<10112x128xf32, #tpu.memory_space<vmem_shared>> -> memref<128x128xf32, #tpu.memory_space<vmem_shared>>
        %dma_wait3A_80 = arith.constant 0 : i32
        %dma_wait3A_81 = tpu.memref_slice %arg10[%add3A_70, %dma_wait3A_80] : memref<10112x128xf32, #tpu.memory_space<vmem_shared>> -> memref<128x128xf32, #tpu.memory_space<vmem_shared>>
        tpu.wait_dma2 semaphore(%run_scoped3A : memref<!tpu.dma_semaphore, #tpu.memory_space<semaphore_mem>>) src(%arg9 : memref<128x128xf32, #tpu.memory_space<vmem>>) dst(%dma_wait3A_81 : memref<128x128xf32, #tpu.memory_space<vmem_shared>>)
        tpu.yield
      }) : () -> ()
      %mul3A_71 = arith.constant 632 : i32
      %mul3A_72 = arith.muli %arg1, %mul3A_71 : i32
      %add3A_73 = arith.constant 512 : i32
      %add3A_74 = arith.addi %mul3A_72, %add3A_73 : i32
      "tpu.region"() ({
        %run_scoped3A = tpu.sem_alloc : memref<!tpu.dma_semaphore, #tpu.memory_space<semaphore_mem>>
        %dma_start3A_75 = arith.constant 0 : i32
        %dma_start3A_76 = arith.constant 0 : i32
        %dma_start3A_77 = tpu.memref_slice %arg9[%dma_start3A_75, %dma_start3A_76] : memref<128x128xf32, #tpu.memory_space<vmem>> -> memref<120x128xf32, #tpu.memory_space<vmem>>
        %dma_start3A_78 = arith.constant 0 : i32
        %dma_start3A_79 = tpu.memref_slice %arg10[%add3A_74, %dma_start3A_78] : memref<10112x128xf32, #tpu.memory_space<vmem_shared>> -> memref<120x128xf32, #tpu.memory_space<vmem_shared>>
        %dma_start3A_80 = arith.constant 0 : i32
        %dma_start3A_81 = tpu.memref_slice %arg10[%add3A_74, %dma_start3A_80] : memref<10112x128xf32, #tpu.memory_space<vmem_shared>> -> memref<120x128xf32, #tpu.memory_space<vmem_shared>>
        %dma_start3A_82 = arith.constant 0 : i32
        %dma_start3A_83 = arith.constant 0 : i32
        %dma_start3A_84 = tpu.memref_slice %arg9[%dma_start3A_82, %dma_start3A_83] : memref<128x128xf32, #tpu.memory_space<vmem>> -> memref<120x128xf32, #tpu.memory_space<vmem>>
        tpu.enqueue_dma source(%dma_start3A_84 : memref<120x128xf32, #tpu.memory_space<vmem>>) target(%dma_start3A_81 : memref<120x128xf32, #tpu.memory_space<vmem_shared>>) target_semaphore(%run_scoped3A : memref<!tpu.dma_semaphore, #tpu.memory_space<semaphore_mem>>)
        %dma_wait3A = arith.constant 0 : i32
        %dma_wait3A_85 = arith.constant 0 : i32
        %dma_wait3A_86 = tpu.memref_slice %arg9[%dma_wait3A, %dma_wait3A_85] : memref<128x128xf32, #tpu.memory_space<vmem>> -> memref<120x128xf32, #tpu.memory_space<vmem>>
        %dma_wait3A_87 = arith.constant 0 : i32
        %dma_wait3A_88 = tpu.memref_slice %arg10[%add3A_74, %dma_wait3A_87] : memref<10112x128xf32, #tpu.memory_space<vmem_shared>> -> memref<120x128xf32, #tpu.memory_space<vmem_shared>>
        %dma_wait3A_89 = arith.constant 0 : i32
        %dma_wait3A_90 = tpu.memref_slice %arg10[%add3A_74, %dma_wait3A_89] : memref<10112x128xf32, #tpu.memory_space<vmem_shared>> -> memref<120x128xf32, #tpu.memory_space<vmem_shared>>
        %dma_wait3A_91 = arith.constant 0 : i32
        %dma_wait3A_92 = arith.constant 0 : i32
        %dma_wait3A_93 = tpu.memref_slice %arg9[%dma_wait3A_91, %dma_wait3A_92] : memref<128x128xf32, #tpu.memory_space<vmem>> -> memref<120x128xf32, #tpu.memory_space<vmem>>
        tpu.wait_dma2 semaphore(%run_scoped3A : memref<!tpu.dma_semaphore, #tpu.memory_space<semaphore_mem>>) src(%dma_wait3A_93 : memref<120x128xf32, #tpu.memory_space<vmem>>) dst(%dma_wait3A_90 : memref<120x128xf32, #tpu.memory_space<vmem_shared>>)
        tpu.yield
      }) : () -> ()
    } else {
    }
    %barrier3A = arith.constant 0 : index
    tpu.barrier barrier_id(%barrier3A)
    %scan3A_19 = arith.constant 0 : i32
    %scan3A_20 = arith.constant 0 : i32
    %scan3A_21 = arith.constant 20 : i32
    %scan3A_22 = arith.addi %scan3A_20, %scan3A_21 : i32
    %scan3A_23 = arith.constant 1 : i32
    scf.for %scan3A_55 = %scan3A_20 to %scan3A_22 step %scan3A_23  : i32 {
      %mul3A_56 = arith.constant 2 : i32
      %mul3A_57 = arith.muli %mul3A_56, %scan3A_55 : i32
      %add3A_58 = arith.constant 1 : i32
      %add3A_59 = arith.addi %mul3A_57, %add3A_58 : i32
      %dma_start3A_60 = arith.constant 0 : i32
      %dma_start3A_61 = tpu.memref_slice %arg6[%add3A_59, %dma_start3A_60] : memref<40x128xi32, #tpu.memory_space<vmem>> -> memref<1x128xi32, #tpu.memory_space<vmem>>
      %dma_start3A_62 = tpu.memref_squeeze %dma_start3A_61 : memref<1x128xi32, #tpu.memory_space<vmem>> -> memref<128xi32, #tpu.memory_space<vmem>>
      %dma_start3A_63 = arith.constant 0 : i32
      %dma_start3A_64 = arith.constant 0 : i32
      %dma_start3A_65 = tpu.memref_slice %arg2[%dma_start3A_63, %dma_start3A_64] : memref<10000x128xf32, #tpu.memory_space<hbm>> -> memref<10000x128xf32, #tpu.memory_space<hbm>>
      tpu.enqueue_indirect_dma source(%dma_start3A_65 : memref<10000x128xf32, #tpu.memory_space<hbm>>) target(%arg9 : memref<128x128xf32, #tpu.memory_space<vmem>>) offsets(%dma_start3A_62 : memref<128xi32, #tpu.memory_space<vmem>>) semaphore(%arg12 : memref<!tpu.dma_semaphore, #tpu.memory_space<semaphore_mem>>)
      %dma_wait3A = arith.constant 0 : i32
      %dma_wait3A_66 = tpu.memref_slice %arg6[%mul3A_57, %dma_wait3A] : memref<40x128xi32, #tpu.memory_space<vmem>> -> memref<1x128xi32, #tpu.memory_space<vmem>>
      %dma_wait3A_67 = tpu.memref_squeeze %dma_wait3A_66 : memref<1x128xi32, #tpu.memory_space<vmem>> -> memref<128xi32, #tpu.memory_space<vmem>>
      %dma_wait3A_68 = arith.constant 0 : i32
      %dma_wait3A_69 = arith.constant 0 : i32
      %dma_wait3A_70 = tpu.memref_slice %arg2[%dma_wait3A_68, %dma_wait3A_69] : memref<10000x128xf32, #tpu.memory_space<hbm>> -> memref<10000x128xf32, #tpu.memory_space<hbm>>
      tpu.wait_indirect_dma semaphore(%arg11 : memref<!tpu.dma_semaphore, #tpu.memory_space<semaphore_mem>>) src(%dma_wait3A_70 : memref<10000x128xf32, #tpu.memory_space<hbm>>) dst(%arg8 : memref<128x128xf32, #tpu.memory_space<vmem>>)
      "tpu.region"() ({
        %run_scoped3A = tpu.sem_alloc : memref<!tpu.dma_semaphore, #tpu.memory_space<semaphore_mem>>
        %dma_start3A_87 = arith.constant 0 : i32
        %dma_start3A_88 = tpu.memref_slice %arg7[%mul3A_57, %dma_start3A_87] : memref<40x128xi32, #tpu.memory_space<vmem>> -> memref<1x128xi32, #tpu.memory_space<vmem>>
        %dma_start3A_89 = tpu.memref_squeeze %dma_start3A_88 : memref<1x128xi32, #tpu.memory_space<vmem>> -> memref<128xi32, #tpu.memory_space<vmem>>
        %dma_start3A_90 = arith.constant 0 : i32
        %dma_start3A_91 = arith.constant 0 : i32
        %dma_start3A_92 = tpu.memref_slice %arg10[%dma_start3A_90, %dma_start3A_91] : memref<10112x128xf32, #tpu.memory_space<vmem_shared>> -> memref<10112x128xf32, #tpu.memory_space<vmem_shared>>
        tpu.enqueue_indirect_dma source(%arg8 : memref<128x128xf32, #tpu.memory_space<vmem>>) target(%dma_start3A_92 : memref<10112x128xf32, #tpu.memory_space<vmem_shared>>) offsets(%dma_start3A_89 : memref<128xi32, #tpu.memory_space<vmem>>) semaphore(%run_scoped3A : memref<!tpu.dma_semaphore, #tpu.memory_space<semaphore_mem>>) {add = true}
        %dma_wait3A_93 = arith.constant 0 : i32
        %dma_wait3A_94 = tpu.memref_slice %arg7[%mul3A_57, %dma_wait3A_93] : memref<40x128xi32, #tpu.memory_space<vmem>> -> memref<1x128xi32, #tpu.memory_space<vmem>>
        %dma_wait3A_95 = tpu.memref_squeeze %dma_wait3A_94 : memref<1x128xi32, #tpu.memory_space<vmem>> -> memref<128xi32, #tpu.memory_space<vmem>>
        %dma_wait3A_96 = arith.constant 0 : i32
        %dma_wait3A_97 = arith.constant 0 : i32
        %dma_wait3A_98 = tpu.memref_slice %arg10[%dma_wait3A_96, %dma_wait3A_97] : memref<10112x128xf32, #tpu.memory_space<vmem_shared>> -> memref<10112x128xf32, #tpu.memory_space<vmem_shared>>
        tpu.wait_indirect_dma semaphore(%run_scoped3A : memref<!tpu.dma_semaphore, #tpu.memory_space<semaphore_mem>>) src(%arg8 : memref<128x128xf32, #tpu.memory_space<vmem>>) dst(%dma_wait3A_98 : memref<10112x128xf32, #tpu.memory_space<vmem_shared>>)
        tpu.yield
      }) : () -> ()
      %add3A_71 = arith.constant 2 : i32
      %add3A_72 = arith.addi %mul3A_57, %add3A_71 : i32
      %lt3A = arith.constant 40 : i32
      %lt3A_73 = arith.cmpi slt, %add3A_72, %lt3A : i32
      %convert_element_type3A_74 = arith.extui %lt3A_73 : i1 to i32
      %cond3A_75 = arith.constant 0 : i32
      %cond3A_76 = arith.cmpi ne, %convert_element_type3A_74, %cond3A_75 : i32
      scf.if %cond3A_76 {
        %add3A_87 = arith.constant 2 : i32
        %add3A_88 = arith.addi %mul3A_57, %add3A_87 : i32
        %dma_start3A_89 = arith.constant 0 : i32
        %dma_start3A_90 = tpu.memref_slice %arg6[%add3A_88, %dma_start3A_89] : memref<40x128xi32, #tpu.memory_space<vmem>> -> memref<1x128xi32, #tpu.memory_space<vmem>>
        %dma_start3A_91 = tpu.memref_squeeze %dma_start3A_90 : memref<1x128xi32, #tpu.memory_space<vmem>> -> memref<128xi32, #tpu.memory_space<vmem>>
        %dma_start3A_92 = arith.constant 0 : i32
        %dma_start3A_93 = arith.constant 0 : i32
        %dma_start3A_94 = tpu.memref_slice %arg2[%dma_start3A_92, %dma_start3A_93] : memref<10000x128xf32, #tpu.memory_space<hbm>> -> memref<10000x128xf32, #tpu.memory_space<hbm>>
        tpu.enqueue_indirect_dma source(%dma_start3A_94 : memref<10000x128xf32, #tpu.memory_space<hbm>>) target(%arg8 : memref<128x128xf32, #tpu.memory_space<vmem>>) offsets(%dma_start3A_91 : memref<128xi32, #tpu.memory_space<vmem>>) semaphore(%arg11 : memref<!tpu.dma_semaphore, #tpu.memory_space<semaphore_mem>>)
      } else {
      }
      %add3A_77 = arith.constant 1 : i32
      %add3A_78 = arith.addi %mul3A_57, %add3A_77 : i32
      %dma_wait3A_79 = arith.constant 0 : i32
      %dma_wait3A_80 = tpu.memref_slice %arg6[%add3A_78, %dma_wait3A_79] : memref<40x128xi32, #tpu.memory_space<vmem>> -> memref<1x128xi32, #tpu.memory_space<vmem>>
      %dma_wait3A_81 = tpu.memref_squeeze %dma_wait3A_80 : memref<1x128xi32, #tpu.memory_space<vmem>> -> memref<128xi32, #tpu.memory_space<vmem>>
      %dma_wait3A_82 = arith.constant 0 : i32
      %dma_wait3A_83 = arith.constant 0 : i32
      %dma_wait3A_84 = tpu.memref_slice %arg2[%dma_wait3A_82, %dma_wait3A_83] : memref<10000x128xf32, #tpu.memory_space<hbm>> -> memref<10000x128xf32, #tpu.memory_space<hbm>>
      tpu.wait_indirect_dma semaphore(%arg12 : memref<!tpu.dma_semaphore, #tpu.memory_space<semaphore_mem>>) src(%dma_wait3A_84 : memref<10000x128xf32, #tpu.memory_space<hbm>>) dst(%arg9 : memref<128x128xf32, #tpu.memory_space<vmem>>)
      %add3A_85 = arith.constant 1 : i32
      %add3A_86 = arith.addi %mul3A_57, %add3A_85 : i32
      "tpu.region"() ({
        %run_scoped3A = tpu.sem_alloc : memref<!tpu.dma_semaphore, #tpu.memory_space<semaphore_mem>>
        %dma_start3A_87 = arith.constant 0 : i32
        %dma_start3A_88 = tpu.memref_slice %arg7[%add3A_86, %dma_start3A_87] : memref<40x128xi32, #tpu.memory_space<vmem>> -> memref<1x128xi32, #tpu.memory_space<vmem>>
        %dma_start3A_89 = tpu.memref_squeeze %dma_start3A_88 : memref<1x128xi32, #tpu.memory_space<vmem>> -> memref<128xi32, #tpu.memory_space<vmem>>
        %dma_start3A_90 = arith.constant 0 : i32
        %dma_start3A_91 = arith.constant 0 : i32
        %dma_start3A_92 = tpu.memref_slice %arg10[%dma_start3A_90, %dma_start3A_91] : memref<10112x128xf32, #tpu.memory_space<vmem_shared>> -> memref<10112x128xf32, #tpu.memory_space<vmem_shared>>
        tpu.enqueue_indirect_dma source(%arg9 : memref<128x128xf32, #tpu.memory_space<vmem>>) target(%dma_start3A_92 : memref<10112x128xf32, #tpu.memory_space<vmem_shared>>) offsets(%dma_start3A_89 : memref<128xi32, #tpu.memory_space<vmem>>) semaphore(%run_scoped3A : memref<!tpu.dma_semaphore, #tpu.memory_space<semaphore_mem>>) {add = true}
        %dma_wait3A_93 = arith.constant 0 : i32
        %dma_wait3A_94 = tpu.memref_slice %arg7[%add3A_86, %dma_wait3A_93] : memref<40x128xi32, #tpu.memory_space<vmem>> -> memref<1x128xi32, #tpu.memory_space<vmem>>
        %dma_wait3A_95 = tpu.memref_squeeze %dma_wait3A_94 : memref<1x128xi32, #tpu.memory_space<vmem>> -> memref<128xi32, #tpu.memory_space<vmem>>
        %dma_wait3A_96 = arith.constant 0 : i32
        %dma_wait3A_97 = arith.constant 0 : i32
        %dma_wait3A_98 = tpu.memref_slice %arg10[%dma_wait3A_96, %dma_wait3A_97] : memref<10112x128xf32, #tpu.memory_space<vmem_shared>> -> memref<10112x128xf32, #tpu.memory_space<vmem_shared>>
        tpu.wait_indirect_dma semaphore(%run_scoped3A : memref<!tpu.dma_semaphore, #tpu.memory_space<semaphore_mem>>) src(%arg9 : memref<128x128xf32, #tpu.memory_space<vmem>>) dst(%dma_wait3A_98 : memref<10112x128xf32, #tpu.memory_space<vmem_shared>>)
        tpu.yield
      }) : () -> ()
    }
    %scan3A_24 = arith.constant 20 : i32
    "tpu.region"() ({
      %run_scoped3A = tpu.sem_alloc : memref<!tpu.dma_semaphore, #tpu.memory_space<semaphore_mem>>
      %dma_start3A_55 = arith.constant 40 : i32
      %dma_start3A_56 = arith.constant 0 : i32
      %dma_start3A_57 = tpu.memref_slice %arg3[%add3A, %dma_start3A_55, %dma_start3A_56] : memref<32x80x128xi32, #tpu.memory_space<hbm>> -> memref<1x40x128xi32, #tpu.memory_space<hbm>>
      %dma_start3A_58 = tpu.memref_squeeze %dma_start3A_57 : memref<1x40x128xi32, #tpu.memory_space<hbm>> -> memref<40x128xi32, #tpu.memory_space<hbm>>
      %dma_start3A_59 = arith.constant 40 : i32
      %dma_start3A_60 = arith.constant 0 : i32
      %dma_start3A_61 = tpu.memref_slice %arg3[%add3A, %dma_start3A_59, %dma_start3A_60] : memref<32x80x128xi32, #tpu.memory_space<hbm>> -> memref<1x40x128xi32, #tpu.memory_space<hbm>>
      %dma_start3A_62 = tpu.memref_squeeze %dma_start3A_61 : memref<1x40x128xi32, #tpu.memory_space<hbm>> -> memref<40x128xi32, #tpu.memory_space<hbm>>
      tpu.enqueue_dma source(%dma_start3A_62 : memref<40x128xi32, #tpu.memory_space<hbm>>) target(%arg6 : memref<40x128xi32, #tpu.memory_space<vmem>>) target_semaphore(%run_scoped3A : memref<!tpu.dma_semaphore, #tpu.memory_space<semaphore_mem>>)
      %dma_wait3A = arith.constant 40 : i32
      %dma_wait3A_63 = arith.constant 0 : i32
      %dma_wait3A_64 = tpu.memref_slice %arg3[%add3A, %dma_wait3A, %dma_wait3A_63] : memref<32x80x128xi32, #tpu.memory_space<hbm>> -> memref<1x40x128xi32, #tpu.memory_space<hbm>>
      %dma_wait3A_65 = tpu.memref_squeeze %dma_wait3A_64 : memref<1x40x128xi32, #tpu.memory_space<hbm>> -> memref<40x128xi32, #tpu.memory_space<hbm>>
      %dma_wait3A_66 = arith.constant 40 : i32
      %dma_wait3A_67 = arith.constant 0 : i32
      %dma_wait3A_68 = tpu.memref_slice %arg3[%add3A, %dma_wait3A_66, %dma_wait3A_67] : memref<32x80x128xi32, #tpu.memory_space<hbm>> -> memref<1x40x128xi32, #tpu.memory_space<hbm>>
      %dma_wait3A_69 = tpu.memref_squeeze %dma_wait3A_68 : memref<1x40x128xi32, #tpu.memory_space<hbm>> -> memref<40x128xi32, #tpu.memory_space<hbm>>
      tpu.wait_dma2 semaphore(%run_scoped3A : memref<!tpu.dma_semaphore, #tpu.memory_space<semaphore_mem>>) src(%dma_wait3A_69 : memref<40x128xi32, #tpu.memory_space<hbm>>) dst(%arg6 : memref<40x128xi32, #tpu.memory_space<vmem>>)
      tpu.yield
    }) : () -> ()
    "tpu.region"() ({
      %run_scoped3A = tpu.sem_alloc : memref<!tpu.dma_semaphore, #tpu.memory_space<semaphore_mem>>
      %dma_start3A_55 = arith.constant 40 : i32
      %dma_start3A_56 = arith.constant 0 : i32
      %dma_start3A_57 = tpu.memref_slice %arg4[%add3A, %dma_start3A_55, %dma_start3A_56] : memref<32x80x128xi32, #tpu.memory_space<hbm>> -> memref<1x40x128xi32, #tpu.memory_space<hbm>>
      %dma_start3A_58 = tpu.memref_squeeze %dma_start3A_57 : memref<1x40x128xi32, #tpu.memory_space<hbm>> -> memref<40x128xi32, #tpu.memory_space<hbm>>
      %dma_start3A_59 = arith.constant 40 : i32
      %dma_start3A_60 = arith.constant 0 : i32
      %dma_start3A_61 = tpu.memref_slice %arg4[%add3A, %dma_start3A_59, %dma_start3A_60] : memref<32x80x128xi32, #tpu.memory_space<hbm>> -> memref<1x40x128xi32, #tpu.memory_space<hbm>>
      %dma_start3A_62 = tpu.memref_squeeze %dma_start3A_61 : memref<1x40x128xi32, #tpu.memory_space<hbm>> -> memref<40x128xi32, #tpu.memory_space<hbm>>
      tpu.enqueue_dma source(%dma_start3A_62 : memref<40x128xi32, #tpu.memory_space<hbm>>) target(%arg7 : memref<40x128xi32, #tpu.memory_space<vmem>>) target_semaphore(%run_scoped3A : memref<!tpu.dma_semaphore, #tpu.memory_space<semaphore_mem>>)
      %dma_wait3A = arith.constant 40 : i32
      %dma_wait3A_63 = arith.constant 0 : i32
      %dma_wait3A_64 = tpu.memref_slice %arg4[%add3A, %dma_wait3A, %dma_wait3A_63] : memref<32x80x128xi32, #tpu.memory_space<hbm>> -> memref<1x40x128xi32, #tpu.memory_space<hbm>>
      %dma_wait3A_65 = tpu.memref_squeeze %dma_wait3A_64 : memref<1x40x128xi32, #tpu.memory_space<hbm>> -> memref<40x128xi32, #tpu.memory_space<hbm>>
      %dma_wait3A_66 = arith.constant 40 : i32
      %dma_wait3A_67 = arith.constant 0 : i32
      %dma_wait3A_68 = tpu.memref_slice %arg4[%add3A, %dma_wait3A_66, %dma_wait3A_67] : memref<32x80x128xi32, #tpu.memory_space<hbm>> -> memref<1x40x128xi32, #tpu.memory_space<hbm>>
      %dma_wait3A_69 = tpu.memref_squeeze %dma_wait3A_68 : memref<1x40x128xi32, #tpu.memory_space<hbm>> -> memref<40x128xi32, #tpu.memory_space<hbm>>
      tpu.wait_dma2 semaphore(%run_scoped3A : memref<!tpu.dma_semaphore, #tpu.memory_space<semaphore_mem>>) src(%dma_wait3A_69 : memref<40x128xi32, #tpu.memory_space<hbm>>) dst(%arg7 : memref<40x128xi32, #tpu.memory_space<vmem>>)
      tpu.yield
    }) : () -> ()
    %dma_start3A_25 = arith.constant 0 : i32
    %dma_start3A_26 = arith.constant 0 : i32
    %dma_start3A_27 = tpu.memref_slice %arg6[%dma_start3A_25, %dma_start3A_26] : memref<40x128xi32, #tpu.memory_space<vmem>> -> memref<1x128xi32, #tpu.memory_space<vmem>>
    %dma_start3A_28 = tpu.memref_squeeze %dma_start3A_27 : memref<1x128xi32, #tpu.memory_space<vmem>> -> memref<128xi32, #tpu.memory_space<vmem>>
    %dma_start3A_29 = arith.constant 0 : i32
    %dma_start3A_30 = arith.constant 0 : i32
    %dma_start3A_31 = tpu.memref_slice %arg2[%dma_start3A_29, %dma_start3A_30] : memref<10000x128xf32, #tpu.memory_space<hbm>> -> memref<10000x128xf32, #tpu.memory_space<hbm>>
    tpu.enqueue_indirect_dma source(%dma_start3A_31 : memref<10000x128xf32, #tpu.memory_space<hbm>>) target(%arg8 : memref<128x128xf32, #tpu.memory_space<vmem>>) offsets(%dma_start3A_28 : memref<128xi32, #tpu.memory_space<vmem>>) semaphore(%arg11 : memref<!tpu.dma_semaphore, #tpu.memory_space<semaphore_mem>>)
    %scan3A_32 = arith.constant 0 : i32
    %scan3A_33 = arith.constant 0 : i32
    %scan3A_34 = arith.constant 20 : i32
    %scan3A_35 = arith.addi %scan3A_33, %scan3A_34 : i32
    %scan3A_36 = arith.constant 1 : i32
    scf.for %scan3A_55 = %scan3A_33 to %scan3A_35 step %scan3A_36  : i32 {
      %mul3A_56 = arith.constant 2 : i32
      %mul3A_57 = arith.muli %mul3A_56, %scan3A_55 : i32
      %add3A_58 = arith.constant 1 : i32
      %add3A_59 = arith.addi %mul3A_57, %add3A_58 : i32
      %dma_start3A_60 = arith.constant 0 : i32
      %dma_start3A_61 = tpu.memref_slice %arg6[%add3A_59, %dma_start3A_60] : memref<40x128xi32, #tpu.memory_space<vmem>> -> memref<1x128xi32, #tpu.memory_space<vmem>>
      %dma_start3A_62 = tpu.memref_squeeze %dma_start3A_61 : memref<1x128xi32, #tpu.memory_space<vmem>> -> memref<128xi32, #tpu.memory_space<vmem>>
      %dma_start3A_63 = arith.constant 0 : i32
      %dma_start3A_64 = arith.constant 0 : i32
      %dma_start3A_65 = tpu.memref_slice %arg2[%dma_start3A_63, %dma_start3A_64] : memref<10000x128xf32, #tpu.memory_space<hbm>> -> memref<10000x128xf32, #tpu.memory_space<hbm>>
      tpu.enqueue_indirect_dma source(%dma_start3A_65 : memref<10000x128xf32, #tpu.memory_space<hbm>>) target(%arg9 : memref<128x128xf32, #tpu.memory_space<vmem>>) offsets(%dma_start3A_62 : memref<128xi32, #tpu.memory_space<vmem>>) semaphore(%arg12 : memref<!tpu.dma_semaphore, #tpu.memory_space<semaphore_mem>>)
      %dma_wait3A = arith.constant 0 : i32
      %dma_wait3A_66 = tpu.memref_slice %arg6[%mul3A_57, %dma_wait3A] : memref<40x128xi32, #tpu.memory_space<vmem>> -> memref<1x128xi32, #tpu.memory_space<vmem>>
      %dma_wait3A_67 = tpu.memref_squeeze %dma_wait3A_66 : memref<1x128xi32, #tpu.memory_space<vmem>> -> memref<128xi32, #tpu.memory_space<vmem>>
      %dma_wait3A_68 = arith.constant 0 : i32
      %dma_wait3A_69 = arith.constant 0 : i32
      %dma_wait3A_70 = tpu.memref_slice %arg2[%dma_wait3A_68, %dma_wait3A_69] : memref<10000x128xf32, #tpu.memory_space<hbm>> -> memref<10000x128xf32, #tpu.memory_space<hbm>>
      tpu.wait_indirect_dma semaphore(%arg11 : memref<!tpu.dma_semaphore, #tpu.memory_space<semaphore_mem>>) src(%dma_wait3A_70 : memref<10000x128xf32, #tpu.memory_space<hbm>>) dst(%arg8 : memref<128x128xf32, #tpu.memory_space<vmem>>)
      "tpu.region"() ({
        %run_scoped3A = tpu.sem_alloc : memref<!tpu.dma_semaphore, #tpu.memory_space<semaphore_mem>>
        %dma_start3A_87 = arith.constant 0 : i32
        %dma_start3A_88 = tpu.memref_slice %arg7[%mul3A_57, %dma_start3A_87] : memref<40x128xi32, #tpu.memory_space<vmem>> -> memref<1x128xi32, #tpu.memory_space<vmem>>
        %dma_start3A_89 = tpu.memref_squeeze %dma_start3A_88 : memref<1x128xi32, #tpu.memory_space<vmem>> -> memref<128xi32, #tpu.memory_space<vmem>>
        %dma_start3A_90 = arith.constant 0 : i32
        %dma_start3A_91 = arith.constant 0 : i32
        %dma_start3A_92 = tpu.memref_slice %arg10[%dma_start3A_90, %dma_start3A_91] : memref<10112x128xf32, #tpu.memory_space<vmem_shared>> -> memref<10112x128xf32, #tpu.memory_space<vmem_shared>>
        tpu.enqueue_indirect_dma source(%arg8 : memref<128x128xf32, #tpu.memory_space<vmem>>) target(%dma_start3A_92 : memref<10112x128xf32, #tpu.memory_space<vmem_shared>>) offsets(%dma_start3A_89 : memref<128xi32, #tpu.memory_space<vmem>>) semaphore(%run_scoped3A : memref<!tpu.dma_semaphore, #tpu.memory_space<semaphore_mem>>) {add = true}
        %dma_wait3A_93 = arith.constant 0 : i32
        %dma_wait3A_94 = tpu.memref_slice %arg7[%mul3A_57, %dma_wait3A_93] : memref<40x128xi32, #tpu.memory_space<vmem>> -> memref<1x128xi32, #tpu.memory_space<vmem>>
        %dma_wait3A_95 = tpu.memref_squeeze %dma_wait3A_94 : memref<1x128xi32, #tpu.memory_space<vmem>> -> memref<128xi32, #tpu.memory_space<vmem>>
        %dma_wait3A_96 = arith.constant 0 : i32
        %dma_wait3A_97 = arith.constant 0 : i32
        %dma_wait3A_98 = tpu.memref_slice %arg10[%dma_wait3A_96, %dma_wait3A_97] : memref<10112x128xf32, #tpu.memory_space<vmem_shared>> -> memref<10112x128xf32, #tpu.memory_space<vmem_shared>>
        tpu.wait_indirect_dma semaphore(%run_scoped3A : memref<!tpu.dma_semaphore, #tpu.memory_space<semaphore_mem>>) src(%arg8 : memref<128x128xf32, #tpu.memory_space<vmem>>) dst(%dma_wait3A_98 : memref<10112x128xf32, #tpu.memory_space<vmem_shared>>)
        tpu.yield
      }) : () -> ()
      %add3A_71 = arith.constant 2 : i32
      %add3A_72 = arith.addi %mul3A_57, %add3A_71 : i32
      %lt3A = arith.constant 40 : i32
      %lt3A_73 = arith.cmpi slt, %add3A_72, %lt3A : i32
      %convert_element_type3A_74 = arith.extui %lt3A_73 : i1 to i32
      %cond3A_75 = arith.constant 0 : i32
      %cond3A_76 = arith.cmpi ne, %convert_element_type3A_74, %cond3A_75 : i32
      scf.if %cond3A_76 {
        %add3A_87 = arith.constant 2 : i32
        %add3A_88 = arith.addi %mul3A_57, %add3A_87 : i32
        %dma_start3A_89 = arith.constant 0 : i32
        %dma_start3A_90 = tpu.memref_slice %arg6[%add3A_88, %dma_start3A_89] : memref<40x128xi32, #tpu.memory_space<vmem>> -> memref<1x128xi32, #tpu.memory_space<vmem>>
        %dma_start3A_91 = tpu.memref_squeeze %dma_start3A_90 : memref<1x128xi32, #tpu.memory_space<vmem>> -> memref<128xi32, #tpu.memory_space<vmem>>
        %dma_start3A_92 = arith.constant 0 : i32
        %dma_start3A_93 = arith.constant 0 : i32
        %dma_start3A_94 = tpu.memref_slice %arg2[%dma_start3A_92, %dma_start3A_93] : memref<10000x128xf32, #tpu.memory_space<hbm>> -> memref<10000x128xf32, #tpu.memory_space<hbm>>
        tpu.enqueue_indirect_dma source(%dma_start3A_94 : memref<10000x128xf32, #tpu.memory_space<hbm>>) target(%arg8 : memref<128x128xf32, #tpu.memory_space<vmem>>) offsets(%dma_start3A_91 : memref<128xi32, #tpu.memory_space<vmem>>) semaphore(%arg11 : memref<!tpu.dma_semaphore, #tpu.memory_space<semaphore_mem>>)
      } else {
      }
      %add3A_77 = arith.constant 1 : i32
      %add3A_78 = arith.addi %mul3A_57, %add3A_77 : i32
      %dma_wait3A_79 = arith.constant 0 : i32
      %dma_wait3A_80 = tpu.memref_slice %arg6[%add3A_78, %dma_wait3A_79] : memref<40x128xi32, #tpu.memory_space<vmem>> -> memref<1x128xi32, #tpu.memory_space<vmem>>
      %dma_wait3A_81 = tpu.memref_squeeze %dma_wait3A_80 : memref<1x128xi32, #tpu.memory_space<vmem>> -> memref<128xi32, #tpu.memory_space<vmem>>
      %dma_wait3A_82 = arith.constant 0 : i32
      %dma_wait3A_83 = arith.constant 0 : i32
      %dma_wait3A_84 = tpu.memref_slice %arg2[%dma_wait3A_82, %dma_wait3A_83] : memref<10000x128xf32, #tpu.memory_space<hbm>> -> memref<10000x128xf32, #tpu.memory_space<hbm>>
      tpu.wait_indirect_dma semaphore(%arg12 : memref<!tpu.dma_semaphore, #tpu.memory_space<semaphore_mem>>) src(%dma_wait3A_84 : memref<10000x128xf32, #tpu.memory_space<hbm>>) dst(%arg9 : memref<128x128xf32, #tpu.memory_space<vmem>>)
      %add3A_85 = arith.constant 1 : i32
      %add3A_86 = arith.addi %mul3A_57, %add3A_85 : i32
      "tpu.region"() ({
        %run_scoped3A = tpu.sem_alloc : memref<!tpu.dma_semaphore, #tpu.memory_space<semaphore_mem>>
        %dma_start3A_87 = arith.constant 0 : i32
        %dma_start3A_88 = tpu.memref_slice %arg7[%add3A_86, %dma_start3A_87] : memref<40x128xi32, #tpu.memory_space<vmem>> -> memref<1x128xi32, #tpu.memory_space<vmem>>
        %dma_start3A_89 = tpu.memref_squeeze %dma_start3A_88 : memref<1x128xi32, #tpu.memory_space<vmem>> -> memref<128xi32, #tpu.memory_space<vmem>>
        %dma_start3A_90 = arith.constant 0 : i32
        %dma_start3A_91 = arith.constant 0 : i32
        %dma_start3A_92 = tpu.memref_slice %arg10[%dma_start3A_90, %dma_start3A_91] : memref<10112x128xf32, #tpu.memory_space<vmem_shared>> -> memref<10112x128xf32, #tpu.memory_space<vmem_shared>>
        tpu.enqueue_indirect_dma source(%arg9 : memref<128x128xf32, #tpu.memory_space<vmem>>) target(%dma_start3A_92 : memref<10112x128xf32, #tpu.memory_space<vmem_shared>>) offsets(%dma_start3A_89 : memref<128xi32, #tpu.memory_space<vmem>>) semaphore(%run_scoped3A : memref<!tpu.dma_semaphore, #tpu.memory_space<semaphore_mem>>) {add = true}
        %dma_wait3A_93 = arith.constant 0 : i32
        %dma_wait3A_94 = tpu.memref_slice %arg7[%add3A_86, %dma_wait3A_93] : memref<40x128xi32, #tpu.memory_space<vmem>> -> memref<1x128xi32, #tpu.memory_space<vmem>>
        %dma_wait3A_95 = tpu.memref_squeeze %dma_wait3A_94 : memref<1x128xi32, #tpu.memory_space<vmem>> -> memref<128xi32, #tpu.memory_space<vmem>>
        %dma_wait3A_96 = arith.constant 0 : i32
        %dma_wait3A_97 = arith.constant 0 : i32
        %dma_wait3A_98 = tpu.memref_slice %arg10[%dma_wait3A_96, %dma_wait3A_97] : memref<10112x128xf32, #tpu.memory_space<vmem_shared>> -> memref<10112x128xf32, #tpu.memory_space<vmem_shared>>
        tpu.wait_indirect_dma semaphore(%run_scoped3A : memref<!tpu.dma_semaphore, #tpu.memory_space<semaphore_mem>>) src(%arg9 : memref<128x128xf32, #tpu.memory_space<vmem>>) dst(%dma_wait3A_98 : memref<10112x128xf32, #tpu.memory_space<vmem_shared>>)
        tpu.yield
      }) : () -> ()
    }
    %scan3A_37 = arith.constant 20 : i32
    %barrier3A_38 = arith.constant 0 : index
    tpu.barrier barrier_id(%barrier3A_38)
    %mul3A_39 = arith.constant 632 : i32
    %mul3A_40 = arith.muli %arg1, %mul3A_39 : i32
    %add3A_41 = arith.constant 632 : i32
    %add3A_42 = arith.addi %mul3A_40, %add3A_41 : i32
    %le3A = arith.constant 9480 : i32
    %le3A_43 = arith.cmpi sle, %add3A_42, %le3A : i32
    %convert_element_type3A_44 = arith.extui %le3A_43 : i1 to i32
    %cond3A_45 = arith.constant 0 : i32
    %cond3A_46 = arith.cmpi ne, %convert_element_type3A_44, %cond3A_45 : i32
    scf.if %cond3A_46 {
      %mul3A_55 = arith.constant 632 : i32
      %mul3A_56 = arith.muli %arg1, %mul3A_55 : i32
      %mul3A_57 = arith.constant 632 : i32
      %mul3A_58 = arith.muli %arg1, %mul3A_57 : i32
      "tpu.region"() ({
        %run_scoped3A = tpu.sem_alloc : memref<!tpu.dma_semaphore, #tpu.memory_space<semaphore_mem>>
        %dma_start3A_59 = arith.constant 0 : i32
        %dma_start3A_60 = tpu.memref_slice %arg5[%arg0, %mul3A_58, %dma_start3A_59] : memref<2x10112x128xf32, #tpu.memory_space<hbm>> -> memref<1x632x128xf32, #tpu.memory_space<hbm>>
        %dma_start3A_61 = tpu.memref_squeeze %dma_start3A_60 : memref<1x632x128xf32, #tpu.memory_space<hbm>> -> memref<632x128xf32, #tpu.memory_space<hbm>>
        %dma_start3A_62 = arith.constant 0 : i32
        %dma_start3A_63 = tpu.memref_slice %arg10[%mul3A_56, %dma_start3A_62] : memref<10112x128xf32, #tpu.memory_space<vmem_shared>> -> memref<632x128xf32, #tpu.memory_space<vmem_shared>>
        tpu.enqueue_dma source(%dma_start3A_63 : memref<632x128xf32, #tpu.memory_space<vmem_shared>>) target(%dma_start3A_61 : memref<632x128xf32, #tpu.memory_space<hbm>>) target_semaphore(%run_scoped3A : memref<!tpu.dma_semaphore, #tpu.memory_space<semaphore_mem>>)
        %dma_wait3A = arith.constant 0 : i32
        %dma_wait3A_64 = tpu.memref_slice %arg5[%arg0, %mul3A_58, %dma_wait3A] : memref<2x10112x128xf32, #tpu.memory_space<hbm>> -> memref<1x632x128xf32, #tpu.memory_space<hbm>>
        %dma_wait3A_65 = tpu.memref_squeeze %dma_wait3A_64 : memref<1x632x128xf32, #tpu.memory_space<hbm>> -> memref<632x128xf32, #tpu.memory_space<hbm>>
        %dma_wait3A_66 = arith.constant 0 : i32
        %dma_wait3A_67 = tpu.memref_slice %arg10[%mul3A_56, %dma_wait3A_66] : memref<10112x128xf32, #tpu.memory_space<vmem_shared>> -> memref<632x128xf32, #tpu.memory_space<vmem_shared>>
        tpu.wait_dma2 semaphore(%run_scoped3A : memref<!tpu.dma_semaphore, #tpu.memory_space<semaphore_mem>>) src(%dma_wait3A_67 : memref<632x128xf32, #tpu.memory_space<vmem_shared>>) dst(%dma_wait3A_65 : memref<632x128xf32, #tpu.memory_space<hbm>>)
        tpu.yield
      }) : () -> ()
    } else {
    }
    %mul3A_47 = arith.constant 632 : i32
    %mul3A_48 = arith.muli %arg1, %mul3A_47 : i32
    %add3A_49 = arith.constant 632 : i32
    %add3A_50 = arith.addi %mul3A_48, %add3A_49 : i32
    %gt3A = arith.constant 9480 : i32
    %gt3A_51 = arith.cmpi sgt, %add3A_50, %gt3A : i32
    %convert_element_type3A_52 = arith.extui %gt3A_51 : i1 to i32
    %cond3A_53 = arith.constant 0 : i32
    %cond3A_54 = arith.cmpi ne, %convert_element_type3A_52, %cond3A_53 : i32
    scf.if %cond3A_54 {
      "tpu.region"() ({
        %run_scoped3A = tpu.sem_alloc : memref<!tpu.dma_semaphore, #tpu.memory_space<semaphore_mem>>
        %dma_start3A_55 = arith.constant 9480 : i32
        %dma_start3A_56 = arith.constant 0 : i32
        %dma_start3A_57 = tpu.memref_slice %arg5[%arg0, %dma_start3A_55, %dma_start3A_56] : memref<2x10112x128xf32, #tpu.memory_space<hbm>> -> memref<1x520x128xf32, #tpu.memory_space<hbm>>
        %dma_start3A_58 = tpu.memref_squeeze %dma_start3A_57 : memref<1x520x128xf32, #tpu.memory_space<hbm>> -> memref<520x128xf32, #tpu.memory_space<hbm>>
        %dma_start3A_59 = arith.constant 9480 : i32
        %dma_start3A_60 = arith.constant 0 : i32
        %dma_start3A_61 = tpu.memref_slice %arg10[%dma_start3A_59, %dma_start3A_60] : memref<10112x128xf32, #tpu.memory_space<vmem_shared>> -> memref<520x128xf32, #tpu.memory_space<vmem_shared>>
        tpu.enqueue_dma source(%dma_start3A_61 : memref<520x128xf32, #tpu.memory_space<vmem_shared>>) target(%dma_start3A_58 : memref<520x128xf32, #tpu.memory_space<hbm>>) target_semaphore(%run_scoped3A : memref<!tpu.dma_semaphore, #tpu.memory_space<semaphore_mem>>)
        %dma_wait3A = arith.constant 9480 : i32
        %dma_wait3A_62 = arith.constant 0 : i32
        %dma_wait3A_63 = tpu.memref_slice %arg5[%arg0, %dma_wait3A, %dma_wait3A_62] : memref<2x10112x128xf32, #tpu.memory_space<hbm>> -> memref<1x520x128xf32, #tpu.memory_space<hbm>>
        %dma_wait3A_64 = tpu.memref_squeeze %dma_wait3A_63 : memref<1x520x128xf32, #tpu.memory_space<hbm>> -> memref<520x128xf32, #tpu.memory_space<hbm>>
        %dma_wait3A_65 = arith.constant 9480 : i32
        %dma_wait3A_66 = arith.constant 0 : i32
        %dma_wait3A_67 = tpu.memref_slice %arg10[%dma_wait3A_65, %dma_wait3A_66] : memref<10112x128xf32, #tpu.memory_space<vmem_shared>> -> memref<520x128xf32, #tpu.memory_space<vmem_shared>>
        tpu.wait_dma2 semaphore(%run_scoped3A : memref<!tpu.dma_semaphore, #tpu.memory_space<semaphore_mem>>) src(%dma_wait3A_67 : memref<520x128xf32, #tpu.memory_space<vmem_shared>>) dst(%dma_wait3A_64 : memref<520x128xf32, #tpu.memory_space<hbm>>)
        tpu.yield
      }) : () -> ()
    } else {
    }
    return
  }
}

#map = affine_map<(d0, d1) -> (0, 0)>
#map1 = affine_map<(d0, d1) -> (0, 0, 0)>
module attributes {stable_mosaic.version = 14 : i64} {
  func.func @agg_kernel(%arg0: i32, %arg1: i32, %arg2: memref<10000x128xf32, #tpu.memory_space<hbm>>, %arg3: memref<32x80x128xi32, #tpu.memory_space<hbm>>, %arg4: memref<32x80x128xi32, #tpu.memory_space<hbm>>, %arg5: memref<2x10112x128xf32, #tpu.memory_space<hbm>>, %arg6: memref<40x128xi32, #tpu.memory_space<vmem>>, %arg7: memref<40x128xi32, #tpu.memory_space<vmem>>, %arg8: memref<128x128xf32, #tpu.memory_space<vmem>>, %arg9: memref<128x128xf32, #tpu.memory_space<vmem>>, %arg10: memref<10112x128xf32, #tpu.memory_space<vmem_shared>>, %arg11: memref<!tpu.dma_semaphore, #tpu.memory_space<semaphore_mem>>, %arg12: memref<!tpu.dma_semaphore, #tpu.memory_space<semaphore_mem>>) attributes {dimension_semantics = [#tpu.dimension_semantics<core_parallel>, #tpu.dimension_semantics<subcore_parallel>], iteration_bounds = array<i64: 2, 16>, scalar_prefetch = 0 : i64, scratch_operands = 7 : i64, tpu.core_type = #tpu.core_type<sc_vector_subcore>, window_params = [{transform_indices = #map}, {transform_indices = #map1}, {transform_indices = #map1}, {transform_indices = #map1}]} {
    %mul3A = arith.constant 2 : i32
    %mul3A_0 = arith.muli %arg1, %mul3A : i32
    %add3A = arith.addi %mul3A_0, %arg0 : i32
    "tpu.region"() ({
      %run_scoped3A = tpu.sem_alloc : memref<!tpu.dma_semaphore, #tpu.memory_space<semaphore_mem>>
      %dma_start3A_55 = arith.constant 0 : i32
      %dma_start3A_56 = arith.constant 0 : i32
      %dma_start3A_57 = tpu.memref_slice %arg3[%add3A, %dma_start3A_55, %dma_start3A_56] : memref<32x80x128xi32, #tpu.memory_space<hbm>> -> memref<1x40x128xi32, #tpu.memory_space<hbm>>
      %dma_start3A_58 = tpu.memref_squeeze %dma_start3A_57 : memref<1x40x128xi32, #tpu.memory_space<hbm>> -> memref<40x128xi32, #tpu.memory_space<hbm>>
      %dma_start3A_59 = arith.constant 0 : i32
      %dma_start3A_60 = arith.constant 0 : i32
      %dma_start3A_61 = tpu.memref_slice %arg3[%add3A, %dma_start3A_59, %dma_start3A_60] : memref<32x80x128xi32, #tpu.memory_space<hbm>> -> memref<1x40x128xi32, #tpu.memory_space<hbm>>
      %dma_start3A_62 = tpu.memref_squeeze %dma_start3A_61 : memref<1x40x128xi32, #tpu.memory_space<hbm>> -> memref<40x128xi32, #tpu.memory_space<hbm>>
      tpu.enqueue_dma source(%dma_start3A_62 : memref<40x128xi32, #tpu.memory_space<hbm>>) target(%arg6 : memref<40x128xi32, #tpu.memory_space<vmem>>) target_semaphore(%run_scoped3A : memref<!tpu.dma_semaphore, #tpu.memory_space<semaphore_mem>>)
      %dma_wait3A = arith.constant 0 : i32
      %dma_wait3A_63 = arith.constant 0 : i32
      %dma_wait3A_64 = tpu.memref_slice %arg3[%add3A, %dma_wait3A, %dma_wait3A_63] : memref<32x80x128xi32, #tpu.memory_space<hbm>> -> memref<1x40x128xi32, #tpu.memory_space<hbm>>
      %dma_wait3A_65 = tpu.memref_squeeze %dma_wait3A_64 : memref<1x40x128xi32, #tpu.memory_space<hbm>> -> memref<40x128xi32, #tpu.memory_space<hbm>>
      %dma_wait3A_66 = arith.constant 0 : i32
      %dma_wait3A_67 = arith.constant 0 : i32
      %dma_wait3A_68 = tpu.memref_slice %arg3[%add3A, %dma_wait3A_66, %dma_wait3A_67] : memref<32x80x128xi32, #tpu.memory_space<hbm>> -> memref<1x40x128xi32, #tpu.memory_space<hbm>>
      %dma_wait3A_69 = tpu.memref_squeeze %dma_wait3A_68 : memref<1x40x128xi32, #tpu.memory_space<hbm>> -> memref<40x128xi32, #tpu.memory_space<hbm>>
      tpu.wait_dma2 semaphore(%run_scoped3A : memref<!tpu.dma_semaphore, #tpu.memory_space<semaphore_mem>>) src(%dma_wait3A_69 : memref<40x128xi32, #tpu.memory_space<hbm>>) dst(%arg6 : memref<40x128xi32, #tpu.memory_space<vmem>>)
      tpu.yield
    }) : () -> ()
    "tpu.region"() ({
      %run_scoped3A = tpu.sem_alloc : memref<!tpu.dma_semaphore, #tpu.memory_space<semaphore_mem>>
      %dma_start3A_55 = arith.constant 0 : i32
      %dma_start3A_56 = arith.constant 0 : i32
      %dma_start3A_57 = tpu.memref_slice %arg4[%add3A, %dma_start3A_55, %dma_start3A_56] : memref<32x80x128xi32, #tpu.memory_space<hbm>> -> memref<1x40x128xi32, #tpu.memory_space<hbm>>
      %dma_start3A_58 = tpu.memref_squeeze %dma_start3A_57 : memref<1x40x128xi32, #tpu.memory_space<hbm>> -> memref<40x128xi32, #tpu.memory_space<hbm>>
      %dma_start3A_59 = arith.constant 0 : i32
      %dma_start3A_60 = arith.constant 0 : i32
      %dma_start3A_61 = tpu.memref_slice %arg4[%add3A, %dma_start3A_59, %dma_start3A_60] : memref<32x80x128xi32, #tpu.memory_space<hbm>> -> memref<1x40x128xi32, #tpu.memory_space<hbm>>
      %dma_start3A_62 = tpu.memref_squeeze %dma_start3A_61 : memref<1x40x128xi32, #tpu.memory_space<hbm>> -> memref<40x128xi32, #tpu.memory_space<hbm>>
      tpu.enqueue_dma source(%dma_start3A_62 : memref<40x128xi32, #tpu.memory_space<hbm>>) target(%arg7 : memref<40x128xi32, #tpu.memory_space<vmem>>) target_semaphore(%run_scoped3A : memref<!tpu.dma_semaphore, #tpu.memory_space<semaphore_mem>>)
      %dma_wait3A = arith.constant 0 : i32
      %dma_wait3A_63 = arith.constant 0 : i32
      %dma_wait3A_64 = tpu.memref_slice %arg4[%add3A, %dma_wait3A, %dma_wait3A_63] : memref<32x80x128xi32, #tpu.memory_space<hbm>> -> memref<1x40x128xi32, #tpu.memory_space<hbm>>
      %dma_wait3A_65 = tpu.memref_squeeze %dma_wait3A_64 : memref<1x40x128xi32, #tpu.memory_space<hbm>> -> memref<40x128xi32, #tpu.memory_space<hbm>>
      %dma_wait3A_66 = arith.constant 0 : i32
      %dma_wait3A_67 = arith.constant 0 : i32
      %dma_wait3A_68 = tpu.memref_slice %arg4[%add3A, %dma_wait3A_66, %dma_wait3A_67] : memref<32x80x128xi32, #tpu.memory_space<hbm>> -> memref<1x40x128xi32, #tpu.memory_space<hbm>>
      %dma_wait3A_69 = tpu.memref_squeeze %dma_wait3A_68 : memref<1x40x128xi32, #tpu.memory_space<hbm>> -> memref<40x128xi32, #tpu.memory_space<hbm>>
      tpu.wait_dma2 semaphore(%run_scoped3A : memref<!tpu.dma_semaphore, #tpu.memory_space<semaphore_mem>>) src(%dma_wait3A_69 : memref<40x128xi32, #tpu.memory_space<hbm>>) dst(%arg7 : memref<40x128xi32, #tpu.memory_space<vmem>>)
      tpu.yield
    }) : () -> ()
    %dma_start3A = arith.constant 0 : i32
    %dma_start3A_1 = arith.constant 0 : i32
    %dma_start3A_2 = tpu.memref_slice %arg6[%dma_start3A, %dma_start3A_1] : memref<40x128xi32, #tpu.memory_space<vmem>> -> memref<1x128xi32, #tpu.memory_space<vmem>>
    %dma_start3A_3 = tpu.memref_squeeze %dma_start3A_2 : memref<1x128xi32, #tpu.memory_space<vmem>> -> memref<128xi32, #tpu.memory_space<vmem>>
    %dma_start3A_4 = arith.constant 0 : i32
    %dma_start3A_5 = arith.constant 0 : i32
    %dma_start3A_6 = tpu.memref_slice %arg2[%dma_start3A_4, %dma_start3A_5] : memref<10000x128xf32, #tpu.memory_space<hbm>> -> memref<10000x128xf32, #tpu.memory_space<hbm>>
    tpu.enqueue_indirect_dma source(%dma_start3A_6 : memref<10000x128xf32, #tpu.memory_space<hbm>>) target(%arg8 : memref<128x128xf32, #tpu.memory_space<vmem>>) offsets(%dma_start3A_3 : memref<128xi32, #tpu.memory_space<vmem>>) semaphore(%arg11 : memref<!tpu.dma_semaphore, #tpu.memory_space<semaphore_mem>>)
    %scan3A = arith.constant 0 : i32
    %scan3A_7 = arith.constant 0 : i32
    %scan3A_8 = arith.constant 128 : i32
    %scan3A_9 = arith.addi %scan3A_7, %scan3A_8 : i32
    %scan3A_10 = arith.constant 1 : i32
    scf.for %scan3A_55 = %scan3A_7 to %scan3A_9 step %scan3A_10  : i32 {
      %broadcast_in_dim3A = arith.constant 0.000000e+00 : f32
      %broadcast_in_dim3A_56 = vector.broadcast %broadcast_in_dim3A : f32 to vector<16xf32>
      %swap3A = arith.index_cast %scan3A_55 : i32 to index
      %swap3A_57 = arith.constant 0 : index
      %swap3A_58 = tpu.vector_load %arg9[%swap3A, %swap3A_57] {strides = array<i32>} : memref<128x128xf32, #tpu.memory_space<vmem>>, vector<1x16xf32>,
      %swap3A_59 = vector.shape_cast %swap3A_58 : vector<1x16xf32> to vector<16xf32>
      %swap3A_60 = vector.shape_cast %broadcast_in_dim3A_56 : vector<16xf32> to vector<1x16xf32>
      tpu.vector_store %arg9[%swap3A, %swap3A_57], %swap3A_60 {strides = array<i32>} : memref<128x128xf32, #tpu.memory_space<vmem>>, vector<1x16xf32>,
      %broadcast_in_dim3A_61 = arith.constant 0.000000e+00 : f32
      %broadcast_in_dim3A_62 = vector.broadcast %broadcast_in_dim3A_61 : f32 to vector<16xf32>
      %swap3A_63 = arith.index_cast %scan3A_55 : i32 to index
      %swap3A_64 = arith.constant 16 : index
      %swap3A_65 = tpu.vector_load %arg9[%swap3A_63, %swap3A_64] {strides = array<i32>} : memref<128x128xf32, #tpu.memory_space<vmem>>, vector<1x16xf32>,
      %swap3A_66 = vector.shape_cast %swap3A_65 : vector<1x16xf32> to vector<16xf32>
      %swap3A_67 = vector.shape_cast %broadcast_in_dim3A_62 : vector<16xf32> to vector<1x16xf32>
      tpu.vector_store %arg9[%swap3A_63, %swap3A_64], %swap3A_67 {strides = array<i32>} : memref<128x128xf32, #tpu.memory_space<vmem>>, vector<1x16xf32>,
      %broadcast_in_dim3A_68 = arith.constant 0.000000e+00 : f32
      %broadcast_in_dim3A_69 = vector.broadcast %broadcast_in_dim3A_68 : f32 to vector<16xf32>
      %swap3A_70 = arith.index_cast %scan3A_55 : i32 to index
      %swap3A_71 = arith.constant 32 : index
      %swap3A_72 = tpu.vector_load %arg9[%swap3A_70, %swap3A_71] {strides = array<i32>} : memref<128x128xf32, #tpu.memory_space<vmem>>, vector<1x16xf32>,
      %swap3A_73 = vector.shape_cast %swap3A_72 : vector<1x16xf32> to vector<16xf32>
      %swap3A_74 = vector.shape_cast %broadcast_in_dim3A_69 : vector<16xf32> to vector<1x16xf32>
      tpu.vector_store %arg9[%swap3A_70, %swap3A_71], %swap3A_74 {strides = array<i32>} : memref<128x128xf32, #tpu.memory_space<vmem>>, vector<1x16xf32>,
      %broadcast_in_dim3A_75 = arith.constant 0.000000e+00 : f32
      %broadcast_in_dim3A_76 = vector.broadcast %broadcast_in_dim3A_75 : f32 to vector<16xf32>
      %swap3A_77 = arith.index_cast %scan3A_55 : i32 to index
      %swap3A_78 = arith.constant 48 : index
      %swap3A_79 = tpu.vector_load %arg9[%swap3A_77, %swap3A_78] {strides = array<i32>} : memref<128x128xf32, #tpu.memory_space<vmem>>, vector<1x16xf32>,
      %swap3A_80 = vector.shape_cast %swap3A_79 : vector<1x16xf32> to vector<16xf32>
      %swap3A_81 = vector.shape_cast %broadcast_in_dim3A_76 : vector<16xf32> to vector<1x16xf32>
      tpu.vector_store %arg9[%swap3A_77, %swap3A_78], %swap3A_81 {strides = array<i32>} : memref<128x128xf32, #tpu.memory_space<vmem>>, vector<1x16xf32>,
      %broadcast_in_dim3A_82 = arith.constant 0.000000e+00 : f32
      %broadcast_in_dim3A_83 = vector.broadcast %broadcast_in_dim3A_82 : f32 to vector<16xf32>
      %swap3A_84 = arith.index_cast %scan3A_55 : i32 to index
      %swap3A_85 = arith.constant 64 : index
      %swap3A_86 = tpu.vector_load %arg9[%swap3A_84, %swap3A_85] {strides = array<i32>} : memref<128x128xf32, #tpu.memory_space<vmem>>, vector<1x16xf32>,
      %swap3A_87 = vector.shape_cast %swap3A_86 : vector<1x16xf32> to vector<16xf32>
      %swap3A_88 = vector.shape_cast %broadcast_in_dim3A_83 : vector<16xf32> to vector<1x16xf32>
      tpu.vector_store %arg9[%swap3A_84, %swap3A_85], %swap3A_88 {strides = array<i32>} : memref<128x128xf32, #tpu.memory_space<vmem>>, vector<1x16xf32>,
      %broadcast_in_dim3A_89 = arith.constant 0.000000e+00 : f32
      %broadcast_in_dim3A_90 = vector.broadcast %broadcast_in_dim3A_89 : f32 to vector<16xf32>
      %swap3A_91 = arith.index_cast %scan3A_55 : i32 to index
      %swap3A_92 = arith.constant 80 : index
      %swap3A_93 = tpu.vector_load %arg9[%swap3A_91, %swap3A_92] {strides = array<i32>} : memref<128x128xf32, #tpu.memory_space<vmem>>, vector<1x16xf32>,
      %swap3A_94 = vector.shape_cast %swap3A_93 : vector<1x16xf32> to vector<16xf32>
      %swap3A_95 = vector.shape_cast %broadcast_in_dim3A_90 : vector<16xf32> to vector<1x16xf32>
      tpu.vector_store %arg9[%swap3A_91, %swap3A_92], %swap3A_95 {strides = array<i32>} : memref<128x128xf32, #tpu.memory_space<vmem>>, vector<1x16xf32>,
      %broadcast_in_dim3A_96 = arith.constant 0.000000e+00 : f32
      %broadcast_in_dim3A_97 = vector.broadcast %broadcast_in_dim3A_96 : f32 to vector<16xf32>
      %swap3A_98 = arith.index_cast %scan3A_55 : i32 to index
      %swap3A_99 = arith.constant 96 : index
      %swap3A_100 = tpu.vector_load %arg9[%swap3A_98, %swap3A_99] {strides = array<i32>} : memref<128x128xf32, #tpu.memory_space<vmem>>, vector<1x16xf32>,
      %swap3A_101 = vector.shape_cast %swap3A_100 : vector<1x16xf32> to vector<16xf32>
      %swap3A_102 = vector.shape_cast %broadcast_in_dim3A_97 : vector<16xf32> to vector<1x16xf32>
      tpu.vector_store %arg9[%swap3A_98, %swap3A_99], %swap3A_102 {strides = array<i32>} : memref<128x128xf32, #tpu.memory_space<vmem>>, vector<1x16xf32>,
      %broadcast_in_dim3A_103 = arith.constant 0.000000e+00 : f32
      %broadcast_in_dim3A_104 = vector.broadcast %broadcast_in_dim3A_103 : f32 to vector<16xf32>
      %swap3A_105 = arith.index_cast %scan3A_55 : i32 to index
      %swap3A_106 = arith.constant 112 : index
      %swap3A_107 = tpu.vector_load %arg9[%swap3A_105, %swap3A_106] {strides = array<i32>} : memref<128x128xf32, #tpu.memory_space<vmem>>, vector<1x16xf32>,
      %swap3A_108 = vector.shape_cast %swap3A_107 : vector<1x16xf32> to vector<16xf32>
      %swap3A_109 = vector.shape_cast %broadcast_in_dim3A_104 : vector<16xf32> to vector<1x16xf32>
      tpu.vector_store %arg9[%swap3A_105, %swap3A_106], %swap3A_109 {strides = array<i32>} : memref<128x128xf32, #tpu.memory_space<vmem>>, vector<1x16xf32>,
    }
    %scan3A_11 = arith.constant 128 : i32
    %eq3A = arith.constant 0 : i32
    %eq3A_12 = arith.cmpi eq, %arg0, %eq3A : i32
    %convert_element_type3A = arith.extui %eq3A_12 : i1 to i32
    %cond3A = arith.constant 0 : i32
    %cond3A_13 = arith.cmpi ne, %convert_element_type3A, %cond3A : i32
    scf.if %cond3A_13 {
      %mul3A_55 = arith.constant 632 : i32
      %mul3A_56 = arith.muli %arg1, %mul3A_55 : i32
      %add3A_57 = arith.constant 632 : i32
      %add3A_58 = arith.addi %mul3A_56, %add3A_57 : i32
      %le3A_59 = arith.constant 9480 : i32
      %le3A_60 = arith.cmpi sle, %add3A_58, %le3A_59 : i32
      %convert_element_type3A_61 = arith.extui %le3A_60 : i1 to i32
      %cond3A_62 = arith.constant 0 : i32
      %cond3A_63 = arith.cmpi ne, %convert_element_type3A_61, %cond3A_62 : i32
      scf.if %cond3A_63 {
        %mul3A_73 = arith.constant 632 : i32
        %mul3A_74 = arith.muli %arg1, %mul3A_73 : i32
        %mul3A_75 = arith.constant 632 : i32
        %mul3A_76 = arith.muli %arg1, %mul3A_75 : i32
        "tpu.region"() ({
          %run_scoped3A = tpu.sem_alloc : memref<!tpu.dma_semaphore, #tpu.memory_space<semaphore_mem>>
          %dma_start3A_77 = arith.constant 0 : i32
          %dma_start3A_78 = tpu.memref_slice %arg10[%mul3A_76, %dma_start3A_77] : memref<10112x128xf32, #tpu.memory_space<vmem_shared>> -> memref<632x128xf32, #tpu.memory_space<vmem_shared>>
          %dma_start3A_79 = arith.constant 0 : i32
          %dma_start3A_80 = tpu.memref_slice %arg2[%mul3A_74, %dma_start3A_79] : memref<10000x128xf32, #tpu.memory_space<hbm>> -> memref<632x128xf32, #tpu.memory_space<hbm>>
          tpu.enqueue_dma source(%dma_start3A_80 : memref<632x128xf32, #tpu.memory_space<hbm>>) target(%dma_start3A_78 : memref<632x128xf32, #tpu.memory_space<vmem_shared>>) target_semaphore(%run_scoped3A : memref<!tpu.dma_semaphore, #tpu.memory_space<semaphore_mem>>)
          %dma_wait3A = arith.constant 0 : i32
          %dma_wait3A_81 = tpu.memref_slice %arg10[%mul3A_76, %dma_wait3A] : memref<10112x128xf32, #tpu.memory_space<vmem_shared>> -> memref<632x128xf32, #tpu.memory_space<vmem_shared>>
          %dma_wait3A_82 = arith.constant 0 : i32
          %dma_wait3A_83 = tpu.memref_slice %arg2[%mul3A_74, %dma_wait3A_82] : memref<10000x128xf32, #tpu.memory_space<hbm>> -> memref<632x128xf32, #tpu.memory_space<hbm>>
          tpu.wait_dma2 semaphore(%run_scoped3A : memref<!tpu.dma_semaphore, #tpu.memory_space<semaphore_mem>>) src(%dma_wait3A_83 : memref<632x128xf32, #tpu.memory_space<hbm>>) dst(%dma_wait3A_81 : memref<632x128xf32, #tpu.memory_space<vmem_shared>>)
          tpu.yield
        }) : () -> ()
      } else {
      }
      %mul3A_64 = arith.constant 632 : i32
      %mul3A_65 = arith.muli %arg1, %mul3A_64 : i32
      %add3A_66 = arith.constant 632 : i32
      %add3A_67 = arith.addi %mul3A_65, %add3A_66 : i32
      %gt3A_68 = arith.constant 9480 : i32
      %gt3A_69 = arith.cmpi sgt, %add3A_67, %gt3A_68 : i32
      %convert_element_type3A_70 = arith.extui %gt3A_69 : i1 to i32
      %cond3A_71 = arith.constant 0 : i32
      %cond3A_72 = arith.cmpi ne, %convert_element_type3A_70, %cond3A_71 : i32
      scf.if %cond3A_72 {
        "tpu.region"() ({
          %run_scoped3A = tpu.sem_alloc : memref<!tpu.dma_semaphore, #tpu.memory_space<semaphore_mem>>
          %dma_start3A_73 = arith.constant 9480 : i32
          %dma_start3A_74 = arith.constant 0 : i32
          %dma_start3A_75 = tpu.memref_slice %arg10[%dma_start3A_73, %dma_start3A_74] : memref<10112x128xf32, #tpu.memory_space<vmem_shared>> -> memref<520x128xf32, #tpu.memory_space<vmem_shared>>
          %dma_start3A_76 = arith.constant 9480 : i32
          %dma_start3A_77 = arith.constant 0 : i32
          %dma_start3A_78 = tpu.memref_slice %arg2[%dma_start3A_76, %dma_start3A_77] : memref<10000x128xf32, #tpu.memory_space<hbm>> -> memref<520x128xf32, #tpu.memory_space<hbm>>
          tpu.enqueue_dma source(%dma_start3A_78 : memref<520x128xf32, #tpu.memory_space<hbm>>) target(%dma_start3A_75 : memref<520x128xf32, #tpu.memory_space<vmem_shared>>) target_semaphore(%run_scoped3A : memref<!tpu.dma_semaphore, #tpu.memory_space<semaphore_mem>>)
          %dma_wait3A = arith.constant 9480 : i32
          %dma_wait3A_79 = arith.constant 0 : i32
          %dma_wait3A_80 = tpu.memref_slice %arg10[%dma_wait3A, %dma_wait3A_79] : memref<10112x128xf32, #tpu.memory_space<vmem_shared>> -> memref<520x128xf32, #tpu.memory_space<vmem_shared>>
          %dma_wait3A_81 = arith.constant 9480 : i32
          %dma_wait3A_82 = arith.constant 0 : i32
          %dma_wait3A_83 = tpu.memref_slice %arg2[%dma_wait3A_81, %dma_wait3A_82] : memref<10000x128xf32, #tpu.memory_space<hbm>> -> memref<520x128xf32, #tpu.memory_space<hbm>>
          tpu.wait_dma2 semaphore(%run_scoped3A : memref<!tpu.dma_semaphore, #tpu.memory_space<semaphore_mem>>) src(%dma_wait3A_83 : memref<520x128xf32, #tpu.memory_space<hbm>>) dst(%dma_wait3A_80 : memref<520x128xf32, #tpu.memory_space<vmem_shared>>)
          tpu.yield
        }) : () -> ()
        "tpu.region"() ({
          %run_scoped3A = tpu.sem_alloc : memref<!tpu.dma_semaphore, #tpu.memory_space<semaphore_mem>>
          %dma_start3A_73 = arith.constant 0 : i32
          %dma_start3A_74 = arith.constant 0 : i32
          %dma_start3A_75 = tpu.memref_slice %arg9[%dma_start3A_73, %dma_start3A_74] : memref<128x128xf32, #tpu.memory_space<vmem>> -> memref<112x128xf32, #tpu.memory_space<vmem>>
          %dma_start3A_76 = arith.constant 10000 : i32
          %dma_start3A_77 = arith.constant 0 : i32
          %dma_start3A_78 = tpu.memref_slice %arg10[%dma_start3A_76, %dma_start3A_77] : memref<10112x128xf32, #tpu.memory_space<vmem_shared>> -> memref<112x128xf32, #tpu.memory_space<vmem_shared>>
          %dma_start3A_79 = arith.constant 10000 : i32
          %dma_start3A_80 = arith.constant 0 : i32
          %dma_start3A_81 = tpu.memref_slice %arg10[%dma_start3A_79, %dma_start3A_80] : memref<10112x128xf32, #tpu.memory_space<vmem_shared>> -> memref<112x128xf32, #tpu.memory_space<vmem_shared>>
          %dma_start3A_82 = arith.constant 0 : i32
          %dma_start3A_83 = arith.constant 0 : i32
          %dma_start3A_84 = tpu.memref_slice %arg9[%dma_start3A_82, %dma_start3A_83] : memref<128x128xf32, #tpu.memory_space<vmem>> -> memref<112x128xf32, #tpu.memory_space<vmem>>
          tpu.enqueue_dma source(%dma_start3A_84 : memref<112x128xf32, #tpu.memory_space<vmem>>) target(%dma_start3A_81 : memref<112x128xf32, #tpu.memory_space<vmem_shared>>) target_semaphore(%run_scoped3A : memref<!tpu.dma_semaphore, #tpu.memory_space<semaphore_mem>>)
          %dma_wait3A = arith.constant 0 : i32
          %dma_wait3A_85 = arith.constant 0 : i32
          %dma_wait3A_86 = tpu.memref_slice %arg9[%dma_wait3A, %dma_wait3A_85] : memref<128x128xf32, #tpu.memory_space<vmem>> -> memref<112x128xf32, #tpu.memory_space<vmem>>
          %dma_wait3A_87 = arith.constant 10000 : i32
          %dma_wait3A_88 = arith.constant 0 : i32
          %dma_wait3A_89 = tpu.memref_slice %arg10[%dma_wait3A_87, %dma_wait3A_88] : memref<10112x128xf32, #tpu.memory_space<vmem_shared>> -> memref<112x128xf32, #tpu.memory_space<vmem_shared>>
          %dma_wait3A_90 = arith.constant 10000 : i32
          %dma_wait3A_91 = arith.constant 0 : i32
          %dma_wait3A_92 = tpu.memref_slice %arg10[%dma_wait3A_90, %dma_wait3A_91] : memref<10112x128xf32, #tpu.memory_space<vmem_shared>> -> memref<112x128xf32, #tpu.memory_space<vmem_shared>>
          %dma_wait3A_93 = arith.constant 0 : i32
          %dma_wait3A_94 = arith.constant 0 : i32
          %dma_wait3A_95 = tpu.memref_slice %arg9[%dma_wait3A_93, %dma_wait3A_94] : memref<128x128xf32, #tpu.memory_space<vmem>> -> memref<112x128xf32, #tpu.memory_space<vmem>>
          tpu.wait_dma2 semaphore(%run_scoped3A : memref<!tpu.dma_semaphore, #tpu.memory_space<semaphore_mem>>) src(%dma_wait3A_95 : memref<112x128xf32, #tpu.memory_space<vmem>>) dst(%dma_wait3A_92 : memref<112x128xf32, #tpu.memory_space<vmem_shared>>)
          tpu.yield
        }) : () -> ()
      } else {
      }
    } else {
    }
    %eq3A_14 = arith.constant 1 : i32
    %eq3A_15 = arith.cmpi eq, %arg0, %eq3A_14 : i32
    %convert_element_type3A_16 = arith.extui %eq3A_15 : i1 to i32
    %cond3A_17 = arith.constant 0 : i32
    %cond3A_18 = arith.cmpi ne, %convert_element_type3A_16, %cond3A_17 : i32
    scf.if %cond3A_18 {
      %mul3A_55 = arith.constant 632 : i32
      %mul3A_56 = arith.muli %arg1, %mul3A_55 : i32
      %add3A_57 = arith.constant 0 : i32
      %add3A_58 = arith.addi %mul3A_56, %add3A_57 : i32
      "tpu.region"() ({
        %run_scoped3A = tpu.sem_alloc : memref<!tpu.dma_semaphore, #tpu.memory_space<semaphore_mem>>
        %dma_start3A_75 = arith.constant 0 : i32
        %dma_start3A_76 = tpu.memref_slice %arg10[%add3A_58, %dma_start3A_75] : memref<10112x128xf32, #tpu.memory_space<vmem_shared>> -> memref<128x128xf32, #tpu.memory_space<vmem_shared>>
        %dma_start3A_77 = arith.constant 0 : i32
        %dma_start3A_78 = tpu.memref_slice %arg10[%add3A_58, %dma_start3A_77] : memref<10112x128xf32, #tpu.memory_space<vmem_shared>> -> memref<128x128xf32, #tpu.memory_space<vmem_shared>>
        tpu.enqueue_dma source(%arg9 : memref<128x128xf32, #tpu.memory_space<vmem>>) target(%dma_start3A_78 : memref<128x128xf32, #tpu.memory_space<vmem_shared>>) target_semaphore(%run_scoped3A : memref<!tpu.dma_semaphore, #tpu.memory_space<semaphore_mem>>)
        %dma_wait3A = arith.constant 0 : i32
        %dma_wait3A_79 = tpu.memref_slice %arg10[%add3A_58, %dma_wait3A] : memref<10112x128xf32, #tpu.memory_space<vmem_shared>> -> memref<128x128xf32, #tpu.memory_space<vmem_shared>>
        %dma_wait3A_80 = arith.constant 0 : i32
        %dma_wait3A_81 = tpu.memref_slice %arg10[%add3A_58, %dma_wait3A_80] : memref<10112x128xf32, #tpu.memory_space<vmem_shared>> -> memref<128x128xf32, #tpu.memory_space<vmem_shared>>
        tpu.wait_dma2 semaphore(%run_scoped3A : memref<!tpu.dma_semaphore, #tpu.memory_space<semaphore_mem>>) src(%arg9 : memref<128x128xf32, #tpu.memory_space<vmem>>) dst(%dma_wait3A_81 : memref<128x128xf32, #tpu.memory_space<vmem_shared>>)
        tpu.yield
      }) : () -> ()
      %mul3A_59 = arith.constant 632 : i32
      %mul3A_60 = arith.muli %arg1, %mul3A_59 : i32
      %add3A_61 = arith.constant 128 : i32
      %add3A_62 = arith.addi %mul3A_60, %add3A_61 : i32
      "tpu.region"() ({
        %run_scoped3A = tpu.sem_alloc : memref<!tpu.dma_semaphore, #tpu.memory_space<semaphore_mem>>
        %dma_start3A_75 = arith.constant 0 : i32
        %dma_start3A_76 = tpu.memref_slice %arg10[%add3A_62, %dma_start3A_75] : memref<10112x128xf32, #tpu.memory_space<vmem_shared>> -> memref<128x128xf32, #tpu.memory_space<vmem_shared>>
        %dma_start3A_77 = arith.constant 0 : i32
        %dma_start3A_78 = tpu.memref_slice %arg10[%add3A_62, %dma_start3A_77] : memref<10112x128xf32, #tpu.memory_space<vmem_shared>> -> memref<128x128xf32, #tpu.memory_space<vmem_shared>>
        tpu.enqueue_dma source(%arg9 : memref<128x128xf32, #tpu.memory_space<vmem>>) target(%dma_start3A_78 : memref<128x128xf32, #tpu.memory_space<vmem_shared>>) target_semaphore(%run_scoped3A : memref<!tpu.dma_semaphore, #tpu.memory_space<semaphore_mem>>)
        %dma_wait3A = arith.constant 0 : i32
        %dma_wait3A_79 = tpu.memref_slice %arg10[%add3A_62, %dma_wait3A] : memref<10112x128xf32, #tpu.memory_space<vmem_shared>> -> memref<128x128xf32, #tpu.memory_space<vmem_shared>>
        %dma_wait3A_80 = arith.constant 0 : i32
        %dma_wait3A_81 = tpu.memref_slice %arg10[%add3A_62, %dma_wait3A_80] : memref<10112x128xf32, #tpu.memory_space<vmem_shared>> -> memref<128x128xf32, #tpu.memory_space<vmem_shared>>
        tpu.wait_dma2 semaphore(%run_scoped3A : memref<!tpu.dma_semaphore, #tpu.memory_space<semaphore_mem>>) src(%arg9 : memref<128x128xf32, #tpu.memory_space<vmem>>) dst(%dma_wait3A_81 : memref<128x128xf32, #tpu.memory_space<vmem_shared>>)
        tpu.yield
      }) : () -> ()
      %mul3A_63 = arith.constant 632 : i32
      %mul3A_64 = arith.muli %arg1, %mul3A_63 : i32
      %add3A_65 = arith.constant 256 : i32
      %add3A_66 = arith.addi %mul3A_64, %add3A_65 : i32
      "tpu.region"() ({
        %run_scoped3A = tpu.sem_alloc : memref<!tpu.dma_semaphore, #tpu.memory_space<semaphore_mem>>
        %dma_start3A_75 = arith.constant 0 : i32
        %dma_start3A_76 = tpu.memref_slice %arg10[%add3A_66, %dma_start3A_75] : memref<10112x128xf32, #tpu.memory_space<vmem_shared>> -> memref<128x128xf32, #tpu.memory_space<vmem_shared>>
        %dma_start3A_77 = arith.constant 0 : i32
        %dma_start3A_78 = tpu.memref_slice %arg10[%add3A_66, %dma_start3A_77] : memref<10112x128xf32, #tpu.memory_space<vmem_shared>> -> memref<128x128xf32, #tpu.memory_space<vmem_shared>>
        tpu.enqueue_dma source(%arg9 : memref<128x128xf32, #tpu.memory_space<vmem>>) target(%dma_start3A_78 : memref<128x128xf32, #tpu.memory_space<vmem_shared>>) target_semaphore(%run_scoped3A : memref<!tpu.dma_semaphore, #tpu.memory_space<semaphore_mem>>)
        %dma_wait3A = arith.constant 0 : i32
        %dma_wait3A_79 = tpu.memref_slice %arg10[%add3A_66, %dma_wait3A] : memref<10112x128xf32, #tpu.memory_space<vmem_shared>> -> memref<128x128xf32, #tpu.memory_space<vmem_shared>>
        %dma_wait3A_80 = arith.constant 0 : i32
        %dma_wait3A_81 = tpu.memref_slice %arg10[%add3A_66, %dma_wait3A_80] : memref<10112x128xf32, #tpu.memory_space<vmem_shared>> -> memref<128x128xf32, #tpu.memory_space<vmem_shared>>
        tpu.wait_dma2 semaphore(%run_scoped3A : memref<!tpu.dma_semaphore, #tpu.memory_space<semaphore_mem>>) src(%arg9 : memref<128x128xf32, #tpu.memory_space<vmem>>) dst(%dma_wait3A_81 : memref<128x128xf32, #tpu.memory_space<vmem_shared>>)
        tpu.yield
      }) : () -> ()
      %mul3A_67 = arith.constant 632 : i32
      %mul3A_68 = arith.muli %arg1, %mul3A_67 : i32
      %add3A_69 = arith.constant 384 : i32
      %add3A_70 = arith.addi %mul3A_68, %add3A_69 : i32
      "tpu.region"() ({
        %run_scoped3A = tpu.sem_alloc : memref<!tpu.dma_semaphore, #tpu.memory_space<semaphore_mem>>
        %dma_start3A_75 = arith.constant 0 : i32
        %dma_start3A_76 = tpu.memref_slice %arg10[%add3A_70, %dma_start3A_75] : memref<10112x128xf32, #tpu.memory_space<vmem_shared>> -> memref<128x128xf32, #tpu.memory_space<vmem_shared>>
        %dma_start3A_77 = arith.constant 0 : i32
        %dma_start3A_78 = tpu.memref_slice %arg10[%add3A_70, %dma_start3A_77] : memref<10112x128xf32, #tpu.memory_space<vmem_shared>> -> memref<128x128xf32, #tpu.memory_space<vmem_shared>>
        tpu.enqueue_dma source(%arg9 : memref<128x128xf32, #tpu.memory_space<vmem>>) target(%dma_start3A_78 : memref<128x128xf32, #tpu.memory_space<vmem_shared>>) target_semaphore(%run_scoped3A : memref<!tpu.dma_semaphore, #tpu.memory_space<semaphore_mem>>)
        %dma_wait3A = arith.constant 0 : i32
        %dma_wait3A_79 = tpu.memref_slice %arg10[%add3A_70, %dma_wait3A] : memref<10112x128xf32, #tpu.memory_space<vmem_shared>> -> memref<128x128xf32, #tpu.memory_space<vmem_shared>>
        %dma_wait3A_80 = arith.constant 0 : i32
        %dma_wait3A_81 = tpu.memref_slice %arg10[%add3A_70, %dma_wait3A_80] : memref<10112x128xf32, #tpu.memory_space<vmem_shared>> -> memref<128x128xf32, #tpu.memory_space<vmem_shared>>
        tpu.wait_dma2 semaphore(%run_scoped3A : memref<!tpu.dma_semaphore, #tpu.memory_space<semaphore_mem>>) src(%arg9 : memref<128x128xf32, #tpu.memory_space<vmem>>) dst(%dma_wait3A_81 : memref<128x128xf32, #tpu.memory_space<vmem_shared>>)
        tpu.yield
      }) : () -> ()
      %mul3A_71 = arith.constant 632 : i32
      %mul3A_72 = arith.muli %arg1, %mul3A_71 : i32
      %add3A_73 = arith.constant 512 : i32
      %add3A_74 = arith.addi %mul3A_72, %add3A_73 : i32
      "tpu.region"() ({
        %run_scoped3A = tpu.sem_alloc : memref<!tpu.dma_semaphore, #tpu.memory_space<semaphore_mem>>
        %dma_start3A_75 = arith.constant 0 : i32
        %dma_start3A_76 = arith.constant 0 : i32
        %dma_start3A_77 = tpu.memref_slice %arg9[%dma_start3A_75, %dma_start3A_76] : memref<128x128xf32, #tpu.memory_space<vmem>> -> memref<120x128xf32, #tpu.memory_space<vmem>>
        %dma_start3A_78 = arith.constant 0 : i32
        %dma_start3A_79 = tpu.memref_slice %arg10[%add3A_74, %dma_start3A_78] : memref<10112x128xf32, #tpu.memory_space<vmem_shared>> -> memref<120x128xf32, #tpu.memory_space<vmem_shared>>
        %dma_start3A_80 = arith.constant 0 : i32
        %dma_start3A_81 = tpu.memref_slice %arg10[%add3A_74, %dma_start3A_80] : memref<10112x128xf32, #tpu.memory_space<vmem_shared>> -> memref<120x128xf32, #tpu.memory_space<vmem_shared>>
        %dma_start3A_82 = arith.constant 0 : i32
        %dma_start3A_83 = arith.constant 0 : i32
        %dma_start3A_84 = tpu.memref_slice %arg9[%dma_start3A_82, %dma_start3A_83] : memref<128x128xf32, #tpu.memory_space<vmem>> -> memref<120x128xf32, #tpu.memory_space<vmem>>
        tpu.enqueue_dma source(%dma_start3A_84 : memref<120x128xf32, #tpu.memory_space<vmem>>) target(%dma_start3A_81 : memref<120x128xf32, #tpu.memory_space<vmem_shared>>) target_semaphore(%run_scoped3A : memref<!tpu.dma_semaphore, #tpu.memory_space<semaphore_mem>>)
        %dma_wait3A = arith.constant 0 : i32
        %dma_wait3A_85 = arith.constant 0 : i32
        %dma_wait3A_86 = tpu.memref_slice %arg9[%dma_wait3A, %dma_wait3A_85] : memref<128x128xf32, #tpu.memory_space<vmem>> -> memref<120x128xf32, #tpu.memory_space<vmem>>
        %dma_wait3A_87 = arith.constant 0 : i32
        %dma_wait3A_88 = tpu.memref_slice %arg10[%add3A_74, %dma_wait3A_87] : memref<10112x128xf32, #tpu.memory_space<vmem_shared>> -> memref<120x128xf32, #tpu.memory_space<vmem_shared>>
        %dma_wait3A_89 = arith.constant 0 : i32
        %dma_wait3A_90 = tpu.memref_slice %arg10[%add3A_74, %dma_wait3A_89] : memref<10112x128xf32, #tpu.memory_space<vmem_shared>> -> memref<120x128xf32, #tpu.memory_space<vmem_shared>>
        %dma_wait3A_91 = arith.constant 0 : i32
        %dma_wait3A_92 = arith.constant 0 : i32
        %dma_wait3A_93 = tpu.memref_slice %arg9[%dma_wait3A_91, %dma_wait3A_92] : memref<128x128xf32, #tpu.memory_space<vmem>> -> memref<120x128xf32, #tpu.memory_space<vmem>>
        tpu.wait_dma2 semaphore(%run_scoped3A : memref<!tpu.dma_semaphore, #tpu.memory_space<semaphore_mem>>) src(%dma_wait3A_93 : memref<120x128xf32, #tpu.memory_space<vmem>>) dst(%dma_wait3A_90 : memref<120x128xf32, #tpu.memory_space<vmem_shared>>)
        tpu.yield
      }) : () -> ()
    } else {
    }
    %barrier3A = arith.constant 0 : index
    tpu.barrier barrier_id(%barrier3A)
    %scan3A_19 = arith.constant 0 : i32
    %scan3A_20 = arith.constant 0 : i32
    %scan3A_21 = arith.constant 20 : i32
    %scan3A_22 = arith.addi %scan3A_20, %scan3A_21 : i32
    %scan3A_23 = arith.constant 1 : i32
    scf.for %scan3A_55 = %scan3A_20 to %scan3A_22 step %scan3A_23  : i32 {
      %mul3A_56 = arith.constant 2 : i32
      %mul3A_57 = arith.muli %mul3A_56, %scan3A_55 : i32
      %add3A_58 = arith.constant 1 : i32
      %add3A_59 = arith.addi %mul3A_57, %add3A_58 : i32
      %dma_start3A_60 = arith.constant 0 : i32
      %dma_start3A_61 = tpu.memref_slice %arg6[%add3A_59, %dma_start3A_60] : memref<40x128xi32, #tpu.memory_space<vmem>> -> memref<1x128xi32, #tpu.memory_space<vmem>>
      %dma_start3A_62 = tpu.memref_squeeze %dma_start3A_61 : memref<1x128xi32, #tpu.memory_space<vmem>> -> memref<128xi32, #tpu.memory_space<vmem>>
      %dma_start3A_63 = arith.constant 0 : i32
      %dma_start3A_64 = arith.constant 0 : i32
      %dma_start3A_65 = tpu.memref_slice %arg2[%dma_start3A_63, %dma_start3A_64] : memref<10000x128xf32, #tpu.memory_space<hbm>> -> memref<10000x128xf32, #tpu.memory_space<hbm>>
      tpu.enqueue_indirect_dma source(%dma_start3A_65 : memref<10000x128xf32, #tpu.memory_space<hbm>>) target(%arg9 : memref<128x128xf32, #tpu.memory_space<vmem>>) offsets(%dma_start3A_62 : memref<128xi32, #tpu.memory_space<vmem>>) semaphore(%arg12 : memref<!tpu.dma_semaphore, #tpu.memory_space<semaphore_mem>>)
      %dma_wait3A = arith.constant 0 : i32
      %dma_wait3A_66 = tpu.memref_slice %arg6[%mul3A_57, %dma_wait3A] : memref<40x128xi32, #tpu.memory_space<vmem>> -> memref<1x128xi32, #tpu.memory_space<vmem>>
      %dma_wait3A_67 = tpu.memref_squeeze %dma_wait3A_66 : memref<1x128xi32, #tpu.memory_space<vmem>> -> memref<128xi32, #tpu.memory_space<vmem>>
      %dma_wait3A_68 = arith.constant 0 : i32
      %dma_wait3A_69 = arith.constant 0 : i32
      %dma_wait3A_70 = tpu.memref_slice %arg2[%dma_wait3A_68, %dma_wait3A_69] : memref<10000x128xf32, #tpu.memory_space<hbm>> -> memref<10000x128xf32, #tpu.memory_space<hbm>>
      tpu.wait_indirect_dma semaphore(%arg11 : memref<!tpu.dma_semaphore, #tpu.memory_space<semaphore_mem>>) src(%dma_wait3A_70 : memref<10000x128xf32, #tpu.memory_space<hbm>>) dst(%arg8 : memref<128x128xf32, #tpu.memory_space<vmem>>)
      "tpu.region"() ({
        %run_scoped3A = tpu.sem_alloc : memref<!tpu.dma_semaphore, #tpu.memory_space<semaphore_mem>>
        %dma_start3A_87 = arith.constant 0 : i32
        %dma_start3A_88 = tpu.memref_slice %arg7[%mul3A_57, %dma_start3A_87] : memref<40x128xi32, #tpu.memory_space<vmem>> -> memref<1x128xi32, #tpu.memory_space<vmem>>
        %dma_start3A_89 = tpu.memref_squeeze %dma_start3A_88 : memref<1x128xi32, #tpu.memory_space<vmem>> -> memref<128xi32, #tpu.memory_space<vmem>>
        %dma_start3A_90 = arith.constant 0 : i32
        %dma_start3A_91 = arith.constant 0 : i32
        %dma_start3A_92 = tpu.memref_slice %arg10[%dma_start3A_90, %dma_start3A_91] : memref<10112x128xf32, #tpu.memory_space<vmem_shared>> -> memref<10112x128xf32, #tpu.memory_space<vmem_shared>>
        tpu.enqueue_indirect_dma source(%arg8 : memref<128x128xf32, #tpu.memory_space<vmem>>) target(%dma_start3A_92 : memref<10112x128xf32, #tpu.memory_space<vmem_shared>>) offsets(%dma_start3A_89 : memref<128xi32, #tpu.memory_space<vmem>>) semaphore(%run_scoped3A : memref<!tpu.dma_semaphore, #tpu.memory_space<semaphore_mem>>) {add = true}
        %dma_wait3A_93 = arith.constant 0 : i32
        %dma_wait3A_94 = tpu.memref_slice %arg7[%mul3A_57, %dma_wait3A_93] : memref<40x128xi32, #tpu.memory_space<vmem>> -> memref<1x128xi32, #tpu.memory_space<vmem>>
        %dma_wait3A_95 = tpu.memref_squeeze %dma_wait3A_94 : memref<1x128xi32, #tpu.memory_space<vmem>> -> memref<128xi32, #tpu.memory_space<vmem>>
        %dma_wait3A_96 = arith.constant 0 : i32
        %dma_wait3A_97 = arith.constant 0 : i32
        %dma_wait3A_98 = tpu.memref_slice %arg10[%dma_wait3A_96, %dma_wait3A_97] : memref<10112x128xf32, #tpu.memory_space<vmem_shared>> -> memref<10112x128xf32, #tpu.memory_space<vmem_shared>>
        tpu.wait_indirect_dma semaphore(%run_scoped3A : memref<!tpu.dma_semaphore, #tpu.memory_space<semaphore_mem>>) src(%arg8 : memref<128x128xf32, #tpu.memory_space<vmem>>) dst(%dma_wait3A_98 : memref<10112x128xf32, #tpu.memory_space<vmem_shared>>)
        tpu.yield
      }) : () -> ()
      %add3A_71 = arith.constant 2 : i32
      %add3A_72 = arith.addi %mul3A_57, %add3A_71 : i32
      %lt3A = arith.constant 40 : i32
      %lt3A_73 = arith.cmpi slt, %add3A_72, %lt3A : i32
      %convert_element_type3A_74 = arith.extui %lt3A_73 : i1 to i32
      %cond3A_75 = arith.constant 0 : i32
      %cond3A_76 = arith.cmpi ne, %convert_element_type3A_74, %cond3A_75 : i32
      scf.if %cond3A_76 {
        %add3A_87 = arith.constant 2 : i32
        %add3A_88 = arith.addi %mul3A_57, %add3A_87 : i32
        %dma_start3A_89 = arith.constant 0 : i32
        %dma_start3A_90 = tpu.memref_slice %arg6[%add3A_88, %dma_start3A_89] : memref<40x128xi32, #tpu.memory_space<vmem>> -> memref<1x128xi32, #tpu.memory_space<vmem>>
        %dma_start3A_91 = tpu.memref_squeeze %dma_start3A_90 : memref<1x128xi32, #tpu.memory_space<vmem>> -> memref<128xi32, #tpu.memory_space<vmem>>
        %dma_start3A_92 = arith.constant 0 : i32
        %dma_start3A_93 = arith.constant 0 : i32
        %dma_start3A_94 = tpu.memref_slice %arg2[%dma_start3A_92, %dma_start3A_93] : memref<10000x128xf32, #tpu.memory_space<hbm>> -> memref<10000x128xf32, #tpu.memory_space<hbm>>
        tpu.enqueue_indirect_dma source(%dma_start3A_94 : memref<10000x128xf32, #tpu.memory_space<hbm>>) target(%arg8 : memref<128x128xf32, #tpu.memory_space<vmem>>) offsets(%dma_start3A_91 : memref<128xi32, #tpu.memory_space<vmem>>) semaphore(%arg11 : memref<!tpu.dma_semaphore, #tpu.memory_space<semaphore_mem>>)
      } else {
      }
      %add3A_77 = arith.constant 1 : i32
      %add3A_78 = arith.addi %mul3A_57, %add3A_77 : i32
      %dma_wait3A_79 = arith.constant 0 : i32
      %dma_wait3A_80 = tpu.memref_slice %arg6[%add3A_78, %dma_wait3A_79] : memref<40x128xi32, #tpu.memory_space<vmem>> -> memref<1x128xi32, #tpu.memory_space<vmem>>
      %dma_wait3A_81 = tpu.memref_squeeze %dma_wait3A_80 : memref<1x128xi32, #tpu.memory_space<vmem>> -> memref<128xi32, #tpu.memory_space<vmem>>
      %dma_wait3A_82 = arith.constant 0 : i32
      %dma_wait3A_83 = arith.constant 0 : i32
      %dma_wait3A_84 = tpu.memref_slice %arg2[%dma_wait3A_82, %dma_wait3A_83] : memref<10000x128xf32, #tpu.memory_space<hbm>> -> memref<10000x128xf32, #tpu.memory_space<hbm>>
      tpu.wait_indirect_dma semaphore(%arg12 : memref<!tpu.dma_semaphore, #tpu.memory_space<semaphore_mem>>) src(%dma_wait3A_84 : memref<10000x128xf32, #tpu.memory_space<hbm>>) dst(%arg9 : memref<128x128xf32, #tpu.memory_space<vmem>>)
      %add3A_85 = arith.constant 1 : i32
      %add3A_86 = arith.addi %mul3A_57, %add3A_85 : i32
      "tpu.region"() ({
        %run_scoped3A = tpu.sem_alloc : memref<!tpu.dma_semaphore, #tpu.memory_space<semaphore_mem>>
        %dma_start3A_87 = arith.constant 0 : i32
        %dma_start3A_88 = tpu.memref_slice %arg7[%add3A_86, %dma_start3A_87] : memref<40x128xi32, #tpu.memory_space<vmem>> -> memref<1x128xi32, #tpu.memory_space<vmem>>
        %dma_start3A_89 = tpu.memref_squeeze %dma_start3A_88 : memref<1x128xi32, #tpu.memory_space<vmem>> -> memref<128xi32, #tpu.memory_space<vmem>>
        %dma_start3A_90 = arith.constant 0 : i32
        %dma_start3A_91 = arith.constant 0 : i32
        %dma_start3A_92 = tpu.memref_slice %arg10[%dma_start3A_90, %dma_start3A_91] : memref<10112x128xf32, #tpu.memory_space<vmem_shared>> -> memref<10112x128xf32, #tpu.memory_space<vmem_shared>>
        tpu.enqueue_indirect_dma source(%arg9 : memref<128x128xf32, #tpu.memory_space<vmem>>) target(%dma_start3A_92 : memref<10112x128xf32, #tpu.memory_space<vmem_shared>>) offsets(%dma_start3A_89 : memref<128xi32, #tpu.memory_space<vmem>>) semaphore(%run_scoped3A : memref<!tpu.dma_semaphore, #tpu.memory_space<semaphore_mem>>) {add = true}
        %dma_wait3A_93 = arith.constant 0 : i32
        %dma_wait3A_94 = tpu.memref_slice %arg7[%add3A_86, %dma_wait3A_93] : memref<40x128xi32, #tpu.memory_space<vmem>> -> memref<1x128xi32, #tpu.memory_space<vmem>>
        %dma_wait3A_95 = tpu.memref_squeeze %dma_wait3A_94 : memref<1x128xi32, #tpu.memory_space<vmem>> -> memref<128xi32, #tpu.memory_space<vmem>>
        %dma_wait3A_96 = arith.constant 0 : i32
        %dma_wait3A_97 = arith.constant 0 : i32
        %dma_wait3A_98 = tpu.memref_slice %arg10[%dma_wait3A_96, %dma_wait3A_97] : memref<10112x128xf32, #tpu.memory_space<vmem_shared>> -> memref<10112x128xf32, #tpu.memory_space<vmem_shared>>
        tpu.wait_indirect_dma semaphore(%run_scoped3A : memref<!tpu.dma_semaphore, #tpu.memory_space<semaphore_mem>>) src(%arg9 : memref<128x128xf32, #tpu.memory_space<vmem>>) dst(%dma_wait3A_98 : memref<10112x128xf32, #tpu.memory_space<vmem_shared>>)
        tpu.yield
      }) : () -> ()
    }
    %scan3A_24 = arith.constant 20 : i32
    "tpu.region"() ({
      %run_scoped3A = tpu.sem_alloc : memref<!tpu.dma_semaphore, #tpu.memory_space<semaphore_mem>>
      %dma_start3A_55 = arith.constant 40 : i32
      %dma_start3A_56 = arith.constant 0 : i32
      %dma_start3A_57 = tpu.memref_slice %arg3[%add3A, %dma_start3A_55, %dma_start3A_56] : memref<32x80x128xi32, #tpu.memory_space<hbm>> -> memref<1x40x128xi32, #tpu.memory_space<hbm>>
      %dma_start3A_58 = tpu.memref_squeeze %dma_start3A_57 : memref<1x40x128xi32, #tpu.memory_space<hbm>> -> memref<40x128xi32, #tpu.memory_space<hbm>>
      %dma_start3A_59 = arith.constant 40 : i32
      %dma_start3A_60 = arith.constant 0 : i32
      %dma_start3A_61 = tpu.memref_slice %arg3[%add3A, %dma_start3A_59, %dma_start3A_60] : memref<32x80x128xi32, #tpu.memory_space<hbm>> -> memref<1x40x128xi32, #tpu.memory_space<hbm>>
      %dma_start3A_62 = tpu.memref_squeeze %dma_start3A_61 : memref<1x40x128xi32, #tpu.memory_space<hbm>> -> memref<40x128xi32, #tpu.memory_space<hbm>>
      tpu.enqueue_dma source(%dma_start3A_62 : memref<40x128xi32, #tpu.memory_space<hbm>>) target(%arg6 : memref<40x128xi32, #tpu.memory_space<vmem>>) target_semaphore(%run_scoped3A : memref<!tpu.dma_semaphore, #tpu.memory_space<semaphore_mem>>)
      %dma_wait3A = arith.constant 40 : i32
      %dma_wait3A_63 = arith.constant 0 : i32
      %dma_wait3A_64 = tpu.memref_slice %arg3[%add3A, %dma_wait3A, %dma_wait3A_63] : memref<32x80x128xi32, #tpu.memory_space<hbm>> -> memref<1x40x128xi32, #tpu.memory_space<hbm>>
      %dma_wait3A_65 = tpu.memref_squeeze %dma_wait3A_64 : memref<1x40x128xi32, #tpu.memory_space<hbm>> -> memref<40x128xi32, #tpu.memory_space<hbm>>
      %dma_wait3A_66 = arith.constant 40 : i32
      %dma_wait3A_67 = arith.constant 0 : i32
      %dma_wait3A_68 = tpu.memref_slice %arg3[%add3A, %dma_wait3A_66, %dma_wait3A_67] : memref<32x80x128xi32, #tpu.memory_space<hbm>> -> memref<1x40x128xi32, #tpu.memory_space<hbm>>
      %dma_wait3A_69 = tpu.memref_squeeze %dma_wait3A_68 : memref<1x40x128xi32, #tpu.memory_space<hbm>> -> memref<40x128xi32, #tpu.memory_space<hbm>>
      tpu.wait_dma2 semaphore(%run_scoped3A : memref<!tpu.dma_semaphore, #tpu.memory_space<semaphore_mem>>) src(%dma_wait3A_69 : memref<40x128xi32, #tpu.memory_space<hbm>>) dst(%arg6 : memref<40x128xi32, #tpu.memory_space<vmem>>)
      tpu.yield
    }) : () -> ()
    "tpu.region"() ({
      %run_scoped3A = tpu.sem_alloc : memref<!tpu.dma_semaphore, #tpu.memory_space<semaphore_mem>>
      %dma_start3A_55 = arith.constant 40 : i32
      %dma_start3A_56 = arith.constant 0 : i32
      %dma_start3A_57 = tpu.memref_slice %arg4[%add3A, %dma_start3A_55, %dma_start3A_56] : memref<32x80x128xi32, #tpu.memory_space<hbm>> -> memref<1x40x128xi32, #tpu.memory_space<hbm>>
      %dma_start3A_58 = tpu.memref_squeeze %dma_start3A_57 : memref<1x40x128xi32, #tpu.memory_space<hbm>> -> memref<40x128xi32, #tpu.memory_space<hbm>>
      %dma_start3A_59 = arith.constant 40 : i32
      %dma_start3A_60 = arith.constant 0 : i32
      %dma_start3A_61 = tpu.memref_slice %arg4[%add3A, %dma_start3A_59, %dma_start3A_60] : memref<32x80x128xi32, #tpu.memory_space<hbm>> -> memref<1x40x128xi32, #tpu.memory_space<hbm>>
      %dma_start3A_62 = tpu.memref_squeeze %dma_start3A_61 : memref<1x40x128xi32, #tpu.memory_space<hbm>> -> memref<40x128xi32, #tpu.memory_space<hbm>>
      tpu.enqueue_dma source(%dma_start3A_62 : memref<40x128xi32, #tpu.memory_space<hbm>>) target(%arg7 : memref<40x128xi32, #tpu.memory_space<vmem>>) target_semaphore(%run_scoped3A : memref<!tpu.dma_semaphore, #tpu.memory_space<semaphore_mem>>)
      %dma_wait3A = arith.constant 40 : i32
      %dma_wait3A_63 = arith.constant 0 : i32
      %dma_wait3A_64 = tpu.memref_slice %arg4[%add3A, %dma_wait3A, %dma_wait3A_63] : memref<32x80x128xi32, #tpu.memory_space<hbm>> -> memref<1x40x128xi32, #tpu.memory_space<hbm>>
      %dma_wait3A_65 = tpu.memref_squeeze %dma_wait3A_64 : memref<1x40x128xi32, #tpu.memory_space<hbm>> -> memref<40x128xi32, #tpu.memory_space<hbm>>
      %dma_wait3A_66 = arith.constant 40 : i32
      %dma_wait3A_67 = arith.constant 0 : i32
      %dma_wait3A_68 = tpu.memref_slice %arg4[%add3A, %dma_wait3A_66, %dma_wait3A_67] : memref<32x80x128xi32, #tpu.memory_space<hbm>> -> memref<1x40x128xi32, #tpu.memory_space<hbm>>
      %dma_wait3A_69 = tpu.memref_squeeze %dma_wait3A_68 : memref<1x40x128xi32, #tpu.memory_space<hbm>> -> memref<40x128xi32, #tpu.memory_space<hbm>>
      tpu.wait_dma2 semaphore(%run_scoped3A : memref<!tpu.dma_semaphore, #tpu.memory_space<semaphore_mem>>) src(%dma_wait3A_69 : memref<40x128xi32, #tpu.memory_space<hbm>>) dst(%arg7 : memref<40x128xi32, #tpu.memory_space<vmem>>)
      tpu.yield
    }) : () -> ()
    %dma_start3A_25 = arith.constant 0 : i32
    %dma_start3A_26 = arith.constant 0 : i32
    %dma_start3A_27 = tpu.memref_slice %arg6[%dma_start3A_25, %dma_start3A_26] : memref<40x128xi32, #tpu.memory_space<vmem>> -> memref<1x128xi32, #tpu.memory_space<vmem>>
    %dma_start3A_28 = tpu.memref_squeeze %dma_start3A_27 : memref<1x128xi32, #tpu.memory_space<vmem>> -> memref<128xi32, #tpu.memory_space<vmem>>
    %dma_start3A_29 = arith.constant 0 : i32
    %dma_start3A_30 = arith.constant 0 : i32
    %dma_start3A_31 = tpu.memref_slice %arg2[%dma_start3A_29, %dma_start3A_30] : memref<10000x128xf32, #tpu.memory_space<hbm>> -> memref<10000x128xf32, #tpu.memory_space<hbm>>
    tpu.enqueue_indirect_dma source(%dma_start3A_31 : memref<10000x128xf32, #tpu.memory_space<hbm>>) target(%arg8 : memref<128x128xf32, #tpu.memory_space<vmem>>) offsets(%dma_start3A_28 : memref<128xi32, #tpu.memory_space<vmem>>) semaphore(%arg11 : memref<!tpu.dma_semaphore, #tpu.memory_space<semaphore_mem>>)
    %scan3A_32 = arith.constant 0 : i32
    %scan3A_33 = arith.constant 0 : i32
    %scan3A_34 = arith.constant 20 : i32
    %scan3A_35 = arith.addi %scan3A_33, %scan3A_34 : i32
    %scan3A_36 = arith.constant 1 : i32
    scf.for %scan3A_55 = %scan3A_33 to %scan3A_35 step %scan3A_36  : i32 {
      %mul3A_56 = arith.constant 2 : i32
      %mul3A_57 = arith.muli %mul3A_56, %scan3A_55 : i32
      %add3A_58 = arith.constant 1 : i32
      %add3A_59 = arith.addi %mul3A_57, %add3A_58 : i32
      %dma_start3A_60 = arith.constant 0 : i32
      %dma_start3A_61 = tpu.memref_slice %arg6[%add3A_59, %dma_start3A_60] : memref<40x128xi32, #tpu.memory_space<vmem>> -> memref<1x128xi32, #tpu.memory_space<vmem>>
      %dma_start3A_62 = tpu.memref_squeeze %dma_start3A_61 : memref<1x128xi32, #tpu.memory_space<vmem>> -> memref<128xi32, #tpu.memory_space<vmem>>
      %dma_start3A_63 = arith.constant 0 : i32
      %dma_start3A_64 = arith.constant 0 : i32
      %dma_start3A_65 = tpu.memref_slice %arg2[%dma_start3A_63, %dma_start3A_64] : memref<10000x128xf32, #tpu.memory_space<hbm>> -> memref<10000x128xf32, #tpu.memory_space<hbm>>
      tpu.enqueue_indirect_dma source(%dma_start3A_65 : memref<10000x128xf32, #tpu.memory_space<hbm>>) target(%arg9 : memref<128x128xf32, #tpu.memory_space<vmem>>) offsets(%dma_start3A_62 : memref<128xi32, #tpu.memory_space<vmem>>) semaphore(%arg12 : memref<!tpu.dma_semaphore, #tpu.memory_space<semaphore_mem>>)
      %dma_wait3A = arith.constant 0 : i32
      %dma_wait3A_66 = tpu.memref_slice %arg6[%mul3A_57, %dma_wait3A] : memref<40x128xi32, #tpu.memory_space<vmem>> -> memref<1x128xi32, #tpu.memory_space<vmem>>
      %dma_wait3A_67 = tpu.memref_squeeze %dma_wait3A_66 : memref<1x128xi32, #tpu.memory_space<vmem>> -> memref<128xi32, #tpu.memory_space<vmem>>
      %dma_wait3A_68 = arith.constant 0 : i32
      %dma_wait3A_69 = arith.constant 0 : i32
      %dma_wait3A_70 = tpu.memref_slice %arg2[%dma_wait3A_68, %dma_wait3A_69] : memref<10000x128xf32, #tpu.memory_space<hbm>> -> memref<10000x128xf32, #tpu.memory_space<hbm>>
      tpu.wait_indirect_dma semaphore(%arg11 : memref<!tpu.dma_semaphore, #tpu.memory_space<semaphore_mem>>) src(%dma_wait3A_70 : memref<10000x128xf32, #tpu.memory_space<hbm>>) dst(%arg8 : memref<128x128xf32, #tpu.memory_space<vmem>>)
      "tpu.region"() ({
        %run_scoped3A = tpu.sem_alloc : memref<!tpu.dma_semaphore, #tpu.memory_space<semaphore_mem>>
        %dma_start3A_87 = arith.constant 0 : i32
        %dma_start3A_88 = tpu.memref_slice %arg7[%mul3A_57, %dma_start3A_87] : memref<40x128xi32, #tpu.memory_space<vmem>> -> memref<1x128xi32, #tpu.memory_space<vmem>>
        %dma_start3A_89 = tpu.memref_squeeze %dma_start3A_88 : memref<1x128xi32, #tpu.memory_space<vmem>> -> memref<128xi32, #tpu.memory_space<vmem>>
        %dma_start3A_90 = arith.constant 0 : i32
        %dma_start3A_91 = arith.constant 0 : i32
        %dma_start3A_92 = tpu.memref_slice %arg10[%dma_start3A_90, %dma_start3A_91] : memref<10112x128xf32, #tpu.memory_space<vmem_shared>> -> memref<10112x128xf32, #tpu.memory_space<vmem_shared>>
        tpu.enqueue_indirect_dma source(%arg8 : memref<128x128xf32, #tpu.memory_space<vmem>>) target(%dma_start3A_92 : memref<10112x128xf32, #tpu.memory_space<vmem_shared>>) offsets(%dma_start3A_89 : memref<128xi32, #tpu.memory_space<vmem>>) semaphore(%run_scoped3A : memref<!tpu.dma_semaphore, #tpu.memory_space<semaphore_mem>>) {add = true}
        %dma_wait3A_93 = arith.constant 0 : i32
        %dma_wait3A_94 = tpu.memref_slice %arg7[%mul3A_57, %dma_wait3A_93] : memref<40x128xi32, #tpu.memory_space<vmem>> -> memref<1x128xi32, #tpu.memory_space<vmem>>
        %dma_wait3A_95 = tpu.memref_squeeze %dma_wait3A_94 : memref<1x128xi32, #tpu.memory_space<vmem>> -> memref<128xi32, #tpu.memory_space<vmem>>
        %dma_wait3A_96 = arith.constant 0 : i32
        %dma_wait3A_97 = arith.constant 0 : i32
        %dma_wait3A_98 = tpu.memref_slice %arg10[%dma_wait3A_96, %dma_wait3A_97] : memref<10112x128xf32, #tpu.memory_space<vmem_shared>> -> memref<10112x128xf32, #tpu.memory_space<vmem_shared>>
        tpu.wait_indirect_dma semaphore(%run_scoped3A : memref<!tpu.dma_semaphore, #tpu.memory_space<semaphore_mem>>) src(%arg8 : memref<128x128xf32, #tpu.memory_space<vmem>>) dst(%dma_wait3A_98 : memref<10112x128xf32, #tpu.memory_space<vmem_shared>>)
        tpu.yield
      }) : () -> ()
      %add3A_71 = arith.constant 2 : i32
      %add3A_72 = arith.addi %mul3A_57, %add3A_71 : i32
      %lt3A = arith.constant 40 : i32
      %lt3A_73 = arith.cmpi slt, %add3A_72, %lt3A : i32
      %convert_element_type3A_74 = arith.extui %lt3A_73 : i1 to i32
      %cond3A_75 = arith.constant 0 : i32
      %cond3A_76 = arith.cmpi ne, %convert_element_type3A_74, %cond3A_75 : i32
      scf.if %cond3A_76 {
        %add3A_87 = arith.constant 2 : i32
        %add3A_88 = arith.addi %mul3A_57, %add3A_87 : i32
        %dma_start3A_89 = arith.constant 0 : i32
        %dma_start3A_90 = tpu.memref_slice %arg6[%add3A_88, %dma_start3A_89] : memref<40x128xi32, #tpu.memory_space<vmem>> -> memref<1x128xi32, #tpu.memory_space<vmem>>
        %dma_start3A_91 = tpu.memref_squeeze %dma_start3A_90 : memref<1x128xi32, #tpu.memory_space<vmem>> -> memref<128xi32, #tpu.memory_space<vmem>>
        %dma_start3A_92 = arith.constant 0 : i32
        %dma_start3A_93 = arith.constant 0 : i32
        %dma_start3A_94 = tpu.memref_slice %arg2[%dma_start3A_92, %dma_start3A_93] : memref<10000x128xf32, #tpu.memory_space<hbm>> -> memref<10000x128xf32, #tpu.memory_space<hbm>>
        tpu.enqueue_indirect_dma source(%dma_start3A_94 : memref<10000x128xf32, #tpu.memory_space<hbm>>) target(%arg8 : memref<128x128xf32, #tpu.memory_space<vmem>>) offsets(%dma_start3A_91 : memref<128xi32, #tpu.memory_space<vmem>>) semaphore(%arg11 : memref<!tpu.dma_semaphore, #tpu.memory_space<semaphore_mem>>)
      } else {
      }
      %add3A_77 = arith.constant 1 : i32
      %add3A_78 = arith.addi %mul3A_57, %add3A_77 : i32
      %dma_wait3A_79 = arith.constant 0 : i32
      %dma_wait3A_80 = tpu.memref_slice %arg6[%add3A_78, %dma_wait3A_79] : memref<40x128xi32, #tpu.memory_space<vmem>> -> memref<1x128xi32, #tpu.memory_space<vmem>>
      %dma_wait3A_81 = tpu.memref_squeeze %dma_wait3A_80 : memref<1x128xi32, #tpu.memory_space<vmem>> -> memref<128xi32, #tpu.memory_space<vmem>>
      %dma_wait3A_82 = arith.constant 0 : i32
      %dma_wait3A_83 = arith.constant 0 : i32
      %dma_wait3A_84 = tpu.memref_slice %arg2[%dma_wait3A_82, %dma_wait3A_83] : memref<10000x128xf32, #tpu.memory_space<hbm>> -> memref<10000x128xf32, #tpu.memory_space<hbm>>
      tpu.wait_indirect_dma semaphore(%arg12 : memref<!tpu.dma_semaphore, #tpu.memory_space<semaphore_mem>>) src(%dma_wait3A_84 : memref<10000x128xf32, #tpu.memory_space<hbm>>) dst(%arg9 : memref<128x128xf32, #tpu.memory_space<vmem>>)
      %add3A_85 = arith.constant 1 : i32
      %add3A_86 = arith.addi %mul3A_57, %add3A_85 : i32
      "tpu.region"() ({
        %run_scoped3A = tpu.sem_alloc : memref<!tpu.dma_semaphore, #tpu.memory_space<semaphore_mem>>
        %dma_start3A_87 = arith.constant 0 : i32
        %dma_start3A_88 = tpu.memref_slice %arg7[%add3A_86, %dma_start3A_87] : memref<40x128xi32, #tpu.memory_space<vmem>> -> memref<1x128xi32, #tpu.memory_space<vmem>>
        %dma_start3A_89 = tpu.memref_squeeze %dma_start3A_88 : memref<1x128xi32, #tpu.memory_space<vmem>> -> memref<128xi32, #tpu.memory_space<vmem>>
        %dma_start3A_90 = arith.constant 0 : i32
        %dma_start3A_91 = arith.constant 0 : i32
        %dma_start3A_92 = tpu.memref_slice %arg10[%dma_start3A_90, %dma_start3A_91] : memref<10112x128xf32, #tpu.memory_space<vmem_shared>> -> memref<10112x128xf32, #tpu.memory_space<vmem_shared>>
        tpu.enqueue_indirect_dma source(%arg9 : memref<128x128xf32, #tpu.memory_space<vmem>>) target(%dma_start3A_92 : memref<10112x128xf32, #tpu.memory_space<vmem_shared>>) offsets(%dma_start3A_89 : memref<128xi32, #tpu.memory_space<vmem>>) semaphore(%run_scoped3A : memref<!tpu.dma_semaphore, #tpu.memory_space<semaphore_mem>>) {add = true}
        %dma_wait3A_93 = arith.constant 0 : i32
        %dma_wait3A_94 = tpu.memref_slice %arg7[%add3A_86, %dma_wait3A_93] : memref<40x128xi32, #tpu.memory_space<vmem>> -> memref<1x128xi32, #tpu.memory_space<vmem>>
        %dma_wait3A_95 = tpu.memref_squeeze %dma_wait3A_94 : memref<1x128xi32, #tpu.memory_space<vmem>> -> memref<128xi32, #tpu.memory_space<vmem>>
        %dma_wait3A_96 = arith.constant 0 : i32
        %dma_wait3A_97 = arith.constant 0 : i32
        %dma_wait3A_98 = tpu.memref_slice %arg10[%dma_wait3A_96, %dma_wait3A_97] : memref<10112x128xf32, #tpu.memory_space<vmem_shared>> -> memref<10112x128xf32, #tpu.memory_space<vmem_shared>>
        tpu.wait_indirect_dma semaphore(%run_scoped3A : memref<!tpu.dma_semaphore, #tpu.memory_space<semaphore_mem>>) src(%arg9 : memref<128x128xf32, #tpu.memory_space<vmem>>) dst(%dma_wait3A_98 : memref<10112x128xf32, #tpu.memory_space<vmem_shared>>)
        tpu.yield
      }) : () -> ()
    }
    %scan3A_37 = arith.constant 20 : i32
    %barrier3A_38 = arith.constant 0 : index
    tpu.barrier barrier_id(%barrier3A_38)
    %mul3A_39 = arith.constant 632 : i32
    %mul3A_40 = arith.muli %arg1, %mul3A_39 : i32
    %add3A_41 = arith.constant 632 : i32
    %add3A_42 = arith.addi %mul3A_40, %add3A_41 : i32
    %le3A = arith.constant 9480 : i32
    %le3A_43 = arith.cmpi sle, %add3A_42, %le3A : i32
    %convert_element_type3A_44 = arith.extui %le3A_43 : i1 to i32
    %cond3A_45 = arith.constant 0 : i32
    %cond3A_46 = arith.cmpi ne, %convert_element_type3A_44, %cond3A_45 : i32
    scf.if %cond3A_46 {
      %mul3A_55 = arith.constant 632 : i32
      %mul3A_56 = arith.muli %arg1, %mul3A_55 : i32
      %mul3A_57 = arith.constant 632 : i32
      %mul3A_58 = arith.muli %arg1, %mul3A_57 : i32
      "tpu.region"() ({
        %run_scoped3A = tpu.sem_alloc : memref<!tpu.dma_semaphore, #tpu.memory_space<semaphore_mem>>
        %dma_start3A_59 = arith.constant 0 : i32
        %dma_start3A_60 = tpu.memref_slice %arg5[%arg0, %mul3A_58, %dma_start3A_59] : memref<2x10112x128xf32, #tpu.memory_space<hbm>> -> memref<1x632x128xf32, #tpu.memory_space<hbm>>
        %dma_start3A_61 = tpu.memref_squeeze %dma_start3A_60 : memref<1x632x128xf32, #tpu.memory_space<hbm>> -> memref<632x128xf32, #tpu.memory_space<hbm>>
        %dma_start3A_62 = arith.constant 0 : i32
        %dma_start3A_63 = tpu.memref_slice %arg10[%mul3A_56, %dma_start3A_62] : memref<10112x128xf32, #tpu.memory_space<vmem_shared>> -> memref<632x128xf32, #tpu.memory_space<vmem_shared>>
        tpu.enqueue_dma source(%dma_start3A_63 : memref<632x128xf32, #tpu.memory_space<vmem_shared>>) target(%dma_start3A_61 : memref<632x128xf32, #tpu.memory_space<hbm>>) target_semaphore(%run_scoped3A : memref<!tpu.dma_semaphore, #tpu.memory_space<semaphore_mem>>)
        %dma_wait3A = arith.constant 0 : i32
        %dma_wait3A_64 = tpu.memref_slice %arg5[%arg0, %mul3A_58, %dma_wait3A] : memref<2x10112x128xf32, #tpu.memory_space<hbm>> -> memref<1x632x128xf32, #tpu.memory_space<hbm>>
        %dma_wait3A_65 = tpu.memref_squeeze %dma_wait3A_64 : memref<1x632x128xf32, #tpu.memory_space<hbm>> -> memref<632x128xf32, #tpu.memory_space<hbm>>
        %dma_wait3A_66 = arith.constant 0 : i32
        %dma_wait3A_67 = tpu.memref_slice %arg10[%mul3A_56, %dma_wait3A_66] : memref<10112x128xf32, #tpu.memory_space<vmem_shared>> -> memref<632x128xf32, #tpu.memory_space<vmem_shared>>
        tpu.wait_dma2 semaphore(%run_scoped3A : memref<!tpu.dma_semaphore, #tpu.memory_space<semaphore_mem>>) src(%dma_wait3A_67 : memref<632x128xf32, #tpu.memory_space<vmem_shared>>) dst(%dma_wait3A_65 : memref<632x128xf32, #tpu.memory_space<hbm>>)
        tpu.yield
      }) : () -> ()
    } else {
    }
    %mul3A_47 = arith.constant 632 : i32
    %mul3A_48 = arith.muli %arg1, %mul3A_47 : i32
    %add3A_49 = arith.constant 632 : i32
    %add3A_50 = arith.addi %mul3A_48, %add3A_49 : i32
    %gt3A = arith.constant 9480 : i32
    %gt3A_51 = arith.cmpi sgt, %add3A_50, %gt3A : i32
    %convert_element_type3A_52 = arith.extui %gt3A_51 : i1 to i32
    %cond3A_53 = arith.constant 0 : i32
    %cond3A_54 = arith.cmpi ne, %convert_element_type3A_52, %cond3A_53 : i32
    scf.if %cond3A_54 {
      "tpu.region"() ({
        %run_scoped3A = tpu.sem_alloc : memref<!tpu.dma_semaphore, #tpu.memory_space<semaphore_mem>>
        %dma_start3A_55 = arith.constant 9480 : i32
        %dma_start3A_56 = arith.constant 0 : i32
        %dma_start3A_57 = tpu.memref_slice %arg5[%arg0, %dma_start3A_55, %dma_start3A_56] : memref<2x10112x128xf32, #tpu.memory_space<hbm>> -> memref<1x520x128xf32, #tpu.memory_space<hbm>>
        %dma_start3A_58 = tpu.memref_squeeze %dma_start3A_57 : memref<1x520x128xf32, #tpu.memory_space<hbm>> -> memref<520x128xf32, #tpu.memory_space<hbm>>
        %dma_start3A_59 = arith.constant 9480 : i32
        %dma_start3A_60 = arith.constant 0 : i32
        %dma_start3A_61 = tpu.memref_slice %arg10[%dma_start3A_59, %dma_start3A_60] : memref<10112x128xf32, #tpu.memory_space<vmem_shared>> -> memref<520x128xf32, #tpu.memory_space<vmem_shared>>
        tpu.enqueue_dma source(%dma_start3A_61 : memref<520x128xf32, #tpu.memory_space<vmem_shared>>) target(%dma_start3A_58 : memref<520x128xf32, #tpu.memory_space<hbm>>) target_semaphore(%run_scoped3A : memref<!tpu.dma_semaphore, #tpu.memory_space<semaphore_mem>>)
        %dma_wait3A = arith.constant 9480 : i32
        %dma_wait3A_62 = arith.constant 0 : i32
        %dma_wait3A_63 = tpu.memref_slice %arg5[%arg0, %dma_wait3A, %dma_wait3A_62] : memref<2x10112x128xf32, #tpu.memory_space<hbm>> -> memref<1x520x128xf32, #tpu.memory_space<hbm>>
        %dma_wait3A_64 = tpu.memref_squeeze %dma_wait3A_63 : memref<1x520x128xf32, #tpu.memory_space<hbm>> -> memref<520x128xf32, #tpu.memory_space<hbm>>
        %dma_wait3A_65 = arith.constant 9480 : i32
        %dma_wait3A_66 = arith.constant 0 : i32
        %dma_wait3A_67 = tpu.memref_slice %arg10[%dma_wait3A_65, %dma_wait3A_66] : memref<10112x128xf32, #tpu.memory_space<vmem_shared>> -> memref<520x128xf32, #tpu.memory_space<vmem_shared>>
        tpu.wait_dma2 semaphore(%run_scoped3A : memref<!tpu.dma_semaphore, #tpu.memory_space<semaphore_mem>>) src(%dma_wait3A_67 : memref<520x128xf32, #tpu.memory_space<vmem_shared>>) dst(%dma_wait3A_64 : memref<520x128xf32, #tpu.memory_space<hbm>>)
        tpu.yield
      }) : () -> ()
    } else {
    }
    return
  }
}

#map = affine_map<(d0, d1) -> (0, 0)>
#map1 = affine_map<(d0, d1) -> (0, 0, 0)>
module attributes {stable_mosaic.version = 14 : i64} {
  func.func @agg_kernel(%arg0: i32, %arg1: i32, %arg2: memref<10000x128xf32, #tpu.memory_space<hbm>>, %arg3: memref<32x80x128xi32, #tpu.memory_space<hbm>>, %arg4: memref<32x80x128xi32, #tpu.memory_space<hbm>>, %arg5: memref<2x10112x128xf32, #tpu.memory_space<hbm>>, %arg6: memref<40x128xi32, #tpu.memory_space<vmem>>, %arg7: memref<40x128xi32, #tpu.memory_space<vmem>>, %arg8: memref<128x128xf32, #tpu.memory_space<vmem>>, %arg9: memref<128x128xf32, #tpu.memory_space<vmem>>, %arg10: memref<10112x128xf32, #tpu.memory_space<vmem_shared>>, %arg11: memref<!tpu.dma_semaphore, #tpu.memory_space<semaphore_mem>>, %arg12: memref<!tpu.dma_semaphore, #tpu.memory_space<semaphore_mem>>) attributes {dimension_semantics = [#tpu.dimension_semantics<core_parallel>, #tpu.dimension_semantics<subcore_parallel>], iteration_bounds = array<i64: 2, 16>, scalar_prefetch = 0 : i64, scratch_operands = 7 : i64, tpu.core_type = #tpu.core_type<sc_vector_subcore>, window_params = [{transform_indices = #map}, {transform_indices = #map1}, {transform_indices = #map1}, {transform_indices = #map1}]} {
    %mul3A = arith.constant 2 : i32
    %mul3A_0 = arith.muli %arg1, %mul3A : i32
    %add3A = arith.addi %mul3A_0, %arg0 : i32
    "tpu.region"() ({
      %run_scoped3A = tpu.sem_alloc : memref<!tpu.dma_semaphore, #tpu.memory_space<semaphore_mem>>
      %dma_start3A_55 = arith.constant 0 : i32
      %dma_start3A_56 = arith.constant 0 : i32
      %dma_start3A_57 = tpu.memref_slice %arg3[%add3A, %dma_start3A_55, %dma_start3A_56] : memref<32x80x128xi32, #tpu.memory_space<hbm>> -> memref<1x40x128xi32, #tpu.memory_space<hbm>>
      %dma_start3A_58 = tpu.memref_squeeze %dma_start3A_57 : memref<1x40x128xi32, #tpu.memory_space<hbm>> -> memref<40x128xi32, #tpu.memory_space<hbm>>
      %dma_start3A_59 = arith.constant 0 : i32
      %dma_start3A_60 = arith.constant 0 : i32
      %dma_start3A_61 = tpu.memref_slice %arg3[%add3A, %dma_start3A_59, %dma_start3A_60] : memref<32x80x128xi32, #tpu.memory_space<hbm>> -> memref<1x40x128xi32, #tpu.memory_space<hbm>>
      %dma_start3A_62 = tpu.memref_squeeze %dma_start3A_61 : memref<1x40x128xi32, #tpu.memory_space<hbm>> -> memref<40x128xi32, #tpu.memory_space<hbm>>
      tpu.enqueue_dma source(%dma_start3A_62 : memref<40x128xi32, #tpu.memory_space<hbm>>) target(%arg6 : memref<40x128xi32, #tpu.memory_space<vmem>>) target_semaphore(%run_scoped3A : memref<!tpu.dma_semaphore, #tpu.memory_space<semaphore_mem>>)
      %dma_wait3A = arith.constant 0 : i32
      %dma_wait3A_63 = arith.constant 0 : i32
      %dma_wait3A_64 = tpu.memref_slice %arg3[%add3A, %dma_wait3A, %dma_wait3A_63] : memref<32x80x128xi32, #tpu.memory_space<hbm>> -> memref<1x40x128xi32, #tpu.memory_space<hbm>>
      %dma_wait3A_65 = tpu.memref_squeeze %dma_wait3A_64 : memref<1x40x128xi32, #tpu.memory_space<hbm>> -> memref<40x128xi32, #tpu.memory_space<hbm>>
      %dma_wait3A_66 = arith.constant 0 : i32
      %dma_wait3A_67 = arith.constant 0 : i32
      %dma_wait3A_68 = tpu.memref_slice %arg3[%add3A, %dma_wait3A_66, %dma_wait3A_67] : memref<32x80x128xi32, #tpu.memory_space<hbm>> -> memref<1x40x128xi32, #tpu.memory_space<hbm>>
      %dma_wait3A_69 = tpu.memref_squeeze %dma_wait3A_68 : memref<1x40x128xi32, #tpu.memory_space<hbm>> -> memref<40x128xi32, #tpu.memory_space<hbm>>
      tpu.wait_dma2 semaphore(%run_scoped3A : memref<!tpu.dma_semaphore, #tpu.memory_space<semaphore_mem>>) src(%dma_wait3A_69 : memref<40x128xi32, #tpu.memory_space<hbm>>) dst(%arg6 : memref<40x128xi32, #tpu.memory_space<vmem>>)
      tpu.yield
    }) : () -> ()
    "tpu.region"() ({
      %run_scoped3A = tpu.sem_alloc : memref<!tpu.dma_semaphore, #tpu.memory_space<semaphore_mem>>
      %dma_start3A_55 = arith.constant 0 : i32
      %dma_start3A_56 = arith.constant 0 : i32
      %dma_start3A_57 = tpu.memref_slice %arg4[%add3A, %dma_start3A_55, %dma_start3A_56] : memref<32x80x128xi32, #tpu.memory_space<hbm>> -> memref<1x40x128xi32, #tpu.memory_space<hbm>>
      %dma_start3A_58 = tpu.memref_squeeze %dma_start3A_57 : memref<1x40x128xi32, #tpu.memory_space<hbm>> -> memref<40x128xi32, #tpu.memory_space<hbm>>
      %dma_start3A_59 = arith.constant 0 : i32
      %dma_start3A_60 = arith.constant 0 : i32
      %dma_start3A_61 = tpu.memref_slice %arg4[%add3A, %dma_start3A_59, %dma_start3A_60] : memref<32x80x128xi32, #tpu.memory_space<hbm>> -> memref<1x40x128xi32, #tpu.memory_space<hbm>>
      %dma_start3A_62 = tpu.memref_squeeze %dma_start3A_61 : memref<1x40x128xi32, #tpu.memory_space<hbm>> -> memref<40x128xi32, #tpu.memory_space<hbm>>
      tpu.enqueue_dma source(%dma_start3A_62 : memref<40x128xi32, #tpu.memory_space<hbm>>) target(%arg7 : memref<40x128xi32, #tpu.memory_space<vmem>>) target_semaphore(%run_scoped3A : memref<!tpu.dma_semaphore, #tpu.memory_space<semaphore_mem>>)
      %dma_wait3A = arith.constant 0 : i32
      %dma_wait3A_63 = arith.constant 0 : i32
      %dma_wait3A_64 = tpu.memref_slice %arg4[%add3A, %dma_wait3A, %dma_wait3A_63] : memref<32x80x128xi32, #tpu.memory_space<hbm>> -> memref<1x40x128xi32, #tpu.memory_space<hbm>>
      %dma_wait3A_65 = tpu.memref_squeeze %dma_wait3A_64 : memref<1x40x128xi32, #tpu.memory_space<hbm>> -> memref<40x128xi32, #tpu.memory_space<hbm>>
      %dma_wait3A_66 = arith.constant 0 : i32
      %dma_wait3A_67 = arith.constant 0 : i32
      %dma_wait3A_68 = tpu.memref_slice %arg4[%add3A, %dma_wait3A_66, %dma_wait3A_67] : memref<32x80x128xi32, #tpu.memory_space<hbm>> -> memref<1x40x128xi32, #tpu.memory_space<hbm>>
      %dma_wait3A_69 = tpu.memref_squeeze %dma_wait3A_68 : memref<1x40x128xi32, #tpu.memory_space<hbm>> -> memref<40x128xi32, #tpu.memory_space<hbm>>
      tpu.wait_dma2 semaphore(%run_scoped3A : memref<!tpu.dma_semaphore, #tpu.memory_space<semaphore_mem>>) src(%dma_wait3A_69 : memref<40x128xi32, #tpu.memory_space<hbm>>) dst(%arg7 : memref<40x128xi32, #tpu.memory_space<vmem>>)
      tpu.yield
    }) : () -> ()
    %dma_start3A = arith.constant 0 : i32
    %dma_start3A_1 = arith.constant 0 : i32
    %dma_start3A_2 = tpu.memref_slice %arg6[%dma_start3A, %dma_start3A_1] : memref<40x128xi32, #tpu.memory_space<vmem>> -> memref<1x128xi32, #tpu.memory_space<vmem>>
    %dma_start3A_3 = tpu.memref_squeeze %dma_start3A_2 : memref<1x128xi32, #tpu.memory_space<vmem>> -> memref<128xi32, #tpu.memory_space<vmem>>
    %dma_start3A_4 = arith.constant 0 : i32
    %dma_start3A_5 = arith.constant 0 : i32
    %dma_start3A_6 = tpu.memref_slice %arg2[%dma_start3A_4, %dma_start3A_5] : memref<10000x128xf32, #tpu.memory_space<hbm>> -> memref<10000x128xf32, #tpu.memory_space<hbm>>
    tpu.enqueue_indirect_dma source(%dma_start3A_6 : memref<10000x128xf32, #tpu.memory_space<hbm>>) target(%arg8 : memref<128x128xf32, #tpu.memory_space<vmem>>) offsets(%dma_start3A_3 : memref<128xi32, #tpu.memory_space<vmem>>) semaphore(%arg11 : memref<!tpu.dma_semaphore, #tpu.memory_space<semaphore_mem>>)
    %scan3A = arith.constant 0 : i32
    %scan3A_7 = arith.constant 0 : i32
    %scan3A_8 = arith.constant 128 : i32
    %scan3A_9 = arith.addi %scan3A_7, %scan3A_8 : i32
    %scan3A_10 = arith.constant 1 : i32
    scf.for %scan3A_55 = %scan3A_7 to %scan3A_9 step %scan3A_10  : i32 {
      %broadcast_in_dim3A = arith.constant 0.000000e+00 : f32
      %broadcast_in_dim3A_56 = vector.broadcast %broadcast_in_dim3A : f32 to vector<16xf32>
      %swap3A = arith.index_cast %scan3A_55 : i32 to index
      %swap3A_57 = arith.constant 0 : index
      %swap3A_58 = tpu.vector_load %arg9[%swap3A, %swap3A_57] {strides = array<i32>} : memref<128x128xf32, #tpu.memory_space<vmem>>, vector<1x16xf32>,
      %swap3A_59 = vector.shape_cast %swap3A_58 : vector<1x16xf32> to vector<16xf32>
      %swap3A_60 = vector.shape_cast %broadcast_in_dim3A_56 : vector<16xf32> to vector<1x16xf32>
      tpu.vector_store %arg9[%swap3A, %swap3A_57], %swap3A_60 {strides = array<i32>} : memref<128x128xf32, #tpu.memory_space<vmem>>, vector<1x16xf32>,
      %broadcast_in_dim3A_61 = arith.constant 0.000000e+00 : f32
      %broadcast_in_dim3A_62 = vector.broadcast %broadcast_in_dim3A_61 : f32 to vector<16xf32>
      %swap3A_63 = arith.index_cast %scan3A_55 : i32 to index
      %swap3A_64 = arith.constant 16 : index
      %swap3A_65 = tpu.vector_load %arg9[%swap3A_63, %swap3A_64] {strides = array<i32>} : memref<128x128xf32, #tpu.memory_space<vmem>>, vector<1x16xf32>,
      %swap3A_66 = vector.shape_cast %swap3A_65 : vector<1x16xf32> to vector<16xf32>
      %swap3A_67 = vector.shape_cast %broadcast_in_dim3A_62 : vector<16xf32> to vector<1x16xf32>
      tpu.vector_store %arg9[%swap3A_63, %swap3A_64], %swap3A_67 {strides = array<i32>} : memref<128x128xf32, #tpu.memory_space<vmem>>, vector<1x16xf32>,
      %broadcast_in_dim3A_68 = arith.constant 0.000000e+00 : f32
      %broadcast_in_dim3A_69 = vector.broadcast %broadcast_in_dim3A_68 : f32 to vector<16xf32>
      %swap3A_70 = arith.index_cast %scan3A_55 : i32 to index
      %swap3A_71 = arith.constant 32 : index
      %swap3A_72 = tpu.vector_load %arg9[%swap3A_70, %swap3A_71] {strides = array<i32>} : memref<128x128xf32, #tpu.memory_space<vmem>>, vector<1x16xf32>,
      %swap3A_73 = vector.shape_cast %swap3A_72 : vector<1x16xf32> to vector<16xf32>
      %swap3A_74 = vector.shape_cast %broadcast_in_dim3A_69 : vector<16xf32> to vector<1x16xf32>
      tpu.vector_store %arg9[%swap3A_70, %swap3A_71], %swap3A_74 {strides = array<i32>} : memref<128x128xf32, #tpu.memory_space<vmem>>, vector<1x16xf32>,
      %broadcast_in_dim3A_75 = arith.constant 0.000000e+00 : f32
      %broadcast_in_dim3A_76 = vector.broadcast %broadcast_in_dim3A_75 : f32 to vector<16xf32>
      %swap3A_77 = arith.index_cast %scan3A_55 : i32 to index
      %swap3A_78 = arith.constant 48 : index
      %swap3A_79 = tpu.vector_load %arg9[%swap3A_77, %swap3A_78] {strides = array<i32>} : memref<128x128xf32, #tpu.memory_space<vmem>>, vector<1x16xf32>,
      %swap3A_80 = vector.shape_cast %swap3A_79 : vector<1x16xf32> to vector<16xf32>
      %swap3A_81 = vector.shape_cast %broadcast_in_dim3A_76 : vector<16xf32> to vector<1x16xf32>
      tpu.vector_store %arg9[%swap3A_77, %swap3A_78], %swap3A_81 {strides = array<i32>} : memref<128x128xf32, #tpu.memory_space<vmem>>, vector<1x16xf32>,
      %broadcast_in_dim3A_82 = arith.constant 0.000000e+00 : f32
      %broadcast_in_dim3A_83 = vector.broadcast %broadcast_in_dim3A_82 : f32 to vector<16xf32>
      %swap3A_84 = arith.index_cast %scan3A_55 : i32 to index
      %swap3A_85 = arith.constant 64 : index
      %swap3A_86 = tpu.vector_load %arg9[%swap3A_84, %swap3A_85] {strides = array<i32>} : memref<128x128xf32, #tpu.memory_space<vmem>>, vector<1x16xf32>,
      %swap3A_87 = vector.shape_cast %swap3A_86 : vector<1x16xf32> to vector<16xf32>
      %swap3A_88 = vector.shape_cast %broadcast_in_dim3A_83 : vector<16xf32> to vector<1x16xf32>
      tpu.vector_store %arg9[%swap3A_84, %swap3A_85], %swap3A_88 {strides = array<i32>} : memref<128x128xf32, #tpu.memory_space<vmem>>, vector<1x16xf32>,
      %broadcast_in_dim3A_89 = arith.constant 0.000000e+00 : f32
      %broadcast_in_dim3A_90 = vector.broadcast %broadcast_in_dim3A_89 : f32 to vector<16xf32>
      %swap3A_91 = arith.index_cast %scan3A_55 : i32 to index
      %swap3A_92 = arith.constant 80 : index
      %swap3A_93 = tpu.vector_load %arg9[%swap3A_91, %swap3A_92] {strides = array<i32>} : memref<128x128xf32, #tpu.memory_space<vmem>>, vector<1x16xf32>,
      %swap3A_94 = vector.shape_cast %swap3A_93 : vector<1x16xf32> to vector<16xf32>
      %swap3A_95 = vector.shape_cast %broadcast_in_dim3A_90 : vector<16xf32> to vector<1x16xf32>
      tpu.vector_store %arg9[%swap3A_91, %swap3A_92], %swap3A_95 {strides = array<i32>} : memref<128x128xf32, #tpu.memory_space<vmem>>, vector<1x16xf32>,
      %broadcast_in_dim3A_96 = arith.constant 0.000000e+00 : f32
      %broadcast_in_dim3A_97 = vector.broadcast %broadcast_in_dim3A_96 : f32 to vector<16xf32>
      %swap3A_98 = arith.index_cast %scan3A_55 : i32 to index
      %swap3A_99 = arith.constant 96 : index
      %swap3A_100 = tpu.vector_load %arg9[%swap3A_98, %swap3A_99] {strides = array<i32>} : memref<128x128xf32, #tpu.memory_space<vmem>>, vector<1x16xf32>,
      %swap3A_101 = vector.shape_cast %swap3A_100 : vector<1x16xf32> to vector<16xf32>
      %swap3A_102 = vector.shape_cast %broadcast_in_dim3A_97 : vector<16xf32> to vector<1x16xf32>
      tpu.vector_store %arg9[%swap3A_98, %swap3A_99], %swap3A_102 {strides = array<i32>} : memref<128x128xf32, #tpu.memory_space<vmem>>, vector<1x16xf32>,
      %broadcast_in_dim3A_103 = arith.constant 0.000000e+00 : f32
      %broadcast_in_dim3A_104 = vector.broadcast %broadcast_in_dim3A_103 : f32 to vector<16xf32>
      %swap3A_105 = arith.index_cast %scan3A_55 : i32 to index
      %swap3A_106 = arith.constant 112 : index
      %swap3A_107 = tpu.vector_load %arg9[%swap3A_105, %swap3A_106] {strides = array<i32>} : memref<128x128xf32, #tpu.memory_space<vmem>>, vector<1x16xf32>,
      %swap3A_108 = vector.shape_cast %swap3A_107 : vector<1x16xf32> to vector<16xf32>
      %swap3A_109 = vector.shape_cast %broadcast_in_dim3A_104 : vector<16xf32> to vector<1x16xf32>
      tpu.vector_store %arg9[%swap3A_105, %swap3A_106], %swap3A_109 {strides = array<i32>} : memref<128x128xf32, #tpu.memory_space<vmem>>, vector<1x16xf32>,
    }
    %scan3A_11 = arith.constant 128 : i32
    %eq3A = arith.constant 0 : i32
    %eq3A_12 = arith.cmpi eq, %arg0, %eq3A : i32
    %convert_element_type3A = arith.extui %eq3A_12 : i1 to i32
    %cond3A = arith.constant 0 : i32
    %cond3A_13 = arith.cmpi ne, %convert_element_type3A, %cond3A : i32
    scf.if %cond3A_13 {
      %mul3A_55 = arith.constant 632 : i32
      %mul3A_56 = arith.muli %arg1, %mul3A_55 : i32
      %add3A_57 = arith.constant 632 : i32
      %add3A_58 = arith.addi %mul3A_56, %add3A_57 : i32
      %le3A_59 = arith.constant 9480 : i32
      %le3A_60 = arith.cmpi sle, %add3A_58, %le3A_59 : i32
      %convert_element_type3A_61 = arith.extui %le3A_60 : i1 to i32
      %cond3A_62 = arith.constant 0 : i32
      %cond3A_63 = arith.cmpi ne, %convert_element_type3A_61, %cond3A_62 : i32
      scf.if %cond3A_63 {
        %mul3A_73 = arith.constant 632 : i32
        %mul3A_74 = arith.muli %arg1, %mul3A_73 : i32
        %mul3A_75 = arith.constant 632 : i32
        %mul3A_76 = arith.muli %arg1, %mul3A_75 : i32
        "tpu.region"() ({
          %run_scoped3A = tpu.sem_alloc : memref<!tpu.dma_semaphore, #tpu.memory_space<semaphore_mem>>
          %dma_start3A_77 = arith.constant 0 : i32
          %dma_start3A_78 = tpu.memref_slice %arg10[%mul3A_76, %dma_start3A_77] : memref<10112x128xf32, #tpu.memory_space<vmem_shared>> -> memref<632x128xf32, #tpu.memory_space<vmem_shared>>
          %dma_start3A_79 = arith.constant 0 : i32
          %dma_start3A_80 = tpu.memref_slice %arg2[%mul3A_74, %dma_start3A_79] : memref<10000x128xf32, #tpu.memory_space<hbm>> -> memref<632x128xf32, #tpu.memory_space<hbm>>
          tpu.enqueue_dma source(%dma_start3A_80 : memref<632x128xf32, #tpu.memory_space<hbm>>) target(%dma_start3A_78 : memref<632x128xf32, #tpu.memory_space<vmem_shared>>) target_semaphore(%run_scoped3A : memref<!tpu.dma_semaphore, #tpu.memory_space<semaphore_mem>>)
          %dma_wait3A = arith.constant 0 : i32
          %dma_wait3A_81 = tpu.memref_slice %arg10[%mul3A_76, %dma_wait3A] : memref<10112x128xf32, #tpu.memory_space<vmem_shared>> -> memref<632x128xf32, #tpu.memory_space<vmem_shared>>
          %dma_wait3A_82 = arith.constant 0 : i32
          %dma_wait3A_83 = tpu.memref_slice %arg2[%mul3A_74, %dma_wait3A_82] : memref<10000x128xf32, #tpu.memory_space<hbm>> -> memref<632x128xf32, #tpu.memory_space<hbm>>
          tpu.wait_dma2 semaphore(%run_scoped3A : memref<!tpu.dma_semaphore, #tpu.memory_space<semaphore_mem>>) src(%dma_wait3A_83 : memref<632x128xf32, #tpu.memory_space<hbm>>) dst(%dma_wait3A_81 : memref<632x128xf32, #tpu.memory_space<vmem_shared>>)
          tpu.yield
        }) : () -> ()
      } else {
      }
      %mul3A_64 = arith.constant 632 : i32
      %mul3A_65 = arith.muli %arg1, %mul3A_64 : i32
      %add3A_66 = arith.constant 632 : i32
      %add3A_67 = arith.addi %mul3A_65, %add3A_66 : i32
      %gt3A_68 = arith.constant 9480 : i32
      %gt3A_69 = arith.cmpi sgt, %add3A_67, %gt3A_68 : i32
      %convert_element_type3A_70 = arith.extui %gt3A_69 : i1 to i32
      %cond3A_71 = arith.constant 0 : i32
      %cond3A_72 = arith.cmpi ne, %convert_element_type3A_70, %cond3A_71 : i32
      scf.if %cond3A_72 {
        "tpu.region"() ({
          %run_scoped3A = tpu.sem_alloc : memref<!tpu.dma_semaphore, #tpu.memory_space<semaphore_mem>>
          %dma_start3A_73 = arith.constant 9480 : i32
          %dma_start3A_74 = arith.constant 0 : i32
          %dma_start3A_75 = tpu.memref_slice %arg10[%dma_start3A_73, %dma_start3A_74] : memref<10112x128xf32, #tpu.memory_space<vmem_shared>> -> memref<520x128xf32, #tpu.memory_space<vmem_shared>>
          %dma_start3A_76 = arith.constant 9480 : i32
          %dma_start3A_77 = arith.constant 0 : i32
          %dma_start3A_78 = tpu.memref_slice %arg2[%dma_start3A_76, %dma_start3A_77] : memref<10000x128xf32, #tpu.memory_space<hbm>> -> memref<520x128xf32, #tpu.memory_space<hbm>>
          tpu.enqueue_dma source(%dma_start3A_78 : memref<520x128xf32, #tpu.memory_space<hbm>>) target(%dma_start3A_75 : memref<520x128xf32, #tpu.memory_space<vmem_shared>>) target_semaphore(%run_scoped3A : memref<!tpu.dma_semaphore, #tpu.memory_space<semaphore_mem>>)
          %dma_wait3A = arith.constant 9480 : i32
          %dma_wait3A_79 = arith.constant 0 : i32
          %dma_wait3A_80 = tpu.memref_slice %arg10[%dma_wait3A, %dma_wait3A_79] : memref<10112x128xf32, #tpu.memory_space<vmem_shared>> -> memref<520x128xf32, #tpu.memory_space<vmem_shared>>
          %dma_wait3A_81 = arith.constant 9480 : i32
          %dma_wait3A_82 = arith.constant 0 : i32
          %dma_wait3A_83 = tpu.memref_slice %arg2[%dma_wait3A_81, %dma_wait3A_82] : memref<10000x128xf32, #tpu.memory_space<hbm>> -> memref<520x128xf32, #tpu.memory_space<hbm>>
          tpu.wait_dma2 semaphore(%run_scoped3A : memref<!tpu.dma_semaphore, #tpu.memory_space<semaphore_mem>>) src(%dma_wait3A_83 : memref<520x128xf32, #tpu.memory_space<hbm>>) dst(%dma_wait3A_80 : memref<520x128xf32, #tpu.memory_space<vmem_shared>>)
          tpu.yield
        }) : () -> ()
        "tpu.region"() ({
          %run_scoped3A = tpu.sem_alloc : memref<!tpu.dma_semaphore, #tpu.memory_space<semaphore_mem>>
          %dma_start3A_73 = arith.constant 0 : i32
          %dma_start3A_74 = arith.constant 0 : i32
          %dma_start3A_75 = tpu.memref_slice %arg9[%dma_start3A_73, %dma_start3A_74] : memref<128x128xf32, #tpu.memory_space<vmem>> -> memref<112x128xf32, #tpu.memory_space<vmem>>
          %dma_start3A_76 = arith.constant 10000 : i32
          %dma_start3A_77 = arith.constant 0 : i32
          %dma_start3A_78 = tpu.memref_slice %arg10[%dma_start3A_76, %dma_start3A_77] : memref<10112x128xf32, #tpu.memory_space<vmem_shared>> -> memref<112x128xf32, #tpu.memory_space<vmem_shared>>
          %dma_start3A_79 = arith.constant 10000 : i32
          %dma_start3A_80 = arith.constant 0 : i32
          %dma_start3A_81 = tpu.memref_slice %arg10[%dma_start3A_79, %dma_start3A_80] : memref<10112x128xf32, #tpu.memory_space<vmem_shared>> -> memref<112x128xf32, #tpu.memory_space<vmem_shared>>
          %dma_start3A_82 = arith.constant 0 : i32
          %dma_start3A_83 = arith.constant 0 : i32
          %dma_start3A_84 = tpu.memref_slice %arg9[%dma_start3A_82, %dma_start3A_83] : memref<128x128xf32, #tpu.memory_space<vmem>> -> memref<112x128xf32, #tpu.memory_space<vmem>>
          tpu.enqueue_dma source(%dma_start3A_84 : memref<112x128xf32, #tpu.memory_space<vmem>>) target(%dma_start3A_81 : memref<112x128xf32, #tpu.memory_space<vmem_shared>>) target_semaphore(%run_scoped3A : memref<!tpu.dma_semaphore, #tpu.memory_space<semaphore_mem>>)
          %dma_wait3A = arith.constant 0 : i32
          %dma_wait3A_85 = arith.constant 0 : i32
          %dma_wait3A_86 = tpu.memref_slice %arg9[%dma_wait3A, %dma_wait3A_85] : memref<128x128xf32, #tpu.memory_space<vmem>> -> memref<112x128xf32, #tpu.memory_space<vmem>>
          %dma_wait3A_87 = arith.constant 10000 : i32
          %dma_wait3A_88 = arith.constant 0 : i32
          %dma_wait3A_89 = tpu.memref_slice %arg10[%dma_wait3A_87, %dma_wait3A_88] : memref<10112x128xf32, #tpu.memory_space<vmem_shared>> -> memref<112x128xf32, #tpu.memory_space<vmem_shared>>
          %dma_wait3A_90 = arith.constant 10000 : i32
          %dma_wait3A_91 = arith.constant 0 : i32
          %dma_wait3A_92 = tpu.memref_slice %arg10[%dma_wait3A_90, %dma_wait3A_91] : memref<10112x128xf32, #tpu.memory_space<vmem_shared>> -> memref<112x128xf32, #tpu.memory_space<vmem_shared>>
          %dma_wait3A_93 = arith.constant 0 : i32
          %dma_wait3A_94 = arith.constant 0 : i32
          %dma_wait3A_95 = tpu.memref_slice %arg9[%dma_wait3A_93, %dma_wait3A_94] : memref<128x128xf32, #tpu.memory_space<vmem>> -> memref<112x128xf32, #tpu.memory_space<vmem>>
          tpu.wait_dma2 semaphore(%run_scoped3A : memref<!tpu.dma_semaphore, #tpu.memory_space<semaphore_mem>>) src(%dma_wait3A_95 : memref<112x128xf32, #tpu.memory_space<vmem>>) dst(%dma_wait3A_92 : memref<112x128xf32, #tpu.memory_space<vmem_shared>>)
          tpu.yield
        }) : () -> ()
      } else {
      }
    } else {
    }
    %eq3A_14 = arith.constant 1 : i32
    %eq3A_15 = arith.cmpi eq, %arg0, %eq3A_14 : i32
    %convert_element_type3A_16 = arith.extui %eq3A_15 : i1 to i32
    %cond3A_17 = arith.constant 0 : i32
    %cond3A_18 = arith.cmpi ne, %convert_element_type3A_16, %cond3A_17 : i32
    scf.if %cond3A_18 {
      %mul3A_55 = arith.constant 632 : i32
      %mul3A_56 = arith.muli %arg1, %mul3A_55 : i32
      %add3A_57 = arith.constant 0 : i32
      %add3A_58 = arith.addi %mul3A_56, %add3A_57 : i32
      "tpu.region"() ({
        %run_scoped3A = tpu.sem_alloc : memref<!tpu.dma_semaphore, #tpu.memory_space<semaphore_mem>>
        %dma_start3A_75 = arith.constant 0 : i32
        %dma_start3A_76 = tpu.memref_slice %arg10[%add3A_58, %dma_start3A_75] : memref<10112x128xf32, #tpu.memory_space<vmem_shared>> -> memref<128x128xf32, #tpu.memory_space<vmem_shared>>
        %dma_start3A_77 = arith.constant 0 : i32
        %dma_start3A_78 = tpu.memref_slice %arg10[%add3A_58, %dma_start3A_77] : memref<10112x128xf32, #tpu.memory_space<vmem_shared>> -> memref<128x128xf32, #tpu.memory_space<vmem_shared>>
        tpu.enqueue_dma source(%arg9 : memref<128x128xf32, #tpu.memory_space<vmem>>) target(%dma_start3A_78 : memref<128x128xf32, #tpu.memory_space<vmem_shared>>) target_semaphore(%run_scoped3A : memref<!tpu.dma_semaphore, #tpu.memory_space<semaphore_mem>>)
        %dma_wait3A = arith.constant 0 : i32
        %dma_wait3A_79 = tpu.memref_slice %arg10[%add3A_58, %dma_wait3A] : memref<10112x128xf32, #tpu.memory_space<vmem_shared>> -> memref<128x128xf32, #tpu.memory_space<vmem_shared>>
        %dma_wait3A_80 = arith.constant 0 : i32
        %dma_wait3A_81 = tpu.memref_slice %arg10[%add3A_58, %dma_wait3A_80] : memref<10112x128xf32, #tpu.memory_space<vmem_shared>> -> memref<128x128xf32, #tpu.memory_space<vmem_shared>>
        tpu.wait_dma2 semaphore(%run_scoped3A : memref<!tpu.dma_semaphore, #tpu.memory_space<semaphore_mem>>) src(%arg9 : memref<128x128xf32, #tpu.memory_space<vmem>>) dst(%dma_wait3A_81 : memref<128x128xf32, #tpu.memory_space<vmem_shared>>)
        tpu.yield
      }) : () -> ()
      %mul3A_59 = arith.constant 632 : i32
      %mul3A_60 = arith.muli %arg1, %mul3A_59 : i32
      %add3A_61 = arith.constant 128 : i32
      %add3A_62 = arith.addi %mul3A_60, %add3A_61 : i32
      "tpu.region"() ({
        %run_scoped3A = tpu.sem_alloc : memref<!tpu.dma_semaphore, #tpu.memory_space<semaphore_mem>>
        %dma_start3A_75 = arith.constant 0 : i32
        %dma_start3A_76 = tpu.memref_slice %arg10[%add3A_62, %dma_start3A_75] : memref<10112x128xf32, #tpu.memory_space<vmem_shared>> -> memref<128x128xf32, #tpu.memory_space<vmem_shared>>
        %dma_start3A_77 = arith.constant 0 : i32
        %dma_start3A_78 = tpu.memref_slice %arg10[%add3A_62, %dma_start3A_77] : memref<10112x128xf32, #tpu.memory_space<vmem_shared>> -> memref<128x128xf32, #tpu.memory_space<vmem_shared>>
        tpu.enqueue_dma source(%arg9 : memref<128x128xf32, #tpu.memory_space<vmem>>) target(%dma_start3A_78 : memref<128x128xf32, #tpu.memory_space<vmem_shared>>) target_semaphore(%run_scoped3A : memref<!tpu.dma_semaphore, #tpu.memory_space<semaphore_mem>>)
        %dma_wait3A = arith.constant 0 : i32
        %dma_wait3A_79 = tpu.memref_slice %arg10[%add3A_62, %dma_wait3A] : memref<10112x128xf32, #tpu.memory_space<vmem_shared>> -> memref<128x128xf32, #tpu.memory_space<vmem_shared>>
        %dma_wait3A_80 = arith.constant 0 : i32
        %dma_wait3A_81 = tpu.memref_slice %arg10[%add3A_62, %dma_wait3A_80] : memref<10112x128xf32, #tpu.memory_space<vmem_shared>> -> memref<128x128xf32, #tpu.memory_space<vmem_shared>>
        tpu.wait_dma2 semaphore(%run_scoped3A : memref<!tpu.dma_semaphore, #tpu.memory_space<semaphore_mem>>) src(%arg9 : memref<128x128xf32, #tpu.memory_space<vmem>>) dst(%dma_wait3A_81 : memref<128x128xf32, #tpu.memory_space<vmem_shared>>)
        tpu.yield
      }) : () -> ()
      %mul3A_63 = arith.constant 632 : i32
      %mul3A_64 = arith.muli %arg1, %mul3A_63 : i32
      %add3A_65 = arith.constant 256 : i32
      %add3A_66 = arith.addi %mul3A_64, %add3A_65 : i32
      "tpu.region"() ({
        %run_scoped3A = tpu.sem_alloc : memref<!tpu.dma_semaphore, #tpu.memory_space<semaphore_mem>>
        %dma_start3A_75 = arith.constant 0 : i32
        %dma_start3A_76 = tpu.memref_slice %arg10[%add3A_66, %dma_start3A_75] : memref<10112x128xf32, #tpu.memory_space<vmem_shared>> -> memref<128x128xf32, #tpu.memory_space<vmem_shared>>
        %dma_start3A_77 = arith.constant 0 : i32
        %dma_start3A_78 = tpu.memref_slice %arg10[%add3A_66, %dma_start3A_77] : memref<10112x128xf32, #tpu.memory_space<vmem_shared>> -> memref<128x128xf32, #tpu.memory_space<vmem_shared>>
        tpu.enqueue_dma source(%arg9 : memref<128x128xf32, #tpu.memory_space<vmem>>) target(%dma_start3A_78 : memref<128x128xf32, #tpu.memory_space<vmem_shared>>) target_semaphore(%run_scoped3A : memref<!tpu.dma_semaphore, #tpu.memory_space<semaphore_mem>>)
        %dma_wait3A = arith.constant 0 : i32
        %dma_wait3A_79 = tpu.memref_slice %arg10[%add3A_66, %dma_wait3A] : memref<10112x128xf32, #tpu.memory_space<vmem_shared>> -> memref<128x128xf32, #tpu.memory_space<vmem_shared>>
        %dma_wait3A_80 = arith.constant 0 : i32
        %dma_wait3A_81 = tpu.memref_slice %arg10[%add3A_66, %dma_wait3A_80] : memref<10112x128xf32, #tpu.memory_space<vmem_shared>> -> memref<128x128xf32, #tpu.memory_space<vmem_shared>>
        tpu.wait_dma2 semaphore(%run_scoped3A : memref<!tpu.dma_semaphore, #tpu.memory_space<semaphore_mem>>) src(%arg9 : memref<128x128xf32, #tpu.memory_space<vmem>>) dst(%dma_wait3A_81 : memref<128x128xf32, #tpu.memory_space<vmem_shared>>)
        tpu.yield
      }) : () -> ()
      %mul3A_67 = arith.constant 632 : i32
      %mul3A_68 = arith.muli %arg1, %mul3A_67 : i32
      %add3A_69 = arith.constant 384 : i32
      %add3A_70 = arith.addi %mul3A_68, %add3A_69 : i32
      "tpu.region"() ({
        %run_scoped3A = tpu.sem_alloc : memref<!tpu.dma_semaphore, #tpu.memory_space<semaphore_mem>>
        %dma_start3A_75 = arith.constant 0 : i32
        %dma_start3A_76 = tpu.memref_slice %arg10[%add3A_70, %dma_start3A_75] : memref<10112x128xf32, #tpu.memory_space<vmem_shared>> -> memref<128x128xf32, #tpu.memory_space<vmem_shared>>
        %dma_start3A_77 = arith.constant 0 : i32
        %dma_start3A_78 = tpu.memref_slice %arg10[%add3A_70, %dma_start3A_77] : memref<10112x128xf32, #tpu.memory_space<vmem_shared>> -> memref<128x128xf32, #tpu.memory_space<vmem_shared>>
        tpu.enqueue_dma source(%arg9 : memref<128x128xf32, #tpu.memory_space<vmem>>) target(%dma_start3A_78 : memref<128x128xf32, #tpu.memory_space<vmem_shared>>) target_semaphore(%run_scoped3A : memref<!tpu.dma_semaphore, #tpu.memory_space<semaphore_mem>>)
        %dma_wait3A = arith.constant 0 : i32
        %dma_wait3A_79 = tpu.memref_slice %arg10[%add3A_70, %dma_wait3A] : memref<10112x128xf32, #tpu.memory_space<vmem_shared>> -> memref<128x128xf32, #tpu.memory_space<vmem_shared>>
        %dma_wait3A_80 = arith.constant 0 : i32
        %dma_wait3A_81 = tpu.memref_slice %arg10[%add3A_70, %dma_wait3A_80] : memref<10112x128xf32, #tpu.memory_space<vmem_shared>> -> memref<128x128xf32, #tpu.memory_space<vmem_shared>>
        tpu.wait_dma2 semaphore(%run_scoped3A : memref<!tpu.dma_semaphore, #tpu.memory_space<semaphore_mem>>) src(%arg9 : memref<128x128xf32, #tpu.memory_space<vmem>>) dst(%dma_wait3A_81 : memref<128x128xf32, #tpu.memory_space<vmem_shared>>)
        tpu.yield
      }) : () -> ()
      %mul3A_71 = arith.constant 632 : i32
      %mul3A_72 = arith.muli %arg1, %mul3A_71 : i32
      %add3A_73 = arith.constant 512 : i32
      %add3A_74 = arith.addi %mul3A_72, %add3A_73 : i32
      "tpu.region"() ({
        %run_scoped3A = tpu.sem_alloc : memref<!tpu.dma_semaphore, #tpu.memory_space<semaphore_mem>>
        %dma_start3A_75 = arith.constant 0 : i32
        %dma_start3A_76 = arith.constant 0 : i32
        %dma_start3A_77 = tpu.memref_slice %arg9[%dma_start3A_75, %dma_start3A_76] : memref<128x128xf32, #tpu.memory_space<vmem>> -> memref<120x128xf32, #tpu.memory_space<vmem>>
        %dma_start3A_78 = arith.constant 0 : i32
        %dma_start3A_79 = tpu.memref_slice %arg10[%add3A_74, %dma_start3A_78] : memref<10112x128xf32, #tpu.memory_space<vmem_shared>> -> memref<120x128xf32, #tpu.memory_space<vmem_shared>>
        %dma_start3A_80 = arith.constant 0 : i32
        %dma_start3A_81 = tpu.memref_slice %arg10[%add3A_74, %dma_start3A_80] : memref<10112x128xf32, #tpu.memory_space<vmem_shared>> -> memref<120x128xf32, #tpu.memory_space<vmem_shared>>
        %dma_start3A_82 = arith.constant 0 : i32
        %dma_start3A_83 = arith.constant 0 : i32
        %dma_start3A_84 = tpu.memref_slice %arg9[%dma_start3A_82, %dma_start3A_83] : memref<128x128xf32, #tpu.memory_space<vmem>> -> memref<120x128xf32, #tpu.memory_space<vmem>>
        tpu.enqueue_dma source(%dma_start3A_84 : memref<120x128xf32, #tpu.memory_space<vmem>>) target(%dma_start3A_81 : memref<120x128xf32, #tpu.memory_space<vmem_shared>>) target_semaphore(%run_scoped3A : memref<!tpu.dma_semaphore, #tpu.memory_space<semaphore_mem>>)
        %dma_wait3A = arith.constant 0 : i32
        %dma_wait3A_85 = arith.constant 0 : i32
        %dma_wait3A_86 = tpu.memref_slice %arg9[%dma_wait3A, %dma_wait3A_85] : memref<128x128xf32, #tpu.memory_space<vmem>> -> memref<120x128xf32, #tpu.memory_space<vmem>>
        %dma_wait3A_87 = arith.constant 0 : i32
        %dma_wait3A_88 = tpu.memref_slice %arg10[%add3A_74, %dma_wait3A_87] : memref<10112x128xf32, #tpu.memory_space<vmem_shared>> -> memref<120x128xf32, #tpu.memory_space<vmem_shared>>
        %dma_wait3A_89 = arith.constant 0 : i32
        %dma_wait3A_90 = tpu.memref_slice %arg10[%add3A_74, %dma_wait3A_89] : memref<10112x128xf32, #tpu.memory_space<vmem_shared>> -> memref<120x128xf32, #tpu.memory_space<vmem_shared>>
        %dma_wait3A_91 = arith.constant 0 : i32
        %dma_wait3A_92 = arith.constant 0 : i32
        %dma_wait3A_93 = tpu.memref_slice %arg9[%dma_wait3A_91, %dma_wait3A_92] : memref<128x128xf32, #tpu.memory_space<vmem>> -> memref<120x128xf32, #tpu.memory_space<vmem>>
        tpu.wait_dma2 semaphore(%run_scoped3A : memref<!tpu.dma_semaphore, #tpu.memory_space<semaphore_mem>>) src(%dma_wait3A_93 : memref<120x128xf32, #tpu.memory_space<vmem>>) dst(%dma_wait3A_90 : memref<120x128xf32, #tpu.memory_space<vmem_shared>>)
        tpu.yield
      }) : () -> ()
    } else {
    }
    %barrier3A = arith.constant 0 : index
    tpu.barrier barrier_id(%barrier3A)
    %scan3A_19 = arith.constant 0 : i32
    %scan3A_20 = arith.constant 0 : i32
    %scan3A_21 = arith.constant 20 : i32
    %scan3A_22 = arith.addi %scan3A_20, %scan3A_21 : i32
    %scan3A_23 = arith.constant 1 : i32
    scf.for %scan3A_55 = %scan3A_20 to %scan3A_22 step %scan3A_23  : i32 {
      %mul3A_56 = arith.constant 2 : i32
      %mul3A_57 = arith.muli %mul3A_56, %scan3A_55 : i32
      %add3A_58 = arith.constant 1 : i32
      %add3A_59 = arith.addi %mul3A_57, %add3A_58 : i32
      %dma_start3A_60 = arith.constant 0 : i32
      %dma_start3A_61 = tpu.memref_slice %arg6[%add3A_59, %dma_start3A_60] : memref<40x128xi32, #tpu.memory_space<vmem>> -> memref<1x128xi32, #tpu.memory_space<vmem>>
      %dma_start3A_62 = tpu.memref_squeeze %dma_start3A_61 : memref<1x128xi32, #tpu.memory_space<vmem>> -> memref<128xi32, #tpu.memory_space<vmem>>
      %dma_start3A_63 = arith.constant 0 : i32
      %dma_start3A_64 = arith.constant 0 : i32
      %dma_start3A_65 = tpu.memref_slice %arg2[%dma_start3A_63, %dma_start3A_64] : memref<10000x128xf32, #tpu.memory_space<hbm>> -> memref<10000x128xf32, #tpu.memory_space<hbm>>
      tpu.enqueue_indirect_dma source(%dma_start3A_65 : memref<10000x128xf32, #tpu.memory_space<hbm>>) target(%arg9 : memref<128x128xf32, #tpu.memory_space<vmem>>) offsets(%dma_start3A_62 : memref<128xi32, #tpu.memory_space<vmem>>) semaphore(%arg12 : memref<!tpu.dma_semaphore, #tpu.memory_space<semaphore_mem>>)
      %dma_wait3A = arith.constant 0 : i32
      %dma_wait3A_66 = tpu.memref_slice %arg6[%mul3A_57, %dma_wait3A] : memref<40x128xi32, #tpu.memory_space<vmem>> -> memref<1x128xi32, #tpu.memory_space<vmem>>
      %dma_wait3A_67 = tpu.memref_squeeze %dma_wait3A_66 : memref<1x128xi32, #tpu.memory_space<vmem>> -> memref<128xi32, #tpu.memory_space<vmem>>
      %dma_wait3A_68 = arith.constant 0 : i32
      %dma_wait3A_69 = arith.constant 0 : i32
      %dma_wait3A_70 = tpu.memref_slice %arg2[%dma_wait3A_68, %dma_wait3A_69] : memref<10000x128xf32, #tpu.memory_space<hbm>> -> memref<10000x128xf32, #tpu.memory_space<hbm>>
      tpu.wait_indirect_dma semaphore(%arg11 : memref<!tpu.dma_semaphore, #tpu.memory_space<semaphore_mem>>) src(%dma_wait3A_70 : memref<10000x128xf32, #tpu.memory_space<hbm>>) dst(%arg8 : memref<128x128xf32, #tpu.memory_space<vmem>>)
      "tpu.region"() ({
        %run_scoped3A = tpu.sem_alloc : memref<!tpu.dma_semaphore, #tpu.memory_space<semaphore_mem>>
        %dma_start3A_87 = arith.constant 0 : i32
        %dma_start3A_88 = tpu.memref_slice %arg7[%mul3A_57, %dma_start3A_87] : memref<40x128xi32, #tpu.memory_space<vmem>> -> memref<1x128xi32, #tpu.memory_space<vmem>>
        %dma_start3A_89 = tpu.memref_squeeze %dma_start3A_88 : memref<1x128xi32, #tpu.memory_space<vmem>> -> memref<128xi32, #tpu.memory_space<vmem>>
        %dma_start3A_90 = arith.constant 0 : i32
        %dma_start3A_91 = arith.constant 0 : i32
        %dma_start3A_92 = tpu.memref_slice %arg10[%dma_start3A_90, %dma_start3A_91] : memref<10112x128xf32, #tpu.memory_space<vmem_shared>> -> memref<10112x128xf32, #tpu.memory_space<vmem_shared>>
        tpu.enqueue_indirect_dma source(%arg8 : memref<128x128xf32, #tpu.memory_space<vmem>>) target(%dma_start3A_92 : memref<10112x128xf32, #tpu.memory_space<vmem_shared>>) offsets(%dma_start3A_89 : memref<128xi32, #tpu.memory_space<vmem>>) semaphore(%run_scoped3A : memref<!tpu.dma_semaphore, #tpu.memory_space<semaphore_mem>>) {add = true}
        %dma_wait3A_93 = arith.constant 0 : i32
        %dma_wait3A_94 = tpu.memref_slice %arg7[%mul3A_57, %dma_wait3A_93] : memref<40x128xi32, #tpu.memory_space<vmem>> -> memref<1x128xi32, #tpu.memory_space<vmem>>
        %dma_wait3A_95 = tpu.memref_squeeze %dma_wait3A_94 : memref<1x128xi32, #tpu.memory_space<vmem>> -> memref<128xi32, #tpu.memory_space<vmem>>
        %dma_wait3A_96 = arith.constant 0 : i32
        %dma_wait3A_97 = arith.constant 0 : i32
        %dma_wait3A_98 = tpu.memref_slice %arg10[%dma_wait3A_96, %dma_wait3A_97] : memref<10112x128xf32, #tpu.memory_space<vmem_shared>> -> memref<10112x128xf32, #tpu.memory_space<vmem_shared>>
        tpu.wait_indirect_dma semaphore(%run_scoped3A : memref<!tpu.dma_semaphore, #tpu.memory_space<semaphore_mem>>) src(%arg8 : memref<128x128xf32, #tpu.memory_space<vmem>>) dst(%dma_wait3A_98 : memref<10112x128xf32, #tpu.memory_space<vmem_shared>>)
        tpu.yield
      }) : () -> ()
      %add3A_71 = arith.constant 2 : i32
      %add3A_72 = arith.addi %mul3A_57, %add3A_71 : i32
      %lt3A = arith.constant 40 : i32
      %lt3A_73 = arith.cmpi slt, %add3A_72, %lt3A : i32
      %convert_element_type3A_74 = arith.extui %lt3A_73 : i1 to i32
      %cond3A_75 = arith.constant 0 : i32
      %cond3A_76 = arith.cmpi ne, %convert_element_type3A_74, %cond3A_75 : i32
      scf.if %cond3A_76 {
        %add3A_87 = arith.constant 2 : i32
        %add3A_88 = arith.addi %mul3A_57, %add3A_87 : i32
        %dma_start3A_89 = arith.constant 0 : i32
        %dma_start3A_90 = tpu.memref_slice %arg6[%add3A_88, %dma_start3A_89] : memref<40x128xi32, #tpu.memory_space<vmem>> -> memref<1x128xi32, #tpu.memory_space<vmem>>
        %dma_start3A_91 = tpu.memref_squeeze %dma_start3A_90 : memref<1x128xi32, #tpu.memory_space<vmem>> -> memref<128xi32, #tpu.memory_space<vmem>>
        %dma_start3A_92 = arith.constant 0 : i32
        %dma_start3A_93 = arith.constant 0 : i32
        %dma_start3A_94 = tpu.memref_slice %arg2[%dma_start3A_92, %dma_start3A_93] : memref<10000x128xf32, #tpu.memory_space<hbm>> -> memref<10000x128xf32, #tpu.memory_space<hbm>>
        tpu.enqueue_indirect_dma source(%dma_start3A_94 : memref<10000x128xf32, #tpu.memory_space<hbm>>) target(%arg8 : memref<128x128xf32, #tpu.memory_space<vmem>>) offsets(%dma_start3A_91 : memref<128xi32, #tpu.memory_space<vmem>>) semaphore(%arg11 : memref<!tpu.dma_semaphore, #tpu.memory_space<semaphore_mem>>)
      } else {
      }
      %add3A_77 = arith.constant 1 : i32
      %add3A_78 = arith.addi %mul3A_57, %add3A_77 : i32
      %dma_wait3A_79 = arith.constant 0 : i32
      %dma_wait3A_80 = tpu.memref_slice %arg6[%add3A_78, %dma_wait3A_79] : memref<40x128xi32, #tpu.memory_space<vmem>> -> memref<1x128xi32, #tpu.memory_space<vmem>>
      %dma_wait3A_81 = tpu.memref_squeeze %dma_wait3A_80 : memref<1x128xi32, #tpu.memory_space<vmem>> -> memref<128xi32, #tpu.memory_space<vmem>>
      %dma_wait3A_82 = arith.constant 0 : i32
      %dma_wait3A_83 = arith.constant 0 : i32
      %dma_wait3A_84 = tpu.memref_slice %arg2[%dma_wait3A_82, %dma_wait3A_83] : memref<10000x128xf32, #tpu.memory_space<hbm>> -> memref<10000x128xf32, #tpu.memory_space<hbm>>
      tpu.wait_indirect_dma semaphore(%arg12 : memref<!tpu.dma_semaphore, #tpu.memory_space<semaphore_mem>>) src(%dma_wait3A_84 : memref<10000x128xf32, #tpu.memory_space<hbm>>) dst(%arg9 : memref<128x128xf32, #tpu.memory_space<vmem>>)
      %add3A_85 = arith.constant 1 : i32
      %add3A_86 = arith.addi %mul3A_57, %add3A_85 : i32
      "tpu.region"() ({
        %run_scoped3A = tpu.sem_alloc : memref<!tpu.dma_semaphore, #tpu.memory_space<semaphore_mem>>
        %dma_start3A_87 = arith.constant 0 : i32
        %dma_start3A_88 = tpu.memref_slice %arg7[%add3A_86, %dma_start3A_87] : memref<40x128xi32, #tpu.memory_space<vmem>> -> memref<1x128xi32, #tpu.memory_space<vmem>>
        %dma_start3A_89 = tpu.memref_squeeze %dma_start3A_88 : memref<1x128xi32, #tpu.memory_space<vmem>> -> memref<128xi32, #tpu.memory_space<vmem>>
        %dma_start3A_90 = arith.constant 0 : i32
        %dma_start3A_91 = arith.constant 0 : i32
        %dma_start3A_92 = tpu.memref_slice %arg10[%dma_start3A_90, %dma_start3A_91] : memref<10112x128xf32, #tpu.memory_space<vmem_shared>> -> memref<10112x128xf32, #tpu.memory_space<vmem_shared>>
        tpu.enqueue_indirect_dma source(%arg9 : memref<128x128xf32, #tpu.memory_space<vmem>>) target(%dma_start3A_92 : memref<10112x128xf32, #tpu.memory_space<vmem_shared>>) offsets(%dma_start3A_89 : memref<128xi32, #tpu.memory_space<vmem>>) semaphore(%run_scoped3A : memref<!tpu.dma_semaphore, #tpu.memory_space<semaphore_mem>>) {add = true}
        %dma_wait3A_93 = arith.constant 0 : i32
        %dma_wait3A_94 = tpu.memref_slice %arg7[%add3A_86, %dma_wait3A_93] : memref<40x128xi32, #tpu.memory_space<vmem>> -> memref<1x128xi32, #tpu.memory_space<vmem>>
        %dma_wait3A_95 = tpu.memref_squeeze %dma_wait3A_94 : memref<1x128xi32, #tpu.memory_space<vmem>> -> memref<128xi32, #tpu.memory_space<vmem>>
        %dma_wait3A_96 = arith.constant 0 : i32
        %dma_wait3A_97 = arith.constant 0 : i32
        %dma_wait3A_98 = tpu.memref_slice %arg10[%dma_wait3A_96, %dma_wait3A_97] : memref<10112x128xf32, #tpu.memory_space<vmem_shared>> -> memref<10112x128xf32, #tpu.memory_space<vmem_shared>>
        tpu.wait_indirect_dma semaphore(%run_scoped3A : memref<!tpu.dma_semaphore, #tpu.memory_space<semaphore_mem>>) src(%arg9 : memref<128x128xf32, #tpu.memory_space<vmem>>) dst(%dma_wait3A_98 : memref<10112x128xf32, #tpu.memory_space<vmem_shared>>)
        tpu.yield
      }) : () -> ()
    }
    %scan3A_24 = arith.constant 20 : i32
    "tpu.region"() ({
      %run_scoped3A = tpu.sem_alloc : memref<!tpu.dma_semaphore, #tpu.memory_space<semaphore_mem>>
      %dma_start3A_55 = arith.constant 40 : i32
      %dma_start3A_56 = arith.constant 0 : i32
      %dma_start3A_57 = tpu.memref_slice %arg3[%add3A, %dma_start3A_55, %dma_start3A_56] : memref<32x80x128xi32, #tpu.memory_space<hbm>> -> memref<1x40x128xi32, #tpu.memory_space<hbm>>
      %dma_start3A_58 = tpu.memref_squeeze %dma_start3A_57 : memref<1x40x128xi32, #tpu.memory_space<hbm>> -> memref<40x128xi32, #tpu.memory_space<hbm>>
      %dma_start3A_59 = arith.constant 40 : i32
      %dma_start3A_60 = arith.constant 0 : i32
      %dma_start3A_61 = tpu.memref_slice %arg3[%add3A, %dma_start3A_59, %dma_start3A_60] : memref<32x80x128xi32, #tpu.memory_space<hbm>> -> memref<1x40x128xi32, #tpu.memory_space<hbm>>
      %dma_start3A_62 = tpu.memref_squeeze %dma_start3A_61 : memref<1x40x128xi32, #tpu.memory_space<hbm>> -> memref<40x128xi32, #tpu.memory_space<hbm>>
      tpu.enqueue_dma source(%dma_start3A_62 : memref<40x128xi32, #tpu.memory_space<hbm>>) target(%arg6 : memref<40x128xi32, #tpu.memory_space<vmem>>) target_semaphore(%run_scoped3A : memref<!tpu.dma_semaphore, #tpu.memory_space<semaphore_mem>>)
      %dma_wait3A = arith.constant 40 : i32
      %dma_wait3A_63 = arith.constant 0 : i32
      %dma_wait3A_64 = tpu.memref_slice %arg3[%add3A, %dma_wait3A, %dma_wait3A_63] : memref<32x80x128xi32, #tpu.memory_space<hbm>> -> memref<1x40x128xi32, #tpu.memory_space<hbm>>
      %dma_wait3A_65 = tpu.memref_squeeze %dma_wait3A_64 : memref<1x40x128xi32, #tpu.memory_space<hbm>> -> memref<40x128xi32, #tpu.memory_space<hbm>>
      %dma_wait3A_66 = arith.constant 40 : i32
      %dma_wait3A_67 = arith.constant 0 : i32
      %dma_wait3A_68 = tpu.memref_slice %arg3[%add3A, %dma_wait3A_66, %dma_wait3A_67] : memref<32x80x128xi32, #tpu.memory_space<hbm>> -> memref<1x40x128xi32, #tpu.memory_space<hbm>>
      %dma_wait3A_69 = tpu.memref_squeeze %dma_wait3A_68 : memref<1x40x128xi32, #tpu.memory_space<hbm>> -> memref<40x128xi32, #tpu.memory_space<hbm>>
      tpu.wait_dma2 semaphore(%run_scoped3A : memref<!tpu.dma_semaphore, #tpu.memory_space<semaphore_mem>>) src(%dma_wait3A_69 : memref<40x128xi32, #tpu.memory_space<hbm>>) dst(%arg6 : memref<40x128xi32, #tpu.memory_space<vmem>>)
      tpu.yield
    }) : () -> ()
    "tpu.region"() ({
      %run_scoped3A = tpu.sem_alloc : memref<!tpu.dma_semaphore, #tpu.memory_space<semaphore_mem>>
      %dma_start3A_55 = arith.constant 40 : i32
      %dma_start3A_56 = arith.constant 0 : i32
      %dma_start3A_57 = tpu.memref_slice %arg4[%add3A, %dma_start3A_55, %dma_start3A_56] : memref<32x80x128xi32, #tpu.memory_space<hbm>> -> memref<1x40x128xi32, #tpu.memory_space<hbm>>
      %dma_start3A_58 = tpu.memref_squeeze %dma_start3A_57 : memref<1x40x128xi32, #tpu.memory_space<hbm>> -> memref<40x128xi32, #tpu.memory_space<hbm>>
      %dma_start3A_59 = arith.constant 40 : i32
      %dma_start3A_60 = arith.constant 0 : i32
      %dma_start3A_61 = tpu.memref_slice %arg4[%add3A, %dma_start3A_59, %dma_start3A_60] : memref<32x80x128xi32, #tpu.memory_space<hbm>> -> memref<1x40x128xi32, #tpu.memory_space<hbm>>
      %dma_start3A_62 = tpu.memref_squeeze %dma_start3A_61 : memref<1x40x128xi32, #tpu.memory_space<hbm>> -> memref<40x128xi32, #tpu.memory_space<hbm>>
      tpu.enqueue_dma source(%dma_start3A_62 : memref<40x128xi32, #tpu.memory_space<hbm>>) target(%arg7 : memref<40x128xi32, #tpu.memory_space<vmem>>) target_semaphore(%run_scoped3A : memref<!tpu.dma_semaphore, #tpu.memory_space<semaphore_mem>>)
      %dma_wait3A = arith.constant 40 : i32
      %dma_wait3A_63 = arith.constant 0 : i32
      %dma_wait3A_64 = tpu.memref_slice %arg4[%add3A, %dma_wait3A, %dma_wait3A_63] : memref<32x80x128xi32, #tpu.memory_space<hbm>> -> memref<1x40x128xi32, #tpu.memory_space<hbm>>
      %dma_wait3A_65 = tpu.memref_squeeze %dma_wait3A_64 : memref<1x40x128xi32, #tpu.memory_space<hbm>> -> memref<40x128xi32, #tpu.memory_space<hbm>>
      %dma_wait3A_66 = arith.constant 40 : i32
      %dma_wait3A_67 = arith.constant 0 : i32
      %dma_wait3A_68 = tpu.memref_slice %arg4[%add3A, %dma_wait3A_66, %dma_wait3A_67] : memref<32x80x128xi32, #tpu.memory_space<hbm>> -> memref<1x40x128xi32, #tpu.memory_space<hbm>>
      %dma_wait3A_69 = tpu.memref_squeeze %dma_wait3A_68 : memref<1x40x128xi32, #tpu.memory_space<hbm>> -> memref<40x128xi32, #tpu.memory_space<hbm>>
      tpu.wait_dma2 semaphore(%run_scoped3A : memref<!tpu.dma_semaphore, #tpu.memory_space<semaphore_mem>>) src(%dma_wait3A_69 : memref<40x128xi32, #tpu.memory_space<hbm>>) dst(%arg7 : memref<40x128xi32, #tpu.memory_space<vmem>>)
      tpu.yield
    }) : () -> ()
    %dma_start3A_25 = arith.constant 0 : i32
    %dma_start3A_26 = arith.constant 0 : i32
    %dma_start3A_27 = tpu.memref_slice %arg6[%dma_start3A_25, %dma_start3A_26] : memref<40x128xi32, #tpu.memory_space<vmem>> -> memref<1x128xi32, #tpu.memory_space<vmem>>
    %dma_start3A_28 = tpu.memref_squeeze %dma_start3A_27 : memref<1x128xi32, #tpu.memory_space<vmem>> -> memref<128xi32, #tpu.memory_space<vmem>>
    %dma_start3A_29 = arith.constant 0 : i32
    %dma_start3A_30 = arith.constant 0 : i32
    %dma_start3A_31 = tpu.memref_slice %arg2[%dma_start3A_29, %dma_start3A_30] : memref<10000x128xf32, #tpu.memory_space<hbm>> -> memref<10000x128xf32, #tpu.memory_space<hbm>>
    tpu.enqueue_indirect_dma source(%dma_start3A_31 : memref<10000x128xf32, #tpu.memory_space<hbm>>) target(%arg8 : memref<128x128xf32, #tpu.memory_space<vmem>>) offsets(%dma_start3A_28 : memref<128xi32, #tpu.memory_space<vmem>>) semaphore(%arg11 : memref<!tpu.dma_semaphore, #tpu.memory_space<semaphore_mem>>)
    %scan3A_32 = arith.constant 0 : i32
    %scan3A_33 = arith.constant 0 : i32
    %scan3A_34 = arith.constant 20 : i32
    %scan3A_35 = arith.addi %scan3A_33, %scan3A_34 : i32
    %scan3A_36 = arith.constant 1 : i32
    scf.for %scan3A_55 = %scan3A_33 to %scan3A_35 step %scan3A_36  : i32 {
      %mul3A_56 = arith.constant 2 : i32
      %mul3A_57 = arith.muli %mul3A_56, %scan3A_55 : i32
      %add3A_58 = arith.constant 1 : i32
      %add3A_59 = arith.addi %mul3A_57, %add3A_58 : i32
      %dma_start3A_60 = arith.constant 0 : i32
      %dma_start3A_61 = tpu.memref_slice %arg6[%add3A_59, %dma_start3A_60] : memref<40x128xi32, #tpu.memory_space<vmem>> -> memref<1x128xi32, #tpu.memory_space<vmem>>
      %dma_start3A_62 = tpu.memref_squeeze %dma_start3A_61 : memref<1x128xi32, #tpu.memory_space<vmem>> -> memref<128xi32, #tpu.memory_space<vmem>>
      %dma_start3A_63 = arith.constant 0 : i32
      %dma_start3A_64 = arith.constant 0 : i32
      %dma_start3A_65 = tpu.memref_slice %arg2[%dma_start3A_63, %dma_start3A_64] : memref<10000x128xf32, #tpu.memory_space<hbm>> -> memref<10000x128xf32, #tpu.memory_space<hbm>>
      tpu.enqueue_indirect_dma source(%dma_start3A_65 : memref<10000x128xf32, #tpu.memory_space<hbm>>) target(%arg9 : memref<128x128xf32, #tpu.memory_space<vmem>>) offsets(%dma_start3A_62 : memref<128xi32, #tpu.memory_space<vmem>>) semaphore(%arg12 : memref<!tpu.dma_semaphore, #tpu.memory_space<semaphore_mem>>)
      %dma_wait3A = arith.constant 0 : i32
      %dma_wait3A_66 = tpu.memref_slice %arg6[%mul3A_57, %dma_wait3A] : memref<40x128xi32, #tpu.memory_space<vmem>> -> memref<1x128xi32, #tpu.memory_space<vmem>>
      %dma_wait3A_67 = tpu.memref_squeeze %dma_wait3A_66 : memref<1x128xi32, #tpu.memory_space<vmem>> -> memref<128xi32, #tpu.memory_space<vmem>>
      %dma_wait3A_68 = arith.constant 0 : i32
      %dma_wait3A_69 = arith.constant 0 : i32
      %dma_wait3A_70 = tpu.memref_slice %arg2[%dma_wait3A_68, %dma_wait3A_69] : memref<10000x128xf32, #tpu.memory_space<hbm>> -> memref<10000x128xf32, #tpu.memory_space<hbm>>
      tpu.wait_indirect_dma semaphore(%arg11 : memref<!tpu.dma_semaphore, #tpu.memory_space<semaphore_mem>>) src(%dma_wait3A_70 : memref<10000x128xf32, #tpu.memory_space<hbm>>) dst(%arg8 : memref<128x128xf32, #tpu.memory_space<vmem>>)
      "tpu.region"() ({
        %run_scoped3A = tpu.sem_alloc : memref<!tpu.dma_semaphore, #tpu.memory_space<semaphore_mem>>
        %dma_start3A_87 = arith.constant 0 : i32
        %dma_start3A_88 = tpu.memref_slice %arg7[%mul3A_57, %dma_start3A_87] : memref<40x128xi32, #tpu.memory_space<vmem>> -> memref<1x128xi32, #tpu.memory_space<vmem>>
        %dma_start3A_89 = tpu.memref_squeeze %dma_start3A_88 : memref<1x128xi32, #tpu.memory_space<vmem>> -> memref<128xi32, #tpu.memory_space<vmem>>
        %dma_start3A_90 = arith.constant 0 : i32
        %dma_start3A_91 = arith.constant 0 : i32
        %dma_start3A_92 = tpu.memref_slice %arg10[%dma_start3A_90, %dma_start3A_91] : memref<10112x128xf32, #tpu.memory_space<vmem_shared>> -> memref<10112x128xf32, #tpu.memory_space<vmem_shared>>
        tpu.enqueue_indirect_dma source(%arg8 : memref<128x128xf32, #tpu.memory_space<vmem>>) target(%dma_start3A_92 : memref<10112x128xf32, #tpu.memory_space<vmem_shared>>) offsets(%dma_start3A_89 : memref<128xi32, #tpu.memory_space<vmem>>) semaphore(%run_scoped3A : memref<!tpu.dma_semaphore, #tpu.memory_space<semaphore_mem>>) {add = true}
        %dma_wait3A_93 = arith.constant 0 : i32
        %dma_wait3A_94 = tpu.memref_slice %arg7[%mul3A_57, %dma_wait3A_93] : memref<40x128xi32, #tpu.memory_space<vmem>> -> memref<1x128xi32, #tpu.memory_space<vmem>>
        %dma_wait3A_95 = tpu.memref_squeeze %dma_wait3A_94 : memref<1x128xi32, #tpu.memory_space<vmem>> -> memref<128xi32, #tpu.memory_space<vmem>>
        %dma_wait3A_96 = arith.constant 0 : i32
        %dma_wait3A_97 = arith.constant 0 : i32
        %dma_wait3A_98 = tpu.memref_slice %arg10[%dma_wait3A_96, %dma_wait3A_97] : memref<10112x128xf32, #tpu.memory_space<vmem_shared>> -> memref<10112x128xf32, #tpu.memory_space<vmem_shared>>
        tpu.wait_indirect_dma semaphore(%run_scoped3A : memref<!tpu.dma_semaphore, #tpu.memory_space<semaphore_mem>>) src(%arg8 : memref<128x128xf32, #tpu.memory_space<vmem>>) dst(%dma_wait3A_98 : memref<10112x128xf32, #tpu.memory_space<vmem_shared>>)
        tpu.yield
      }) : () -> ()
      %add3A_71 = arith.constant 2 : i32
      %add3A_72 = arith.addi %mul3A_57, %add3A_71 : i32
      %lt3A = arith.constant 40 : i32
      %lt3A_73 = arith.cmpi slt, %add3A_72, %lt3A : i32
      %convert_element_type3A_74 = arith.extui %lt3A_73 : i1 to i32
      %cond3A_75 = arith.constant 0 : i32
      %cond3A_76 = arith.cmpi ne, %convert_element_type3A_74, %cond3A_75 : i32
      scf.if %cond3A_76 {
        %add3A_87 = arith.constant 2 : i32
        %add3A_88 = arith.addi %mul3A_57, %add3A_87 : i32
        %dma_start3A_89 = arith.constant 0 : i32
        %dma_start3A_90 = tpu.memref_slice %arg6[%add3A_88, %dma_start3A_89] : memref<40x128xi32, #tpu.memory_space<vmem>> -> memref<1x128xi32, #tpu.memory_space<vmem>>
        %dma_start3A_91 = tpu.memref_squeeze %dma_start3A_90 : memref<1x128xi32, #tpu.memory_space<vmem>> -> memref<128xi32, #tpu.memory_space<vmem>>
        %dma_start3A_92 = arith.constant 0 : i32
        %dma_start3A_93 = arith.constant 0 : i32
        %dma_start3A_94 = tpu.memref_slice %arg2[%dma_start3A_92, %dma_start3A_93] : memref<10000x128xf32, #tpu.memory_space<hbm>> -> memref<10000x128xf32, #tpu.memory_space<hbm>>
        tpu.enqueue_indirect_dma source(%dma_start3A_94 : memref<10000x128xf32, #tpu.memory_space<hbm>>) target(%arg8 : memref<128x128xf32, #tpu.memory_space<vmem>>) offsets(%dma_start3A_91 : memref<128xi32, #tpu.memory_space<vmem>>) semaphore(%arg11 : memref<!tpu.dma_semaphore, #tpu.memory_space<semaphore_mem>>)
      } else {
      }
      %add3A_77 = arith.constant 1 : i32
      %add3A_78 = arith.addi %mul3A_57, %add3A_77 : i32
      %dma_wait3A_79 = arith.constant 0 : i32
      %dma_wait3A_80 = tpu.memref_slice %arg6[%add3A_78, %dma_wait3A_79] : memref<40x128xi32, #tpu.memory_space<vmem>> -> memref<1x128xi32, #tpu.memory_space<vmem>>
      %dma_wait3A_81 = tpu.memref_squeeze %dma_wait3A_80 : memref<1x128xi32, #tpu.memory_space<vmem>> -> memref<128xi32, #tpu.memory_space<vmem>>
      %dma_wait3A_82 = arith.constant 0 : i32
      %dma_wait3A_83 = arith.constant 0 : i32
      %dma_wait3A_84 = tpu.memref_slice %arg2[%dma_wait3A_82, %dma_wait3A_83] : memref<10000x128xf32, #tpu.memory_space<hbm>> -> memref<10000x128xf32, #tpu.memory_space<hbm>>
      tpu.wait_indirect_dma semaphore(%arg12 : memref<!tpu.dma_semaphore, #tpu.memory_space<semaphore_mem>>) src(%dma_wait3A_84 : memref<10000x128xf32, #tpu.memory_space<hbm>>) dst(%arg9 : memref<128x128xf32, #tpu.memory_space<vmem>>)
      %add3A_85 = arith.constant 1 : i32
      %add3A_86 = arith.addi %mul3A_57, %add3A_85 : i32
      "tpu.region"() ({
        %run_scoped3A = tpu.sem_alloc : memref<!tpu.dma_semaphore, #tpu.memory_space<semaphore_mem>>
        %dma_start3A_87 = arith.constant 0 : i32
        %dma_start3A_88 = tpu.memref_slice %arg7[%add3A_86, %dma_start3A_87] : memref<40x128xi32, #tpu.memory_space<vmem>> -> memref<1x128xi32, #tpu.memory_space<vmem>>
        %dma_start3A_89 = tpu.memref_squeeze %dma_start3A_88 : memref<1x128xi32, #tpu.memory_space<vmem>> -> memref<128xi32, #tpu.memory_space<vmem>>
        %dma_start3A_90 = arith.constant 0 : i32
        %dma_start3A_91 = arith.constant 0 : i32
        %dma_start3A_92 = tpu.memref_slice %arg10[%dma_start3A_90, %dma_start3A_91] : memref<10112x128xf32, #tpu.memory_space<vmem_shared>> -> memref<10112x128xf32, #tpu.memory_space<vmem_shared>>
        tpu.enqueue_indirect_dma source(%arg9 : memref<128x128xf32, #tpu.memory_space<vmem>>) target(%dma_start3A_92 : memref<10112x128xf32, #tpu.memory_space<vmem_shared>>) offsets(%dma_start3A_89 : memref<128xi32, #tpu.memory_space<vmem>>) semaphore(%run_scoped3A : memref<!tpu.dma_semaphore, #tpu.memory_space<semaphore_mem>>) {add = true}
        %dma_wait3A_93 = arith.constant 0 : i32
        %dma_wait3A_94 = tpu.memref_slice %arg7[%add3A_86, %dma_wait3A_93] : memref<40x128xi32, #tpu.memory_space<vmem>> -> memref<1x128xi32, #tpu.memory_space<vmem>>
        %dma_wait3A_95 = tpu.memref_squeeze %dma_wait3A_94 : memref<1x128xi32, #tpu.memory_space<vmem>> -> memref<128xi32, #tpu.memory_space<vmem>>
        %dma_wait3A_96 = arith.constant 0 : i32
        %dma_wait3A_97 = arith.constant 0 : i32
        %dma_wait3A_98 = tpu.memref_slice %arg10[%dma_wait3A_96, %dma_wait3A_97] : memref<10112x128xf32, #tpu.memory_space<vmem_shared>> -> memref<10112x128xf32, #tpu.memory_space<vmem_shared>>
        tpu.wait_indirect_dma semaphore(%run_scoped3A : memref<!tpu.dma_semaphore, #tpu.memory_space<semaphore_mem>>) src(%arg9 : memref<128x128xf32, #tpu.memory_space<vmem>>) dst(%dma_wait3A_98 : memref<10112x128xf32, #tpu.memory_space<vmem_shared>>)
        tpu.yield
      }) : () -> ()
    }
    %scan3A_37 = arith.constant 20 : i32
    %barrier3A_38 = arith.constant 0 : index
    tpu.barrier barrier_id(%barrier3A_38)
    %mul3A_39 = arith.constant 632 : i32
    %mul3A_40 = arith.muli %arg1, %mul3A_39 : i32
    %add3A_41 = arith.constant 632 : i32
    %add3A_42 = arith.addi %mul3A_40, %add3A_41 : i32
    %le3A = arith.constant 9480 : i32
    %le3A_43 = arith.cmpi sle, %add3A_42, %le3A : i32
    %convert_element_type3A_44 = arith.extui %le3A_43 : i1 to i32
    %cond3A_45 = arith.constant 0 : i32
    %cond3A_46 = arith.cmpi ne, %convert_element_type3A_44, %cond3A_45 : i32
    scf.if %cond3A_46 {
      %mul3A_55 = arith.constant 632 : i32
      %mul3A_56 = arith.muli %arg1, %mul3A_55 : i32
      %mul3A_57 = arith.constant 632 : i32
      %mul3A_58 = arith.muli %arg1, %mul3A_57 : i32
      "tpu.region"() ({
        %run_scoped3A = tpu.sem_alloc : memref<!tpu.dma_semaphore, #tpu.memory_space<semaphore_mem>>
        %dma_start3A_59 = arith.constant 0 : i32
        %dma_start3A_60 = tpu.memref_slice %arg5[%arg0, %mul3A_58, %dma_start3A_59] : memref<2x10112x128xf32, #tpu.memory_space<hbm>> -> memref<1x632x128xf32, #tpu.memory_space<hbm>>
        %dma_start3A_61 = tpu.memref_squeeze %dma_start3A_60 : memref<1x632x128xf32, #tpu.memory_space<hbm>> -> memref<632x128xf32, #tpu.memory_space<hbm>>
        %dma_start3A_62 = arith.constant 0 : i32
        %dma_start3A_63 = tpu.memref_slice %arg10[%mul3A_56, %dma_start3A_62] : memref<10112x128xf32, #tpu.memory_space<vmem_shared>> -> memref<632x128xf32, #tpu.memory_space<vmem_shared>>
        tpu.enqueue_dma source(%dma_start3A_63 : memref<632x128xf32, #tpu.memory_space<vmem_shared>>) target(%dma_start3A_61 : memref<632x128xf32, #tpu.memory_space<hbm>>) target_semaphore(%run_scoped3A : memref<!tpu.dma_semaphore, #tpu.memory_space<semaphore_mem>>)
        %dma_wait3A = arith.constant 0 : i32
        %dma_wait3A_64 = tpu.memref_slice %arg5[%arg0, %mul3A_58, %dma_wait3A] : memref<2x10112x128xf32, #tpu.memory_space<hbm>> -> memref<1x632x128xf32, #tpu.memory_space<hbm>>
        %dma_wait3A_65 = tpu.memref_squeeze %dma_wait3A_64 : memref<1x632x128xf32, #tpu.memory_space<hbm>> -> memref<632x128xf32, #tpu.memory_space<hbm>>
        %dma_wait3A_66 = arith.constant 0 : i32
        %dma_wait3A_67 = tpu.memref_slice %arg10[%mul3A_56, %dma_wait3A_66] : memref<10112x128xf32, #tpu.memory_space<vmem_shared>> -> memref<632x128xf32, #tpu.memory_space<vmem_shared>>
        tpu.wait_dma2 semaphore(%run_scoped3A : memref<!tpu.dma_semaphore, #tpu.memory_space<semaphore_mem>>) src(%dma_wait3A_67 : memref<632x128xf32, #tpu.memory_space<vmem_shared>>) dst(%dma_wait3A_65 : memref<632x128xf32, #tpu.memory_space<hbm>>)
        tpu.yield
      }) : () -> ()
    } else {
    }
    %mul3A_47 = arith.constant 632 : i32
    %mul3A_48 = arith.muli %arg1, %mul3A_47 : i32
    %add3A_49 = arith.constant 632 : i32
    %add3A_50 = arith.addi %mul3A_48, %add3A_49 : i32
    %gt3A = arith.constant 9480 : i32
    %gt3A_51 = arith.cmpi sgt, %add3A_50, %gt3A : i32
    %convert_element_type3A_52 = arith.extui %gt3A_51 : i1 to i32
    %cond3A_53 = arith.constant 0 : i32
    %cond3A_54 = arith.cmpi ne, %convert_element_type3A_52, %cond3A_53 : i32
    scf.if %cond3A_54 {
      "tpu.region"() ({
        %run_scoped3A = tpu.sem_alloc : memref<!tpu.dma_semaphore, #tpu.memory_space<semaphore_mem>>
        %dma_start3A_55 = arith.constant 9480 : i32
        %dma_start3A_56 = arith.constant 0 : i32
        %dma_start3A_57 = tpu.memref_slice %arg5[%arg0, %dma_start3A_55, %dma_start3A_56] : memref<2x10112x128xf32, #tpu.memory_space<hbm>> -> memref<1x520x128xf32, #tpu.memory_space<hbm>>
        %dma_start3A_58 = tpu.memref_squeeze %dma_start3A_57 : memref<1x520x128xf32, #tpu.memory_space<hbm>> -> memref<520x128xf32, #tpu.memory_space<hbm>>
        %dma_start3A_59 = arith.constant 9480 : i32
        %dma_start3A_60 = arith.constant 0 : i32
        %dma_start3A_61 = tpu.memref_slice %arg10[%dma_start3A_59, %dma_start3A_60] : memref<10112x128xf32, #tpu.memory_space<vmem_shared>> -> memref<520x128xf32, #tpu.memory_space<vmem_shared>>
        tpu.enqueue_dma source(%dma_start3A_61 : memref<520x128xf32, #tpu.memory_space<vmem_shared>>) target(%dma_start3A_58 : memref<520x128xf32, #tpu.memory_space<hbm>>) target_semaphore(%run_scoped3A : memref<!tpu.dma_semaphore, #tpu.memory_space<semaphore_mem>>)
        %dma_wait3A = arith.constant 9480 : i32
        %dma_wait3A_62 = arith.constant 0 : i32
        %dma_wait3A_63 = tpu.memref_slice %arg5[%arg0, %dma_wait3A, %dma_wait3A_62] : memref<2x10112x128xf32, #tpu.memory_space<hbm>> -> memref<1x520x128xf32, #tpu.memory_space<hbm>>
        %dma_wait3A_64 = tpu.memref_squeeze %dma_wait3A_63 : memref<1x520x128xf32, #tpu.memory_space<hbm>> -> memref<520x128xf32, #tpu.memory_space<hbm>>
        %dma_wait3A_65 = arith.constant 9480 : i32
        %dma_wait3A_66 = arith.constant 0 : i32
        %dma_wait3A_67 = tpu.memref_slice %arg10[%dma_wait3A_65, %dma_wait3A_66] : memref<10112x128xf32, #tpu.memory_space<vmem_shared>> -> memref<520x128xf32, #tpu.memory_space<vmem_shared>>
        tpu.wait_dma2 semaphore(%run_scoped3A : memref<!tpu.dma_semaphore, #tpu.memory_space<semaphore_mem>>) src(%dma_wait3A_67 : memref<520x128xf32, #tpu.memory_space<vmem_shared>>) dst(%dma_wait3A_64 : memref<520x128xf32, #tpu.memory_space<hbm>>)
        tpu.yield
      }) : () -> ()
    } else {
    }
    return
  }
}

module attributes {stable_mosaic.version = 14 : i64} {
  func.func @_gin_body(%arg0: memref<2x10112x128xf32, #tpu.memory_space<vmem>>, %arg1: memref<128x128xf32, #tpu.memory_space<vmem>>, %arg2: memref<1x128xf32, #tpu.memory_space<vmem>>, %arg3: memref<128x128xf32, #tpu.memory_space<vmem>>, %arg4: memref<1x128xf32, #tpu.memory_space<vmem>>, %arg5: memref<1x128xf32, #tpu.memory_space<vmem>>, %arg6: memref<1x128xf32, #tpu.memory_space<vmem>>, %arg7: memref<10000x128xf32, #tpu.memory_space<vmem>>) attributes {dimension_semantics = [], scalar_prefetch = 0 : i64, scratch_operands = 0 : i64, tpu.core_type = #tpu.core_type<tc>} {
    %get3A = arith.constant 0 : index
    %get3A_0 = arith.constant 0 : index
    %get3A_1 = arith.constant 0 : index
    %get3A_2 = vector.load %arg0[%get3A, %get3A_0, %get3A_1] : memref<2x10112x128xf32, #tpu.memory_space<vmem>>, vector<1x10000x128xf32>
    %get3A_3 = vector.shape_cast %get3A_2 : vector<1x10000x128xf32> to vector<10000x128xf32>
    %get3A_4 = arith.constant 1 : index
    %get3A_5 = arith.constant 0 : index
    %get3A_6 = arith.constant 0 : index
    %get3A_7 = vector.load %arg0[%get3A_4, %get3A_5, %get3A_6] : memref<2x10112x128xf32, #tpu.memory_space<vmem>>, vector<1x10000x128xf32>
    %get3A_8 = vector.shape_cast %get3A_7 : vector<1x10000x128xf32> to vector<10000x128xf32>
    %add3A = arith.addf %get3A_3, %get3A_8 : vector<10000x128xf32>
    %get3A_9 = arith.constant 0 : index
    %get3A_10 = arith.constant 0 : index
    %get3A_11 = vector.load %arg1[%get3A_9, %get3A_10] : memref<128x128xf32, #tpu.memory_space<vmem>>, vector<128x128xf32>
    %dot_general3A = arith.constant dense<0.000000e+00> : vector<10000x128xf32>
    %dot_general3A_12 = tpu.matmul %add3A, %get3A_11, %dot_general3A {dimension_numbers = #tpu.dot_dimension_numbers<[1], [0], [0], [1], [0, 0, 1, 1], [], []>, transpose_lhs_hint = false} : vector<10000x128xf32>, vector<128x128xf32>, vector<10000x128xf32> -> vector<10000x128xf32>
    %get3A_13 = arith.constant 0 : index
    %get3A_14 = arith.constant 0 : index
    %get3A_15 = vector.load %arg2[%get3A_13, %get3A_14] : memref<1x128xf32, #tpu.memory_space<vmem>>, vector<1x128xf32>
    %add3A_16 = vector.broadcast %get3A_15 : vector<1x128xf32> to vector<10000x128xf32>
    %add3A_17 = arith.addf %dot_general3A_12, %add3A_16 : vector<10000x128xf32>
    %max3A = arith.constant 0.000000e+00 : f32
    %max3A_18 = vector.broadcast %max3A : f32 to vector<10000x128xf32>
    %max3A_19 = arith.maximumf %add3A_17, %max3A_18 : vector<10000x128xf32>
    %get3A_20 = arith.constant 0 : index
    %get3A_21 = arith.constant 0 : index
    %get3A_22 = vector.load %arg3[%get3A_20, %get3A_21] : memref<128x128xf32, #tpu.memory_space<vmem>>, vector<128x128xf32>
    %dot_general3A_23 = arith.constant dense<0.000000e+00> : vector<10000x128xf32>
    %dot_general3A_24 = tpu.matmul %max3A_19, %get3A_22, %dot_general3A_23 {dimension_numbers = #tpu.dot_dimension_numbers<[1], [0], [0], [1], [0, 0, 1, 1], [], []>, transpose_lhs_hint = false} : vector<10000x128xf32>, vector<128x128xf32>, vector<10000x128xf32> -> vector<10000x128xf32>
    %get3A_25 = arith.constant 0 : index
    %get3A_26 = arith.constant 0 : index
    %get3A_27 = vector.load %arg4[%get3A_25, %get3A_26] : memref<1x128xf32, #tpu.memory_space<vmem>>, vector<1x128xf32>
    %add3A_28 = vector.broadcast %get3A_27 : vector<1x128xf32> to vector<10000x128xf32>
    %add3A_29 = arith.addf %dot_general3A_24, %add3A_28 : vector<10000x128xf32>
    %max3A_30 = arith.constant 0.000000e+00 : f32
    %max3A_31 = vector.broadcast %max3A_30 : f32 to vector<10000x128xf32>
    %max3A_32 = arith.maximumf %add3A_29, %max3A_31 : vector<10000x128xf32>
    %get3A_33 = arith.constant 0 : index
    %get3A_34 = arith.constant 0 : index
    %get3A_35 = vector.load %arg5[%get3A_33, %get3A_34] : memref<1x128xf32, #tpu.memory_space<vmem>>, vector<1x128xf32>
    %get3A_36 = arith.constant 0 : index
    %get3A_37 = arith.constant 0 : index
    %get3A_38 = vector.load %arg6[%get3A_36, %get3A_37] : memref<1x128xf32, #tpu.memory_space<vmem>>, vector<1x128xf32>
    %reduce_sum3A = arith.constant dense<0.000000e+00> : vector<128xf32>
    %reduce_sum3A_39 = vector.multi_reduction <add>, %max3A_32, %reduce_sum3A [0] : vector<10000x128xf32> to vector<128xf32>
    %div3A = arith.constant 1.000000e+04 : f32
    %div3A_40 = vector.broadcast %div3A : f32 to vector<128xf32>
    %div3A_41 = arith.divf %reduce_sum3A_39, %div3A_40 : vector<128xf32>
    %jit3A = arith.constant 0 : i32
    %reduce_sum3A_42 = arith.constant dense<0.000000e+00> : vector<128xf32>
    %reduce_sum3A_43 = vector.multi_reduction <add>, %max3A_32, %reduce_sum3A_42 [0] : vector<10000x128xf32> to vector<128xf32>
    %broadcast_in_dim3A = vector.shape_cast %reduce_sum3A_43 : vector<128xf32> to vector<1x128xf32>
    %div3A_44 = arith.constant 1.000000e+04 : f32
    %div3A_45 = vector.broadcast %div3A_44 : f32 to vector<1x128xf32>
    %div3A_46 = arith.divf %broadcast_in_dim3A, %div3A_45 : vector<1x128xf32>
    %sub3A = vector.broadcast %div3A_46 : vector<1x128xf32> to vector<10000x128xf32>
    %sub3A_47 = arith.subf %max3A_32, %sub3A : vector<10000x128xf32>
    %square3A = arith.mulf %sub3A_47, %sub3A_47 : vector<10000x128xf32>
    %convert_element_type3A = arith.sitofp %jit3A : i32 to f32
    %sub3A_48 = arith.constant 1.000000e+04 : f32
    %sub3A_49 = arith.subf %sub3A_48, %convert_element_type3A : f32
    %reduce_sum3A_50 = arith.constant dense<0.000000e+00> : vector<128xf32>
    %reduce_sum3A_51 = vector.multi_reduction <add>, %square3A, %reduce_sum3A_50 [0] : vector<10000x128xf32> to vector<128xf32>
    %div3A_52 = vector.broadcast %sub3A_49 : f32 to vector<128xf32>
    %div3A_53 = arith.divf %reduce_sum3A_51, %div3A_52 : vector<128xf32>
    %gt3A = arith.constant 0.000000e+00 : f32
    %gt3A_54 = arith.cmpf ogt, %sub3A_49, %gt3A : f32
    %jit3A_55 = arith.constant 0x7FC00000 : f32
    %broadcast_in_dim3A_56 = vector.broadcast %jit3A_55 : f32 to vector<128xf32>
    %select_n3A = arith.select %gt3A_54, %div3A_53, %broadcast_in_dim3A_56 : vector<128xf32>
    %broadcast_in_dim3A_57 = vector.shape_cast %div3A_41 : vector<128xf32> to vector<1x128xf32>
    %sub3A_58 = vector.broadcast %broadcast_in_dim3A_57 : vector<1x128xf32> to vector<10000x128xf32>
    %sub3A_59 = arith.subf %max3A_32, %sub3A_58 : vector<10000x128xf32>
    %add3A_60 = arith.constant 9.99999974E-6 : f32
    %add3A_61 = vector.broadcast %add3A_60 : f32 to vector<128xf32>
    %add3A_62 = arith.addf %select_n3A, %add3A_61 : vector<128xf32>
    %sqrt3A = math.sqrt %add3A_62 : vector<128xf32>
    %broadcast_in_dim3A_63 = vector.shape_cast %sqrt3A : vector<128xf32> to vector<1x128xf32>
    %div3A_64 = vector.broadcast %broadcast_in_dim3A_63 : vector<1x128xf32> to vector<10000x128xf32>
    %div3A_65 = arith.divf %sub3A_59, %div3A_64 : vector<10000x128xf32>
    %mul3A = vector.broadcast %get3A_35 : vector<1x128xf32> to vector<10000x128xf32>
    %mul3A_66 = arith.mulf %div3A_65, %mul3A : vector<10000x128xf32>
    %add3A_67 = vector.broadcast %get3A_38 : vector<1x128xf32> to vector<10000x128xf32>
    %add3A_68 = arith.addf %mul3A_66, %add3A_67 : vector<10000x128xf32>
    %swap3A = arith.constant 0 : index
    %swap3A_69 = arith.constant 0 : index
    %swap3A_70 = vector.load %arg7[%swap3A, %swap3A_69] : memref<10000x128xf32, #tpu.memory_space<vmem>>, vector<10000x128xf32>
    tpu.vector_store %arg7[%swap3A, %swap3A_69], %add3A_68 {strides = array<i32>} : memref<10000x128xf32, #tpu.memory_space<vmem>>, vector<10000x128xf32>,
    return
  }
}

module attributes {stable_mosaic.version = 14 : i64} {
  func.func @_summary_body(%arg0: memref<10000x128xf32, #tpu.memory_space<vmem>>, %arg1: memref<10000x1xi32, #tpu.memory_space<vmem>>, %arg2: memref<128x128xf32, #tpu.memory_space<vmem>>, %arg3: memref<128x128xf32, #tpu.memory_space<vmem>>, %arg4: memref<128x128xf32, #tpu.memory_space<vmem>>, %arg5: memref<128x128xf32, #tpu.memory_space<vmem>>, %arg6: memref<128x128xf32, #tpu.memory_space<vmem>>, %arg7: memref<128x128xf32, #tpu.memory_space<vmem>>, %arg8: memref<128x128xf32, #tpu.memory_space<vmem>>, %arg9: memref<128x128xf32, #tpu.memory_space<vmem>>, %arg10: memref<128x128xf32, #tpu.memory_space<vmem>>, %arg11: memref<1x128xf32, #tpu.memory_space<vmem>>, %arg12: memref<1x128xf32, #tpu.memory_space<vmem>>, %arg13: memref<1x128xf32, #tpu.memory_space<vmem>>, %arg14: memref<10000x128xf32, #tpu.memory_space<vmem>>, %arg15: memref<64x128xf32, #tpu.memory_space<vmem>>) attributes {dimension_semantics = [], scalar_prefetch = 0 : i64, scratch_operands = 0 : i64, tpu.core_type = #tpu.core_type<tc>} {
    %get3A = arith.constant 0 : index
    %get3A_0 = arith.constant 0 : index
    %get3A_1 = vector.load %arg0[%get3A, %get3A_0] : memref<10000x128xf32, #tpu.memory_space<vmem>>, vector<10000x128xf32>
    %get3A_2 = arith.constant 0 : index
    %get3A_3 = arith.constant 0 : index
    %get3A_4 = vector.load %arg1[%get3A_2, %get3A_3] : memref<10000x1xi32, #tpu.memory_space<vmem>>, vector<10000x1xi32>
    %iota3A = tpu.iota {dimensions = array<i32: 1>} : vector<1x64xi32>
    %eq3A = vector.broadcast %get3A_4 : vector<10000x1xi32> to vector<10000x64xi32>
    %eq3A_5 = vector.broadcast %iota3A : vector<1x64xi32> to vector<10000x64xi32>
    %eq3A_6 = arith.cmpi eq, %eq3A, %eq3A_5 : vector<10000x64xi32>
    %convert_element_type3A = arith.extui %eq3A_6 : vector<10000x64xi1> to vector<10000x64xi32>
    %convert_element_type3A_7 = arith.sitofp %convert_element_type3A : vector<10000x64xi32> to vector<10000x64xf32>
    %broadcast_in_dim3A = arith.constant 1.000000e+00 : f32
    %broadcast_in_dim3A_8 = vector.broadcast %broadcast_in_dim3A : f32 to vector<128x1xf32>
    %reduce_sum3A = arith.constant dense<0.000000e+00> : vector<64xf32>
    %reduce_sum3A_9 = vector.multi_reduction <add>, %convert_element_type3A_7, %reduce_sum3A [0] : vector<10000x64xf32> to vector<64xf32>
    %broadcast_in_dim3A_10 = vector.shape_cast %reduce_sum3A_9 : vector<64xf32> to vector<1x64xf32>
    %dot_general3A = arith.constant dense<0.000000e+00> : vector<64x128xf32>
    %dot_general3A_11 = tpu.matmul %convert_element_type3A_7, %get3A_1, %dot_general3A {dimension_numbers = #tpu.dot_dimension_numbers<[0], [0], [1], [1], [0, 1, 1, 1], [], []>, transpose_lhs_hint = false} : vector<10000x64xf32>, vector<10000x128xf32>, vector<64x128xf32> -> vector<64x128xf32>
    %max3A = arith.constant 1.000000e+00 : f32
    %max3A_12 = vector.broadcast %max3A : f32 to vector<1x64xf32>
    %max3A_13 = arith.maximumf %broadcast_in_dim3A_10, %max3A_12 : vector<1x64xf32>
    %transpose3A = tpu.transpose %max3A_13, [1, 0] : vector<1x64xf32> -> vector<64x1xf32>
    %div3A = vector.broadcast %transpose3A : vector<64x1xf32> to vector<64x128xf32>
    %div3A_14 = arith.divf %dot_general3A_11, %div3A : vector<64x128xf32>
    %get3A_15 = arith.constant 0 : index
    %get3A_16 = arith.constant 0 : index
    %get3A_17 = vector.load %arg3[%get3A_15, %get3A_16] : memref<128x128xf32, #tpu.memory_space<vmem>>, vector<128x128xf32>
    %dot_general3A_18 = arith.constant dense<0.000000e+00> : vector<10000x128xf32>
    %dot_general3A_19 = tpu.matmul %get3A_1, %get3A_17, %dot_general3A_18 {dimension_numbers = #tpu.dot_dimension_numbers<[1], [0], [0], [1], [0, 0, 1, 1], [], []>, transpose_lhs_hint = false} : vector<10000x128xf32>, vector<128x128xf32>, vector<10000x128xf32> -> vector<10000x128xf32>
    %get3A_20 = arith.constant 0 : index
    %get3A_21 = arith.constant 0 : index
    %get3A_22 = vector.load %arg4[%get3A_20, %get3A_21] : memref<128x128xf32, #tpu.memory_space<vmem>>, vector<128x128xf32>
    %dot_general3A_23 = arith.constant dense<0.000000e+00> : vector<10000x128xf32>
    %dot_general3A_24 = tpu.matmul %get3A_1, %get3A_22, %dot_general3A_23 {dimension_numbers = #tpu.dot_dimension_numbers<[1], [0], [0], [1], [0, 0, 1, 1], [], []>, transpose_lhs_hint = false} : vector<10000x128xf32>, vector<128x128xf32>, vector<10000x128xf32> -> vector<10000x128xf32>
    %get3A_25 = arith.constant 0 : index
    %get3A_26 = arith.constant 0 : index
    %get3A_27 = vector.load %arg2[%get3A_25, %get3A_26] : memref<128x128xf32, #tpu.memory_space<vmem>>, vector<128x128xf32>
    %dot_general3A_28 = arith.constant dense<0.000000e+00> : vector<64x128xf32>
    %dot_general3A_29 = tpu.matmul %div3A_14, %get3A_27, %dot_general3A_28 {dimension_numbers = #tpu.dot_dimension_numbers<[1], [0], [0], [1], [0, 0, 1, 1], [], []>, transpose_lhs_hint = false} : vector<64x128xf32>, vector<128x128xf32>, vector<64x128xf32> -> vector<64x128xf32>
    %dot_general3A_30 = arith.constant dense<0.000000e+00> : vector<10000x128xf32>
    %dot_general3A_31 = tpu.matmul %convert_element_type3A_7, %dot_general3A_29, %dot_general3A_30 {dimension_numbers = #tpu.dot_dimension_numbers<[1], [0], [0], [1], [0, 0, 1, 1], [], []>, transpose_lhs_hint = false} : vector<10000x64xf32>, vector<64x128xf32>, vector<10000x128xf32> -> vector<10000x128xf32>
    %mul3A = arith.mulf %dot_general3A_19, %dot_general3A_31 : vector<10000x128xf32>
    %dot_general3A_32 = arith.constant dense<0.000000e+00> : vector<10000x1xf32>
    %dot_general3A_33 = tpu.matmul %mul3A, %broadcast_in_dim3A_8, %dot_general3A_32 {dimension_numbers = #tpu.dot_dimension_numbers<[1], [0], [0], [1], [0, 0, 1, 1], [], []>, transpose_lhs_hint = false} : vector<10000x128xf32>, vector<128x1xf32>, vector<10000x1xf32> -> vector<10000x1xf32>
    %mul3A_34 = arith.constant 0.0883883461 : f32
    %mul3A_35 = vector.broadcast %mul3A_34 : f32 to vector<10000x1xf32>
    %mul3A_36 = arith.mulf %dot_general3A_33, %mul3A_35 : vector<10000x1xf32>
    %jit3A = arith.constant -1.000000e+30 : f32
    %broadcast_in_dim3A_37 = vector.shape_cast %mul3A_36 : vector<10000x1xf32> to vector<10000x1xf32>
    %broadcast_in_dim3A_38 = vector.broadcast %broadcast_in_dim3A_37 : vector<10000x1xf32> to vector<10000x64xf32>
    %broadcast_in_dim3A_39 = vector.broadcast %jit3A : f32 to vector<10000x64xf32>
    %select_n3A = arith.select %eq3A_6, %broadcast_in_dim3A_38, %broadcast_in_dim3A_39 : vector<10000x64xi1>, vector<10000x64xf32>
    %reduce_max3A = arith.constant dense<0xFF800000> : vector<64xf32>
    %reduce_max3A_40 = vector.multi_reduction <maximumf>, %select_n3A, %reduce_max3A [0] : vector<10000x64xf32> to vector<64xf32>
    %broadcast_in_dim3A_41 = vector.shape_cast %reduce_max3A_40 : vector<64xf32> to vector<1x64xf32>
    %transpose3A_42 = tpu.transpose %broadcast_in_dim3A_41, [1, 0] : vector<1x64xf32> -> vector<64x1xf32>
    %dot_general3A_43 = arith.constant dense<0.000000e+00> : vector<10000x1xf32>
    %dot_general3A_44 = tpu.matmul %convert_element_type3A_7, %transpose3A_42, %dot_general3A_43 {dimension_numbers = #tpu.dot_dimension_numbers<[1], [0], [0], [1], [0, 0, 1, 1], [], []>, transpose_lhs_hint = false} : vector<10000x64xf32>, vector<64x1xf32>, vector<10000x1xf32> -> vector<10000x1xf32>
    %sub3A = arith.subf %mul3A_36, %dot_general3A_44 : vector<10000x1xf32>
    %exp3A = math.exp %sub3A : vector<10000x1xf32>
    %dot_general3A_45 = arith.constant dense<0.000000e+00> : vector<64x1xf32>
    %dot_general3A_46 = tpu.matmul %convert_element_type3A_7, %exp3A, %dot_general3A_45 {dimension_numbers = #tpu.dot_dimension_numbers<[0], [0], [1], [1], [0, 1, 1, 1], [], []>, transpose_lhs_hint = false} : vector<10000x64xf32>, vector<10000x1xf32>, vector<64x1xf32> -> vector<64x1xf32>
    %dot_general3A_47 = arith.constant dense<0.000000e+00> : vector<10000x1xf32>
    %dot_general3A_48 = tpu.matmul %convert_element_type3A_7, %dot_general3A_46, %dot_general3A_47 {dimension_numbers = #tpu.dot_dimension_numbers<[1], [0], [0], [1], [0, 0, 1, 1], [], []>, transpose_lhs_hint = false} : vector<10000x64xf32>, vector<64x1xf32>, vector<10000x1xf32> -> vector<10000x1xf32>
    %add3A = arith.constant 9.99999993E-9 : f32
    %add3A_49 = vector.broadcast %add3A : f32 to vector<10000x1xf32>
    %add3A_50 = arith.addf %dot_general3A_48, %add3A_49 : vector<10000x1xf32>
    %div3A_51 = arith.divf %exp3A, %add3A_50 : vector<10000x1xf32>
    %mul3A_52 = vector.broadcast %div3A_51 : vector<10000x1xf32> to vector<10000x128xf32>
    %mul3A_53 = arith.mulf %mul3A_52, %dot_general3A_24 : vector<10000x128xf32>
    %dot_general3A_54 = arith.constant dense<0.000000e+00> : vector<64x128xf32>
    %dot_general3A_55 = tpu.matmul %convert_element_type3A_7, %mul3A_53, %dot_general3A_54 {dimension_numbers = #tpu.dot_dimension_numbers<[0], [0], [1], [1], [0, 1, 1, 1], [], []>, transpose_lhs_hint = false} : vector<10000x64xf32>, vector<10000x128xf32>, vector<64x128xf32> -> vector<64x128xf32>
    %get3A_56 = arith.constant 0 : index
    %get3A_57 = arith.constant 0 : index
    %get3A_58 = vector.load %arg5[%get3A_56, %get3A_57] : memref<128x128xf32, #tpu.memory_space<vmem>>, vector<128x128xf32>
    %dot_general3A_59 = arith.constant dense<0.000000e+00> : vector<64x128xf32>
    %dot_general3A_60 = tpu.matmul %dot_general3A_55, %get3A_58, %dot_general3A_59 {dimension_numbers = #tpu.dot_dimension_numbers<[1], [0], [0], [1], [0, 0, 1, 1], [], []>, transpose_lhs_hint = false} : vector<64x128xf32>, vector<128x128xf32>, vector<64x128xf32> -> vector<64x128xf32>
    %get3A_61 = arith.constant 0 : index
    %get3A_62 = arith.constant 0 : index
    %get3A_63 = vector.load %arg6[%get3A_61, %get3A_62] : memref<128x128xf32, #tpu.memory_space<vmem>>, vector<128x128xf32>
    %dot_general3A_64 = arith.constant dense<0.000000e+00> : vector<64x128xf32>
    %dot_general3A_65 = tpu.matmul %div3A_14, %get3A_63, %dot_general3A_64 {dimension_numbers = #tpu.dot_dimension_numbers<[1], [0], [0], [1], [0, 0, 1, 1], [], []>, transpose_lhs_hint = false} : vector<64x128xf32>, vector<128x128xf32>, vector<64x128xf32> -> vector<64x128xf32>
    %add3A_66 = arith.addf %dot_general3A_60, %dot_general3A_65 : vector<64x128xf32>
    %get3A_67 = arith.constant 0 : index
    %get3A_68 = arith.constant 0 : index
    %get3A_69 = vector.load %arg11[%get3A_67, %get3A_68] : memref<1x128xf32, #tpu.memory_space<vmem>>, vector<1x128xf32>
    %add3A_70 = vector.broadcast %get3A_69 : vector<1x128xf32> to vector<64x128xf32>
    %add3A_71 = arith.addf %add3A_66, %add3A_70 : vector<64x128xf32>
    %logistic3A = arith.negf %add3A_71 : vector<64x128xf32>
    %logistic3A_72 = math.exp %logistic3A : vector<64x128xf32>
    %logistic3A_73 = arith.constant 1.000000e+00 : f32
    %logistic3A_74 = vector.broadcast %logistic3A_73 : f32 to vector<64x128xf32>
    %logistic3A_75 = arith.addf %logistic3A_74, %logistic3A_72 : vector<64x128xf32>
    %logistic3A_76 = arith.divf %logistic3A_74, %logistic3A_75 : vector<64x128xf32>
    %get3A_77 = arith.constant 0 : index
    %get3A_78 = arith.constant 0 : index
    %get3A_79 = vector.load %arg7[%get3A_77, %get3A_78] : memref<128x128xf32, #tpu.memory_space<vmem>>, vector<128x128xf32>
    %dot_general3A_80 = arith.constant dense<0.000000e+00> : vector<64x128xf32>
    %dot_general3A_81 = tpu.matmul %dot_general3A_55, %get3A_79, %dot_general3A_80 {dimension_numbers = #tpu.dot_dimension_numbers<[1], [0], [0], [1], [0, 0, 1, 1], [], []>, transpose_lhs_hint = false} : vector<64x128xf32>, vector<128x128xf32>, vector<64x128xf32> -> vector<64x128xf32>
    %get3A_82 = arith.constant 0 : index
    %get3A_83 = arith.constant 0 : index
    %get3A_84 = vector.load %arg8[%get3A_82, %get3A_83] : memref<128x128xf32, #tpu.memory_space<vmem>>, vector<128x128xf32>
    %dot_general3A_85 = arith.constant dense<0.000000e+00> : vector<64x128xf32>
    %dot_general3A_86 = tpu.matmul %div3A_14, %get3A_84, %dot_general3A_85 {dimension_numbers = #tpu.dot_dimension_numbers<[1], [0], [0], [1], [0, 0, 1, 1], [], []>, transpose_lhs_hint = false} : vector<64x128xf32>, vector<128x128xf32>, vector<64x128xf32> -> vector<64x128xf32>
    %add3A_87 = arith.addf %dot_general3A_81, %dot_general3A_86 : vector<64x128xf32>
    %get3A_88 = arith.constant 0 : index
    %get3A_89 = arith.constant 0 : index
    %get3A_90 = vector.load %arg12[%get3A_88, %get3A_89] : memref<1x128xf32, #tpu.memory_space<vmem>>, vector<1x128xf32>
    %add3A_91 = vector.broadcast %get3A_90 : vector<1x128xf32> to vector<64x128xf32>
    %add3A_92 = arith.addf %add3A_87, %add3A_91 : vector<64x128xf32>
    %logistic3A_93 = arith.negf %add3A_92 : vector<64x128xf32>
    %logistic3A_94 = math.exp %logistic3A_93 : vector<64x128xf32>
    %logistic3A_95 = arith.constant 1.000000e+00 : f32
    %logistic3A_96 = vector.broadcast %logistic3A_95 : f32 to vector<64x128xf32>
    %logistic3A_97 = arith.addf %logistic3A_96, %logistic3A_94 : vector<64x128xf32>
    %logistic3A_98 = arith.divf %logistic3A_96, %logistic3A_97 : vector<64x128xf32>
    %get3A_99 = arith.constant 0 : index
    %get3A_100 = arith.constant 0 : index
    %get3A_101 = vector.load %arg9[%get3A_99, %get3A_100] : memref<128x128xf32, #tpu.memory_space<vmem>>, vector<128x128xf32>
    %dot_general3A_102 = arith.constant dense<0.000000e+00> : vector<64x128xf32>
    %dot_general3A_103 = tpu.matmul %dot_general3A_55, %get3A_101, %dot_general3A_102 {dimension_numbers = #tpu.dot_dimension_numbers<[1], [0], [0], [1], [0, 0, 1, 1], [], []>, transpose_lhs_hint = false} : vector<64x128xf32>, vector<128x128xf32>, vector<64x128xf32> -> vector<64x128xf32>
    %get3A_104 = arith.constant 0 : index
    %get3A_105 = arith.constant 0 : index
    %get3A_106 = vector.load %arg10[%get3A_104, %get3A_105] : memref<128x128xf32, #tpu.memory_space<vmem>>, vector<128x128xf32>
    %dot_general3A_107 = arith.constant dense<0.000000e+00> : vector<64x128xf32>
    %dot_general3A_108 = tpu.matmul %div3A_14, %get3A_106, %dot_general3A_107 {dimension_numbers = #tpu.dot_dimension_numbers<[1], [0], [0], [1], [0, 0, 1, 1], [], []>, transpose_lhs_hint = false} : vector<64x128xf32>, vector<128x128xf32>, vector<64x128xf32> -> vector<64x128xf32>
    %mul3A_109 = arith.mulf %logistic3A_98, %dot_general3A_108 : vector<64x128xf32>
    %add3A_110 = arith.addf %dot_general3A_103, %mul3A_109 : vector<64x128xf32>
    %get3A_111 = arith.constant 0 : index
    %get3A_112 = arith.constant 0 : index
    %get3A_113 = vector.load %arg13[%get3A_111, %get3A_112] : memref<1x128xf32, #tpu.memory_space<vmem>>, vector<1x128xf32>
    %add3A_114 = vector.broadcast %get3A_113 : vector<1x128xf32> to vector<64x128xf32>
    %add3A_115 = arith.addf %add3A_110, %add3A_114 : vector<64x128xf32>
    %tanh3A = math.tanh %add3A_115 : vector<64x128xf32>
    %sub3A_116 = arith.constant 1.000000e+00 : f32
    %sub3A_117 = vector.broadcast %sub3A_116 : f32 to vector<64x128xf32>
    %sub3A_118 = arith.subf %sub3A_117, %logistic3A_76 : vector<64x128xf32>
    %mul3A_119 = arith.mulf %sub3A_118, %tanh3A : vector<64x128xf32>
    %mul3A_120 = arith.mulf %logistic3A_76, %div3A_14 : vector<64x128xf32>
    %add3A_121 = arith.addf %mul3A_119, %mul3A_120 : vector<64x128xf32>
    %get3A_122 = arith.constant 0 : index
    %get3A_123 = arith.constant 0 : index
    %get3A_124 = vector.load %arg2[%get3A_122, %get3A_123] : memref<128x128xf32, #tpu.memory_space<vmem>>, vector<128x128xf32>
    %dot_general3A_125 = arith.constant dense<0.000000e+00> : vector<64x128xf32>
    %dot_general3A_126 = tpu.matmul %add3A_121, %get3A_124, %dot_general3A_125 {dimension_numbers = #tpu.dot_dimension_numbers<[1], [0], [0], [1], [0, 0, 1, 1], [], []>, transpose_lhs_hint = false} : vector<64x128xf32>, vector<128x128xf32>, vector<64x128xf32> -> vector<64x128xf32>
    %dot_general3A_127 = arith.constant dense<0.000000e+00> : vector<10000x128xf32>
    %dot_general3A_128 = tpu.matmul %convert_element_type3A_7, %dot_general3A_126, %dot_general3A_127 {dimension_numbers = #tpu.dot_dimension_numbers<[1], [0], [0], [1], [0, 0, 1, 1], [], []>, transpose_lhs_hint = false} : vector<10000x64xf32>, vector<64x128xf32>, vector<10000x128xf32> -> vector<10000x128xf32>
    %mul3A_129 = arith.mulf %dot_general3A_19, %dot_general3A_128 : vector<10000x128xf32>
    %dot_general3A_130 = arith.constant dense<0.000000e+00> : vector<10000x1xf32>
    %dot_general3A_131 = tpu.matmul %mul3A_129, %broadcast_in_dim3A_8, %dot_general3A_130 {dimension_numbers = #tpu.dot_dimension_numbers<[1], [0], [0], [1], [0, 0, 1, 1], [], []>, transpose_lhs_hint = false} : vector<10000x128xf32>, vector<128x1xf32>, vector<10000x1xf32> -> vector<10000x1xf32>
    %mul3A_132 = arith.constant 0.0883883461 : f32
    %mul3A_133 = vector.broadcast %mul3A_132 : f32 to vector<10000x1xf32>
    %mul3A_134 = arith.mulf %dot_general3A_131, %mul3A_133 : vector<10000x1xf32>
    %jit3A_135 = arith.constant -1.000000e+30 : f32
    %broadcast_in_dim3A_136 = vector.shape_cast %mul3A_134 : vector<10000x1xf32> to vector<10000x1xf32>
    %broadcast_in_dim3A_137 = vector.broadcast %broadcast_in_dim3A_136 : vector<10000x1xf32> to vector<10000x64xf32>
    %broadcast_in_dim3A_138 = vector.broadcast %jit3A_135 : f32 to vector<10000x64xf32>
    %select_n3A_139 = arith.select %eq3A_6, %broadcast_in_dim3A_137, %broadcast_in_dim3A_138 : vector<10000x64xi1>, vector<10000x64xf32>
    %reduce_max3A_140 = arith.constant dense<0xFF800000> : vector<64xf32>
    %reduce_max3A_141 = vector.multi_reduction <maximumf>, %select_n3A_139, %reduce_max3A_140 [0] : vector<10000x64xf32> to vector<64xf32>
    %broadcast_in_dim3A_142 = vector.shape_cast %reduce_max3A_141 : vector<64xf32> to vector<1x64xf32>
    %transpose3A_143 = tpu.transpose %broadcast_in_dim3A_142, [1, 0] : vector<1x64xf32> -> vector<64x1xf32>
    %dot_general3A_144 = arith.constant dense<0.000000e+00> : vector<10000x1xf32>
    %dot_general3A_145 = tpu.matmul %convert_element_type3A_7, %transpose3A_143, %dot_general3A_144 {dimension_numbers = #tpu.dot_dimension_numbers<[1], [0], [0], [1], [0, 0, 1, 1], [], []>, transpose_lhs_hint = false} : vector<10000x64xf32>, vector<64x1xf32>, vector<10000x1xf32> -> vector<10000x1xf32>
    %sub3A_146 = arith.subf %mul3A_134, %dot_general3A_145 : vector<10000x1xf32>
    %exp3A_147 = math.exp %sub3A_146 : vector<10000x1xf32>
    %dot_general3A_148 = arith.constant dense<0.000000e+00> : vector<64x1xf32>
    %dot_general3A_149 = tpu.matmul %convert_element_type3A_7, %exp3A_147, %dot_general3A_148 {dimension_numbers = #tpu.dot_dimension_numbers<[0], [0], [1], [1], [0, 1, 1, 1], [], []>, transpose_lhs_hint = false} : vector<10000x64xf32>, vector<10000x1xf32>, vector<64x1xf32> -> vector<64x1xf32>
    %dot_general3A_150 = arith.constant dense<0.000000e+00> : vector<10000x1xf32>
    %dot_general3A_151 = tpu.matmul %convert_element_type3A_7, %dot_general3A_149, %dot_general3A_150 {dimension_numbers = #tpu.dot_dimension_numbers<[1], [0], [0], [1], [0, 0, 1, 1], [], []>, transpose_lhs_hint = false} : vector<10000x64xf32>, vector<64x1xf32>, vector<10000x1xf32> -> vector<10000x1xf32>
    %add3A_152 = arith.constant 9.99999993E-9 : f32
    %add3A_153 = vector.broadcast %add3A_152 : f32 to vector<10000x1xf32>
    %add3A_154 = arith.addf %dot_general3A_151, %add3A_153 : vector<10000x1xf32>
    %div3A_155 = arith.divf %exp3A_147, %add3A_154 : vector<10000x1xf32>
    %mul3A_156 = vector.broadcast %div3A_155 : vector<10000x1xf32> to vector<10000x128xf32>
    %mul3A_157 = arith.mulf %mul3A_156, %dot_general3A_24 : vector<10000x128xf32>
    %dot_general3A_158 = arith.constant dense<0.000000e+00> : vector<64x128xf32>
    %dot_general3A_159 = tpu.matmul %convert_element_type3A_7, %mul3A_157, %dot_general3A_158 {dimension_numbers = #tpu.dot_dimension_numbers<[0], [0], [1], [1], [0, 1, 1, 1], [], []>, transpose_lhs_hint = false} : vector<10000x64xf32>, vector<10000x128xf32>, vector<64x128xf32> -> vector<64x128xf32>
    %get3A_160 = arith.constant 0 : index
    %get3A_161 = arith.constant 0 : index
    %get3A_162 = vector.load %arg5[%get3A_160, %get3A_161] : memref<128x128xf32, #tpu.memory_space<vmem>>, vector<128x128xf32>
    %dot_general3A_163 = arith.constant dense<0.000000e+00> : vector<64x128xf32>
    %dot_general3A_164 = tpu.matmul %dot_general3A_159, %get3A_162, %dot_general3A_163 {dimension_numbers = #tpu.dot_dimension_numbers<[1], [0], [0], [1], [0, 0, 1, 1], [], []>, transpose_lhs_hint = false} : vector<64x128xf32>, vector<128x128xf32>, vector<64x128xf32> -> vector<64x128xf32>
    %get3A_165 = arith.constant 0 : index
    %get3A_166 = arith.constant 0 : index
    %get3A_167 = vector.load %arg6[%get3A_165, %get3A_166] : memref<128x128xf32, #tpu.memory_space<vmem>>, vector<128x128xf32>
    %dot_general3A_168 = arith.constant dense<0.000000e+00> : vector<64x128xf32>
    %dot_general3A_169 = tpu.matmul %add3A_121, %get3A_167, %dot_general3A_168 {dimension_numbers = #tpu.dot_dimension_numbers<[1], [0], [0], [1], [0, 0, 1, 1], [], []>, transpose_lhs_hint = false} : vector<64x128xf32>, vector<128x128xf32>, vector<64x128xf32> -> vector<64x128xf32>
    %add3A_170 = arith.addf %dot_general3A_164, %dot_general3A_169 : vector<64x128xf32>
    %get3A_171 = arith.constant 0 : index
    %get3A_172 = arith.constant 0 : index
    %get3A_173 = vector.load %arg11[%get3A_171, %get3A_172] : memref<1x128xf32, #tpu.memory_space<vmem>>, vector<1x128xf32>
    %add3A_174 = vector.broadcast %get3A_173 : vector<1x128xf32> to vector<64x128xf32>
    %add3A_175 = arith.addf %add3A_170, %add3A_174 : vector<64x128xf32>
    %logistic3A_176 = arith.negf %add3A_175 : vector<64x128xf32>
    %logistic3A_177 = math.exp %logistic3A_176 : vector<64x128xf32>
    %logistic3A_178 = arith.constant 1.000000e+00 : f32
    %logistic3A_179 = vector.broadcast %logistic3A_178 : f32 to vector<64x128xf32>
    %logistic3A_180 = arith.addf %logistic3A_179, %logistic3A_177 : vector<64x128xf32>
    %logistic3A_181 = arith.divf %logistic3A_179, %logistic3A_180 : vector<64x128xf32>
    %get3A_182 = arith.constant 0 : index
    %get3A_183 = arith.constant 0 : index
    %get3A_184 = vector.load %arg7[%get3A_182, %get3A_183] : memref<128x128xf32, #tpu.memory_space<vmem>>, vector<128x128xf32>
    %dot_general3A_185 = arith.constant dense<0.000000e+00> : vector<64x128xf32>
    %dot_general3A_186 = tpu.matmul %dot_general3A_159, %get3A_184, %dot_general3A_185 {dimension_numbers = #tpu.dot_dimension_numbers<[1], [0], [0], [1], [0, 0, 1, 1], [], []>, transpose_lhs_hint = false} : vector<64x128xf32>, vector<128x128xf32>, vector<64x128xf32> -> vector<64x128xf32>
    %get3A_187 = arith.constant 0 : index
    %get3A_188 = arith.constant 0 : index
    %get3A_189 = vector.load %arg8[%get3A_187, %get3A_188] : memref<128x128xf32, #tpu.memory_space<vmem>>, vector<128x128xf32>
    %dot_general3A_190 = arith.constant dense<0.000000e+00> : vector<64x128xf32>
    %dot_general3A_191 = tpu.matmul %add3A_121, %get3A_189, %dot_general3A_190 {dimension_numbers = #tpu.dot_dimension_numbers<[1], [0], [0], [1], [0, 0, 1, 1], [], []>, transpose_lhs_hint = false} : vector<64x128xf32>, vector<128x128xf32>, vector<64x128xf32> -> vector<64x128xf32>
    %add3A_192 = arith.addf %dot_general3A_186, %dot_general3A_191 : vector<64x128xf32>
    %get3A_193 = arith.constant 0 : index
    %get3A_194 = arith.constant 0 : index
    %get3A_195 = vector.load %arg12[%get3A_193, %get3A_194] : memref<1x128xf32, #tpu.memory_space<vmem>>, vector<1x128xf32>
    %add3A_196 = vector.broadcast %get3A_195 : vector<1x128xf32> to vector<64x128xf32>
    %add3A_197 = arith.addf %add3A_192, %add3A_196 : vector<64x128xf32>
    %logistic3A_198 = arith.negf %add3A_197 : vector<64x128xf32>
    %logistic3A_199 = math.exp %logistic3A_198 : vector<64x128xf32>
    %logistic3A_200 = arith.constant 1.000000e+00 : f32
    %logistic3A_201 = vector.broadcast %logistic3A_200 : f32 to vector<64x128xf32>
    %logistic3A_202 = arith.addf %logistic3A_201, %logistic3A_199 : vector<64x128xf32>
    %logistic3A_203 = arith.divf %logistic3A_201, %logistic3A_202 : vector<64x128xf32>
    %get3A_204 = arith.constant 0 : index
    %get3A_205 = arith.constant 0 : index
    %get3A_206 = vector.load %arg9[%get3A_204, %get3A_205] : memref<128x128xf32, #tpu.memory_space<vmem>>, vector<128x128xf32>
    %dot_general3A_207 = arith.constant dense<0.000000e+00> : vector<64x128xf32>
    %dot_general3A_208 = tpu.matmul %dot_general3A_159, %get3A_206, %dot_general3A_207 {dimension_numbers = #tpu.dot_dimension_numbers<[1], [0], [0], [1], [0, 0, 1, 1], [], []>, transpose_lhs_hint = false} : vector<64x128xf32>, vector<128x128xf32>, vector<64x128xf32> -> vector<64x128xf32>
    %get3A_209 = arith.constant 0 : index
    %get3A_210 = arith.constant 0 : index
    %get3A_211 = vector.load %arg10[%get3A_209, %get3A_210] : memref<128x128xf32, #tpu.memory_space<vmem>>, vector<128x128xf32>
    %dot_general3A_212 = arith.constant dense<0.000000e+00> : vector<64x128xf32>
    %dot_general3A_213 = tpu.matmul %add3A_121, %get3A_211, %dot_general3A_212 {dimension_numbers = #tpu.dot_dimension_numbers<[1], [0], [0], [1], [0, 0, 1, 1], [], []>, transpose_lhs_hint = false} : vector<64x128xf32>, vector<128x128xf32>, vector<64x128xf32> -> vector<64x128xf32>
    %mul3A_214 = arith.mulf %logistic3A_203, %dot_general3A_213 : vector<64x128xf32>
    %add3A_215 = arith.addf %dot_general3A_208, %mul3A_214 : vector<64x128xf32>
    %get3A_216 = arith.constant 0 : index
    %get3A_217 = arith.constant 0 : index
    %get3A_218 = vector.load %arg13[%get3A_216, %get3A_217] : memref<1x128xf32, #tpu.memory_space<vmem>>, vector<1x128xf32>
    %add3A_219 = vector.broadcast %get3A_218 : vector<1x128xf32> to vector<64x128xf32>
    %add3A_220 = arith.addf %add3A_215, %add3A_219 : vector<64x128xf32>
    %tanh3A_221 = math.tanh %add3A_220 : vector<64x128xf32>
    %sub3A_222 = arith.constant 1.000000e+00 : f32
    %sub3A_223 = vector.broadcast %sub3A_222 : f32 to vector<64x128xf32>
    %sub3A_224 = arith.subf %sub3A_223, %logistic3A_181 : vector<64x128xf32>
    %mul3A_225 = arith.mulf %sub3A_224, %tanh3A_221 : vector<64x128xf32>
    %mul3A_226 = arith.mulf %logistic3A_181, %add3A_121 : vector<64x128xf32>
    %add3A_227 = arith.addf %mul3A_225, %mul3A_226 : vector<64x128xf32>
    %mul3A_228 = vector.broadcast %div3A_155 : vector<10000x1xf32> to vector<10000x128xf32>
    %mul3A_229 = arith.mulf %mul3A_228, %dot_general3A_24 : vector<10000x128xf32>
    %swap3A = arith.constant 0 : index
    %swap3A_230 = arith.constant 0 : index
    %swap3A_231 = vector.load %arg14[%swap3A, %swap3A_230] : memref<10000x128xf32, #tpu.memory_space<vmem>>, vector<10000x128xf32>
    tpu.vector_store %arg14[%swap3A, %swap3A_230], %mul3A_229 {strides = array<i32>} : memref<10000x128xf32, #tpu.memory_space<vmem>>, vector<10000x128xf32>,
    %swap3A_232 = arith.constant 0 : index
    %swap3A_233 = arith.constant 0 : index
    %swap3A_234 = vector.load %arg15[%swap3A_232, %swap3A_233] : memref<64x128xf32, #tpu.memory_space<vmem>>, vector<64x128xf32>
    tpu.vector_store %arg15[%swap3A_232, %swap3A_233], %add3A_227 {strides = array<i32>} : memref<64x128xf32, #tpu.memory_space<vmem>>, vector<64x128xf32>,
    return
  }
}

module attributes {stable_mosaic.version = 14 : i64} {
  func.func @_heads_body(%arg0: memref<64x128xf32, #tpu.memory_space<vmem>>, %arg1: memref<128x128xf32, #tpu.memory_space<vmem>>, %arg2: memref<1x128xf32, #tpu.memory_space<vmem>>, %arg3: memref<1x128xf32, #tpu.memory_space<vmem>>, %arg4: memref<1x128xf32, #tpu.memory_space<vmem>>, %arg5: memref<128x128xf32, #tpu.memory_space<vmem>>, %arg6: memref<1x128xf32, #tpu.memory_space<vmem>>, %arg7: memref<1x128xf32, #tpu.memory_space<vmem>>, %arg8: memref<1x128xf32, #tpu.memory_space<vmem>>, %arg9: memref<64x128xf32, #tpu.memory_space<vmem>>, %arg10: memref<64x128xf32, #tpu.memory_space<vmem>>) attributes {dimension_semantics = [], scalar_prefetch = 0 : i64, scratch_operands = 0 : i64, tpu.core_type = #tpu.core_type<tc>} {
    %get3A = arith.constant 0 : index
    %get3A_0 = arith.constant 0 : index
    %get3A_1 = vector.load %arg0[%get3A, %get3A_0] : memref<64x128xf32, #tpu.memory_space<vmem>>, vector<64x128xf32>
    %get3A_2 = arith.constant 0 : index
    %get3A_3 = arith.constant 0 : index
    %get3A_4 = vector.load %arg1[%get3A_2, %get3A_3] : memref<128x128xf32, #tpu.memory_space<vmem>>, vector<128x128xf32>
    %dot_general3A = arith.constant dense<0.000000e+00> : vector<64x128xf32>
    %dot_general3A_5 = tpu.matmul %get3A_1, %get3A_4, %dot_general3A {dimension_numbers = #tpu.dot_dimension_numbers<[1], [0], [0], [1], [0, 0, 1, 1], [], []>, transpose_lhs_hint = false} : vector<64x128xf32>, vector<128x128xf32>, vector<64x128xf32> -> vector<64x128xf32>
    %get3A_6 = arith.constant 0 : index
    %get3A_7 = arith.constant 0 : index
    %get3A_8 = vector.load %arg2[%get3A_6, %get3A_7] : memref<1x128xf32, #tpu.memory_space<vmem>>, vector<1x128xf32>
    %add3A = vector.broadcast %get3A_8 : vector<1x128xf32> to vector<64x128xf32>
    %add3A_9 = arith.addf %dot_general3A_5, %add3A : vector<64x128xf32>
    %max3A = arith.constant 0.000000e+00 : f32
    %max3A_10 = vector.broadcast %max3A : f32 to vector<64x128xf32>
    %max3A_11 = arith.maximumf %add3A_9, %max3A_10 : vector<64x128xf32>
    %get3A_12 = arith.constant 0 : index
    %get3A_13 = arith.constant 0 : index
    %get3A_14 = vector.load %arg3[%get3A_12, %get3A_13] : memref<1x128xf32, #tpu.memory_space<vmem>>, vector<1x128xf32>
    %get3A_15 = arith.constant 0 : index
    %get3A_16 = arith.constant 0 : index
    %get3A_17 = vector.load %arg4[%get3A_15, %get3A_16] : memref<1x128xf32, #tpu.memory_space<vmem>>, vector<1x128xf32>
    %reduce_sum3A = arith.constant dense<0.000000e+00> : vector<128xf32>
    %reduce_sum3A_18 = vector.multi_reduction <add>, %max3A_11, %reduce_sum3A [0] : vector<64x128xf32> to vector<128xf32>
    %div3A = arith.constant 6.400000e+01 : f32
    %div3A_19 = vector.broadcast %div3A : f32 to vector<128xf32>
    %div3A_20 = arith.divf %reduce_sum3A_18, %div3A_19 : vector<128xf32>
    %jit3A = arith.constant 0 : i32
    %reduce_sum3A_21 = arith.constant dense<0.000000e+00> : vector<128xf32>
    %reduce_sum3A_22 = vector.multi_reduction <add>, %max3A_11, %reduce_sum3A_21 [0] : vector<64x128xf32> to vector<128xf32>
    %broadcast_in_dim3A = vector.shape_cast %reduce_sum3A_22 : vector<128xf32> to vector<1x128xf32>
    %div3A_23 = arith.constant 6.400000e+01 : f32
    %div3A_24 = vector.broadcast %div3A_23 : f32 to vector<1x128xf32>
    %div3A_25 = arith.divf %broadcast_in_dim3A, %div3A_24 : vector<1x128xf32>
    %sub3A = vector.broadcast %div3A_25 : vector<1x128xf32> to vector<64x128xf32>
    %sub3A_26 = arith.subf %max3A_11, %sub3A : vector<64x128xf32>
    %square3A = arith.mulf %sub3A_26, %sub3A_26 : vector<64x128xf32>
    %convert_element_type3A = arith.sitofp %jit3A : i32 to f32
    %sub3A_27 = arith.constant 6.400000e+01 : f32
    %sub3A_28 = arith.subf %sub3A_27, %convert_element_type3A : f32
    %reduce_sum3A_29 = arith.constant dense<0.000000e+00> : vector<128xf32>
    %reduce_sum3A_30 = vector.multi_reduction <add>, %square3A, %reduce_sum3A_29 [0] : vector<64x128xf32> to vector<128xf32>
    %div3A_31 = vector.broadcast %sub3A_28 : f32 to vector<128xf32>
    %div3A_32 = arith.divf %reduce_sum3A_30, %div3A_31 : vector<128xf32>
    %gt3A = arith.constant 0.000000e+00 : f32
    %gt3A_33 = arith.cmpf ogt, %sub3A_28, %gt3A : f32
    %jit3A_34 = arith.constant 0x7FC00000 : f32
    %broadcast_in_dim3A_35 = vector.broadcast %jit3A_34 : f32 to vector<128xf32>
    %select_n3A = arith.select %gt3A_33, %div3A_32, %broadcast_in_dim3A_35 : vector<128xf32>
    %broadcast_in_dim3A_36 = vector.shape_cast %div3A_20 : vector<128xf32> to vector<1x128xf32>
    %sub3A_37 = vector.broadcast %broadcast_in_dim3A_36 : vector<1x128xf32> to vector<64x128xf32>
    %sub3A_38 = arith.subf %max3A_11, %sub3A_37 : vector<64x128xf32>
    %add3A_39 = arith.constant 9.99999974E-6 : f32
    %add3A_40 = vector.broadcast %add3A_39 : f32 to vector<128xf32>
    %add3A_41 = arith.addf %select_n3A, %add3A_40 : vector<128xf32>
    %sqrt3A = math.sqrt %add3A_41 : vector<128xf32>
    %broadcast_in_dim3A_42 = vector.shape_cast %sqrt3A : vector<128xf32> to vector<1x128xf32>
    %div3A_43 = vector.broadcast %broadcast_in_dim3A_42 : vector<1x128xf32> to vector<64x128xf32>
    %div3A_44 = arith.divf %sub3A_38, %div3A_43 : vector<64x128xf32>
    %mul3A = vector.broadcast %get3A_14 : vector<1x128xf32> to vector<64x128xf32>
    %mul3A_45 = arith.mulf %div3A_44, %mul3A : vector<64x128xf32>
    %add3A_46 = vector.broadcast %get3A_17 : vector<1x128xf32> to vector<64x128xf32>
    %add3A_47 = arith.addf %mul3A_45, %add3A_46 : vector<64x128xf32>
    %swap3A = arith.constant 0 : index
    %swap3A_48 = arith.constant 0 : index
    %swap3A_49 = vector.load %arg9[%swap3A, %swap3A_48] : memref<64x128xf32, #tpu.memory_space<vmem>>, vector<64x128xf32>
    tpu.vector_store %arg9[%swap3A, %swap3A_48], %add3A_47 {strides = array<i32>} : memref<64x128xf32, #tpu.memory_space<vmem>>, vector<64x128xf32>,
    %get3A_50 = arith.constant 0 : index
    %get3A_51 = arith.constant 0 : index
    %get3A_52 = vector.load %arg5[%get3A_50, %get3A_51] : memref<128x128xf32, #tpu.memory_space<vmem>>, vector<128x128xf32>
    %dot_general3A_53 = arith.constant dense<0.000000e+00> : vector<64x128xf32>
    %dot_general3A_54 = tpu.matmul %get3A_1, %get3A_52, %dot_general3A_53 {dimension_numbers = #tpu.dot_dimension_numbers<[1], [0], [0], [1], [0, 0, 1, 1], [], []>, transpose_lhs_hint = false} : vector<64x128xf32>, vector<128x128xf32>, vector<64x128xf32> -> vector<64x128xf32>
    %get3A_55 = arith.constant 0 : index
    %get3A_56 = arith.constant 0 : index
    %get3A_57 = vector.load %arg6[%get3A_55, %get3A_56] : memref<1x128xf32, #tpu.memory_space<vmem>>, vector<1x128xf32>
    %add3A_58 = vector.broadcast %get3A_57 : vector<1x128xf32> to vector<64x128xf32>
    %add3A_59 = arith.addf %dot_general3A_54, %add3A_58 : vector<64x128xf32>
    %max3A_60 = arith.constant 0.000000e+00 : f32
    %max3A_61 = vector.broadcast %max3A_60 : f32 to vector<64x128xf32>
    %max3A_62 = arith.maximumf %add3A_59, %max3A_61 : vector<64x128xf32>
    %get3A_63 = arith.constant 0 : index
    %get3A_64 = arith.constant 0 : index
    %get3A_65 = vector.load %arg7[%get3A_63, %get3A_64] : memref<1x128xf32, #tpu.memory_space<vmem>>, vector<1x128xf32>
    %get3A_66 = arith.constant 0 : index
    %get3A_67 = arith.constant 0 : index
    %get3A_68 = vector.load %arg8[%get3A_66, %get3A_67] : memref<1x128xf32, #tpu.memory_space<vmem>>, vector<1x128xf32>
    %reduce_sum3A_69 = arith.constant dense<0.000000e+00> : vector<128xf32>
    %reduce_sum3A_70 = vector.multi_reduction <add>, %max3A_62, %reduce_sum3A_69 [0] : vector<64x128xf32> to vector<128xf32>
    %div3A_71 = arith.constant 6.400000e+01 : f32
    %div3A_72 = vector.broadcast %div3A_71 : f32 to vector<128xf32>
    %div3A_73 = arith.divf %reduce_sum3A_70, %div3A_72 : vector<128xf32>
    %jit3A_74 = arith.constant 0 : i32
    %reduce_sum3A_75 = arith.constant dense<0.000000e+00> : vector<128xf32>
    %reduce_sum3A_76 = vector.multi_reduction <add>, %max3A_62, %reduce_sum3A_75 [0] : vector<64x128xf32> to vector<128xf32>
    %broadcast_in_dim3A_77 = vector.shape_cast %reduce_sum3A_76 : vector<128xf32> to vector<1x128xf32>
    %div3A_78 = arith.constant 6.400000e+01 : f32
    %div3A_79 = vector.broadcast %div3A_78 : f32 to vector<1x128xf32>
    %div3A_80 = arith.divf %broadcast_in_dim3A_77, %div3A_79 : vector<1x128xf32>
    %sub3A_81 = vector.broadcast %div3A_80 : vector<1x128xf32> to vector<64x128xf32>
    %sub3A_82 = arith.subf %max3A_62, %sub3A_81 : vector<64x128xf32>
    %square3A_83 = arith.mulf %sub3A_82, %sub3A_82 : vector<64x128xf32>
    %convert_element_type3A_84 = arith.sitofp %jit3A_74 : i32 to f32
    %sub3A_85 = arith.constant 6.400000e+01 : f32
    %sub3A_86 = arith.subf %sub3A_85, %convert_element_type3A_84 : f32
    %reduce_sum3A_87 = arith.constant dense<0.000000e+00> : vector<128xf32>
    %reduce_sum3A_88 = vector.multi_reduction <add>, %square3A_83, %reduce_sum3A_87 [0] : vector<64x128xf32> to vector<128xf32>
    %div3A_89 = vector.broadcast %sub3A_86 : f32 to vector<128xf32>
    %div3A_90 = arith.divf %reduce_sum3A_88, %div3A_89 : vector<128xf32>
    %gt3A_91 = arith.constant 0.000000e+00 : f32
    %gt3A_92 = arith.cmpf ogt, %sub3A_86, %gt3A_91 : f32
    %jit3A_93 = arith.constant 0x7FC00000 : f32
    %broadcast_in_dim3A_94 = vector.broadcast %jit3A_93 : f32 to vector<128xf32>
    %select_n3A_95 = arith.select %gt3A_92, %div3A_90, %broadcast_in_dim3A_94 : vector<128xf32>
    %broadcast_in_dim3A_96 = vector.shape_cast %div3A_73 : vector<128xf32> to vector<1x128xf32>
    %sub3A_97 = vector.broadcast %broadcast_in_dim3A_96 : vector<1x128xf32> to vector<64x128xf32>
    %sub3A_98 = arith.subf %max3A_62, %sub3A_97 : vector<64x128xf32>
    %add3A_99 = arith.constant 9.99999974E-6 : f32
    %add3A_100 = vector.broadcast %add3A_99 : f32 to vector<128xf32>
    %add3A_101 = arith.addf %select_n3A_95, %add3A_100 : vector<128xf32>
    %sqrt3A_102 = math.sqrt %add3A_101 : vector<128xf32>
    %broadcast_in_dim3A_103 = vector.shape_cast %sqrt3A_102 : vector<128xf32> to vector<1x128xf32>
    %div3A_104 = vector.broadcast %broadcast_in_dim3A_103 : vector<1x128xf32> to vector<64x128xf32>
    %div3A_105 = arith.divf %sub3A_98, %div3A_104 : vector<64x128xf32>
    %mul3A_106 = vector.broadcast %get3A_65 : vector<1x128xf32> to vector<64x128xf32>
    %mul3A_107 = arith.mulf %div3A_105, %mul3A_106 : vector<64x128xf32>
    %add3A_108 = vector.broadcast %get3A_68 : vector<1x128xf32> to vector<64x128xf32>
    %add3A_109 = arith.addf %mul3A_107, %add3A_108 : vector<64x128xf32>
    %swap3A_110 = arith.constant 0 : index
    %swap3A_111 = arith.constant 0 : index
    %swap3A_112 = vector.load %arg10[%swap3A_110, %swap3A_111] : memref<64x128xf32, #tpu.memory_space<vmem>>, vector<64x128xf32>
    tpu.vector_store %arg10[%swap3A_110, %swap3A_111], %add3A_109 {strides = array<i32>} : memref<64x128xf32, #tpu.memory_space<vmem>>, vector<64x128xf32>,
    return
  }
}

module attributes {stable_mosaic.version = 14 : i64} {
  func.func @_node_heads_body(%arg0: memref<10000x128xf32, #tpu.memory_space<vmem>>, %arg1: memref<10000x128xf32, #tpu.memory_space<vmem>>, %arg2: memref<128x128xf32, #tpu.memory_space<vmem>>, %arg3: memref<1x128xf32, #tpu.memory_space<vmem>>, %arg4: memref<1x128xf32, #tpu.memory_space<vmem>>, %arg5: memref<1x128xf32, #tpu.memory_space<vmem>>, %arg6: memref<128x128xf32, #tpu.memory_space<vmem>>, %arg7: memref<1x128xf32, #tpu.memory_space<vmem>>, %arg8: memref<1x128xf32, #tpu.memory_space<vmem>>, %arg9: memref<1x128xf32, #tpu.memory_space<vmem>>, %arg10: memref<10000x128xf32, #tpu.memory_space<vmem>>, %arg11: memref<10000x128xf32, #tpu.memory_space<vmem>>) attributes {dimension_semantics = [], scalar_prefetch = 0 : i64, scratch_operands = 0 : i64, tpu.core_type = #tpu.core_type<tc>} {
    %get3A = arith.constant 0 : index
    %get3A_0 = arith.constant 0 : index
    %get3A_1 = vector.load %arg0[%get3A, %get3A_0] : memref<10000x128xf32, #tpu.memory_space<vmem>>, vector<10000x128xf32>
    %get3A_2 = arith.constant 0 : index
    %get3A_3 = arith.constant 0 : index
    %get3A_4 = vector.load %arg1[%get3A_2, %get3A_3] : memref<10000x128xf32, #tpu.memory_space<vmem>>, vector<10000x128xf32>
    %add3A = arith.addf %get3A_1, %get3A_4 : vector<10000x128xf32>
    %get3A_5 = arith.constant 0 : index
    %get3A_6 = arith.constant 0 : index
    %get3A_7 = vector.load %arg2[%get3A_5, %get3A_6] : memref<128x128xf32, #tpu.memory_space<vmem>>, vector<128x128xf32>
    %dot_general3A = arith.constant dense<0.000000e+00> : vector<10000x128xf32>
    %dot_general3A_8 = tpu.matmul %add3A, %get3A_7, %dot_general3A {dimension_numbers = #tpu.dot_dimension_numbers<[1], [0], [0], [1], [0, 0, 1, 1], [], []>, transpose_lhs_hint = false} : vector<10000x128xf32>, vector<128x128xf32>, vector<10000x128xf32> -> vector<10000x128xf32>
    %get3A_9 = arith.constant 0 : index
    %get3A_10 = arith.constant 0 : index
    %get3A_11 = vector.load %arg3[%get3A_9, %get3A_10] : memref<1x128xf32, #tpu.memory_space<vmem>>, vector<1x128xf32>
    %add3A_12 = vector.broadcast %get3A_11 : vector<1x128xf32> to vector<10000x128xf32>
    %add3A_13 = arith.addf %dot_general3A_8, %add3A_12 : vector<10000x128xf32>
    %max3A = arith.constant 0.000000e+00 : f32
    %max3A_14 = vector.broadcast %max3A : f32 to vector<10000x128xf32>
    %max3A_15 = arith.maximumf %add3A_13, %max3A_14 : vector<10000x128xf32>
    %get3A_16 = arith.constant 0 : index
    %get3A_17 = arith.constant 0 : index
    %get3A_18 = vector.load %arg4[%get3A_16, %get3A_17] : memref<1x128xf32, #tpu.memory_space<vmem>>, vector<1x128xf32>
    %get3A_19 = arith.constant 0 : index
    %get3A_20 = arith.constant 0 : index
    %get3A_21 = vector.load %arg5[%get3A_19, %get3A_20] : memref<1x128xf32, #tpu.memory_space<vmem>>, vector<1x128xf32>
    %reduce_sum3A = arith.constant dense<0.000000e+00> : vector<128xf32>
    %reduce_sum3A_22 = vector.multi_reduction <add>, %max3A_15, %reduce_sum3A [0] : vector<10000x128xf32> to vector<128xf32>
    %div3A = arith.constant 1.000000e+04 : f32
    %div3A_23 = vector.broadcast %div3A : f32 to vector<128xf32>
    %div3A_24 = arith.divf %reduce_sum3A_22, %div3A_23 : vector<128xf32>
    %jit3A = arith.constant 0 : i32
    %reduce_sum3A_25 = arith.constant dense<0.000000e+00> : vector<128xf32>
    %reduce_sum3A_26 = vector.multi_reduction <add>, %max3A_15, %reduce_sum3A_25 [0] : vector<10000x128xf32> to vector<128xf32>
    %broadcast_in_dim3A = vector.shape_cast %reduce_sum3A_26 : vector<128xf32> to vector<1x128xf32>
    %div3A_27 = arith.constant 1.000000e+04 : f32
    %div3A_28 = vector.broadcast %div3A_27 : f32 to vector<1x128xf32>
    %div3A_29 = arith.divf %broadcast_in_dim3A, %div3A_28 : vector<1x128xf32>
    %sub3A = vector.broadcast %div3A_29 : vector<1x128xf32> to vector<10000x128xf32>
    %sub3A_30 = arith.subf %max3A_15, %sub3A : vector<10000x128xf32>
    %square3A = arith.mulf %sub3A_30, %sub3A_30 : vector<10000x128xf32>
    %convert_element_type3A = arith.sitofp %jit3A : i32 to f32
    %sub3A_31 = arith.constant 1.000000e+04 : f32
    %sub3A_32 = arith.subf %sub3A_31, %convert_element_type3A : f32
    %reduce_sum3A_33 = arith.constant dense<0.000000e+00> : vector<128xf32>
    %reduce_sum3A_34 = vector.multi_reduction <add>, %square3A, %reduce_sum3A_33 [0] : vector<10000x128xf32> to vector<128xf32>
    %div3A_35 = vector.broadcast %sub3A_32 : f32 to vector<128xf32>
    %div3A_36 = arith.divf %reduce_sum3A_34, %div3A_35 : vector<128xf32>
    %gt3A = arith.constant 0.000000e+00 : f32
    %gt3A_37 = arith.cmpf ogt, %sub3A_32, %gt3A : f32
    %jit3A_38 = arith.constant 0x7FC00000 : f32
    %broadcast_in_dim3A_39 = vector.broadcast %jit3A_38 : f32 to vector<128xf32>
    %select_n3A = arith.select %gt3A_37, %div3A_36, %broadcast_in_dim3A_39 : vector<128xf32>
    %broadcast_in_dim3A_40 = vector.shape_cast %div3A_24 : vector<128xf32> to vector<1x128xf32>
    %sub3A_41 = vector.broadcast %broadcast_in_dim3A_40 : vector<1x128xf32> to vector<10000x128xf32>
    %sub3A_42 = arith.subf %max3A_15, %sub3A_41 : vector<10000x128xf32>
    %add3A_43 = arith.constant 9.99999974E-6 : f32
    %add3A_44 = vector.broadcast %add3A_43 : f32 to vector<128xf32>
    %add3A_45 = arith.addf %select_n3A, %add3A_44 : vector<128xf32>
    %sqrt3A = math.sqrt %add3A_45 : vector<128xf32>
    %broadcast_in_dim3A_46 = vector.shape_cast %sqrt3A : vector<128xf32> to vector<1x128xf32>
    %div3A_47 = vector.broadcast %broadcast_in_dim3A_46 : vector<1x128xf32> to vector<10000x128xf32>
    %div3A_48 = arith.divf %sub3A_42, %div3A_47 : vector<10000x128xf32>
    %mul3A = vector.broadcast %get3A_18 : vector<1x128xf32> to vector<10000x128xf32>
    %mul3A_49 = arith.mulf %div3A_48, %mul3A : vector<10000x128xf32>
    %add3A_50 = vector.broadcast %get3A_21 : vector<1x128xf32> to vector<10000x128xf32>
    %add3A_51 = arith.addf %mul3A_49, %add3A_50 : vector<10000x128xf32>
    %swap3A = arith.constant 0 : index
    %swap3A_52 = arith.constant 0 : index
    %swap3A_53 = vector.load %arg10[%swap3A, %swap3A_52] : memref<10000x128xf32, #tpu.memory_space<vmem>>, vector<10000x128xf32>
    tpu.vector_store %arg10[%swap3A, %swap3A_52], %add3A_51 {strides = array<i32>} : memref<10000x128xf32, #tpu.memory_space<vmem>>, vector<10000x128xf32>,
    %get3A_54 = arith.constant 0 : index
    %get3A_55 = arith.constant 0 : index
    %get3A_56 = vector.load %arg6[%get3A_54, %get3A_55] : memref<128x128xf32, #tpu.memory_space<vmem>>, vector<128x128xf32>
    %dot_general3A_57 = arith.constant dense<0.000000e+00> : vector<10000x128xf32>
    %dot_general3A_58 = tpu.matmul %add3A, %get3A_56, %dot_general3A_57 {dimension_numbers = #tpu.dot_dimension_numbers<[1], [0], [0], [1], [0, 0, 1, 1], [], []>, transpose_lhs_hint = false} : vector<10000x128xf32>, vector<128x128xf32>, vector<10000x128xf32> -> vector<10000x128xf32>
    %get3A_59 = arith.constant 0 : index
    %get3A_60 = arith.constant 0 : index
    %get3A_61 = vector.load %arg7[%get3A_59, %get3A_60] : memref<1x128xf32, #tpu.memory_space<vmem>>, vector<1x128xf32>
    %add3A_62 = vector.broadcast %get3A_61 : vector<1x128xf32> to vector<10000x128xf32>
    %add3A_63 = arith.addf %dot_general3A_58, %add3A_62 : vector<10000x128xf32>
    %max3A_64 = arith.constant 0.000000e+00 : f32
    %max3A_65 = vector.broadcast %max3A_64 : f32 to vector<10000x128xf32>
    %max3A_66 = arith.maximumf %add3A_63, %max3A_65 : vector<10000x128xf32>
    %get3A_67 = arith.constant 0 : index
    %get3A_68 = arith.constant 0 : index
    %get3A_69 = vector.load %arg8[%get3A_67, %get3A_68] : memref<1x128xf32, #tpu.memory_space<vmem>>, vector<1x128xf32>
    %get3A_70 = arith.constant 0 : index
    %get3A_71 = arith.constant 0 : index
    %get3A_72 = vector.load %arg9[%get3A_70, %get3A_71] : memref<1x128xf32, #tpu.memory_space<vmem>>, vector<1x128xf32>
    %reduce_sum3A_73 = arith.constant dense<0.000000e+00> : vector<128xf32>
    %reduce_sum3A_74 = vector.multi_reduction <add>, %max3A_66, %reduce_sum3A_73 [0] : vector<10000x128xf32> to vector<128xf32>
    %div3A_75 = arith.constant 1.000000e+04 : f32
    %div3A_76 = vector.broadcast %div3A_75 : f32 to vector<128xf32>
    %div3A_77 = arith.divf %reduce_sum3A_74, %div3A_76 : vector<128xf32>
    %jit3A_78 = arith.constant 0 : i32
    %reduce_sum3A_79 = arith.constant dense<0.000000e+00> : vector<128xf32>
    %reduce_sum3A_80 = vector.multi_reduction <add>, %max3A_66, %reduce_sum3A_79 [0] : vector<10000x128xf32> to vector<128xf32>
    %broadcast_in_dim3A_81 = vector.shape_cast %reduce_sum3A_80 : vector<128xf32> to vector<1x128xf32>
    %div3A_82 = arith.constant 1.000000e+04 : f32
    %div3A_83 = vector.broadcast %div3A_82 : f32 to vector<1x128xf32>
    %div3A_84 = arith.divf %broadcast_in_dim3A_81, %div3A_83 : vector<1x128xf32>
    %sub3A_85 = vector.broadcast %div3A_84 : vector<1x128xf32> to vector<10000x128xf32>
    %sub3A_86 = arith.subf %max3A_66, %sub3A_85 : vector<10000x128xf32>
    %square3A_87 = arith.mulf %sub3A_86, %sub3A_86 : vector<10000x128xf32>
    %convert_element_type3A_88 = arith.sitofp %jit3A_78 : i32 to f32
    %sub3A_89 = arith.constant 1.000000e+04 : f32
    %sub3A_90 = arith.subf %sub3A_89, %convert_element_type3A_88 : f32
    %reduce_sum3A_91 = arith.constant dense<0.000000e+00> : vector<128xf32>
    %reduce_sum3A_92 = vector.multi_reduction <add>, %square3A_87, %reduce_sum3A_91 [0] : vector<10000x128xf32> to vector<128xf32>
    %div3A_93 = vector.broadcast %sub3A_90 : f32 to vector<128xf32>
    %div3A_94 = arith.divf %reduce_sum3A_92, %div3A_93 : vector<128xf32>
    %gt3A_95 = arith.constant 0.000000e+00 : f32
    %gt3A_96 = arith.cmpf ogt, %sub3A_90, %gt3A_95 : f32
    %jit3A_97 = arith.constant 0x7FC00000 : f32
    %broadcast_in_dim3A_98 = vector.broadcast %jit3A_97 : f32 to vector<128xf32>
    %select_n3A_99 = arith.select %gt3A_96, %div3A_94, %broadcast_in_dim3A_98 : vector<128xf32>
    %broadcast_in_dim3A_100 = vector.shape_cast %div3A_77 : vector<128xf32> to vector<1x128xf32>
    %sub3A_101 = vector.broadcast %broadcast_in_dim3A_100 : vector<1x128xf32> to vector<10000x128xf32>
    %sub3A_102 = arith.subf %max3A_66, %sub3A_101 : vector<10000x128xf32>
    %add3A_103 = arith.constant 9.99999974E-6 : f32
    %add3A_104 = vector.broadcast %add3A_103 : f32 to vector<128xf32>
    %add3A_105 = arith.addf %select_n3A_99, %add3A_104 : vector<128xf32>
    %sqrt3A_106 = math.sqrt %add3A_105 : vector<128xf32>
    %broadcast_in_dim3A_107 = vector.shape_cast %sqrt3A_106 : vector<128xf32> to vector<1x128xf32>
    %div3A_108 = vector.broadcast %broadcast_in_dim3A_107 : vector<1x128xf32> to vector<10000x128xf32>
    %div3A_109 = arith.divf %sub3A_102, %div3A_108 : vector<10000x128xf32>
    %mul3A_110 = vector.broadcast %get3A_69 : vector<1x128xf32> to vector<10000x128xf32>
    %mul3A_111 = arith.mulf %div3A_109, %mul3A_110 : vector<10000x128xf32>
    %add3A_112 = vector.broadcast %get3A_72 : vector<1x128xf32> to vector<10000x128xf32>
    %add3A_113 = arith.addf %mul3A_111, %add3A_112 : vector<10000x128xf32>
    %swap3A_114 = arith.constant 0 : index
    %swap3A_115 = arith.constant 0 : index
    %swap3A_116 = vector.load %arg11[%swap3A_114, %swap3A_115] : memref<10000x128xf32, #tpu.memory_space<vmem>>, vector<10000x128xf32>
    tpu.vector_store %arg11[%swap3A_114, %swap3A_115], %add3A_113 {strides = array<i32>} : memref<10000x128xf32, #tpu.memory_space<vmem>>, vector<10000x128xf32>,
    return
  }
}

</mosaic_0001>

<sc_bundles>
// kernel: kernel.11.cloned.1.call-start
scs
__scs_entry_jumppad:
0x0: {  	(pc) =	sbr.rel $0x88, $3  }
0x1: {  	(tag) =	ssettag $0x0;
	lr =	simm.s32 $0x1  }
0x2: {  	[smem:$0x3F70] =	sst lr;
	_ =	strace $0xD0000000  }
0x3: {  	_ = 	snop  }
0x4: {  	_ = 	snop  }
0x5: {  	_ = 	snop  }
0x6: {  	_ = 	snop  }
0x7: {  	_ = 	snop  }
__scs_overlays_trampoline_lowered:
0x8: {  	[smem:$0x3F7F] =	sst s0  }
0x9: {  	[smem:$0x3F80] =	sst s1  }
0xa: {  	[smem:$0x3F81] =	sst s2  }
0xb: {  	[smem:$0x3F82] =	sst s3  }
0xc: {  	[smem:$0x3F83] =	sst s4  }
0xd: {  	[smem:$0x3F84] =	sst s5  }
0xe: {  	[smem:$0x3F85] =	sst s6  }
0xf: {  	[smem:$0x3F86] =	sst s7  }
0x10: {  	[smem:$0x3F87] =	sst s8  }
0x11: {  	[smem:$0x3F88] =	sst s9;
	s0 =	simm.s32 @!p0 $0x0  }
0x12: {  	s1 =	sld [smem:$0x3F6E];
	s0 =	simm.s32 @p0 $0x1  }
0x13: {  	[smem:$0x3F89] =	sst s0;
	s0 =	simm.s32 @!p1 $0x0  }
0x14: {  	s2 =	sld [smem:$0x3F6D];
	s0 =	simm.s32 @p1 $0x1  }
0x15: {  	[smem:$0x3F8A] =	sst s0;
	s0 =	simm.s32 @!p2 $0x0  }
0x16: {  	s3 =	sld [smem:$0x3FDB];
	s0 =	simm.s32 @p2 $0x1  }
0x17: {  	s4 =	simm.s32 $0x1BF5;
	[smem:$0x3F8C] =	sst s0  }
0x18: {  	s0 =	sld [smem:$0x3F6F];
	_ =	swait.ge [sflag:s4], $0x0  }
0x19: {  	s7 =	sld [smem:$0x3F70]  }
0x1a: {  	s8 =	sadd.s32 $0xFFFFE003, lr  }
0x1b: {  	s9 =	sadd.s32 $0xFFFFFEF7, lr;
	s5 =	simm.s32 $0xFFFFFFFF;
	p2 =	slt.u32 s8, $0xFFFFF086  }
0x1c: {  	p1 =	slt.u32 s9, $0xF7A;
	s5 =	simm.s32 @!p2 $0x0  }
0x1d: {  	s5 =	simm.s32 @p1 $0x1;
	p0 =	seq.s32 s7, s2  }
0x1e: {  	s7 =	smul.u32 @!p0 $0xF7A, s2;
	p2 =	seq.s32 @!p0 s5, $0x0  }
0x1f: {  	s9 =	smul.u32 $0xF7A, s1;
	s8 =	simm.s32 @!p0 $0x1BF5;
	p2 =	por !p2, p0  }
0x20: {  	[sflag:s8] =	ssyncset.s32 @!p0 $0xFFFFF086;
	s6 =	sadd.s32 @!p0 s3, s7;
	s7 =	simm.s32 @!p0 $0x108  }
0x21: {  	s3 =	sadd.s32 s3, s9;
	s6 =	sadd.s32 @!p0 $0x88, s6;
	s7 =	simm.s32 @p2 $0x1082  }
0x22: {  	[simem:s7], [sflag:s8] =	dma.local @!p0 [hbm:s6], $0xF7A  }
0x23: {  	s9 =	sor.u32 $0xD0000000, s2;
	s6 =	simm.s32 $0x108;
	_ =	swait.ge @!p0 [sflag:s8], $0x0  }
0x24: {  	s3 =	sadd.s32 $0x88, s3;
	s6 =	simm.s32 @!p1 $0x1082;
	[sflag:s4] =	ssyncset.s32 $0xFFFFF086  }
0x25: {  	[simem:s6], [sflag:s4] =	dma.local [hbm:s3], $0xF7A  }
0x26: {  	[smem:$0x3F70] =	sst s1;
	(tag) =	ssettag s2;
	_ =	strace s9  }
0x27: {  	s1 =	sld [smem:$0x3F80]  }
0x28: {  	s2 =	sld [smem:$0x3F81]  }
0x29: {  	s4 =	sld [smem:$0x3F83]  }
0x2a: {  	p0 =	seq.s32 s5, $0x0;
	s5 =	sld [smem:$0x3F84]  }
0x2b: {  	s6 =	sld [smem:$0x3F85]  }
0x2c: {  	s7 =	sld [smem:$0x3F86]  }
0x2d: {  	s3 =	simm.s32 $0x108;
	s8 =	sld [smem:$0x3F87]  }
0x2e: {  	s3 =	simm.s32 @!p0 $0x1082;
	s9 =	sld [smem:$0x3F88]  }
0x2f: {  	lr =	sadd.s32 s0, s3;
	s0 =	sld [smem:$0x3F7F]  }
0x30: {  	s3 =	sld [smem:$0x3F82]  }
0x31: {  	[smem:$0x3F8B] =	sst s10  }
0x32: {  	s10 =	sld [smem:$0x3F89];
	_ =	sdelay $0x3  }
0x33: {  	p0 =	seq.s32 s10, $0x1;
	s10 =	sld [smem:$0x3F8B];
	_ =	sdelay $0x3  }
0x34: {  	[smem:$0x3F8B] =	sst s10  }
0x35: {  	s10 =	sld [smem:$0x3F8A];
	_ =	sdelay $0x3  }
0x36: {  	p1 =	seq.s32 s10, $0x1;
	s10 =	sld [smem:$0x3F8B];
	_ =	sdelay $0x3  }
0x37: {  	[smem:$0x3F8B] =	sst s10  }
0x38: {  	s10 =	sld [smem:$0x3F8C]  }
0x39: {  	_ = 	snop;
	(pc) =	sbr.ind lr, $3  }
0x3a: {  	_ = 	snop  }
0x3b: {  	_ = 	snop  }
0x3c: {  	p2 =	seq.s32 s10, $0x1;
	s10 =	sld [smem:$0x3F8B]  }
0x3d: {  	_ =	shalt  }
0x3e: {  	_ =	shalt  }
0x3f: {  	_ =	shalt  }
0x40: {  	_ =	shalt  }
0x41: {  	_ =	shalt  }
0x42: {  	_ =	shalt  }
0x43: {  	_ =	shalt  }
0x44: {  	_ =	shalt  }
0x45: {  	_ =	shalt  }
0x46: {  	_ =	shalt  }
0x47: {  	_ =	shalt  }
0x48: {  	_ =	shalt  }
0x49: {  	_ =	shalt  }
0x4a: {  	_ =	shalt  }
0x4b: {  	_ =	shalt  }
0x4c: {  	_ =	shalt  }
0x4d: {  	_ =	shalt  }
0x4e: {  	_ =	shalt  }
0x4f: {  	_ =	shalt  }
0x50: {  	_ =	shalt  }
0x51: {  	_ =	shalt  }
0x52: {  	_ =	shalt  }
0x53: {  	_ =	shalt  }
0x54: {  	_ =	shalt  }
0x55: {  	_ =	shalt  }
0x56: {  	_ =	shalt  }
0x57: {  	_ =	shalt  }
0x58: {  	_ =	shalt  }
0x59: {  	_ =	shalt  }
0x5a: {  	_ =	shalt  }
0x5b: {  	_ =	shalt  }
0x5c: {  	_ =	shalt  }
0x5d: {  	_ =	shalt  }
0x5e: {  	_ =	shalt  }
0x5f: {  	_ =	shalt  }
0x60: {  	_ =	shalt  }
0x61: {  	_ =	shalt  }
0x62: {  	_ =	shalt  }
0x63: {  	_ =	shalt  }
0x64: {  	_ =	shalt  }
0x65: {  	_ =	shalt  }
0x66: {  	_ =	shalt  }
0x67: {  	_ =	shalt  }
0x68: {  	_ =	shalt  }
0x69: {  	_ =	shalt  }
0x6a: {  	_ =	shalt  }
0x6b: {  	_ =	shalt  }
0x6c: {  	_ =	shalt  }
0x6d: {  	_ =	shalt  }
0x6e: {  	_ =	shalt  }
0x6f: {  	_ =	shalt  }
0x70: {  	_ =	shalt  }
0x71: {  	_ =	shalt  }
0x72: {  	_ =	shalt  }
0x73: {  	_ =	shalt  }
0x74: {  	_ =	shalt  }
0x75: {  	_ =	shalt  }
0x76: {  	_ =	shalt  }
0x77: {  	_ =	shalt  }
0x78: {  	_ =	shalt  }
0x79: {  	_ =	shalt  }
0x7a: {  	_ =	shalt  }
0x7b: {  	_ =	shalt  }
0x7c: {  	_ =	shalt  }
0x7d: {  	_ =	shalt  }
0x7e: {  	_ =	shalt  }
0x7f: {  	_ =	shalt  }
0x80: {  	_ =	shalt  }
0x81: {  	_ =	shalt  }
0x82: {  	_ =	shalt  }
0x83: {  	_ =	shalt  }
0x84: {  	_ =	shalt  }
0x85: {  	_ =	shalt  }
0x86: {  	_ =	shalt  }
0x87: {  	_ =	shalt  }
.Lfunc_end0:
.L_simem_size_0:
called_computation_lowered:
.L_overlay_start_0:
0x88: {  	s2 =	sld [smem:$0x3FD9]  }
0x89: {  	s3 =	sld [smem:$0x3FFE];
	_ =	sdelay $0x1  }
0x8a: {  	s1 =	srdreg.scid  }
0x8b: {  	s0 =	sand.u32 $0x1, s1  }
0x8c: {  	s14 =	sshll.u32 s0, $0xA;
	s2 =	sadd.s32 s3, s2  }
0x8d: {  	s2 =	sadd.s32 s2, s14  }
0x8e: {  	[smem:$0x3F97] =	sst s2  }
0x8f: {  	_ = 	snop  }
0x90: {  	s2 =	sld [smem:$0x3FD0];
	_ =	sdelay $0x2  }
0x91: {  	s4 =	simm.s32 $0xA;
	s5 =	simm.s32 $0x10;
	s15 =	sld [smem:$0x3FC9]  }
0x92: {  	[smem:s5], [sflag:s4] =	dma.local [hbm:s2], $0x1  }
0x93: {  	_ =	swait.eq [sflag:s4], $0x1  }
0x94: {  	[sflag:s4] =	ssyncset.done $0x0  }
0x95: {  	[sflag:s4] =	ssyncadd.s32 $0xFFFFFFFF  }
0x96: {  	s16 =	sld [smem:$0x10];
	(tm) =	ssettm $0x1  }
0x97: {  	s17 =	sld [smem:$0x3FFB];
	_ =	sdelay $0x3  }
0x98: {  	_ =	strace s17  }
0x99: {  	s4 =	sld [smem:$0x3FFC];
	_ =	sdelay $0x3  }
0x9a: {  	_ =	strace s4  }
0x9b: {  	s4 =	sld [smem:$0x3FFD];
	_ =	sdelay $0x3  }
0x9c: {  	_ =	strace s4  }
0x9d: {  	_ =	strace $0x8FFFFFFF  }
0x9e: {  	s18 =	sld [smem:$0x3FDB];
	_ =	sdelay $0x1  }
0x9f: {  	s19 =	simm.s32 $_scs_section_size  }
0xa0: {  	s6 =	simm.s32 $_size__tile_overlayer_lowered;
	s7 =	simm.s32 $_tile_overlayer_lowered  }
0xa1: {  	s22 =	simm.s32 $0x1BFF;
	s21 =	sshll.u32 s7, $0x1;
	s4 =	sadd.s32 s19, s18  }
0xa2: {  	s8 =	simm.s32 $0x0;
	s20 =	sshll.u32 s6, $0x1;
	s6 =	sadd.s32 s21, s4  }
0xa3: {  	[timem:s8], [sflag:s22] =	dma.local [hbm:s6], s20  }
0xa4: {  	_ =	swait.ge [sflag:s22], s20  }
0xa5: {  	s5 =	ssub.s32 $0x0, s20;
	[sflag:s22] =	ssyncset.done $0x0  }
0xa6: {  	[sflag:s22] =	ssyncadd.s32 s5;
	_ =	sdelay $0x1  }
0xa7: {  	s23 =	simm.s32 $0x1B8B  }
0xa8: {  	_ =	swait.ge [sflag:s23], $0x1  }
0xa9: {  	[sflag:s23] =	ssyncset.done $0x0  }
0xaa: {  	s25 =	simm.s32 $0x1B8E;
	s24 =	sld [smem:$0x3FFE];
	[sflag:s23] =	ssyncadd.s32 $0xFFFFFFFF  }
0xab: {  	s26 =	simm.s32 $execute0_lowered;
	[smem:$0x3FD2] =	sst s25  }
0xac: {  	s6 =	sshll.u32 s26, $0x1;
	_ =	strace $0x80000046;
	[dreg:$0x1] =	wrdreg $0xFFFFFFFF  }
0xad: {  	s28 =	simm.s32 $_size_execute0_lowered;
	s4 =	sadd.s32 s4, s6;
	[dreg:$0x0] =	wrdreg $0x0  }
0xae: {  	s6 =	sshll.u32 s28, $0x1;
	[dreg:$0x2] =	wrdreg s4  }
0xaf: {  	[dreg:$0x3] =	wrdreg s6  }
0xb0: {  	[dreg:$0x4] =	wrdreg $0xC0  }
0xb1: {  	_ =	task [dreg:s8], $0x5FFFF  }
0xb2: {  	[dreg:$0x1] =	wrdreg $0xFFFFFFFF  }
0xb3: {  	[dreg:$0x0] =	wrdreg $0x60  }
0xb4: {  	[dreg:$0x2] =	wrdreg s15  }
0xb5: {  	[dreg:$0x3] =	wrdreg s16  }
0xb6: {  	[dreg:$0x4] =	wrdreg s24  }
0xb7: {  	[dreg:$0x5] =	wrdreg $0xA8000  }
0xb8: {  	[dreg:$0x6] =	wrdreg $0x9  }
0xb9: {  	_ =	task.clear_ibuf [dreg:s8], $0x7FFFF;
	_ =	strace $0x90000046  }
0xba: {  	s29 =	simm.s32 $0x9;
	_ =	strace $0x80000048  }
0xbb: {  	_ =	swait.ge [sflag:s29], $0x1  }
0xbc: {  	[sflag:s29] =	ssyncadd.s32 $0xFFFFFFFF  }
0xbd: {  	_ =	strace $0x90000048  }
0xbe: {  	_ =	sfence  }
0xbf: {  	s30 =	sld [smem:$0x0];
	_ =	sdelay $0x2  }
0xc0: {  	s31 =	sshll.u32 s1, $0xD;
	s1 =	sshrl.u32 s1, $0x2  }
0xc1: {  	s3 =	sand.u32 $0x4000, s31;
	s1 =	sadd.s32 s1, s30  }
0xc2: {  	s0 =	sor.u32 s3, s0;
	s1 =	sshll.u32 s1, $0x11  }
0xc3: {  	s0 =	sor.u32 s1, s0  }
0xc4: {  	s0 =	sadd.s32 $0x8F2B, s0  }
0xc5: {  	[sflag:s0] =	ssyncadd.remote.s32 $0x1  }
0xc6: {  	_ =	sfence.sel $0xFFFF  }
0xc7: {  	[dreg:$0x0] =	wrdreg $0xFFFFFFFF;
	(pc) =	sbr.abs _section_cstart, $3  }
0xc8: {  	[dreg:$0x1] =	wrdreg $0xFFFFFFFF  }
0xc9: {  	_ =	task.clear_ibuf [dreg:s8], $0x2FFFF;
	_ =	strace $0x9FFFFFFF  }
0xca: {  	(tm) =	ssettm $0x7FFFFFFF  }
0xcb: {  	_ =	shalt  }
tec
execute0_lowered:
.L_overlay_start_1:
0x0: {  	(tag) =	ssettag $0x1  }
0x1: {  	s1 =	rddreg [dreg:$0x0]  }
0x2: {  	s0 =	rddreg [dreg:$0x1]  }
0x3: {  	s5 =	rddreg [dreg:$0x2]  }
0x4: {  	s3 =	rddreg [dreg:$0x3]  }
0x5: {  	s6 =	srdreg.scid;
	s2 =	stileid.u32  }
0x6: {  	s4 =	simm.s32 $0x0;
	s28 =	simm.s32 $0x2;
	s29 =	simm.s32 $0x1380  }
0x7: {  	s30 =	simm.s32 $0x2700;
	s31 =	simm.s32 $0x2780;
	s6 =	sand.u32 $0x1, s6  }
0x8: {  	s7 =	sshll.u32 s2, $0x1;
	[smem:$0x7FF] =	sst s4;
	s19 =	smul.u32 $0x4F000, s2  }
0x9: {  	s17 =	sadd.s32 $0x7C00, s5;
	s5 =	sadd.s32 $0x11C00, s5;
	s22 =	smul.u32 $0x2780, s2  }
0xa: {  	s24 =	sadd.s32 $0x25080, s1;
	s25 =	sadd.s32 $0x138800, s3;
	s18 =	smul.u32 $0x13C00, s2  }
0xb: {  	p3 =	seq.s32 s2, $0xF;
	s7 =	sor.u32 s6, s7;
	_ =	strace $0x80000047  }
0xc: {  	s8 =	ssub.s32 $0x2, s6;
	p0 =	seq.s32 s6, $0x1;
	[dreg:$0x8] =	wrdreg s24  }
0xd: {  	[dreg:$0x9] =	wrdreg s25;
	s6 =	smul.u32 $0x13C000, s6;
	s24 =	simm.s32 $0x2800  }
0xe: {  	s25 =	simm.s32 $0x6800;
	s7 =	smul.u32 $0x2800, s7;
	s9 =	sshrl.u32 s8, $0x1  }
0xf: {  	p2 =	seq.s32 @!p0 s2, $0xF;
	s20 =	ssub.s32 s8, s9;
	s8 =	sadd.s32 s1, s22  }
0x10: {  	s9 =	sadd.s32 $0x128400, s3;
	s26 =	sadd.s32 s18, s6;
	s6 =	sshrl.u32 s6, $0x3  }
0x11: {  	s22 =	simm.s32 $0x1400;
	p1 =	por !p2, p0;
	p2 =	por p2, p0  }
0x12: {  	s16 =	sshrl.u32 s7, $0x3;
	s7 =	sshrl.u32 s19, $0x2;
	[dreg:$0x7] =	wrdreg s8  }
0x13: {  	s6 =	sadd.s32 s5, s6;
	s20 =	smax.u32 s20, $0x1;
	s21 =	sadd.s32 s0, s16  }
0x14: {  	s23 =	sadd.s32 s17, s16;
	s7 =	sadd.s32 s7, s3;
	[dreg:$0x5] =	wrdreg s21  }
0x15: {  	s19 =	sadd.s32 $0x280, s16;
	[dreg:$0x6] =	wrdreg s23;
	s12 =	sadd.s32 $0x4000, s7  }
0x16: {  	s13 =	sadd.s32 $0x8000, s7;
	s14 =	sadd.s32 $0xC000, s7;
	s15 =	sadd.s32 $0x10000, s7  }
0x17: {  	s16 =	sadd.s32 s0, s19;
	s17 =	sadd.s32 s17, s19;
	s0 =	sshrl.u32 s26, $0x3  }
0x18: {  	s19 =	sadd.s32 $0x25080, s6;
	s21 =	simm.s32 $0x3;
	s23 =	simm.s32 $0x80  }
0x19: {  	v0 =	vimm.f32 $0.0e+00;
	s26 =	simm.s32 $0x1;
	s18 =	sadd.s32 s5, s0;
	s0 =	simm.s32 $0x0  }
.LBB2_1:
0x1a: {  	s5 =	rddreg [dreg:$0x5]  }
0x1b: {  	[tilespmem:s4], [sflag:$0x3] =	stream.linear.gather [hbm4b:s5+s4], $0x1400, $0x38;
	[tilespmem:$0x1E400] =	vst v63  }
0x1c: {  	_ =	swait.ge [sflag:s21], $0x1400  }
0x1d: {  	[sflag:s21] =	ssyncset.done $0x0  }
0x1e: {  	s11 =	rddreg [dreg:$0x6];
	[sflag:s21] =	ssyncadd.s32 $0xFFFFEC00  }
0x1f: {  	[tilespmem:s22], [sflag:$0x3] =	stream.linear.gather [hbm4b:s11+s4], $0x1400, $0x38;
	[tilespmem:$0x1E400] =	vst v63  }
0x20: {  	_ =	swait.ge [sflag:s21], $0x1400  }
0x21: {  	[sflag:s21] =	ssyncset.done $0x0  }
0x22: {  	s6 =	simm.s32 $0x200;
	s5 =	simm.s32 $0x0;
	[sflag:s21] =	ssyncadd.s32 $0xFFFFEC00  }
0x23: {  	[tilespmem:s24], [sflag:$0x1] =	stream.indirect.gather [hbm4b:s1+s23], $0x80, s4, s23, $0xb8;
	[tilespmem:$0x1E400] =	vst v63  }
.LBB2_2:
0x24: {  	p4 =	sne.s32 s6, $0xFE00;
	[tilespmem:s5+$0x6870] =	vst v0  }
0x25: {  	[tilespmem:s5+$0x6800] =	vst v0  }
0x26: {  	[tilespmem:s5+$0x6810] =	vst v0  }
.Ltmp0:
0x27: {  	[tilespmem:s5+$0x6820] =	vst v0;
	(pc) =	sbr.rel @p4 .LBB2_2-.Ltmp0, $4  }
0x28: {  	[tilespmem:s5+$0x6830] =	vst v0  }
0x29: {  	[tilespmem:s5+$0x6840] =	vst v0  }
0x2a: {  	[tilespmem:s5+$0x6850] =	vst v0  }
0x2b: {  	[tilespmem:s5+$0x6860] =	vst v0;
	s5 =	sshra.s32 s6, $0x2;
	s6 =	sadd.s32 $0x200, s6  }
0x2c: {  	[tilespmem:s5+$0x6870] =	vst v0  }
0x2d: {  	[tilespmem:s5+$0x6800] =	vst v0  }
0x2e: {  	[tilespmem:s5+$0x6810] =	vst v0  }
0x2f: {  	[tilespmem:s5+$0x6820] =	vst v0  }
0x30: {  	[tilespmem:s5+$0x6830] =	vst v0  }
0x31: {  	[tilespmem:s5+$0x6840] =	vst v0  }
0x32: {  	[tilespmem:s5+$0x6850] =	vst v0  }
0x33: {  	[tilespmem:s5+$0x6860] =	vst v0;
	s5 =	simm.s32 @p0 $0x6800;
	s6 =	simm.s32 @p0 $0x3  }
0x34: {  	[spmem:s7] =	stream.linear.scatter @p0 [tilespmem:s5], [sflag:$0x3], $0x4000, $0x38;
	[tilespmem:$0x1E400] =	vst v63  }
0x35: {  	_ =	swait.ge @p0 [sflag:s6], $0x4000  }
0x36: {  	[sflag:s6] =	ssyncset.done @p0 $0x0  }
0x37: {  	[sflag:s6] =	ssyncadd.s32 @p0 $0xFFFFC000  }
0x38: {  	[spmem:s12] =	stream.linear.scatter @p0 [tilespmem:s5], [sflag:$0x3], $0x4000, $0x38;
	[tilespmem:$0x1E400] =	vst v63  }
0x39: {  	_ =	swait.ge @p0 [sflag:s6], $0x4000  }
0x3a: {  	[sflag:s6] =	ssyncset.done @p0 $0x0  }
0x3b: {  	[sflag:s6] =	ssyncadd.s32 @p0 $0xFFFFC000  }
0x3c: {  	[spmem:s13] =	stream.linear.scatter @p0 [tilespmem:s5], [sflag:$0x3], $0x4000, $0x38;
	[tilespmem:$0x1E400] =	vst v63  }
0x3d: {  	_ =	swait.ge @p0 [sflag:s6], $0x4000  }
0x3e: {  	[sflag:s6] =	ssyncset.done @p0 $0x0  }
0x3f: {  	[sflag:s6] =	ssyncadd.s32 @p0 $0xFFFFC000  }
0x40: {  	[spmem:s14] =	stream.linear.scatter @p0 [tilespmem:s5], [sflag:$0x3], $0x4000, $0x38;
	[tilespmem:$0x1E400] =	vst v63  }
0x41: {  	_ =	swait.ge @p0 [sflag:s6], $0x4000  }
0x42: {  	[sflag:s6] =	ssyncset.done @p0 $0x0  }
0x43: {  	[sflag:s6] =	ssyncadd.s32 @p0 $0xFFFFC000  }
0x44: {  	[spmem:s15] =	stream.linear.scatter @p0 [tilespmem:s5], [sflag:$0x3], $0x3C00, $0x38;
	[tilespmem:$0x1E400] =	vst v63  }
0x45: {  	_ =	swait.ge @p0 [sflag:s6], $0x3C00  }
0x46: {  	s5 =	sshrl.u32 @!p1 s9, $0x3;
	[sflag:s6] =	ssyncset.done @p0 $0x0  }
0x47: {  	s8 =	rddreg [dreg:$0x8];
	[sflag:s6] =	ssyncadd.s32 @p0 $0xFFFFC400;
	s6 =	simm.s32 @!p1 $0x1FC3  }
0x48: {  	[spmem:s5], [sflag:s6] =	dma.local @!p1 [hbm:s8], $0x2080  }
0x49: {  	s5 =	simm.s32 @!p1 $0x3  }
0x4a: {  	_ =	swait.ge @!p1 [sflag:s5], $0x2080  }
0x4b: {  	[sflag:s5] =	ssyncset.done @!p1 $0x0  }
0x4c: {  	s6 =	simm.s32 @!p1 $0x6800;
	s8 =	rddreg [dreg:$0x9];
	[sflag:s5] =	ssyncadd.s32 @!p1 $0xFFFFDF80  }
0x4d: {  	[spmem:s8] =	stream.linear.scatter @!p1 [tilespmem:s6], [sflag:$0x3], $0x3800, $0x38;
	[tilespmem:$0x1E400] =	vst v63  }
0x4e: {  	_ =	swait.ge @!p1 [sflag:s5], $0x3800  }
0x4f: {  	s6 =	sshll.u32 @!p2 s2, $0x6;
	[sflag:s5] =	ssyncset.done @!p1 $0x0;
	s8 =	rddreg [dreg:$0x7]  }
0x50: {  	[sflag:s5] =	ssyncadd.s32 @!p1 $0xFFFFC800;
	s5 =	sor.u32 @!p2 $0x1C03, s6;
	s6 =	sshrl.u32 @!p2 s7, $0x3  }
0x51: {  	[spmem:s6], [sflag:s5] =	dma.local @!p2 [hbm:s8], $0x2780  }
0x52: {  	s5 =	simm.s32 @!p2 $0x3  }
0x53: {  	_ =	swait.ge @!p2 [sflag:s5], $0x2780  }
0x54: {  	[sflag:s5] =	ssyncset.done @!p2 $0x0  }
0x55: {  	[sflag:s5] =	ssyncadd.s32 @!p2 $0xFFFFD880  }
0x56: {  	s6 =	simm.s32 $0x80;
	[bflag:$0x0] =	sbarrier.arrive $0xFFFF  }
0x57: {  	[tilespmem:s25], [sflag:$0x2] =	stream.indirect.gather [hbm4b:s1+s23], $0x80, s6, s23, $0xb8;
	[tilespmem:$0x1E400] =	vst v63  }
0x58: {  	_ =	swait.ge [sflag:s26], $0x4000  }
0x59: {  	[sflag:s26] =	ssyncset.done $0x0  }
0x5a: {  	s8 =	simm.s32 $0x1400;
	[sflag:s26] =	ssyncadd.s32 $0xFFFFC000  }
0x5b: {  	[spmem:s3] =	stream.indirect.scatter.add.f32 [tilespmem:s24], [sflag:$0x3], $0x80, s8, s23, $0xb8;
	[tilespmem:$0x1E400] =	vst v63  }
0x5c: {  	_ =	swait.ge [sflag:s21], $0x4000  }
0x5d: {  	[sflag:s21] =	ssyncset.done $0x0  }
0x5e: {  	s10 =	simm.s32 $0x100;
	[sflag:s21] =	ssyncadd.s32 $0xFFFFC000  }
0x5f: {  	[tilespmem:s24], [sflag:$0x1] =	stream.indirect.gather [hbm4b:s1+s23], $0x80, s10, s23, $0xb8;
	[tilespmem:$0x1E400] =	vst v63  }
0x60: {  	_ =	swait.ge [sflag:s28], $0x4000  }
0x61: {  	[sflag:s28] =	ssyncset.done $0x0  }
0x62: {  	s11 =	simm.s32 $0x1480;
	[sflag:s28] =	ssyncadd.s32 $0xFFFFC000  }
0x63: {  	[spmem:s3] =	stream.indirect.scatter.add.f32 [tilespmem:s25], [sflag:$0x3], $0x80, s11, s23, $0xb8;
	[tilespmem:$0x1E400] =	vst v63  }
0x64: {  	_ =	swait.ge [sflag:s21], $0x4000  }
0x65: {  	s5 =	simm.s32 $0x100;
	s6 =	simm.s32 $0x800;
	[sflag:s21] =	ssyncset.done $0x0  }
.LBB2_4:
0x66: {  	s8 =	sadd.s32 $0x80, s5  }
0x67: {  	[sflag:s21] =	ssyncadd.s32 $0xFFFFC000;
	s10 =	smov.u32 s6;
	s11 =	sadd.s32 $0x400, s6  }
0x68: {  	[tilespmem:s25], [sflag:$0x2] =	stream.indirect.gather [hbm4b:s1+s23], $0x80, s8, s23, $0xb8;
	[tilespmem:$0x1E400] =	vst v63  }
0x69: {  	p4 =	sne.s32 s6, $0x4800;
	_ =	swait.ge [sflag:s26], $0x4000  }
0x6a: {  	[sflag:s26] =	ssyncset.done $0x0  }
0x6b: {  	s6 =	sadd.s32 $0x1400, s5;
	[sflag:s26] =	ssyncadd.s32 $0xFFFFC000  }
0x6c: {  	[spmem:s3] =	stream.indirect.scatter.add.f32 [tilespmem:s24], [sflag:$0x3], $0x80, s6, s23, $0xb8;
	[tilespmem:$0x1E400] =	vst v63  }
0x6d: {  	_ =	swait.ge [sflag:s21], $0x4000  }
0x6e: {  	[sflag:s21] =	ssyncset.done $0x0  }
0x6f: {  	s6 =	sadd.s32 $0x100, s5;
	[sflag:s21] =	ssyncadd.s32 $0xFFFFC000  }
0x70: {  	[tilespmem:s24], [sflag:$0x1] =	stream.indirect.gather [hbm4b:s1+s23], $0x80, s6, s23, $0xb8;
	[tilespmem:$0x1E400] =	vst v63  }
0x71: {  	_ =	swait.ge [sflag:s28], $0x4000  }
.Ltmp1:
0x72: {  	[sflag:s28] =	ssyncset.done $0x0;
	(pc) =	sbr.rel @p4 .LBB2_4-.Ltmp1, $4  }
0x73: {  	s5 =	sadd.s32 $0x1480, s5;
	[sflag:s28] =	ssyncadd.s32 $0xFFFFC000  }
0x74: {  	[spmem:s3] =	stream.indirect.scatter.add.f32 [tilespmem:s25], [sflag:$0x3], $0x80, s5, s23, $0xb8;
	[tilespmem:$0x1E400] =	vst v63  }
0x75: {  	_ =	swait.ge [sflag:s21], $0x4000  }
0x76: {  	s6 =	smov.u32 s11;
	s5 =	sshra.s32 s10, $0x2;
	[sflag:s21] =	ssyncset.done $0x0  }
0x77: {  	s6 =	sadd.s32 $0x80, s5;
	[sflag:s21] =	ssyncadd.s32 $0xFFFFC000  }
0x78: {  	[tilespmem:s25], [sflag:$0x2] =	stream.indirect.gather [hbm4b:s1+s23], $0x80, s6, s23, $0xb8;
	[tilespmem:$0x1E400] =	vst v63  }
0x79: {  	_ =	swait.ge [sflag:s26], $0x4000  }
0x7a: {  	[sflag:s26] =	ssyncset.done $0x0  }
0x7b: {  	s11 =	sadd.s32 $0x1400, s5;
	[sflag:s26] =	ssyncadd.s32 $0xFFFFC000  }
0x7c: {  	[spmem:s3] =	stream.indirect.scatter.add.f32 [tilespmem:s24], [sflag:$0x3], $0x80, s11, s23, $0xb8;
	[tilespmem:$0x1E400] =	vst v63  }
0x7d: {  	_ =	swait.ge [sflag:s21], $0x4000  }
0x7e: {  	[sflag:s21] =	ssyncset.done $0x0  }
0x7f: {  	s8 =	sadd.s32 $0x100, s5;
	[sflag:s21] =	ssyncadd.s32 $0xFFFFC000  }
0x80: {  	[tilespmem:s24], [sflag:$0x1] =	stream.indirect.gather [hbm4b:s1+s23], $0x80, s8, s23, $0xb8;
	[tilespmem:$0x1E400] =	vst v63  }
0x81: {  	_ =	swait.ge [sflag:s28], $0x4000  }
0x82: {  	[sflag:s28] =	ssyncset.done $0x0  }
0x83: {  	s10 =	sadd.s32 $0x1480, s5;
	[sflag:s28] =	ssyncadd.s32 $0xFFFFC000  }
0x84: {  	[spmem:s3] =	stream.indirect.scatter.add.f32 [tilespmem:s25], [sflag:$0x3], $0x80, s10, s23, $0xb8;
	[tilespmem:$0x1E400] =	vst v63  }
0x85: {  	_ =	swait.ge [sflag:s21], $0x4000  }
0x86: {  	[sflag:s21] =	ssyncset.done $0x0  }
0x87: {  	[sflag:s21] =	ssyncadd.s32 $0xFFFFC000  }
0x88: {  	[tilespmem:s25], [sflag:$0x2] =	stream.indirect.gather [hbm4b:s1+s23], $0x80, s29, s23, $0xb8;
	[tilespmem:$0x1E400] =	vst v63  }
0x89: {  	_ =	swait.ge [sflag:s26], $0x4000  }
0x8a: {  	[sflag:s26] =	ssyncset.done $0x0  }
0x8b: {  	[sflag:s26] =	ssyncadd.s32 $0xFFFFC000  }
0x8c: {  	[spmem:s3] =	stream.indirect.scatter.add.f32 [tilespmem:s24], [sflag:$0x3], $0x80, s30, s23, $0xb8;
	[tilespmem:$0x1E400] =	vst v63  }
0x8d: {  	_ =	swait.ge [sflag:s21], $0x4000  }
0x8e: {  	[sflag:s21] =	ssyncset.done $0x0  }
0x8f: {  	[sflag:s21] =	ssyncadd.s32 $0xFFFFC000  }
0x90: {  	_ =	swait.ge [sflag:s28], $0x4000  }
0x91: {  	[sflag:s28] =	ssyncset.done $0x0  }
0x92: {  	[sflag:s28] =	ssyncadd.s32 $0xFFFFC000  }
0x93: {  	[spmem:s3] =	stream.indirect.scatter.add.f32 [tilespmem:s25], [sflag:$0x3], $0x80, s31, s23, $0xb8;
	[tilespmem:$0x1E400] =	vst v63  }
0x94: {  	_ =	swait.ge [sflag:s21], $0x4000  }
0x95: {  	[sflag:s21] =	ssyncset.done $0x0  }
0x96: {  	s11 =	simm.s32 $0x0;
	[sflag:s21] =	ssyncadd.s32 $0xFFFFC000  }
0x97: {  	[tilespmem:s11], [sflag:$0x3] =	stream.linear.gather [hbm4b:s16+s11], $0x1400, $0x38;
	[tilespmem:$0x1E400] =	vst v63  }
0x98: {  	_ =	swait.ge [sflag:s21], $0x1400  }
0x99: {  	[sflag:s21] =	ssyncset.done $0x0  }
0x9a: {  	[sflag:s21] =	ssyncadd.s32 $0xFFFFEC00  }
0x9b: {  	[tilespmem:s22], [sflag:$0x3] =	stream.linear.gather [hbm4b:s17+s11], $0x1400, $0x38;
	[tilespmem:$0x1E400] =	vst v63  }
0x9c: {  	_ =	swait.ge [sflag:s21], $0x1400  }
0x9d: {  	[sflag:s21] =	ssyncset.done $0x0  }
0x9e: {  	[sflag:s21] =	ssyncadd.s32 $0xFFFFEC00  }
0x9f: {  	[tilespmem:s24], [sflag:$0x1] =	stream.indirect.gather [hbm4b:s1+s23], $0x80, s11, s23, $0xb8;
	[tilespmem:$0x1E400] =	vst v63  }
0xa0: {  	s6 =	simm.s32 $0x80  }
0xa1: {  	[tilespmem:s25], [sflag:$0x2] =	stream.indirect.gather [hbm4b:s1+s23], $0x80, s6, s23, $0xb8;
	[tilespmem:$0x1E400] =	vst v63  }
0xa2: {  	_ =	swait.ge [sflag:s26], $0x4000  }
0xa3: {  	[sflag:s26] =	ssyncset.done $0x0  }
0xa4: {  	s8 =	simm.s32 $0x1400;
	[sflag:s26] =	ssyncadd.s32 $0xFFFFC000  }
0xa5: {  	[spmem:s3] =	stream.indirect.scatter.add.f32 [tilespmem:s24], [sflag:$0x3], $0x80, s8, s23, $0xb8;
	[tilespmem:$0x1E400] =	vst v63  }
0xa6: {  	_ =	swait.ge [sflag:s21], $0x4000  }
0xa7: {  	[sflag:s21] =	ssyncset.done $0x0  }
0xa8: {  	s10 =	simm.s32 $0x100;
	[sflag:s21] =	ssyncadd.s32 $0xFFFFC000  }
0xa9: {  	[tilespmem:s24], [sflag:$0x1] =	stream.indirect.gather [hbm4b:s1+s23], $0x80, s10, s23, $0xb8;
	[tilespmem:$0x1E400] =	vst v63  }
0xaa: {  	_ =	swait.ge [sflag:s28], $0x4000  }
0xab: {  	[sflag:s28] =	ssyncset.done $0x0  }
0xac: {  	s11 =	simm.s32 $0x1480;
	[sflag:s28] =	ssyncadd.s32 $0xFFFFC000  }
0xad: {  	[spmem:s3] =	stream.indirect.scatter.add.f32 [tilespmem:s25], [sflag:$0x3], $0x80, s11, s23, $0xb8;
	[tilespmem:$0x1E400] =	vst v63  }
0xae: {  	_ =	swait.ge [sflag:s21], $0x4000  }
0xaf: {  	s5 =	simm.s32 $0x100;
	s6 =	simm.s32 $0x800;
	[sflag:s21] =	ssyncset.done $0x0  }
.LBB2_6:
0xb0: {  	s8 =	sadd.s32 $0x80, s5  }
0xb1: {  	[sflag:s21] =	ssyncadd.s32 $0xFFFFC000;
	s10 =	smov.u32 s6;
	s11 =	sadd.s32 $0x400, s6  }
0xb2: {  	[tilespmem:s25], [sflag:$0x2] =	stream.indirect.gather [hbm4b:s1+s23], $0x80, s8, s23, $0xb8;
	[tilespmem:$0x1E400] =	vst v63  }
0xb3: {  	p4 =	sne.s32 s6, $0x4800;
	_ =	swait.ge [sflag:s26], $0x4000  }
0xb4: {  	[sflag:s26] =	ssyncset.done $0x0  }
0xb5: {  	s6 =	sadd.s32 $0x1400, s5;
	[sflag:s26] =	ssyncadd.s32 $0xFFFFC000  }
0xb6: {  	[spmem:s3] =	stream.indirect.scatter.add.f32 [tilespmem:s24], [sflag:$0x3], $0x80, s6, s23, $0xb8;
	[tilespmem:$0x1E400] =	vst v63  }
0xb7: {  	_ =	swait.ge [sflag:s21], $0x4000  }
0xb8: {  	[sflag:s21] =	ssyncset.done $0x0  }
0xb9: {  	s6 =	sadd.s32 $0x100, s5;
	[sflag:s21] =	ssyncadd.s32 $0xFFFFC000  }
0xba: {  	[tilespmem:s24], [sflag:$0x1] =	stream.indirect.gather [hbm4b:s1+s23], $0x80, s6, s23, $0xb8;
	[tilespmem:$0x1E400] =	vst v63  }
0xbb: {  	_ =	swait.ge [sflag:s28], $0x4000  }
.Ltmp2:
0xbc: {  	[sflag:s28] =	ssyncset.done $0x0;
	(pc) =	sbr.rel @p4 .LBB2_6-.Ltmp2, $4  }
0xbd: {  	s5 =	sadd.s32 $0x1480, s5;
	[sflag:s28] =	ssyncadd.s32 $0xFFFFC000  }
0xbe: {  	[spmem:s3] =	stream.indirect.scatter.add.f32 [tilespmem:s25], [sflag:$0x3], $0x80, s5, s23, $0xb8;
	[tilespmem:$0x1E400] =	vst v63  }
0xbf: {  	_ =	swait.ge [sflag:s21], $0x4000  }
0xc0: {  	s6 =	smov.u32 s11;
	s5 =	sshra.s32 s10, $0x2;
	[sflag:s21] =	ssyncset.done $0x0  }
0xc1: {  	s6 =	sadd.s32 $0x80, s5;
	[sflag:s21] =	ssyncadd.s32 $0xFFFFC000  }
0xc2: {  	[tilespmem:s25], [sflag:$0x2] =	stream.indirect.gather [hbm4b:s1+s23], $0x80, s6, s23, $0xb8;
	[tilespmem:$0x1E400] =	vst v63  }
0xc3: {  	_ =	swait.ge [sflag:s26], $0x4000  }
0xc4: {  	[sflag:s26] =	ssyncset.done $0x0  }
0xc5: {  	s8 =	sadd.s32 $0x1400, s5;
	[sflag:s26] =	ssyncadd.s32 $0xFFFFC000  }
0xc6: {  	[spmem:s3] =	stream.indirect.scatter.add.f32 [tilespmem:s24], [sflag:$0x3], $0x80, s8, s23, $0xb8;
	[tilespmem:$0x1E400] =	vst v63  }
0xc7: {  	_ =	swait.ge [sflag:s21], $0x4000  }
0xc8: {  	[sflag:s21] =	ssyncset.done $0x0  }
0xc9: {  	s10 =	sadd.s32 $0x100, s5;
	[sflag:s21] =	ssyncadd.s32 $0xFFFFC000  }
0xca: {  	[tilespmem:s24], [sflag:$0x1] =	stream.indirect.gather [hbm4b:s1+s23], $0x80, s10, s23, $0xb8;
	[tilespmem:$0x1E400] =	vst v63  }
0xcb: {  	_ =	swait.ge [sflag:s28], $0x4000  }
0xcc: {  	[sflag:s28] =	ssyncset.done $0x0  }
0xcd: {  	s11 =	sadd.s32 $0x1480, s5;
	[sflag:s28] =	ssyncadd.s32 $0xFFFFC000  }
0xce: {  	[spmem:s3] =	stream.indirect.scatter.add.f32 [tilespmem:s25], [sflag:$0x3], $0x80, s11, s23, $0xb8;
	[tilespmem:$0x1E400] =	vst v63  }
0xcf: {  	_ =	swait.ge [sflag:s21], $0x4000  }
0xd0: {  	[sflag:s21] =	ssyncset.done $0x0  }
0xd1: {  	[sflag:s21] =	ssyncadd.s32 $0xFFFFC000  }
0xd2: {  	[tilespmem:s25], [sflag:$0x2] =	stream.indirect.gather [hbm4b:s1+s23], $0x80, s29, s23, $0xb8;
	[tilespmem:$0x1E400] =	vst v63  }
0xd3: {  	_ =	swait.ge [sflag:s26], $0x4000  }
0xd4: {  	[sflag:s26] =	ssyncset.done $0x0  }
0xd5: {  	[sflag:s26] =	ssyncadd.s32 $0xFFFFC000  }
0xd6: {  	[spmem:s3] =	stream.indirect.scatter.add.f32 [tilespmem:s24], [sflag:$0x3], $0x80, s30, s23, $0xb8;
	[tilespmem:$0x1E400] =	vst v63  }
0xd7: {  	_ =	swait.ge [sflag:s21], $0x4000  }
0xd8: {  	[sflag:s21] =	ssyncset.done $0x0  }
0xd9: {  	[sflag:s21] =	ssyncadd.s32 $0xFFFFC000  }
0xda: {  	_ =	swait.ge [sflag:s28], $0x4000  }
0xdb: {  	[sflag:s28] =	ssyncset.done $0x0  }
0xdc: {  	[sflag:s28] =	ssyncadd.s32 $0xFFFFC000  }
0xdd: {  	[spmem:s3] =	stream.indirect.scatter.add.f32 [tilespmem:s25], [sflag:$0x3], $0x80, s31, s23, $0xb8;
	[tilespmem:$0x1E400] =	vst v63  }
0xde: {  	_ =	swait.ge [sflag:s21], $0x4000  }
0xdf: {  	[sflag:s21] =	ssyncset.done $0x0  }
0xe0: {  	[sflag:s21] =	ssyncadd.s32 $0xFFFFC000  }
0xe1: {  	s5 =	sshrl.u32 @p3 s9, $0x3;
	s6 =	simm.s32 @p3 $0x1FC3;
	[bflag:$0x0] =	sbarrier.arrive $0xFFFF  }
0xe2: {  	[hbm:s19], [sflag:s6] =	dma.local @p3 [spmem:s5], $0x2080  }
0xe3: {  	s5 =	simm.s32 @p3 $0x3  }
0xe4: {  	s0 =	sadd.s32 $0x1, s0;
	_ =	swait.ge @p3 [sflag:s5], $0x2080  }
0xe5: {  	p4 =	sne.s32 s0, s20;
	s6 =	sshll.u32 @!p3 s2, $0x6;
	[sflag:s5] =	ssyncset.done @p3 $0x0  }
0xe6: {  	[sflag:s5] =	ssyncadd.s32 @p3 $0xFFFFDF80;
	s5 =	sor.u32 @!p3 $0x1C03, s6;
	s6 =	sshrl.u32 @!p3 s7, $0x3  }
0xe7: {  	[hbm:s18], [sflag:s5] =	dma.local @!p3 [spmem:s6], $0x2780  }
.Ltmp3:
0xe8: {  	_ = 	snop;
	(pc) =	sbr.rel @p4 .LBB2_1-.Ltmp3, $4  }
0xe9: {  	s5 =	simm.s32 @!p3 $0x3  }
0xea: {  	_ =	swait.ge @!p3 [sflag:s5], $0x2780  }
0xeb: {  	[sflag:s5] =	ssyncset.done @!p3 $0x0  }
0xec: {  	[sflag:s5] =	ssyncadd.s32 @!p3 $0xFFFFD880  }
0xed: {  	_ =	sfence.sel $0x180000  }
0xee: {  	[bflag:$0x0] =	sbarrier.arrive $0xFFFF  }
0xef: {  	_ =	strace $0x90000047  }
0xf0: {  	[bflag:$0x2] =	sbarrier.arrive $0xFFFF  }
0xf1: {  	p0 =	sne.s32 s2, $0x0;
	s0 =	rddreg [dreg:$0x4]  }
0xf2: {  	s0 =	sadd.s32 @!p0 $0x100000, s0  }
0xf3: {  	[sflag:s0] =	ssyncadd.tile.s32 @!p0 $0x1;
	_ =	shalt  }
.Lfunc_end2:
_tile_overlayer_lowered:
.L_overlay_start_2:
0xf4: {  	(tag) =	ssettag $0x2  }
0xf5: {  	s0 =	rddreg [dreg:$0x0];
	s2 =	stileid.u32  }
0xf6: {  	s1 =	rddreg [dreg:$0x1];
	p0 =	sne.s32 s2, $0x0  }
0xf7: {  	s3 =	rddreg [dreg:$0x2];
	[bflag:$0x3] =	sbarrier.arrive $0xFFFF;
	s2 =	simm.s32 @!p0 $0x1C03  }
0xf8: {  	[timem:s3], [sflag:s2] =	dma.local @!p0 [hbm:s0], s1  }
0xf9: {  	s0 =	simm.s32 @!p0 $0x3  }
0xfa: {  	_ =	swait.ge @!p0 [sflag:s0], s1  }
0xfb: {  	s1 =	ssub.s32 @!p0 $0x0, s1;
	[sflag:s0] =	ssyncset.done @!p0 $0x0  }
0xfc: {  	[sflag:s0] =	ssyncadd.s32 @!p0 s1  }
0xfd: {  	[bflag:$0x3] =	sbarrier.arrive $0xFFFF  }
0xfe: {  	_ =	shalt  }

// kernel: kernel.14.cloned.1.call-start
scs
__scs_entry_jumppad:
0x0: {  	(pc) =	sbr.rel $0x88, $3  }
0x1: {  	(tag) =	ssettag $0x0;
	lr =	simm.s32 $0x1  }
0x2: {  	[smem:$0x3F70] =	sst lr;
	_ =	strace $0xD0000000  }
0x3: {  	_ = 	snop  }
0x4: {  	_ = 	snop  }
0x5: {  	_ = 	snop  }
0x6: {  	_ = 	snop  }
0x7: {  	_ = 	snop  }
__scs_overlays_trampoline_lowered:
0x8: {  	[smem:$0x3F7F] =	sst s0  }
0x9: {  	[smem:$0x3F80] =	sst s1  }
0xa: {  	[smem:$0x3F81] =	sst s2  }
0xb: {  	[smem:$0x3F82] =	sst s3  }
0xc: {  	[smem:$0x3F83] =	sst s4  }
0xd: {  	[smem:$0x3F84] =	sst s5  }
0xe: {  	[smem:$0x3F85] =	sst s6  }
0xf: {  	[smem:$0x3F86] =	sst s7  }
0x10: {  	[smem:$0x3F87] =	sst s8  }
0x11: {  	[smem:$0x3F88] =	sst s9;
	s0 =	simm.s32 @!p0 $0x0  }
0x12: {  	s1 =	sld [smem:$0x3F6E];
	s0 =	simm.s32 @p0 $0x1  }
0x13: {  	[smem:$0x3F89] =	sst s0;
	s0 =	simm.s32 @!p1 $0x0  }
0x14: {  	s2 =	sld [smem:$0x3F6D];
	s0 =	simm.s32 @p1 $0x1  }
0x15: {  	[smem:$0x3F8A] =	sst s0;
	s0 =	simm.s32 @!p2 $0x0  }
0x16: {  	s3 =	sld [smem:$0x3FDB];
	s0 =	simm.s32 @p2 $0x1  }
0x17: {  	s4 =	simm.s32 $0x1BF5;
	[smem:$0x3F8C] =	sst s0  }
0x18: {  	s0 =	sld [smem:$0x3F6F];
	_ =	swait.ge [sflag:s4], $0x0  }
0x19: {  	s7 =	sld [smem:$0x3F70]  }
0x1a: {  	s8 =	sadd.s32 $0xFFFFE003, lr  }
0x1b: {  	s9 =	sadd.s32 $0xFFFFFEF7, lr;
	s5 =	simm.s32 $0xFFFFFFFF;
	p2 =	slt.u32 s8, $0xFFFFF086  }
0x1c: {  	p1 =	slt.u32 s9, $0xF7A;
	s5 =	simm.s32 @!p2 $0x0  }
0x1d: {  	s5 =	simm.s32 @p1 $0x1;
	p0 =	seq.s32 s7, s2  }
0x1e: {  	s7 =	smul.u32 @!p0 $0xF7A, s2;
	p2 =	seq.s32 @!p0 s5, $0x0  }
0x1f: {  	s9 =	smul.u32 $0xF7A, s1;
	s8 =	simm.s32 @!p0 $0x1BF5;
	p2 =	por !p2, p0  }
0x20: {  	[sflag:s8] =	ssyncset.s32 @!p0 $0xFFFFF086;
	s6 =	sadd.s32 @!p0 s3, s7;
	s7 =	simm.s32 @!p0 $0x108  }
0x21: {  	s3 =	sadd.s32 s3, s9;
	s6 =	sadd.s32 @!p0 $0x88, s6;
	s7 =	simm.s32 @p2 $0x1082  }
0x22: {  	[simem:s7], [sflag:s8] =	dma.local @!p0 [hbm:s6], $0xF7A  }
0x23: {  	s9 =	sor.u32 $0xD0000000, s2;
	s6 =	simm.s32 $0x108;
	_ =	swait.ge @!p0 [sflag:s8], $0x0  }
0x24: {  	s3 =	sadd.s32 $0x88, s3;
	s6 =	simm.s32 @!p1 $0x1082;
	[sflag:s4] =	ssyncset.s32 $0xFFFFF086  }
0x25: {  	[simem:s6], [sflag:s4] =	dma.local [hbm:s3], $0xF7A  }
0x26: {  	[smem:$0x3F70] =	sst s1;
	(tag) =	ssettag s2;
	_ =	strace s9  }
0x27: {  	s1 =	sld [smem:$0x3F80]  }
0x28: {  	s2 =	sld [smem:$0x3F81]  }
0x29: {  	s4 =	sld [smem:$0x3F83]  }
0x2a: {  	p0 =	seq.s32 s5, $0x0;
	s5 =	sld [smem:$0x3F84]  }
0x2b: {  	s6 =	sld [smem:$0x3F85]  }
0x2c: {  	s7 =	sld [smem:$0x3F86]  }
0x2d: {  	s3 =	simm.s32 $0x108;
	s8 =	sld [smem:$0x3F87]  }
0x2e: {  	s3 =	simm.s32 @!p0 $0x1082;
	s9 =	sld [smem:$0x3F88]  }
0x2f: {  	lr =	sadd.s32 s0, s3;
	s0 =	sld [smem:$0x3F7F]  }
0x30: {  	s3 =	sld [smem:$0x3F82]  }
0x31: {  	[smem:$0x3F8B] =	sst s10  }
0x32: {  	s10 =	sld [smem:$0x3F89];
	_ =	sdelay $0x3  }
0x33: {  	p0 =	seq.s32 s10, $0x1;
	s10 =	sld [smem:$0x3F8B];
	_ =	sdelay $0x3  }
0x34: {  	[smem:$0x3F8B] =	sst s10  }
0x35: {  	s10 =	sld [smem:$0x3F8A];
	_ =	sdelay $0x3  }
0x36: {  	p1 =	seq.s32 s10, $0x1;
	s10 =	sld [smem:$0x3F8B];
	_ =	sdelay $0x3  }
0x37: {  	[smem:$0x3F8B] =	sst s10  }
0x38: {  	s10 =	sld [smem:$0x3F8C]  }
0x39: {  	_ = 	snop;
	(pc) =	sbr.ind lr, $3  }
0x3a: {  	_ = 	snop  }
0x3b: {  	_ = 	snop  }
0x3c: {  	p2 =	seq.s32 s10, $0x1;
	s10 =	sld [smem:$0x3F8B]  }
0x3d: {  	_ =	shalt  }
0x3e: {  	_ =	shalt  }
0x3f: {  	_ =	shalt  }
0x40: {  	_ =	shalt  }
0x41: {  	_ =	shalt  }
0x42: {  	_ =	shalt  }
0x43: {  	_ =	shalt  }
0x44: {  	_ =	shalt  }
0x45: {  	_ =	shalt  }
0x46: {  	_ =	shalt  }
0x47: {  	_ =	shalt  }
0x48: {  	_ =	shalt  }
0x49: {  	_ =	shalt  }
0x4a: {  	_ =	shalt  }
0x4b: {  	_ =	shalt  }
0x4c: {  	_ =	shalt  }
0x4d: {  	_ =	shalt  }
0x4e: {  	_ =	shalt  }
0x4f: {  	_ =	shalt  }
0x50: {  	_ =	shalt  }
0x51: {  	_ =	shalt  }
0x52: {  	_ =	shalt  }
0x53: {  	_ =	shalt  }
0x54: {  	_ =	shalt  }
0x55: {  	_ =	shalt  }
0x56: {  	_ =	shalt  }
0x57: {  	_ =	shalt  }
0x58: {  	_ =	shalt  }
0x59: {  	_ =	shalt  }
0x5a: {  	_ =	shalt  }
0x5b: {  	_ =	shalt  }
0x5c: {  	_ =	shalt  }
0x5d: {  	_ =	shalt  }
0x5e: {  	_ =	shalt  }
0x5f: {  	_ =	shalt  }
0x60: {  	_ =	shalt  }
0x61: {  	_ =	shalt  }
0x62: {  	_ =	shalt  }
0x63: {  	_ =	shalt  }
0x64: {  	_ =	shalt  }
0x65: {  	_ =	shalt  }
0x66: {  	_ =	shalt  }
0x67: {  	_ =	shalt  }
0x68: {  	_ =	shalt  }
0x69: {  	_ =	shalt  }
0x6a: {  	_ =	shalt  }
0x6b: {  	_ =	shalt  }
0x6c: {  	_ =	shalt  }
0x6d: {  	_ =	shalt  }
0x6e: {  	_ =	shalt  }
0x6f: {  	_ =	shalt  }
0x70: {  	_ =	shalt  }
0x71: {  	_ =	shalt  }
0x72: {  	_ =	shalt  }
0x73: {  	_ =	shalt  }
0x74: {  	_ =	shalt  }
0x75: {  	_ =	shalt  }
0x76: {  	_ =	shalt  }
0x77: {  	_ =	shalt  }
0x78: {  	_ =	shalt  }
0x79: {  	_ =	shalt  }
0x7a: {  	_ =	shalt  }
0x7b: {  	_ =	shalt  }
0x7c: {  	_ =	shalt  }
0x7d: {  	_ =	shalt  }
0x7e: {  	_ =	shalt  }
0x7f: {  	_ =	shalt  }
0x80: {  	_ =	shalt  }
0x81: {  	_ =	shalt  }
0x82: {  	_ =	shalt  }
0x83: {  	_ =	shalt  }
0x84: {  	_ =	shalt  }
0x85: {  	_ =	shalt  }
0x86: {  	_ =	shalt  }
0x87: {  	_ =	shalt  }
.Lfunc_end0:
.L_simem_size_0:
called_computation.1_lowered:
.L_overlay_start_0:
0x88: {  	s2 =	sld [smem:$0x3FD9]  }
0x89: {  	s3 =	sld [smem:$0x3FFE];
	_ =	sdelay $0x1  }
0x8a: {  	s1 =	srdreg.scid  }
0x8b: {  	s0 =	sand.u32 $0x1, s1  }
0x8c: {  	s14 =	sshll.u32 s0, $0xA;
	s2 =	sadd.s32 s3, s2  }
0x8d: {  	s2 =	sadd.s32 s2, s14  }
0x8e: {  	[smem:$0x3F97] =	sst s2  }
0x8f: {  	_ = 	snop  }
0x90: {  	s2 =	sld [smem:$0x3FD0];
	_ =	sdelay $0x2  }
0x91: {  	s15 =	simm.s32 $0xA;
	s4 =	simm.s32 $0x10  }
0x92: {  	[smem:s4], [sflag:s15] =	dma.local [hbm:s2], $0x1  }
0x93: {  	_ =	swait.eq [sflag:s15], $0x1  }
0x94: {  	[sflag:s15] =	ssyncset.done $0x0  }
0x95: {  	s16 =	sld [smem:$0x10];
	[sflag:s15] =	ssyncadd.s32 $0xFFFFFFFF  }
0x96: {  	s17 =	sld [smem:$0x11];
	(tm) =	ssettm $0x1  }
0x97: {  	s18 =	sld [smem:$0x3FFB];
	_ =	sdelay $0x3  }
0x98: {  	_ =	strace s18  }
0x99: {  	s4 =	sld [smem:$0x3FFC];
	_ =	sdelay $0x3  }
0x9a: {  	_ =	strace s4  }
0x9b: {  	s4 =	sld [smem:$0x3FFD];
	_ =	sdelay $0x3  }
0x9c: {  	_ =	strace s4  }
0x9d: {  	_ =	strace $0x8FFFFFFF  }
0x9e: {  	s19 =	sld [smem:$0x3FDB];
	_ =	sdelay $0x1  }
0x9f: {  	s5 =	simm.s32 $_scs_section_size  }
0xa0: {  	s6 =	simm.s32 $_size__tile_overlayer_lowered;
	s7 =	simm.s32 $_tile_overlayer_lowered  }
0xa1: {  	s22 =	simm.s32 $0x1BFF;
	s21 =	sshll.u32 s7, $0x1;
	s4 =	sadd.s32 s5, s19  }
0xa2: {  	s8 =	simm.s32 $0x0;
	s20 =	sshll.u32 s6, $0x1;
	s6 =	sadd.s32 s21, s4  }
0xa3: {  	[timem:s8], [sflag:s22] =	dma.local [hbm:s6], s20  }
0xa4: {  	_ =	swait.ge [sflag:s22], s20  }
0xa5: {  	s5 =	ssub.s32 $0x0, s20;
	[sflag:s22] =	ssyncset.done $0x0  }
0xa6: {  	[sflag:s22] =	ssyncadd.s32 s5;
	_ =	sdelay $0x1  }
0xa7: {  	s23 =	simm.s32 $0x1B8B  }
0xa8: {  	_ =	swait.ge [sflag:s23], $0x1  }
0xa9: {  	[sflag:s23] =	ssyncset.done $0x0  }
0xaa: {  	s25 =	simm.s32 $0x1B8E;
	s24 =	sld [smem:$0x3FFE];
	[sflag:s23] =	ssyncadd.s32 $0xFFFFFFFF  }
0xab: {  	s26 =	simm.s32 $execute0_lowered;
	[smem:$0x3FD2] =	sst s25  }
0xac: {  	s6 =	sshll.u32 s26, $0x1;
	_ =	strace $0x80000049;
	[dreg:$0x1] =	wrdreg $0xFFFFFFFF  }
0xad: {  	s28 =	simm.s32 $_size_execute0_lowered;
	s4 =	sadd.s32 s4, s6;
	[dreg:$0x0] =	wrdreg $0x0  }
0xae: {  	s6 =	sshll.u32 s28, $0x1;
	[dreg:$0x2] =	wrdreg s4  }
0xaf: {  	[dreg:$0x3] =	wrdreg s6  }
0xb0: {  	[dreg:$0x4] =	wrdreg $0xC0  }
0xb1: {  	_ =	task [dreg:s8], $0x5FFFF  }
0xb2: {  	[dreg:$0x1] =	wrdreg $0xFFFFFFFF  }
0xb3: {  	[dreg:$0x0] =	wrdreg $0x60  }
0xb4: {  	[dreg:$0x2] =	wrdreg s17  }
0xb5: {  	[dreg:$0x3] =	wrdreg s16  }
0xb6: {  	[dreg:$0x4] =	wrdreg s24  }
0xb7: {  	[dreg:$0x5] =	wrdreg $0xA8000  }
0xb8: {  	[dreg:$0x6] =	wrdreg $0x9  }
0xb9: {  	_ =	task.clear_ibuf [dreg:s8], $0x7FFFF;
	_ =	strace $0x90000049  }
0xba: {  	s29 =	simm.s32 $0x9;
	_ =	strace $0x8000004B  }
0xbb: {  	_ =	swait.ge [sflag:s29], $0x1  }
0xbc: {  	[sflag:s29] =	ssyncadd.s32 $0xFFFFFFFF  }
0xbd: {  	_ =	strace $0x9000004B  }
0xbe: {  	_ =	sfence  }
0xbf: {  	s30 =	sld [smem:$0x0];
	_ =	sdelay $0x2  }
0xc0: {  	s31 =	sshll.u32 s1, $0xD;
	s1 =	sshrl.u32 s1, $0x2  }
0xc1: {  	s3 =	sand.u32 $0x4000, s31;
	s1 =	sadd.s32 s1, s30  }
0xc2: {  	s0 =	sor.u32 s3, s0;
	s1 =	sshll.u32 s1, $0x11  }
0xc3: {  	s0 =	sor.u32 s1, s0  }
0xc4: {  	s0 =	sadd.s32 $0x8F2B, s0  }
0xc5: {  	[sflag:s0] =	ssyncadd.remote.s32 $0x1  }
0xc6: {  	_ =	sfence.sel $0xFFFF  }
0xc7: {  	[dreg:$0x0] =	wrdreg $0xFFFFFFFF;
	(pc) =	sbr.abs _section_cstart, $3  }
0xc8: {  	[dreg:$0x1] =	wrdreg $0xFFFFFFFF  }
0xc9: {  	_ =	task.clear_ibuf [dreg:s8], $0x2FFFF;
	_ =	strace $0x9FFFFFFF  }
0xca: {  	(tm) =	ssettm $0x7FFFFFFF  }
0xcb: {  	_ =	shalt  }
tec
execute0_lowered:
.L_overlay_start_1:
0x0: {  	(tag) =	ssettag $0x1  }
0x1: {  	s1 =	rddreg [dreg:$0x0]  }
0x2: {  	s0 =	rddreg [dreg:$0x1]  }
0x3: {  	s5 =	rddreg [dreg:$0x2]  }
0x4: {  	s3 =	rddreg [dreg:$0x3]  }
0x5: {  	s6 =	srdreg.scid;
	s2 =	stileid.u32  }
0x6: {  	s4 =	simm.s32 $0x0;
	s28 =	simm.s32 $0x2;
	s29 =	simm.s32 $0x1380  }
0x7: {  	s30 =	simm.s32 $0x2700;
	s31 =	simm.s32 $0x2780;
	s6 =	sand.u32 $0x1, s6  }
0x8: {  	s7 =	sshll.u32 s2, $0x1;
	[smem:$0x7FF] =	sst s4;
	s19 =	smul.u32 $0x4F000, s2  }
0x9: {  	s17 =	sadd.s32 $0x7C00, s5;
	s5 =	sadd.s32 $0x11C00, s5;
	s22 =	smul.u32 $0x2780, s2  }
0xa: {  	s24 =	sadd.s32 $0x25080, s1;
	s25 =	sadd.s32 $0x138800, s3;
	s18 =	smul.u32 $0x13C00, s2  }
0xb: {  	p3 =	seq.s32 s2, $0xF;
	s7 =	sor.u32 s6, s7;
	_ =	strace $0x8000004A  }
0xc: {  	s8 =	ssub.s32 $0x2, s6;
	p0 =	seq.s32 s6, $0x1;
	[dreg:$0x8] =	wrdreg s24  }
0xd: {  	[dreg:$0x9] =	wrdreg s25;
	s6 =	smul.u32 $0x13C000, s6;
	s24 =	simm.s32 $0x2800  }
0xe: {  	s25 =	simm.s32 $0x6800;
	s7 =	smul.u32 $0x2800, s7;
	s9 =	sshrl.u32 s8, $0x1  }
0xf: {  	p2 =	seq.s32 @!p0 s2, $0xF;
	s20 =	ssub.s32 s8, s9;
	s8 =	sadd.s32 s1, s22  }
0x10: {  	s9 =	sadd.s32 $0x128400, s3;
	s26 =	sadd.s32 s18, s6;
	s6 =	sshrl.u32 s6, $0x3  }
0x11: {  	s22 =	simm.s32 $0x1400;
	p1 =	por !p2, p0;
	p2 =	por p2, p0  }
0x12: {  	s16 =	sshrl.u32 s7, $0x3;
	s7 =	sshrl.u32 s19, $0x2;
	[dreg:$0x7] =	wrdreg s8  }
0x13: {  	s6 =	sadd.s32 s5, s6;
	s20 =	smax.u32 s20, $0x1;
	s21 =	sadd.s32 s0, s16  }
0x14: {  	s23 =	sadd.s32 s17, s16;
	s7 =	sadd.s32 s7, s3;
	[dreg:$0x5] =	wrdreg s21  }
0x15: {  	s19 =	sadd.s32 $0x280, s16;
	[dreg:$0x6] =	wrdreg s23;
	s12 =	sadd.s32 $0x4000, s7  }
0x16: {  	s13 =	sadd.s32 $0x8000, s7;
	s14 =	sadd.s32 $0xC000, s7;
	s15 =	sadd.s32 $0x10000, s7  }
0x17: {  	s16 =	sadd.s32 s0, s19;
	s17 =	sadd.s32 s17, s19;
	s0 =	sshrl.u32 s26, $0x3  }
0x18: {  	s19 =	sadd.s32 $0x25080, s6;
	s21 =	simm.s32 $0x3;
	s23 =	simm.s32 $0x80  }
0x19: {  	v0 =	vimm.f32 $0.0e+00;
	s26 =	simm.s32 $0x1;
	s18 =	sadd.s32 s5, s0;
	s0 =	simm.s32 $0x0  }
.LBB2_1:
0x1a: {  	s5 =	rddreg [dreg:$0x5]  }
0x1b: {  	[tilespmem:s4], [sflag:$0x3] =	stream.linear.gather [hbm4b:s5+s4], $0x1400, $0x38;
	[tilespmem:$0x1E400] =	vst v63  }
0x1c: {  	_ =	swait.ge [sflag:s21], $0x1400  }
0x1d: {  	[sflag:s21] =	ssyncset.done $0x0  }
0x1e: {  	s11 =	rddreg [dreg:$0x6];
	[sflag:s21] =	ssyncadd.s32 $0xFFFFEC00  }
0x1f: {  	[tilespmem:s22], [sflag:$0x3] =	stream.linear.gather [hbm4b:s11+s4], $0x1400, $0x38;
	[tilespmem:$0x1E400] =	vst v63  }
0x20: {  	_ =	swait.ge [sflag:s21], $0x1400  }
0x21: {  	[sflag:s21] =	ssyncset.done $0x0  }
0x22: {  	s6 =	simm.s32 $0x200;
	s5 =	simm.s32 $0x0;
	[sflag:s21] =	ssyncadd.s32 $0xFFFFEC00  }
0x23: {  	[tilespmem:s24], [sflag:$0x1] =	stream.indirect.gather [hbm4b:s1+s23], $0x80, s4, s23, $0xb8;
	[tilespmem:$0x1E400] =	vst v63  }
.LBB2_2:
0x24: {  	p4 =	sne.s32 s6, $0xFE00;
	[tilespmem:s5+$0x6870] =	vst v0  }
0x25: {  	[tilespmem:s5+$0x6800] =	vst v0  }
0x26: {  	[tilespmem:s5+$0x6810] =	vst v0  }
.Ltmp0:
0x27: {  	[tilespmem:s5+$0x6820] =	vst v0;
	(pc) =	sbr.rel @p4 .LBB2_2-.Ltmp0, $4  }
0x28: {  	[tilespmem:s5+$0x6830] =	vst v0  }
0x29: {  	[tilespmem:s5+$0x6840] =	vst v0  }
0x2a: {  	[tilespmem:s5+$0x6850] =	vst v0  }
0x2b: {  	[tilespmem:s5+$0x6860] =	vst v0;
	s5 =	sshra.s32 s6, $0x2;
	s6 =	sadd.s32 $0x200, s6  }
0x2c: {  	[tilespmem:s5+$0x6870] =	vst v0  }
0x2d: {  	[tilespmem:s5+$0x6800] =	vst v0  }
0x2e: {  	[tilespmem:s5+$0x6810] =	vst v0  }
0x2f: {  	[tilespmem:s5+$0x6820] =	vst v0  }
0x30: {  	[tilespmem:s5+$0x6830] =	vst v0  }
0x31: {  	[tilespmem:s5+$0x6840] =	vst v0  }
0x32: {  	[tilespmem:s5+$0x6850] =	vst v0  }
0x33: {  	[tilespmem:s5+$0x6860] =	vst v0;
	s5 =	simm.s32 @p0 $0x6800;
	s6 =	simm.s32 @p0 $0x3  }
0x34: {  	[spmem:s7] =	stream.linear.scatter @p0 [tilespmem:s5], [sflag:$0x3], $0x4000, $0x38;
	[tilespmem:$0x1E400] =	vst v63  }
0x35: {  	_ =	swait.ge @p0 [sflag:s6], $0x4000  }
0x36: {  	[sflag:s6] =	ssyncset.done @p0 $0x0  }
0x37: {  	[sflag:s6] =	ssyncadd.s32 @p0 $0xFFFFC000  }
0x38: {  	[spmem:s12] =	stream.linear.scatter @p0 [tilespmem:s5], [sflag:$0x3], $0x4000, $0x38;
	[tilespmem:$0x1E400] =	vst v63  }
0x39: {  	_ =	swait.ge @p0 [sflag:s6], $0x4000  }
0x3a: {  	[sflag:s6] =	ssyncset.done @p0 $0x0  }
0x3b: {  	[sflag:s6] =	ssyncadd.s32 @p0 $0xFFFFC000  }
0x3c: {  	[spmem:s13] =	stream.linear.scatter @p0 [tilespmem:s5], [sflag:$0x3], $0x4000, $0x38;
	[tilespmem:$0x1E400] =	vst v63  }
0x3d: {  	_ =	swait.ge @p0 [sflag:s6], $0x4000  }
0x3e: {  	[sflag:s6] =	ssyncset.done @p0 $0x0  }
0x3f: {  	[sflag:s6] =	ssyncadd.s32 @p0 $0xFFFFC000  }
0x40: {  	[spmem:s14] =	stream.linear.scatter @p0 [tilespmem:s5], [sflag:$0x3], $0x4000, $0x38;
	[tilespmem:$0x1E400] =	vst v63  }
0x41: {  	_ =	swait.ge @p0 [sflag:s6], $0x4000  }
0x42: {  	[sflag:s6] =	ssyncset.done @p0 $0x0  }
0x43: {  	[sflag:s6] =	ssyncadd.s32 @p0 $0xFFFFC000  }
0x44: {  	[spmem:s15] =	stream.linear.scatter @p0 [tilespmem:s5], [sflag:$0x3], $0x3C00, $0x38;
	[tilespmem:$0x1E400] =	vst v63  }
0x45: {  	_ =	swait.ge @p0 [sflag:s6], $0x3C00  }
0x46: {  	s5 =	sshrl.u32 @!p1 s9, $0x3;
	[sflag:s6] =	ssyncset.done @p0 $0x0  }
0x47: {  	s8 =	rddreg [dreg:$0x8];
	[sflag:s6] =	ssyncadd.s32 @p0 $0xFFFFC400;
	s6 =	simm.s32 @!p1 $0x1FC3  }
0x48: {  	[spmem:s5], [sflag:s6] =	dma.local @!p1 [hbm:s8], $0x2080  }
0x49: {  	s5 =	simm.s32 @!p1 $0x3  }
0x4a: {  	_ =	swait.ge @!p1 [sflag:s5], $0x2080  }
0x4b: {  	[sflag:s5] =	ssyncset.done @!p1 $0x0  }
0x4c: {  	s6 =	simm.s32 @!p1 $0x6800;
	s8 =	rddreg [dreg:$0x9];
	[sflag:s5] =	ssyncadd.s32 @!p1 $0xFFFFDF80  }
0x4d: {  	[spmem:s8] =	stream.linear.scatter @!p1 [tilespmem:s6], [sflag:$0x3], $0x3800, $0x38;
	[tilespmem:$0x1E400] =	vst v63  }
0x4e: {  	_ =	swait.ge @!p1 [sflag:s5], $0x3800  }
0x4f: {  	s6 =	sshll.u32 @!p2 s2, $0x6;
	[sflag:s5] =	ssyncset.done @!p1 $0x0;
	s8 =	rddreg [dreg:$0x7]  }
0x50: {  	[sflag:s5] =	ssyncadd.s32 @!p1 $0xFFFFC800;
	s5 =	sor.u32 @!p2 $0x1C03, s6;
	s6 =	sshrl.u32 @!p2 s7, $0x3  }
0x51: {  	[spmem:s6], [sflag:s5] =	dma.local @!p2 [hbm:s8], $0x2780  }
0x52: {  	s5 =	simm.s32 @!p2 $0x3  }
0x53: {  	_ =	swait.ge @!p2 [sflag:s5], $0x2780  }
0x54: {  	[sflag:s5] =	ssyncset.done @!p2 $0x0  }
0x55: {  	[sflag:s5] =	ssyncadd.s32 @!p2 $0xFFFFD880  }
0x56: {  	s6 =	simm.s32 $0x80;
	[bflag:$0x0] =	sbarrier.arrive $0xFFFF  }
0x57: {  	[tilespmem:s25], [sflag:$0x2] =	stream.indirect.gather [hbm4b:s1+s23], $0x80, s6, s23, $0xb8;
	[tilespmem:$0x1E400] =	vst v63  }
0x58: {  	_ =	swait.ge [sflag:s26], $0x4000  }
0x59: {  	[sflag:s26] =	ssyncset.done $0x0  }
0x5a: {  	s8 =	simm.s32 $0x1400;
	[sflag:s26] =	ssyncadd.s32 $0xFFFFC000  }
0x5b: {  	[spmem:s3] =	stream.indirect.scatter.add.f32 [tilespmem:s24], [sflag:$0x3], $0x80, s8, s23, $0xb8;
	[tilespmem:$0x1E400] =	vst v63  }
0x5c: {  	_ =	swait.ge [sflag:s21], $0x4000  }
0x5d: {  	[sflag:s21] =	ssyncset.done $0x0  }
0x5e: {  	s10 =	simm.s32 $0x100;
	[sflag:s21] =	ssyncadd.s32 $0xFFFFC000  }
0x5f: {  	[tilespmem:s24], [sflag:$0x1] =	stream.indirect.gather [hbm4b:s1+s23], $0x80, s10, s23, $0xb8;
	[tilespmem:$0x1E400] =	vst v63  }
0x60: {  	_ =	swait.ge [sflag:s28], $0x4000  }
0x61: {  	[sflag:s28] =	ssyncset.done $0x0  }
0x62: {  	s11 =	simm.s32 $0x1480;
	[sflag:s28] =	ssyncadd.s32 $0xFFFFC000  }
0x63: {  	[spmem:s3] =	stream.indirect.scatter.add.f32 [tilespmem:s25], [sflag:$0x3], $0x80, s11, s23, $0xb8;
	[tilespmem:$0x1E400] =	vst v63  }
0x64: {  	_ =	swait.ge [sflag:s21], $0x4000  }
0x65: {  	s5 =	simm.s32 $0x100;
	s6 =	simm.s32 $0x800;
	[sflag:s21] =	ssyncset.done $0x0  }
.LBB2_4:
0x66: {  	s8 =	sadd.s32 $0x80, s5  }
0x67: {  	[sflag:s21] =	ssyncadd.s32 $0xFFFFC000;
	s10 =	smov.u32 s6;
	s11 =	sadd.s32 $0x400, s6  }
0x68: {  	[tilespmem:s25], [sflag:$0x2] =	stream.indirect.gather [hbm4b:s1+s23], $0x80, s8, s23, $0xb8;
	[tilespmem:$0x1E400] =	vst v63  }
0x69: {  	p4 =	sne.s32 s6, $0x4800;
	_ =	swait.ge [sflag:s26], $0x4000  }
0x6a: {  	[sflag:s26] =	ssyncset.done $0x0  }
0x6b: {  	s6 =	sadd.s32 $0x1400, s5;
	[sflag:s26] =	ssyncadd.s32 $0xFFFFC000  }
0x6c: {  	[spmem:s3] =	stream.indirect.scatter.add.f32 [tilespmem:s24], [sflag:$0x3], $0x80, s6, s23, $0xb8;
	[tilespmem:$0x1E400] =	vst v63  }
0x6d: {  	_ =	swait.ge [sflag:s21], $0x4000  }
0x6e: {  	[sflag:s21] =	ssyncset.done $0x0  }
0x6f: {  	s6 =	sadd.s32 $0x100, s5;
	[sflag:s21] =	ssyncadd.s32 $0xFFFFC000  }
0x70: {  	[tilespmem:s24], [sflag:$0x1] =	stream.indirect.gather [hbm4b:s1+s23], $0x80, s6, s23, $0xb8;
	[tilespmem:$0x1E400] =	vst v63  }
0x71: {  	_ =	swait.ge [sflag:s28], $0x4000  }
.Ltmp1:
0x72: {  	[sflag:s28] =	ssyncset.done $0x0;
	(pc) =	sbr.rel @p4 .LBB2_4-.Ltmp1, $4  }
0x73: {  	s5 =	sadd.s32 $0x1480, s5;
	[sflag:s28] =	ssyncadd.s32 $0xFFFFC000  }
0x74: {  	[spmem:s3] =	stream.indirect.scatter.add.f32 [tilespmem:s25], [sflag:$0x3], $0x80, s5, s23, $0xb8;
	[tilespmem:$0x1E400] =	vst v63  }
0x75: {  	_ =	swait.ge [sflag:s21], $0x4000  }
0x76: {  	s6 =	smov.u32 s11;
	s5 =	sshra.s32 s10, $0x2;
	[sflag:s21] =	ssyncset.done $0x0  }
0x77: {  	s6 =	sadd.s32 $0x80, s5;
	[sflag:s21] =	ssyncadd.s32 $0xFFFFC000  }
0x78: {  	[tilespmem:s25], [sflag:$0x2] =	stream.indirect.gather [hbm4b:s1+s23], $0x80, s6, s23, $0xb8;
	[tilespmem:$0x1E400] =	vst v63  }
0x79: {  	_ =	swait.ge [sflag:s26], $0x4000  }
0x7a: {  	[sflag:s26] =	ssyncset.done $0x0  }
0x7b: {  	s11 =	sadd.s32 $0x1400, s5;
	[sflag:s26] =	ssyncadd.s32 $0xFFFFC000  }
0x7c: {  	[spmem:s3] =	stream.indirect.scatter.add.f32 [tilespmem:s24], [sflag:$0x3], $0x80, s11, s23, $0xb8;
	[tilespmem:$0x1E400] =	vst v63  }
0x7d: {  	_ =	swait.ge [sflag:s21], $0x4000  }
0x7e: {  	[sflag:s21] =	ssyncset.done $0x0  }
0x7f: {  	s8 =	sadd.s32 $0x100, s5;
	[sflag:s21] =	ssyncadd.s32 $0xFFFFC000  }
0x80: {  	[tilespmem:s24], [sflag:$0x1] =	stream.indirect.gather [hbm4b:s1+s23], $0x80, s8, s23, $0xb8;
	[tilespmem:$0x1E400] =	vst v63  }
0x81: {  	_ =	swait.ge [sflag:s28], $0x4000  }
0x82: {  	[sflag:s28] =	ssyncset.done $0x0  }
0x83: {  	s10 =	sadd.s32 $0x1480, s5;
	[sflag:s28] =	ssyncadd.s32 $0xFFFFC000  }
0x84: {  	[spmem:s3] =	stream.indirect.scatter.add.f32 [tilespmem:s25], [sflag:$0x3], $0x80, s10, s23, $0xb8;
	[tilespmem:$0x1E400] =	vst v63  }
0x85: {  	_ =	swait.ge [sflag:s21], $0x4000  }
0x86: {  	[sflag:s21] =	ssyncset.done $0x0  }
0x87: {  	[sflag:s21] =	ssyncadd.s32 $0xFFFFC000  }
0x88: {  	[tilespmem:s25], [sflag:$0x2] =	stream.indirect.gather [hbm4b:s1+s23], $0x80, s29, s23, $0xb8;
	[tilespmem:$0x1E400] =	vst v63  }
0x89: {  	_ =	swait.ge [sflag:s26], $0x4000  }
0x8a: {  	[sflag:s26] =	ssyncset.done $0x0  }
0x8b: {  	[sflag:s26] =	ssyncadd.s32 $0xFFFFC000  }
0x8c: {  	[spmem:s3] =	stream.indirect.scatter.add.f32 [tilespmem:s24], [sflag:$0x3], $0x80, s30, s23, $0xb8;
	[tilespmem:$0x1E400] =	vst v63  }
0x8d: {  	_ =	swait.ge [sflag:s21], $0x4000  }
0x8e: {  	[sflag:s21] =	ssyncset.done $0x0  }
0x8f: {  	[sflag:s21] =	ssyncadd.s32 $0xFFFFC000  }
0x90: {  	_ =	swait.ge [sflag:s28], $0x4000  }
0x91: {  	[sflag:s28] =	ssyncset.done $0x0  }
0x92: {  	[sflag:s28] =	ssyncadd.s32 $0xFFFFC000  }
0x93: {  	[spmem:s3] =	stream.indirect.scatter.add.f32 [tilespmem:s25], [sflag:$0x3], $0x80, s31, s23, $0xb8;
	[tilespmem:$0x1E400] =	vst v63  }
0x94: {  	_ =	swait.ge [sflag:s21], $0x4000  }
0x95: {  	[sflag:s21] =	ssyncset.done $0x0  }
0x96: {  	s11 =	simm.s32 $0x0;
	[sflag:s21] =	ssyncadd.s32 $0xFFFFC000  }
0x97: {  	[tilespmem:s11], [sflag:$0x3] =	stream.linear.gather [hbm4b:s16+s11], $0x1400, $0x38;
	[tilespmem:$0x1E400] =	vst v63  }
0x98: {  	_ =	swait.ge [sflag:s21], $0x1400  }
0x99: {  	[sflag:s21] =	ssyncset.done $0x0  }
0x9a: {  	[sflag:s21] =	ssyncadd.s32 $0xFFFFEC00  }
0x9b: {  	[tilespmem:s22], [sflag:$0x3] =	stream.linear.gather [hbm4b:s17+s11], $0x1400, $0x38;
	[tilespmem:$0x1E400] =	vst v63  }
0x9c: {  	_ =	swait.ge [sflag:s21], $0x1400  }
0x9d: {  	[sflag:s21] =	ssyncset.done $0x0  }
0x9e: {  	[sflag:s21] =	ssyncadd.s32 $0xFFFFEC00  }
0x9f: {  	[tilespmem:s24], [sflag:$0x1] =	stream.indirect.gather [hbm4b:s1+s23], $0x80, s11, s23, $0xb8;
	[tilespmem:$0x1E400] =	vst v63  }
0xa0: {  	s6 =	simm.s32 $0x80  }
0xa1: {  	[tilespmem:s25], [sflag:$0x2] =	stream.indirect.gather [hbm4b:s1+s23], $0x80, s6, s23, $0xb8;
	[tilespmem:$0x1E400] =	vst v63  }
0xa2: {  	_ =	swait.ge [sflag:s26], $0x4000  }
0xa3: {  	[sflag:s26] =	ssyncset.done $0x0  }
0xa4: {  	s8 =	simm.s32 $0x1400;
	[sflag:s26] =	ssyncadd.s32 $0xFFFFC000  }
0xa5: {  	[spmem:s3] =	stream.indirect.scatter.add.f32 [tilespmem:s24], [sflag:$0x3], $0x80, s8, s23, $0xb8;
	[tilespmem:$0x1E400] =	vst v63  }
0xa6: {  	_ =	swait.ge [sflag:s21], $0x4000  }
0xa7: {  	[sflag:s21] =	ssyncset.done $0x0  }
0xa8: {  	s10 =	simm.s32 $0x100;
	[sflag:s21] =	ssyncadd.s32 $0xFFFFC000  }
0xa9: {  	[tilespmem:s24], [sflag:$0x1] =	stream.indirect.gather [hbm4b:s1+s23], $0x80, s10, s23, $0xb8;
	[tilespmem:$0x1E400] =	vst v63  }
0xaa: {  	_ =	swait.ge [sflag:s28], $0x4000  }
0xab: {  	[sflag:s28] =	ssyncset.done $0x0  }
0xac: {  	s11 =	simm.s32 $0x1480;
	[sflag:s28] =	ssyncadd.s32 $0xFFFFC000  }
0xad: {  	[spmem:s3] =	stream.indirect.scatter.add.f32 [tilespmem:s25], [sflag:$0x3], $0x80, s11, s23, $0xb8;
	[tilespmem:$0x1E400] =	vst v63  }
0xae: {  	_ =	swait.ge [sflag:s21], $0x4000  }
0xaf: {  	s5 =	simm.s32 $0x100;
	s6 =	simm.s32 $0x800;
	[sflag:s21] =	ssyncset.done $0x0  }
.LBB2_6:
0xb0: {  	s8 =	sadd.s32 $0x80, s5  }
0xb1: {  	[sflag:s21] =	ssyncadd.s32 $0xFFFFC000;
	s10 =	smov.u32 s6;
	s11 =	sadd.s32 $0x400, s6  }
0xb2: {  	[tilespmem:s25], [sflag:$0x2] =	stream.indirect.gather [hbm4b:s1+s23], $0x80, s8, s23, $0xb8;
	[tilespmem:$0x1E400] =	vst v63  }
0xb3: {  	p4 =	sne.s32 s6, $0x4800;
	_ =	swait.ge [sflag:s26], $0x4000  }
0xb4: {  	[sflag:s26] =	ssyncset.done $0x0  }
0xb5: {  	s6 =	sadd.s32 $0x1400, s5;
	[sflag:s26] =	ssyncadd.s32 $0xFFFFC000  }
0xb6: {  	[spmem:s3] =	stream.indirect.scatter.add.f32 [tilespmem:s24], [sflag:$0x3], $0x80, s6, s23, $0xb8;
	[tilespmem:$0x1E400] =	vst v63  }
0xb7: {  	_ =	swait.ge [sflag:s21], $0x4000  }
0xb8: {  	[sflag:s21] =	ssyncset.done $0x0  }
0xb9: {  	s6 =	sadd.s32 $0x100, s5;
	[sflag:s21] =	ssyncadd.s32 $0xFFFFC000  }
0xba: {  	[tilespmem:s24], [sflag:$0x1] =	stream.indirect.gather [hbm4b:s1+s23], $0x80, s6, s23, $0xb8;
	[tilespmem:$0x1E400] =	vst v63  }
0xbb: {  	_ =	swait.ge [sflag:s28], $0x4000  }
.Ltmp2:
0xbc: {  	[sflag:s28] =	ssyncset.done $0x0;
	(pc) =	sbr.rel @p4 .LBB2_6-.Ltmp2, $4  }
0xbd: {  	s5 =	sadd.s32 $0x1480, s5;
	[sflag:s28] =	ssyncadd.s32 $0xFFFFC000  }
0xbe: {  	[spmem:s3] =	stream.indirect.scatter.add.f32 [tilespmem:s25], [sflag:$0x3], $0x80, s5, s23, $0xb8;
	[tilespmem:$0x1E400] =	vst v63  }
0xbf: {  	_ =	swait.ge [sflag:s21], $0x4000  }
0xc0: {  	s6 =	smov.u32 s11;
	s5 =	sshra.s32 s10, $0x2;
	[sflag:s21] =	ssyncset.done $0x0  }
0xc1: {  	s6 =	sadd.s32 $0x80, s5;
	[sflag:s21] =	ssyncadd.s32 $0xFFFFC000  }
0xc2: {  	[tilespmem:s25], [sflag:$0x2] =	stream.indirect.gather [hbm4b:s1+s23], $0x80, s6, s23, $0xb8;
	[tilespmem:$0x1E400] =	vst v63  }
0xc3: {  	_ =	swait.ge [sflag:s26], $0x4000  }
0xc4: {  	[sflag:s26] =	ssyncset.done $0x0  }
0xc5: {  	s8 =	sadd.s32 $0x1400, s5;
	[sflag:s26] =	ssyncadd.s32 $0xFFFFC000  }
0xc6: {  	[spmem:s3] =	stream.indirect.scatter.add.f32 [tilespmem:s24], [sflag:$0x3], $0x80, s8, s23, $0xb8;
	[tilespmem:$0x1E400] =	vst v63  }
0xc7: {  	_ =	swait.ge [sflag:s21], $0x4000  }
0xc8: {  	[sflag:s21] =	ssyncset.done $0x0  }
0xc9: {  	s10 =	sadd.s32 $0x100, s5;
	[sflag:s21] =	ssyncadd.s32 $0xFFFFC000  }
0xca: {  	[tilespmem:s24], [sflag:$0x1] =	stream.indirect.gather [hbm4b:s1+s23], $0x80, s10, s23, $0xb8;
	[tilespmem:$0x1E400] =	vst v63  }
0xcb: {  	_ =	swait.ge [sflag:s28], $0x4000  }
0xcc: {  	[sflag:s28] =	ssyncset.done $0x0  }
0xcd: {  	s11 =	sadd.s32 $0x1480, s5;
	[sflag:s28] =	ssyncadd.s32 $0xFFFFC000  }
0xce: {  	[spmem:s3] =	stream.indirect.scatter.add.f32 [tilespmem:s25], [sflag:$0x3], $0x80, s11, s23, $0xb8;
	[tilespmem:$0x1E400] =	vst v63  }
0xcf: {  	_ =	swait.ge [sflag:s21], $0x4000  }
0xd0: {  	[sflag:s21] =	ssyncset.done $0x0  }
0xd1: {  	[sflag:s21] =	ssyncadd.s32 $0xFFFFC000  }
0xd2: {  	[tilespmem:s25], [sflag:$0x2] =	stream.indirect.gather [hbm4b:s1+s23], $0x80, s29, s23, $0xb8;
	[tilespmem:$0x1E400] =	vst v63  }
0xd3: {  	_ =	swait.ge [sflag:s26], $0x4000  }
0xd4: {  	[sflag:s26] =	ssyncset.done $0x0  }
0xd5: {  	[sflag:s26] =	ssyncadd.s32 $0xFFFFC000  }
0xd6: {  	[spmem:s3] =	stream.indirect.scatter.add.f32 [tilespmem:s24], [sflag:$0x3], $0x80, s30, s23, $0xb8;
	[tilespmem:$0x1E400] =	vst v63  }
0xd7: {  	_ =	swait.ge [sflag:s21], $0x4000  }
0xd8: {  	[sflag:s21] =	ssyncset.done $0x0  }
0xd9: {  	[sflag:s21] =	ssyncadd.s32 $0xFFFFC000  }
0xda: {  	_ =	swait.ge [sflag:s28], $0x4000  }
0xdb: {  	[sflag:s28] =	ssyncset.done $0x0  }
0xdc: {  	[sflag:s28] =	ssyncadd.s32 $0xFFFFC000  }
0xdd: {  	[spmem:s3] =	stream.indirect.scatter.add.f32 [tilespmem:s25], [sflag:$0x3], $0x80, s31, s23, $0xb8;
	[tilespmem:$0x1E400] =	vst v63  }
0xde: {  	_ =	swait.ge [sflag:s21], $0x4000  }
0xdf: {  	[sflag:s21] =	ssyncset.done $0x0  }
0xe0: {  	[sflag:s21] =	ssyncadd.s32 $0xFFFFC000  }
0xe1: {  	s5 =	sshrl.u32 @p3 s9, $0x3;
	s6 =	simm.s32 @p3 $0x1FC3;
	[bflag:$0x0] =	sbarrier.arrive $0xFFFF  }
0xe2: {  	[hbm:s19], [sflag:s6] =	dma.local @p3 [spmem:s5], $0x2080  }
0xe3: {  	s5 =	simm.s32 @p3 $0x3  }
0xe4: {  	s0 =	sadd.s32 $0x1, s0;
	_ =	swait.ge @p3 [sflag:s5], $0x2080  }
0xe5: {  	p4 =	sne.s32 s0, s20;
	s6 =	sshll.u32 @!p3 s2, $0x6;
	[sflag:s5] =	ssyncset.done @p3 $0x0  }
0xe6: {  	[sflag:s5] =	ssyncadd.s32 @p3 $0xFFFFDF80;
	s5 =	sor.u32 @!p3 $0x1C03, s6;
	s6 =	sshrl.u32 @!p3 s7, $0x3  }
0xe7: {  	[hbm:s18], [sflag:s5] =	dma.local @!p3 [spmem:s6], $0x2780  }
.Ltmp3:
0xe8: {  	_ = 	snop;
	(pc) =	sbr.rel @p4 .LBB2_1-.Ltmp3, $4  }
0xe9: {  	s5 =	simm.s32 @!p3 $0x3  }
0xea: {  	_ =	swait.ge @!p3 [sflag:s5], $0x2780  }
0xeb: {  	[sflag:s5] =	ssyncset.done @!p3 $0x0  }
0xec: {  	[sflag:s5] =	ssyncadd.s32 @!p3 $0xFFFFD880  }
0xed: {  	_ =	sfence.sel $0x180000  }
0xee: {  	[bflag:$0x0] =	sbarrier.arrive $0xFFFF  }
0xef: {  	_ =	strace $0x9000004A  }
0xf0: {  	[bflag:$0x2] =	sbarrier.arrive $0xFFFF  }
0xf1: {  	p0 =	sne.s32 s2, $0x0;
	s0 =	rddreg [dreg:$0x4]  }
0xf2: {  	s0 =	sadd.s32 @!p0 $0x100000, s0  }
0xf3: {  	[sflag:s0] =	ssyncadd.tile.s32 @!p0 $0x1;
	_ =	shalt  }
.Lfunc_end2:
_tile_overlayer_lowered:
.L_overlay_start_2:
0xf4: {  	(tag) =	ssettag $0x2  }
0xf5: {  	s0 =	rddreg [dreg:$0x0];
	s2 =	stileid.u32  }
0xf6: {  	s1 =	rddreg [dreg:$0x1];
	p0 =	sne.s32 s2, $0x0  }
0xf7: {  	s3 =	rddreg [dreg:$0x2];
	[bflag:$0x3] =	sbarrier.arrive $0xFFFF;
	s2 =	simm.s32 @!p0 $0x1C03  }
0xf8: {  	[timem:s3], [sflag:s2] =	dma.local @!p0 [hbm:s0], s1  }
0xf9: {  	s0 =	simm.s32 @!p0 $0x3  }
0xfa: {  	_ =	swait.ge @!p0 [sflag:s0], s1  }
0xfb: {  	s1 =	ssub.s32 @!p0 $0x0, s1;
	[sflag:s0] =	ssyncset.done @!p0 $0x0  }
0xfc: {  	[sflag:s0] =	ssyncadd.s32 @!p0 s1  }
0xfd: {  	[bflag:$0x3] =	sbarrier.arrive $0xFFFF  }
0xfe: {  	_ =	shalt  }

// kernel: kernel.17.cloned.1.call-start
scs
__scs_entry_jumppad:
0x0: {  	(pc) =	sbr.rel $0x88, $3  }
0x1: {  	(tag) =	ssettag $0x0;
	lr =	simm.s32 $0x1  }
0x2: {  	[smem:$0x3F70] =	sst lr;
	_ =	strace $0xD0000000  }
0x3: {  	_ = 	snop  }
0x4: {  	_ = 	snop  }
0x5: {  	_ = 	snop  }
0x6: {  	_ = 	snop  }
0x7: {  	_ = 	snop  }
__scs_overlays_trampoline_lowered:
0x8: {  	[smem:$0x3F7F] =	sst s0  }
0x9: {  	[smem:$0x3F80] =	sst s1  }
0xa: {  	[smem:$0x3F81] =	sst s2  }
0xb: {  	[smem:$0x3F82] =	sst s3  }
0xc: {  	[smem:$0x3F83] =	sst s4  }
0xd: {  	[smem:$0x3F84] =	sst s5  }
0xe: {  	[smem:$0x3F85] =	sst s6  }
0xf: {  	[smem:$0x3F86] =	sst s7  }
0x10: {  	[smem:$0x3F87] =	sst s8  }
0x11: {  	[smem:$0x3F88] =	sst s9;
	s0 =	simm.s32 @!p0 $0x0  }
0x12: {  	s1 =	sld [smem:$0x3F6E];
	s0 =	simm.s32 @p0 $0x1  }
0x13: {  	[smem:$0x3F89] =	sst s0;
	s0 =	simm.s32 @!p1 $0x0  }
0x14: {  	s2 =	sld [smem:$0x3F6D];
	s0 =	simm.s32 @p1 $0x1  }
0x15: {  	[smem:$0x3F8A] =	sst s0;
	s0 =	simm.s32 @!p2 $0x0  }
0x16: {  	s3 =	sld [smem:$0x3FDB];
	s0 =	simm.s32 @p2 $0x1  }
0x17: {  	s4 =	simm.s32 $0x1BF5;
	[smem:$0x3F8C] =	sst s0  }
0x18: {  	s0 =	sld [smem:$0x3F6F];
	_ =	swait.ge [sflag:s4], $0x0  }
0x19: {  	s7 =	sld [smem:$0x3F70]  }
0x1a: {  	s8 =	sadd.s32 $0xFFFFE003, lr  }
0x1b: {  	s9 =	sadd.s32 $0xFFFFFEF7, lr;
	s5 =	simm.s32 $0xFFFFFFFF;
	p2 =	slt.u32 s8, $0xFFFFF086  }
0x1c: {  	p1 =	slt.u32 s9, $0xF7A;
	s5 =	simm.s32 @!p2 $0x0  }
0x1d: {  	s5 =	simm.s32 @p1 $0x1;
	p0 =	seq.s32 s7, s2  }
0x1e: {  	s7 =	smul.u32 @!p0 $0xF7A, s2;
	p2 =	seq.s32 @!p0 s5, $0x0  }
0x1f: {  	s9 =	smul.u32 $0xF7A, s1;
	s8 =	simm.s32 @!p0 $0x1BF5;
	p2 =	por !p2, p0  }
0x20: {  	[sflag:s8] =	ssyncset.s32 @!p0 $0xFFFFF086;
	s6 =	sadd.s32 @!p0 s3, s7;
	s7 =	simm.s32 @!p0 $0x108  }
0x21: {  	s3 =	sadd.s32 s3, s9;
	s6 =	sadd.s32 @!p0 $0x88, s6;
	s7 =	simm.s32 @p2 $0x1082  }
0x22: {  	[simem:s7], [sflag:s8] =	dma.local @!p0 [hbm:s6], $0xF7A  }
0x23: {  	s9 =	sor.u32 $0xD0000000, s2;
	s6 =	simm.s32 $0x108;
	_ =	swait.ge @!p0 [sflag:s8], $0x0  }
0x24: {  	s3 =	sadd.s32 $0x88, s3;
	s6 =	simm.s32 @!p1 $0x1082;
	[sflag:s4] =	ssyncset.s32 $0xFFFFF086  }
0x25: {  	[simem:s6], [sflag:s4] =	dma.local [hbm:s3], $0xF7A  }
0x26: {  	[smem:$0x3F70] =	sst s1;
	(tag) =	ssettag s2;
	_ =	strace s9  }
0x27: {  	s1 =	sld [smem:$0x3F80]  }
0x28: {  	s2 =	sld [smem:$0x3F81]  }
0x29: {  	s4 =	sld [smem:$0x3F83]  }
0x2a: {  	p0 =	seq.s32 s5, $0x0;
	s5 =	sld [smem:$0x3F84]  }
0x2b: {  	s6 =	sld [smem:$0x3F85]  }
0x2c: {  	s7 =	sld [smem:$0x3F86]  }
0x2d: {  	s3 =	simm.s32 $0x108;
	s8 =	sld [smem:$0x3F87]  }
0x2e: {  	s3 =	simm.s32 @!p0 $0x1082;
	s9 =	sld [smem:$0x3F88]  }
0x2f: {  	lr =	sadd.s32 s0, s3;
	s0 =	sld [smem:$0x3F7F]  }
0x30: {  	s3 =	sld [smem:$0x3F82]  }
0x31: {  	[smem:$0x3F8B] =	sst s10  }
0x32: {  	s10 =	sld [smem:$0x3F89];
	_ =	sdelay $0x3  }
0x33: {  	p0 =	seq.s32 s10, $0x1;
	s10 =	sld [smem:$0x3F8B];
	_ =	sdelay $0x3  }
0x34: {  	[smem:$0x3F8B] =	sst s10  }
0x35: {  	s10 =	sld [smem:$0x3F8A];
	_ =	sdelay $0x3  }
0x36: {  	p1 =	seq.s32 s10, $0x1;
	s10 =	sld [smem:$0x3F8B];
	_ =	sdelay $0x3  }
0x37: {  	[smem:$0x3F8B] =	sst s10  }
0x38: {  	s10 =	sld [smem:$0x3F8C]  }
0x39: {  	_ = 	snop;
	(pc) =	sbr.ind lr, $3  }
0x3a: {  	_ = 	snop  }
0x3b: {  	_ = 	snop  }
0x3c: {  	p2 =	seq.s32 s10, $0x1;
	s10 =	sld [smem:$0x3F8B]  }
0x3d: {  	_ =	shalt  }
0x3e: {  	_ =	shalt  }
0x3f: {  	_ =	shalt  }
0x40: {  	_ =	shalt  }
0x41: {  	_ =	shalt  }
0x42: {  	_ =	shalt  }
0x43: {  	_ =	shalt  }
0x44: {  	_ =	shalt  }
0x45: {  	_ =	shalt  }
0x46: {  	_ =	shalt  }
0x47: {  	_ =	shalt  }
0x48: {  	_ =	shalt  }
0x49: {  	_ =	shalt  }
0x4a: {  	_ =	shalt  }
0x4b: {  	_ =	shalt  }
0x4c: {  	_ =	shalt  }
0x4d: {  	_ =	shalt  }
0x4e: {  	_ =	shalt  }
0x4f: {  	_ =	shalt  }
0x50: {  	_ =	shalt  }
0x51: {  	_ =	shalt  }
0x52: {  	_ =	shalt  }
0x53: {  	_ =	shalt  }
0x54: {  	_ =	shalt  }
0x55: {  	_ =	shalt  }
0x56: {  	_ =	shalt  }
0x57: {  	_ =	shalt  }
0x58: {  	_ =	shalt  }
0x59: {  	_ =	shalt  }
0x5a: {  	_ =	shalt  }
0x5b: {  	_ =	shalt  }
0x5c: {  	_ =	shalt  }
0x5d: {  	_ =	shalt  }
0x5e: {  	_ =	shalt  }
0x5f: {  	_ =	shalt  }
0x60: {  	_ =	shalt  }
0x61: {  	_ =	shalt  }
0x62: {  	_ =	shalt  }
0x63: {  	_ =	shalt  }
0x64: {  	_ =	shalt  }
0x65: {  	_ =	shalt  }
0x66: {  	_ =	shalt  }
0x67: {  	_ =	shalt  }
0x68: {  	_ =	shalt  }
0x69: {  	_ =	shalt  }
0x6a: {  	_ =	shalt  }
0x6b: {  	_ =	shalt  }
0x6c: {  	_ =	shalt  }
0x6d: {  	_ =	shalt  }
0x6e: {  	_ =	shalt  }
0x6f: {  	_ =	shalt  }
0x70: {  	_ =	shalt  }
0x71: {  	_ =	shalt  }
0x72: {  	_ =	shalt  }
0x73: {  	_ =	shalt  }
0x74: {  	_ =	shalt  }
0x75: {  	_ =	shalt  }
0x76: {  	_ =	shalt  }
0x77: {  	_ =	shalt  }
0x78: {  	_ =	shalt  }
0x79: {  	_ =	shalt  }
0x7a: {  	_ =	shalt  }
0x7b: {  	_ =	shalt  }
0x7c: {  	_ =	shalt  }
0x7d: {  	_ =	shalt  }
0x7e: {  	_ =	shalt  }
0x7f: {  	_ =	shalt  }
0x80: {  	_ =	shalt  }
0x81: {  	_ =	shalt  }
0x82: {  	_ =	shalt  }
0x83: {  	_ =	shalt  }
0x84: {  	_ =	shalt  }
0x85: {  	_ =	shalt  }
0x86: {  	_ =	shalt  }
0x87: {  	_ =	shalt  }
.Lfunc_end0:
.L_simem_size_0:
called_computation.2_lowered:
.L_overlay_start_0:
0x88: {  	s2 =	sld [smem:$0x3FD9]  }
0x89: {  	s3 =	sld [smem:$0x3FFE];
	_ =	sdelay $0x1  }
0x8a: {  	s1 =	srdreg.scid  }
0x8b: {  	s0 =	sand.u32 $0x1, s1  }
0x8c: {  	s14 =	sshll.u32 s0, $0xA;
	s2 =	sadd.s32 s3, s2  }
0x8d: {  	s2 =	sadd.s32 s2, s14  }
0x8e: {  	[smem:$0x3F97] =	sst s2  }
0x8f: {  	_ = 	snop  }
0x90: {  	s2 =	sld [smem:$0x3FD0];
	_ =	sdelay $0x2  }
0x91: {  	s15 =	simm.s32 $0xA;
	s4 =	simm.s32 $0x10  }
0x92: {  	[smem:s4], [sflag:s15] =	dma.local [hbm:s2], $0x1  }
0x93: {  	_ =	swait.eq [sflag:s15], $0x1  }
0x94: {  	[sflag:s15] =	ssyncset.done $0x0  }
0x95: {  	s16 =	sld [smem:$0x10];
	[sflag:s15] =	ssyncadd.s32 $0xFFFFFFFF  }
0x96: {  	s17 =	sld [smem:$0x11];
	(tm) =	ssettm $0x1  }
0x97: {  	s18 =	sld [smem:$0x3FFB];
	_ =	sdelay $0x3  }
0x98: {  	_ =	strace s18  }
0x99: {  	s4 =	sld [smem:$0x3FFC];
	_ =	sdelay $0x3  }
0x9a: {  	_ =	strace s4  }
0x9b: {  	s4 =	sld [smem:$0x3FFD];
	_ =	sdelay $0x3  }
0x9c: {  	_ =	strace s4  }
0x9d: {  	_ =	strace $0x8FFFFFFF  }
0x9e: {  	s19 =	sld [smem:$0x3FDB];
	_ =	sdelay $0x1  }
0x9f: {  	s5 =	simm.s32 $_scs_section_size  }
0xa0: {  	s6 =	simm.s32 $_size__tile_overlayer_lowered;
	s7 =	simm.s32 $_tile_overlayer_lowered  }
0xa1: {  	s22 =	simm.s32 $0x1BFF;
	s21 =	sshll.u32 s7, $0x1;
	s4 =	sadd.s32 s5, s19  }
0xa2: {  	s8 =	simm.s32 $0x0;
	s20 =	sshll.u32 s6, $0x1;
	s6 =	sadd.s32 s21, s4  }
0xa3: {  	[timem:s8], [sflag:s22] =	dma.local [hbm:s6], s20  }
0xa4: {  	_ =	swait.ge [sflag:s22], s20  }
0xa5: {  	s5 =	ssub.s32 $0x0, s20;
	[sflag:s22] =	ssyncset.done $0x0  }
0xa6: {  	[sflag:s22] =	ssyncadd.s32 s5;
	_ =	sdelay $0x1  }
0xa7: {  	s23 =	simm.s32 $0x1B8B  }
0xa8: {  	_ =	swait.ge [sflag:s23], $0x1  }
0xa9: {  	[sflag:s23] =	ssyncset.done $0x0  }
0xaa: {  	s25 =	simm.s32 $0x1B8E;
	s24 =	sld [smem:$0x3FFE];
	[sflag:s23] =	ssyncadd.s32 $0xFFFFFFFF  }
0xab: {  	s26 =	simm.s32 $execute0_lowered;
	[smem:$0x3FD2] =	sst s25  }
0xac: {  	s6 =	sshll.u32 s26, $0x1;
	_ =	strace $0x8000004C;
	[dreg:$0x1] =	wrdreg $0xFFFFFFFF  }
0xad: {  	s28 =	simm.s32 $_size_execute0_lowered;
	s4 =	sadd.s32 s4, s6;
	[dreg:$0x0] =	wrdreg $0x0  }
0xae: {  	s6 =	sshll.u32 s28, $0x1;
	[dreg:$0x2] =	wrdreg s4  }
0xaf: {  	[dreg:$0x3] =	wrdreg s6  }
0xb0: {  	[dreg:$0x4] =	wrdreg $0xC0  }
0xb1: {  	_ =	task [dreg:s8], $0x5FFFF  }
0xb2: {  	[dreg:$0x1] =	wrdreg $0xFFFFFFFF  }
0xb3: {  	[dreg:$0x0] =	wrdreg $0x60  }
0xb4: {  	[dreg:$0x2] =	wrdreg s17  }
0xb5: {  	[dreg:$0x3] =	wrdreg s16  }
0xb6: {  	[dreg:$0x4] =	wrdreg s24  }
0xb7: {  	[dreg:$0x5] =	wrdreg $0xA8000  }
0xb8: {  	[dreg:$0x6] =	wrdreg $0x9  }
0xb9: {  	_ =	task.clear_ibuf [dreg:s8], $0x7FFFF;
	_ =	strace $0x9000004C  }
0xba: {  	s29 =	simm.s32 $0x9;
	_ =	strace $0x8000004E  }
0xbb: {  	_ =	swait.ge [sflag:s29], $0x1  }
0xbc: {  	[sflag:s29] =	ssyncadd.s32 $0xFFFFFFFF  }
0xbd: {  	_ =	strace $0x9000004E  }
0xbe: {  	_ =	sfence  }
0xbf: {  	s30 =	sld [smem:$0x0];
	_ =	sdelay $0x2  }
0xc0: {  	s31 =	sshll.u32 s1, $0xD;
	s1 =	sshrl.u32 s1, $0x2  }
0xc1: {  	s3 =	sand.u32 $0x4000, s31;
	s1 =	sadd.s32 s1, s30  }
0xc2: {  	s0 =	sor.u32 s3, s0;
	s1 =	sshll.u32 s1, $0x11  }
0xc3: {  	s0 =	sor.u32 s1, s0  }
0xc4: {  	s0 =	sadd.s32 $0x8F2B, s0  }
0xc5: {  	[sflag:s0] =	ssyncadd.remote.s32 $0x1  }
0xc6: {  	_ =	sfence.sel $0xFFFF  }
0xc7: {  	[dreg:$0x0] =	wrdreg $0xFFFFFFFF;
	(pc) =	sbr.abs _section_cstart, $3  }
0xc8: {  	[dreg:$0x1] =	wrdreg $0xFFFFFFFF  }
0xc9: {  	_ =	task.clear_ibuf [dreg:s8], $0x2FFFF;
	_ =	strace $0x9FFFFFFF  }
0xca: {  	(tm) =	ssettm $0x7FFFFFFF  }
0xcb: {  	_ =	shalt  }
tec
execute0_lowered:
.L_overlay_start_1:
0x0: {  	(tag) =	ssettag $0x1  }
0x1: {  	s1 =	rddreg [dreg:$0x0]  }
0x2: {  	s0 =	rddreg [dreg:$0x1]  }
0x3: {  	s5 =	rddreg [dreg:$0x2]  }
0x4: {  	s3 =	rddreg [dreg:$0x3]  }
0x5: {  	s6 =	srdreg.scid;
	s2 =	stileid.u32  }
0x6: {  	s4 =	simm.s32 $0x0;
	s28 =	simm.s32 $0x2;
	s29 =	simm.s32 $0x1380  }
0x7: {  	s30 =	simm.s32 $0x2700;
	s31 =	simm.s32 $0x2780;
	s6 =	sand.u32 $0x1, s6  }
0x8: {  	s7 =	sshll.u32 s2, $0x1;
	[smem:$0x7FF] =	sst s4;
	s19 =	smul.u32 $0x4F000, s2  }
0x9: {  	s17 =	sadd.s32 $0x7C00, s5;
	s5 =	sadd.s32 $0x11C00, s5;
	s22 =	smul.u32 $0x2780, s2  }
0xa: {  	s24 =	sadd.s32 $0x25080, s1;
	s25 =	sadd.s32 $0x138800, s3;
	s18 =	smul.u32 $0x13C00, s2  }
0xb: {  	p3 =	seq.s32 s2, $0xF;
	s7 =	sor.u32 s6, s7;
	_ =	strace $0x8000004D  }
0xc: {  	s8 =	ssub.s32 $0x2, s6;
	p0 =	seq.s32 s6, $0x1;
	[dreg:$0x8] =	wrdreg s24  }
0xd: {  	[dreg:$0x9] =	wrdreg s25;
	s6 =	smul.u32 $0x13C000, s6;
	s24 =	simm.s32 $0x2800  }
0xe: {  	s25 =	simm.s32 $0x6800;
	s7 =	smul.u32 $0x2800, s7;
	s9 =	sshrl.u32 s8, $0x1  }
0xf: {  	p2 =	seq.s32 @!p0 s2, $0xF;
	s20 =	ssub.s32 s8, s9;
	s8 =	sadd.s32 s1, s22  }
0x10: {  	s9 =	sadd.s32 $0x128400, s3;
	s26 =	sadd.s32 s18, s6;
	s6 =	sshrl.u32 s6, $0x3  }
0x11: {  	s22 =	simm.s32 $0x1400;
	p1 =	por !p2, p0;
	p2 =	por p2, p0  }
0x12: {  	s16 =	sshrl.u32 s7, $0x3;
	s7 =	sshrl.u32 s19, $0x2;
	[dreg:$0x7] =	wrdreg s8  }
0x13: {  	s6 =	sadd.s32 s5, s6;
	s20 =	smax.u32 s20, $0x1;
	s21 =	sadd.s32 s0, s16  }
0x14: {  	s23 =	sadd.s32 s17, s16;
	s7 =	sadd.s32 s7, s3;
	[dreg:$0x5] =	wrdreg s21  }
0x15: {  	s19 =	sadd.s32 $0x280, s16;
	[dreg:$0x6] =	wrdreg s23;
	s12 =	sadd.s32 $0x4000, s7  }
0x16: {  	s13 =	sadd.s32 $0x8000, s7;
	s14 =	sadd.s32 $0xC000, s7;
	s15 =	sadd.s32 $0x10000, s7  }
0x17: {  	s16 =	sadd.s32 s0, s19;
	s17 =	sadd.s32 s17, s19;
	s0 =	sshrl.u32 s26, $0x3  }
0x18: {  	s19 =	sadd.s32 $0x25080, s6;
	s21 =	simm.s32 $0x3;
	s23 =	simm.s32 $0x80  }
0x19: {  	v0 =	vimm.f32 $0.0e+00;
	s26 =	simm.s32 $0x1;
	s18 =	sadd.s32 s5, s0;
	s0 =	simm.s32 $0x0  }
.LBB2_1:
0x1a: {  	s5 =	rddreg [dreg:$0x5]  }
0x1b: {  	[tilespmem:s4], [sflag:$0x3] =	stream.linear.gather [hbm4b:s5+s4], $0x1400, $0x38;
	[tilespmem:$0x1E400] =	vst v63  }
0x1c: {  	_ =	swait.ge [sflag:s21], $0x1400  }
0x1d: {  	[sflag:s21] =	ssyncset.done $0x0  }
0x1e: {  	s11 =	rddreg [dreg:$0x6];
	[sflag:s21] =	ssyncadd.s32 $0xFFFFEC00  }
0x1f: {  	[tilespmem:s22], [sflag:$0x3] =	stream.linear.gather [hbm4b:s11+s4], $0x1400, $0x38;
	[tilespmem:$0x1E400] =	vst v63  }
0x20: {  	_ =	swait.ge [sflag:s21], $0x1400  }
0x21: {  	[sflag:s21] =	ssyncset.done $0x0  }
0x22: {  	s6 =	simm.s32 $0x200;
	s5 =	simm.s32 $0x0;
	[sflag:s21] =	ssyncadd.s32 $0xFFFFEC00  }
0x23: {  	[tilespmem:s24], [sflag:$0x1] =	stream.indirect.gather [hbm4b:s1+s23], $0x80, s4, s23, $0xb8;
	[tilespmem:$0x1E400] =	vst v63  }
.LBB2_2:
0x24: {  	p4 =	sne.s32 s6, $0xFE00;
	[tilespmem:s5+$0x6870] =	vst v0  }
0x25: {  	[tilespmem:s5+$0x6800] =	vst v0  }
0x26: {  	[tilespmem:s5+$0x6810] =	vst v0  }
.Ltmp0:
0x27: {  	[tilespmem:s5+$0x6820] =	vst v0;
	(pc) =	sbr.rel @p4 .LBB2_2-.Ltmp0, $4  }
0x28: {  	[tilespmem:s5+$0x6830] =	vst v0  }
0x29: {  	[tilespmem:s5+$0x6840] =	vst v0  }
0x2a: {  	[tilespmem:s5+$0x6850] =	vst v0  }
0x2b: {  	[tilespmem:s5+$0x6860] =	vst v0;
	s5 =	sshra.s32 s6, $0x2;
	s6 =	sadd.s32 $0x200, s6  }
0x2c: {  	[tilespmem:s5+$0x6870] =	vst v0  }
0x2d: {  	[tilespmem:s5+$0x6800] =	vst v0  }
0x2e: {  	[tilespmem:s5+$0x6810] =	vst v0  }
0x2f: {  	[tilespmem:s5+$0x6820] =	vst v0  }
0x30: {  	[tilespmem:s5+$0x6830] =	vst v0  }
0x31: {  	[tilespmem:s5+$0x6840] =	vst v0  }
0x32: {  	[tilespmem:s5+$0x6850] =	vst v0  }
0x33: {  	[tilespmem:s5+$0x6860] =	vst v0;
	s5 =	simm.s32 @p0 $0x6800;
	s6 =	simm.s32 @p0 $0x3  }
0x34: {  	[spmem:s7] =	stream.linear.scatter @p0 [tilespmem:s5], [sflag:$0x3], $0x4000, $0x38;
	[tilespmem:$0x1E400] =	vst v63  }
0x35: {  	_ =	swait.ge @p0 [sflag:s6], $0x4000  }
0x36: {  	[sflag:s6] =	ssyncset.done @p0 $0x0  }
0x37: {  	[sflag:s6] =	ssyncadd.s32 @p0 $0xFFFFC000  }
0x38: {  	[spmem:s12] =	stream.linear.scatter @p0 [tilespmem:s5], [sflag:$0x3], $0x4000, $0x38;
	[tilespmem:$0x1E400] =	vst v63  }
0x39: {  	_ =	swait.ge @p0 [sflag:s6], $0x4000  }
0x3a: {  	[sflag:s6] =	ssyncset.done @p0 $0x0  }
0x3b: {  	[sflag:s6] =	ssyncadd.s32 @p0 $0xFFFFC000  }
0x3c: {  	[spmem:s13] =	stream.linear.scatter @p0 [tilespmem:s5], [sflag:$0x3], $0x4000, $0x38;
	[tilespmem:$0x1E400] =	vst v63  }
0x3d: {  	_ =	swait.ge @p0 [sflag:s6], $0x4000  }
0x3e: {  	[sflag:s6] =	ssyncset.done @p0 $0x0  }
0x3f: {  	[sflag:s6] =	ssyncadd.s32 @p0 $0xFFFFC000  }
0x40: {  	[spmem:s14] =	stream.linear.scatter @p0 [tilespmem:s5], [sflag:$0x3], $0x4000, $0x38;
	[tilespmem:$0x1E400] =	vst v63  }
0x41: {  	_ =	swait.ge @p0 [sflag:s6], $0x4000  }
0x42: {  	[sflag:s6] =	ssyncset.done @p0 $0x0  }
0x43: {  	[sflag:s6] =	ssyncadd.s32 @p0 $0xFFFFC000  }
0x44: {  	[spmem:s15] =	stream.linear.scatter @p0 [tilespmem:s5], [sflag:$0x3], $0x3C00, $0x38;
	[tilespmem:$0x1E400] =	vst v63  }
0x45: {  	_ =	swait.ge @p0 [sflag:s6], $0x3C00  }
0x46: {  	s5 =	sshrl.u32 @!p1 s9, $0x3;
	[sflag:s6] =	ssyncset.done @p0 $0x0  }
0x47: {  	s8 =	rddreg [dreg:$0x8];
	[sflag:s6] =	ssyncadd.s32 @p0 $0xFFFFC400;
	s6 =	simm.s32 @!p1 $0x1FC3  }
0x48: {  	[spmem:s5], [sflag:s6] =	dma.local @!p1 [hbm:s8], $0x2080  }
0x49: {  	s5 =	simm.s32 @!p1 $0x3  }
0x4a: {  	_ =	swait.ge @!p1 [sflag:s5], $0x2080  }
0x4b: {  	[sflag:s5] =	ssyncset.done @!p1 $0x0  }
0x4c: {  	s6 =	simm.s32 @!p1 $0x6800;
	s8 =	rddreg [dreg:$0x9];
	[sflag:s5] =	ssyncadd.s32 @!p1 $0xFFFFDF80  }
0x4d: {  	[spmem:s8] =	stream.linear.scatter @!p1 [tilespmem:s6], [sflag:$0x3], $0x3800, $0x38;
	[tilespmem:$0x1E400] =	vst v63  }
0x4e: {  	_ =	swait.ge @!p1 [sflag:s5], $0x3800  }
0x4f: {  	s6 =	sshll.u32 @!p2 s2, $0x6;
	[sflag:s5] =	ssyncset.done @!p1 $0x0;
	s8 =	rddreg [dreg:$0x7]  }
0x50: {  	[sflag:s5] =	ssyncadd.s32 @!p1 $0xFFFFC800;
	s5 =	sor.u32 @!p2 $0x1C03, s6;
	s6 =	sshrl.u32 @!p2 s7, $0x3  }
0x51: {  	[spmem:s6], [sflag:s5] =	dma.local @!p2 [hbm:s8], $0x2780  }
0x52: {  	s5 =	simm.s32 @!p2 $0x3  }
0x53: {  	_ =	swait.ge @!p2 [sflag:s5], $0x2780  }
0x54: {  	[sflag:s5] =	ssyncset.done @!p2 $0x0  }
0x55: {  	[sflag:s5] =	ssyncadd.s32 @!p2 $0xFFFFD880  }
0x56: {  	s6 =	simm.s32 $0x80;
	[bflag:$0x0] =	sbarrier.arrive $0xFFFF  }
0x57: {  	[tilespmem:s25], [sflag:$0x2] =	stream.indirect.gather [hbm4b:s1+s23], $0x80, s6, s23, $0xb8;
	[tilespmem:$0x1E400] =	vst v63  }
0x58: {  	_ =	swait.ge [sflag:s26], $0x4000  }
0x59: {  	[sflag:s26] =	ssyncset.done $0x0  }
0x5a: {  	s8 =	simm.s32 $0x1400;
	[sflag:s26] =	ssyncadd.s32 $0xFFFFC000  }
0x5b: {  	[spmem:s3] =	stream.indirect.scatter.add.f32 [tilespmem:s24], [sflag:$0x3], $0x80, s8, s23, $0xb8;
	[tilespmem:$0x1E400] =	vst v63  }
0x5c: {  	_ =	swait.ge [sflag:s21], $0x4000  }
0x5d: {  	[sflag:s21] =	ssyncset.done $0x0  }
0x5e: {  	s10 =	simm.s32 $0x100;
	[sflag:s21] =	ssyncadd.s32 $0xFFFFC000  }
0x5f: {  	[tilespmem:s24], [sflag:$0x1] =	stream.indirect.gather [hbm4b:s1+s23], $0x80, s10, s23, $0xb8;
	[tilespmem:$0x1E400] =	vst v63  }
0x60: {  	_ =	swait.ge [sflag:s28], $0x4000  }
0x61: {  	[sflag:s28] =	ssyncset.done $0x0  }
0x62: {  	s11 =	simm.s32 $0x1480;
	[sflag:s28] =	ssyncadd.s32 $0xFFFFC000  }
0x63: {  	[spmem:s3] =	stream.indirect.scatter.add.f32 [tilespmem:s25], [sflag:$0x3], $0x80, s11, s23, $0xb8;
	[tilespmem:$0x1E400] =	vst v63  }
0x64: {  	_ =	swait.ge [sflag:s21], $0x4000  }
0x65: {  	s5 =	simm.s32 $0x100;
	s6 =	simm.s32 $0x800;
	[sflag:s21] =	ssyncset.done $0x0  }
.LBB2_4:
0x66: {  	s8 =	sadd.s32 $0x80, s5  }
0x67: {  	[sflag:s21] =	ssyncadd.s32 $0xFFFFC000;
	s10 =	smov.u32 s6;
	s11 =	sadd.s32 $0x400, s6  }
0x68: {  	[tilespmem:s25], [sflag:$0x2] =	stream.indirect.gather [hbm4b:s1+s23], $0x80, s8, s23, $0xb8;
	[tilespmem:$0x1E400] =	vst v63  }
0x69: {  	p4 =	sne.s32 s6, $0x4800;
	_ =	swait.ge [sflag:s26], $0x4000  }
0x6a: {  	[sflag:s26] =	ssyncset.done $0x0  }
0x6b: {  	s6 =	sadd.s32 $0x1400, s5;
	[sflag:s26] =	ssyncadd.s32 $0xFFFFC000  }
0x6c: {  	[spmem:s3] =	stream.indirect.scatter.add.f32 [tilespmem:s24], [sflag:$0x3], $0x80, s6, s23, $0xb8;
	[tilespmem:$0x1E400] =	vst v63  }
0x6d: {  	_ =	swait.ge [sflag:s21], $0x4000  }
0x6e: {  	[sflag:s21] =	ssyncset.done $0x0  }
0x6f: {  	s6 =	sadd.s32 $0x100, s5;
	[sflag:s21] =	ssyncadd.s32 $0xFFFFC000  }
0x70: {  	[tilespmem:s24], [sflag:$0x1] =	stream.indirect.gather [hbm4b:s1+s23], $0x80, s6, s23, $0xb8;
	[tilespmem:$0x1E400] =	vst v63  }
0x71: {  	_ =	swait.ge [sflag:s28], $0x4000  }
.Ltmp1:
0x72: {  	[sflag:s28] =	ssyncset.done $0x0;
	(pc) =	sbr.rel @p4 .LBB2_4-.Ltmp1, $4  }
0x73: {  	s5 =	sadd.s32 $0x1480, s5;
	[sflag:s28] =	ssyncadd.s32 $0xFFFFC000  }
0x74: {  	[spmem:s3] =	stream.indirect.scatter.add.f32 [tilespmem:s25], [sflag:$0x3], $0x80, s5, s23, $0xb8;
	[tilespmem:$0x1E400] =	vst v63  }
0x75: {  	_ =	swait.ge [sflag:s21], $0x4000  }
0x76: {  	s6 =	smov.u32 s11;
	s5 =	sshra.s32 s10, $0x2;
	[sflag:s21] =	ssyncset.done $0x0  }
0x77: {  	s6 =	sadd.s32 $0x80, s5;
	[sflag:s21] =	ssyncadd.s32 $0xFFFFC000  }
0x78: {  	[tilespmem:s25], [sflag:$0x2] =	stream.indirect.gather [hbm4b:s1+s23], $0x80, s6, s23, $0xb8;
	[tilespmem:$0x1E400] =	vst v63  }
0x79: {  	_ =	swait.ge [sflag:s26], $0x4000  }
0x7a: {  	[sflag:s26] =	ssyncset.done $0x0  }
0x7b: {  	s11 =	sadd.s32 $0x1400, s5;
	[sflag:s26] =	ssyncadd.s32 $0xFFFFC000  }
0x7c: {  	[spmem:s3] =	stream.indirect.scatter.add.f32 [tilespmem:s24], [sflag:$0x3], $0x80, s11, s23, $0xb8;
	[tilespmem:$0x1E400] =	vst v63  }
0x7d: {  	_ =	swait.ge [sflag:s21], $0x4000  }
0x7e: {  	[sflag:s21] =	ssyncset.done $0x0  }
0x7f: {  	s8 =	sadd.s32 $0x100, s5;
	[sflag:s21] =	ssyncadd.s32 $0xFFFFC000  }
0x80: {  	[tilespmem:s24], [sflag:$0x1] =	stream.indirect.gather [hbm4b:s1+s23], $0x80, s8, s23, $0xb8;
	[tilespmem:$0x1E400] =	vst v63  }
0x81: {  	_ =	swait.ge [sflag:s28], $0x4000  }
0x82: {  	[sflag:s28] =	ssyncset.done $0x0  }
0x83: {  	s10 =	sadd.s32 $0x1480, s5;
	[sflag:s28] =	ssyncadd.s32 $0xFFFFC000  }
0x84: {  	[spmem:s3] =	stream.indirect.scatter.add.f32 [tilespmem:s25], [sflag:$0x3], $0x80, s10, s23, $0xb8;
	[tilespmem:$0x1E400] =	vst v63  }
0x85: {  	_ =	swait.ge [sflag:s21], $0x4000  }
0x86: {  	[sflag:s21] =	ssyncset.done $0x0  }
0x87: {  	[sflag:s21] =	ssyncadd.s32 $0xFFFFC000  }
0x88: {  	[tilespmem:s25], [sflag:$0x2] =	stream.indirect.gather [hbm4b:s1+s23], $0x80, s29, s23, $0xb8;
	[tilespmem:$0x1E400] =	vst v63  }
0x89: {  	_ =	swait.ge [sflag:s26], $0x4000  }
0x8a: {  	[sflag:s26] =	ssyncset.done $0x0  }
0x8b: {  	[sflag:s26] =	ssyncadd.s32 $0xFFFFC000  }
0x8c: {  	[spmem:s3] =	stream.indirect.scatter.add.f32 [tilespmem:s24], [sflag:$0x3], $0x80, s30, s23, $0xb8;
	[tilespmem:$0x1E400] =	vst v63  }
0x8d: {  	_ =	swait.ge [sflag:s21], $0x4000  }
0x8e: {  	[sflag:s21] =	ssyncset.done $0x0  }
0x8f: {  	[sflag:s21] =	ssyncadd.s32 $0xFFFFC000  }
0x90: {  	_ =	swait.ge [sflag:s28], $0x4000  }
0x91: {  	[sflag:s28] =	ssyncset.done $0x0  }
0x92: {  	[sflag:s28] =	ssyncadd.s32 $0xFFFFC000  }
0x93: {  	[spmem:s3] =	stream.indirect.scatter.add.f32 [tilespmem:s25], [sflag:$0x3], $0x80, s31, s23, $0xb8;
	[tilespmem:$0x1E400] =	vst v63  }
0x94: {  	_ =	swait.ge [sflag:s21], $0x4000  }
0x95: {  	[sflag:s21] =	ssyncset.done $0x0  }
0x96: {  	s11 =	simm.s32 $0x0;
	[sflag:s21] =	ssyncadd.s32 $0xFFFFC000  }
0x97: {  	[tilespmem:s11], [sflag:$0x3] =	stream.linear.gather [hbm4b:s16+s11], $0x1400, $0x38;
	[tilespmem:$0x1E400] =	vst v63  }
0x98: {  	_ =	swait.ge [sflag:s21], $0x1400  }
0x99: {  	[sflag:s21] =	ssyncset.done $0x0  }
0x9a: {  	[sflag:s21] =	ssyncadd.s32 $0xFFFFEC00  }
0x9b: {  	[tilespmem:s22], [sflag:$0x3] =	stream.linear.gather [hbm4b:s17+s11], $0x1400, $0x38;
	[tilespmem:$0x1E400] =	vst v63  }
0x9c: {  	_ =	swait.ge [sflag:s21], $0x1400  }
0x9d: {  	[sflag:s21] =	ssyncset.done $0x0  }
0x9e: {  	[sflag:s21] =	ssyncadd.s32 $0xFFFFEC00  }
0x9f: {  	[tilespmem:s24], [sflag:$0x1] =	stream.indirect.gather [hbm4b:s1+s23], $0x80, s11, s23, $0xb8;
	[tilespmem:$0x1E400] =	vst v63  }
0xa0: {  	s6 =	simm.s32 $0x80  }
0xa1: {  	[tilespmem:s25], [sflag:$0x2] =	stream.indirect.gather [hbm4b:s1+s23], $0x80, s6, s23, $0xb8;
	[tilespmem:$0x1E400] =	vst v63  }
0xa2: {  	_ =	swait.ge [sflag:s26], $0x4000  }
0xa3: {  	[sflag:s26] =	ssyncset.done $0x0  }
0xa4: {  	s8 =	simm.s32 $0x1400;
	[sflag:s26] =	ssyncadd.s32 $0xFFFFC000  }
0xa5: {  	[spmem:s3] =	stream.indirect.scatter.add.f32 [tilespmem:s24], [sflag:$0x3], $0x80, s8, s23, $0xb8;
	[tilespmem:$0x1E400] =	vst v63  }
0xa6: {  	_ =	swait.ge [sflag:s21], $0x4000  }
0xa7: {  	[sflag:s21] =	ssyncset.done $0x0  }
0xa8: {  	s10 =	simm.s32 $0x100;
	[sflag:s21] =	ssyncadd.s32 $0xFFFFC000  }
0xa9: {  	[tilespmem:s24], [sflag:$0x1] =	stream.indirect.gather [hbm4b:s1+s23], $0x80, s10, s23, $0xb8;
	[tilespmem:$0x1E400] =	vst v63  }
0xaa: {  	_ =	swait.ge [sflag:s28], $0x4000  }
0xab: {  	[sflag:s28] =	ssyncset.done $0x0  }
0xac: {  	s11 =	simm.s32 $0x1480;
	[sflag:s28] =	ssyncadd.s32 $0xFFFFC000  }
0xad: {  	[spmem:s3] =	stream.indirect.scatter.add.f32 [tilespmem:s25], [sflag:$0x3], $0x80, s11, s23, $0xb8;
	[tilespmem:$0x1E400] =	vst v63  }
0xae: {  	_ =	swait.ge [sflag:s21], $0x4000  }
0xaf: {  	s5 =	simm.s32 $0x100;
	s6 =	simm.s32 $0x800;
	[sflag:s21] =	ssyncset.done $0x0  }
.LBB2_6:
0xb0: {  	s8 =	sadd.s32 $0x80, s5  }
0xb1: {  	[sflag:s21] =	ssyncadd.s32 $0xFFFFC000;
	s10 =	smov.u32 s6;
	s11 =	sadd.s32 $0x400, s6  }
0xb2: {  	[tilespmem:s25], [sflag:$0x2] =	stream.indirect.gather [hbm4b:s1+s23], $0x80, s8, s23, $0xb8;
	[tilespmem:$0x1E400] =	vst v63  }
0xb3: {  	p4 =	sne.s32 s6, $0x4800;
	_ =	swait.ge [sflag:s26], $0x4000  }
0xb4: {  	[sflag:s26] =	ssyncset.done $0x0  }
0xb5: {  	s6 =	sadd.s32 $0x1400, s5;
	[sflag:s26] =	ssyncadd.s32 $0xFFFFC000  }
0xb6: {  	[spmem:s3] =	stream.indirect.scatter.add.f32 [tilespmem:s24], [sflag:$0x3], $0x80, s6, s23, $0xb8;
	[tilespmem:$0x1E400] =	vst v63  }
0xb7: {  	_ =	swait.ge [sflag:s21], $0x4000  }
0xb8: {  	[sflag:s21] =	ssyncset.done $0x0  }
0xb9: {  	s6 =	sadd.s32 $0x100, s5;
	[sflag:s21] =	ssyncadd.s32 $0xFFFFC000  }
0xba: {  	[tilespmem:s24], [sflag:$0x1] =	stream.indirect.gather [hbm4b:s1+s23], $0x80, s6, s23, $0xb8;
	[tilespmem:$0x1E400] =	vst v63  }
0xbb: {  	_ =	swait.ge [sflag:s28], $0x4000  }
.Ltmp2:
0xbc: {  	[sflag:s28] =	ssyncset.done $0x0;
	(pc) =	sbr.rel @p4 .LBB2_6-.Ltmp2, $4  }
0xbd: {  	s5 =	sadd.s32 $0x1480, s5;
	[sflag:s28] =	ssyncadd.s32 $0xFFFFC000  }
0xbe: {  	[spmem:s3] =	stream.indirect.scatter.add.f32 [tilespmem:s25], [sflag:$0x3], $0x80, s5, s23, $0xb8;
	[tilespmem:$0x1E400] =	vst v63  }
0xbf: {  	_ =	swait.ge [sflag:s21], $0x4000  }
0xc0: {  	s6 =	smov.u32 s11;
	s5 =	sshra.s32 s10, $0x2;
	[sflag:s21] =	ssyncset.done $0x0  }
0xc1: {  	s6 =	sadd.s32 $0x80, s5;
	[sflag:s21] =	ssyncadd.s32 $0xFFFFC000  }
0xc2: {  	[tilespmem:s25], [sflag:$0x2] =	stream.indirect.gather [hbm4b:s1+s23], $0x80, s6, s23, $0xb8;
	[tilespmem:$0x1E400] =	vst v63  }
0xc3: {  	_ =	swait.ge [sflag:s26], $0x4000  }
0xc4: {  	[sflag:s26] =	ssyncset.done $0x0  }
0xc5: {  	s8 =	sadd.s32 $0x1400, s5;
	[sflag:s26] =	ssyncadd.s32 $0xFFFFC000  }
0xc6: {  	[spmem:s3] =	stream.indirect.scatter.add.f32 [tilespmem:s24], [sflag:$0x3], $0x80, s8, s23, $0xb8;
	[tilespmem:$0x1E400] =	vst v63  }
0xc7: {  	_ =	swait.ge [sflag:s21], $0x4000  }
0xc8: {  	[sflag:s21] =	ssyncset.done $0x0  }
0xc9: {  	s10 =	sadd.s32 $0x100, s5;
	[sflag:s21] =	ssyncadd.s32 $0xFFFFC000  }
0xca: {  	[tilespmem:s24], [sflag:$0x1] =	stream.indirect.gather [hbm4b:s1+s23], $0x80, s10, s23, $0xb8;
	[tilespmem:$0x1E400] =	vst v63  }
0xcb: {  	_ =	swait.ge [sflag:s28], $0x4000  }
0xcc: {  	[sflag:s28] =	ssyncset.done $0x0  }
0xcd: {  	s11 =	sadd.s32 $0x1480, s5;
	[sflag:s28] =	ssyncadd.s32 $0xFFFFC000  }
0xce: {  	[spmem:s3] =	stream.indirect.scatter.add.f32 [tilespmem:s25], [sflag:$0x3], $0x80, s11, s23, $0xb8;
	[tilespmem:$0x1E400] =	vst v63  }
0xcf: {  	_ =	swait.ge [sflag:s21], $0x4000  }
0xd0: {  	[sflag:s21] =	ssyncset.done $0x0  }
0xd1: {  	[sflag:s21] =	ssyncadd.s32 $0xFFFFC000  }
0xd2: {  	[tilespmem:s25], [sflag:$0x2] =	stream.indirect.gather [hbm4b:s1+s23], $0x80, s29, s23, $0xb8;
	[tilespmem:$0x1E400] =	vst v63  }
0xd3: {  	_ =	swait.ge [sflag:s26], $0x4000  }
0xd4: {  	[sflag:s26] =	ssyncset.done $0x0  }
0xd5: {  	[sflag:s26] =	ssyncadd.s32 $0xFFFFC000  }
0xd6: {  	[spmem:s3] =	stream.indirect.scatter.add.f32 [tilespmem:s24], [sflag:$0x3], $0x80, s30, s23, $0xb8;
	[tilespmem:$0x1E400] =	vst v63  }
0xd7: {  	_ =	swait.ge [sflag:s21], $0x4000  }
0xd8: {  	[sflag:s21] =	ssyncset.done $0x0  }
0xd9: {  	[sflag:s21] =	ssyncadd.s32 $0xFFFFC000  }
0xda: {  	_ =	swait.ge [sflag:s28], $0x4000  }
0xdb: {  	[sflag:s28] =	ssyncset.done $0x0  }
0xdc: {  	[sflag:s28] =	ssyncadd.s32 $0xFFFFC000  }
0xdd: {  	[spmem:s3] =	stream.indirect.scatter.add.f32 [tilespmem:s25], [sflag:$0x3], $0x80, s31, s23, $0xb8;
	[tilespmem:$0x1E400] =	vst v63  }
0xde: {  	_ =	swait.ge [sflag:s21], $0x4000  }
0xdf: {  	[sflag:s21] =	ssyncset.done $0x0  }
0xe0: {  	[sflag:s21] =	ssyncadd.s32 $0xFFFFC000  }
0xe1: {  	s5 =	sshrl.u32 @p3 s9, $0x3;
	s6 =	simm.s32 @p3 $0x1FC3;
	[bflag:$0x0] =	sbarrier.arrive $0xFFFF  }
0xe2: {  	[hbm:s19], [sflag:s6] =	dma.local @p3 [spmem:s5], $0x2080  }
0xe3: {  	s5 =	simm.s32 @p3 $0x3  }
0xe4: {  	s0 =	sadd.s32 $0x1, s0;
	_ =	swait.ge @p3 [sflag:s5], $0x2080  }
0xe5: {  	p4 =	sne.s32 s0, s20;
	s6 =	sshll.u32 @!p3 s2, $0x6;
	[sflag:s5] =	ssyncset.done @p3 $0x0  }
0xe6: {  	[sflag:s5] =	ssyncadd.s32 @p3 $0xFFFFDF80;
	s5 =	sor.u32 @!p3 $0x1C03, s6;
	s6 =	sshrl.u32 @!p3 s7, $0x3  }
0xe7: {  	[hbm:s18], [sflag:s5] =	dma.local @!p3 [spmem:s6], $0x2780  }
.Ltmp3:
0xe8: {  	_ = 	snop;
	(pc) =	sbr.rel @p4 .LBB2_1-.Ltmp3, $4  }
0xe9: {  	s5 =	simm.s32 @!p3 $0x3  }
0xea: {  	_ =	swait.ge @!p3 [sflag:s5], $0x2780  }
0xeb: {  	[sflag:s5] =	ssyncset.done @!p3 $0x0  }
0xec: {  	[sflag:s5] =	ssyncadd.s32 @!p3 $0xFFFFD880  }
0xed: {  	_ =	sfence.sel $0x180000  }
0xee: {  	[bflag:$0x0] =	sbarrier.arrive $0xFFFF  }
0xef: {  	_ =	strace $0x9000004D  }
0xf0: {  	[bflag:$0x2] =	sbarrier.arrive $0xFFFF  }
0xf1: {  	p0 =	sne.s32 s2, $0x0;
	s0 =	rddreg [dreg:$0x4]  }
0xf2: {  	s0 =	sadd.s32 @!p0 $0x100000, s0  }
0xf3: {  	[sflag:s0] =	ssyncadd.tile.s32 @!p0 $0x1;
	_ =	shalt  }
.Lfunc_end2:
_tile_overlayer_lowered:
.L_overlay_start_2:
0xf4: {  	(tag) =	ssettag $0x2  }
0xf5: {  	s0 =	rddreg [dreg:$0x0];
	s2 =	stileid.u32  }
0xf6: {  	s1 =	rddreg [dreg:$0x1];
	p0 =	sne.s32 s2, $0x0  }
0xf7: {  	s3 =	rddreg [dreg:$0x2];
	[bflag:$0x3] =	sbarrier.arrive $0xFFFF;
	s2 =	simm.s32 @!p0 $0x1C03  }
0xf8: {  	[timem:s3], [sflag:s2] =	dma.local @!p0 [hbm:s0], s1  }
0xf9: {  	s0 =	simm.s32 @!p0 $0x3  }
0xfa: {  	_ =	swait.ge @!p0 [sflag:s0], s1  }
0xfb: {  	s1 =	ssub.s32 @!p0 $0x0, s1;
	[sflag:s0] =	ssyncset.done @!p0 $0x0  }
0xfc: {  	[sflag:s0] =	ssyncadd.s32 @!p0 s1  }
0xfd: {  	[bflag:$0x3] =	sbarrier.arrive $0xFFFF  }
0xfe: {  	_ =	shalt  }

</sc_bundles>
